<compile_context>
chip_gen: v7x
topology: tpu7x:2x2x1
jax: 0.10.2.dev20260603
libtpu: 0.0.44.dev20260713+nightly
codegen_flags: <defaults>
</compile_context>

<pallas_src>
import dataclasses
import functools

import jax
import jax.numpy as jnp
from jax import lax
from jax.experimental import pallas as pl
from jax.experimental.pallas import tpu as pltpu
from jax.experimental.pallas import tpu_sc as plsc

N = 10000
E = 320000
D = 128
H = 128
C = 10
B = 128

NC = 2
NS = 16
L = 16
NW = NC * NS
K = 128
EP = 327680
EPT = EP // NW
NCHUNK = EPT // K
NBUF = 2
NP = 10240
TCHUNK = 2 * NCHUNK
CH0 = 120
CH1 = TCHUNK - CH0
RPT = NP // NS
ZR = 128

_mesh = plsc.VectorSubcoreMesh(core_axis_name="c", subcore_axis_name="s")

_sc_params = pltpu.CompilerParams()
if "needs_layout_passes" in pltpu.CompilerParams.__dataclass_fields__:
    _sc_params = dataclasses.replace(_sc_params, needs_layout_passes=False)


@functools.partial(
    pl.kernel,
    out_type=jax.ShapeDtypeStruct((NC, NP), jnp.float32),
    mesh=_mesh,
    compiler_params=_sc_params,
    scratch_types=[
        pltpu.VMEM((NCHUNK, K), jnp.int32),
        pltpu.VMEM((NCHUNK, K), jnp.float32),
        pltpu.VMEM((RPT,), jnp.float32),
        pltpu.VMEM_SHARED((NP,), jnp.float32),
    ],
)
def _deg_kernel(col_hbm, ew_hbm, out_hbm, col_v, ew_v, zero_v, acc_sh):
    cid = lax.axis_index("c")
    sid = lax.axis_index("s")
    wid = sid * NC + cid

    pltpu.sync_copy(col_hbm.at[wid], col_v)
    pltpu.sync_copy(ew_hbm.at[wid], ew_v)

    zvec = jnp.zeros((L,), jnp.float32)

    @pl.loop(0, RPT, step=L)
    def _(r):
        zero_v[pl.ds(r, L)] = zvec

    pltpu.sync_copy(zero_v, acc_sh.at[pl.ds(sid * RPT, RPT)])
    plsc.subcore_barrier()

    @pl.loop(0, NCHUNK)
    def _(j):
        pltpu.sync_copy(ew_v.at[j], acc_sh.at[col_v.at[j]], add=True)

    plsc.subcore_barrier()
    pltpu.sync_copy(acc_sh.at[pl.ds(sid * RPT, RPT)],
                    out_hbm.at[cid, pl.ds(sid * RPT, RPT)])


CPP = 40


@functools.partial(
    pl.kernel,
    out_type=jax.ShapeDtypeStruct((NC, NP, D), jnp.float32),
    mesh=_mesh,
    compiler_params=_sc_params,
    scratch_types=[
        pltpu.VMEM((CPP, K), jnp.int32),
        pltpu.VMEM((CPP, K), jnp.int32),
        pltpu.VMEM((CPP, K), jnp.float32),
        pltpu.VMEM((NBUF, K, D), jnp.float32),
        pltpu.VMEM_SHARED((NP, D), jnp.float32),
    ] + [pltpu.SemaphoreType.DMA] * NBUF,
)
def _msg_kernel(y_hbm, row_hbm, col_hbm, ew_hbm, out_hbm,
                row_v, col_v, ew_v, bufs, acc_sh, *sems):
    cid = lax.axis_index("c")
    sid = lax.axis_index("s")
    wid = sid * NC + cid

    zvec = jnp.zeros((L,), jnp.float32)

    @pl.loop(0, K)
    def _(r):
        for q in range(0, D, L):
            bufs[0, r, pl.ds(q, L)] = zvec

    @pl.loop(0, RPT, step=K)
    def _(r0):
        pltpu.sync_copy(bufs.at[0], acc_sh.at[pl.ds(sid * RPT + r0, K)])

    plsc.subcore_barrier()

    def _do_chunk(j, b, sem):
        buf = bufs.at[b]
        pltpu.make_async_copy(y_hbm.at[row_v.at[j]], buf, sem).wait()

        @pl.loop(0, K, step=2)
        def _(e):
            jv = jnp.full((L,), j, jnp.int32)
            for u in range(2):
                s = plsc.load_gather(ew_v, [jv, jnp.full((L,), e + u, jnp.int32)])
                for q in range(0, D, L):
                    bufs[b, e + u, pl.ds(q, L)] = bufs[b, e + u, pl.ds(q, L)] * s

        pltpu.sync_copy(buf, acc_sh.at[col_v.at[j]], add=True)

        @pl.when(j + NBUF < CPP)
        def _():
            pltpu.async_copy(y_hbm.at[row_v.at[j + NBUF]], buf, sem)

    def _run_phases(nph, chunk_base):
        @pl.loop(0, nph)
        def _(p):
            c0 = chunk_base + p * CPP
            pltpu.sync_copy(row_hbm.at[sid, pl.ds(c0, CPP)], row_v)
            pltpu.sync_copy(col_hbm.at[sid, pl.ds(c0, CPP)], col_v)
            pltpu.sync_copy(ew_hbm.at[sid, pl.ds(c0, CPP)], ew_v)

            for b in range(NBUF):
                pltpu.async_copy(y_hbm.at[row_v.at[b]], bufs.at[b], sems[b])

            @pl.loop(0, CPP, step=NBUF)
            def _(j):
                for b in range(NBUF):
                    _do_chunk(j + b, b, sems[b])

    @pl.when(cid == 0)
    def _():
        _run_phases(CH0 // CPP, 0)

    @pl.when(cid == 1)
    def _():
        _run_phases(CH1 // CPP, CH0)

    plsc.subcore_barrier()

    @pl.loop(0, RPT, step=ZR)
    def _(r0):
        r = sid * RPT + r0
        pltpu.sync_copy(acc_sh.at[pl.ds(r, ZR)], out_hbm.at[cid, pl.ds(r, ZR)])


BLK = 400
GRID = N // BLK


def _mm_scale_body(x_ref, w_ref, degp_ref, y_ref):
    xw = jnp.dot(x_ref[...], w_ref[...], preferred_element_type=jnp.float32)
    y_ref[...] = xw * _dinv_of(degp_ref)


def _mm_scale(x, w, degp):
    return pl.pallas_call(
        _mm_scale_body,
        grid=(GRID,),
        in_specs=[pl.BlockSpec((BLK, D), lambda i: (i, 0)),
                  pl.BlockSpec((D, H), lambda i: (0, 0)),
                  pl.BlockSpec((BLK, NC), lambda i: (i, 0))],
        out_specs=pl.BlockSpec((BLK, H), lambda i: (i, 0)),
        out_shape=jax.ShapeDtypeStruct((N, H), jnp.float32),
    )(x, w, degp)


def _dinv_of(degp_ref):
    deg = degp_ref[:, 0:1] + degp_ref[:, 1:2] + 1.0
    return lax.rsqrt(deg)




def _combine_body(s_ref, degp_ref, y_ref, b_ref, w_ref, y2_ref):
    dinv = _dinv_of(degp_ref)
    h = (s_ref[0] + s_ref[1] + y_ref[...]) * dinv + b_ref[...]
    h = jnp.maximum(h, 0.0)
    y2_ref[...] = jnp.dot(h, w_ref[...], preferred_element_type=jnp.float32) * dinv


def _combine(s, degp, y, b, w):
    return pl.pallas_call(
        _combine_body,
        grid=(GRID,),
        in_specs=[pl.BlockSpec((NC, BLK, D), lambda i: (0, i, 0)),
                  pl.BlockSpec((BLK, NC), lambda i: (i, 0)),
                  pl.BlockSpec((BLK, H), lambda i: (i, 0)),
                  pl.BlockSpec((1, H), lambda i: (0, 0)),
                  pl.BlockSpec((H, H), lambda i: (0, 0))],
        out_specs=pl.BlockSpec((BLK, H), lambda i: (i, 0)),
        out_shape=jax.ShapeDtypeStruct((N, H), jnp.float32),
    )(s, degp, y, b.reshape(1, H), w)


def _final_body(s_ref, degp_ref, y_ref, b_ref, bid_ref,
                l1w_ref, l1b_ref, lng_ref, lnb_ref, l2w_ref, l2b_ref,
                out_ref, sums_ref, cnts_ref):
    i = pl.program_id(0)

    @pl.when(i == 0)
    def _():
        sums_ref[...] = jnp.zeros_like(sums_ref)
        cnts_ref[...] = jnp.zeros_like(cnts_ref)

    dinv = _dinv_of(degp_ref)
    h = (s_ref[0] + s_ref[1] + y_ref[...]) * dinv + b_ref[...]
    bid = bid_ref[0, 0, :]
    onehot = (lax.broadcasted_iota(jnp.int32, (B, BLK), 0) == bid[None, :]
              ).astype(jnp.float32)
    sums_ref[...] += jnp.dot(onehot, h, preferred_element_type=jnp.float32)
    cnts_ref[...] += jnp.sum(onehot, axis=1, keepdims=True)

    @pl.when(i == GRID - 1)
    def _():
        g = sums_ref[...] / jnp.maximum(cnts_ref[:, 0:1], 1.0)
        z = jnp.dot(g, l1w_ref[...], preferred_element_type=jnp.float32) + l1b_ref[...]
        z = jnp.maximum(z, 0.0)
        mu = jnp.mean(z, axis=-1, keepdims=True)
        var = jnp.mean((z - mu) ** 2, axis=-1, keepdims=True)
        zn = (z - mu) * lax.rsqrt(var + 1e-5) * lng_ref[...] + lnb_ref[...]
        out_ref[...] = (jnp.dot(zn, l2w_ref[...], preferred_element_type=jnp.float32)
                        + l2b_ref[...])


def _final(s, degp, y, b, batch_idx, l1w, l1b, lng, lnb, l2w, l2b):
    return pl.pallas_call(
        _final_body,
        grid=(GRID,),
        in_specs=[pl.BlockSpec((NC, BLK, D), lambda i: (0, i, 0)),
                  pl.BlockSpec((BLK, NC), lambda i: (i, 0)),
                  pl.BlockSpec((BLK, H), lambda i: (i, 0)),
                  pl.BlockSpec((1, H), lambda i: (0, 0)),
                  pl.BlockSpec((1, 1, BLK), lambda i: (i, 0, 0)),
                  pl.BlockSpec((H, H), lambda i: (0, 0)),
                  pl.BlockSpec((1, H), lambda i: (0, 0)),
                  pl.BlockSpec((1, H), lambda i: (0, 0)),
                  pl.BlockSpec((1, H), lambda i: (0, 0)),
                  pl.BlockSpec((H, C), lambda i: (0, 0)),
                  pl.BlockSpec((1, C), lambda i: (0, 0))],
        out_specs=pl.BlockSpec((B, C), lambda i: (0, 0)),
        out_shape=jax.ShapeDtypeStruct((B, C), jnp.float32),
        scratch_shapes=[pltpu.VMEM((B, H), jnp.float32),
                        pltpu.VMEM((B, H), jnp.float32)],
    )(s, degp, y, b.reshape(1, H), batch_idx.reshape(GRID, 1, BLK),
      l1w, l1b.reshape(1, H), lng.reshape(1, H), lnb.reshape(1, H),
      l2w, l2b.reshape(1, C))


def kernel(x, edge_index, edge_weight, batch_idx,
           W1, b1, W2, b2, L1W, L1b, ln_g, ln_b, L2W, L2b):
    pad = EP - E
    row = jnp.pad(edge_index[0], (0, pad)).reshape(NS, TCHUNK, K)
    col = jnp.pad(edge_index[1], (0, pad)).reshape(NS, TCHUNK, K)
    ew2 = jnp.pad(edge_weight, (0, pad)).reshape(NS, TCHUNK, K)
    degp = _deg_kernel(col.reshape(NW, NCHUNK, K), ew2.reshape(NW, NCHUNK, K)).T
    y1 = _mm_scale(x, W1, degp)
    s1 = _msg_kernel(y1, row, col, ew2)
    y2 = _combine(s1, degp, y1, b1, W2)
    s2 = _msg_kernel(y2, row, col, ew2)
    return _final(s2, degp, y2, b2, batch_idx, L1W, L1b, ln_g, ln_b, L2W, L2b)

# --- scband reference (transcript-rebuilt; emitter-appended) ---
"""Pipeline reference for scband-gcngraph-classifier-8332236554725 (READ-ONLY COPY).

The authoritative reference and input builder live on the scoring server;
editing this copy changes nothing except your own understanding.
"""

import jax, jax.numpy as jnp
import numpy as np

N = 10000
E = 320000
D = 128
H = 128
C = 10
B = 128


def setup_inputs(seed: int = 0) -> dict:
    key = jax.random.key(seed)
    ks = jax.random.split(key, 16)
    x = jax.random.normal(ks[0], (N, D), dtype=jnp.float32)
    edge_index = jax.random.randint(ks[1], (2, E), 0, N, dtype=jnp.int32)
    edge_weight = jax.random.uniform(ks[2], (E,), dtype=jnp.float32)
    batch_idx = jnp.sort(jax.random.randint(ks[3], (N,), 0, B, dtype=jnp.int32))
    s1 = 1.0 / np.sqrt(D)
    s2 = 1.0 / np.sqrt(H)
    W1 = jax.random.uniform(ks[4], (D, H), dtype=jnp.float32, minval=-s1, maxval=s1)
    b1 = jnp.zeros((H,), dtype=jnp.float32)
    W2 = jax.random.uniform(ks[5], (H, H), dtype=jnp.float32, minval=-s2, maxval=s2)
    b2 = jnp.zeros((H,), dtype=jnp.float32)
    L1W = jax.random.uniform(ks[6], (H, H), dtype=jnp.float32, minval=-s2, maxval=s2)
    L1b = jax.random.uniform(ks[7], (H,), dtype=jnp.float32, minval=-s2, maxval=s2)
    ln_g = jnp.ones((H,), dtype=jnp.float32)
    ln_b = jnp.zeros((H,), dtype=jnp.float32)
    L2W = jax.random.uniform(ks[8], (H, C), dtype=jnp.float32, minval=-s2, maxval=s2)
    L2b = jax.random.uniform(ks[9], (C,), dtype=jnp.float32, minval=-s2, maxval=s2)
    return {"x": x, "edge_index": edge_index, "edge_weight": edge_weight, "batch_idx": batch_idx,
            "W1": W1, "b1": b1, "W2": W2, "b2": b2,
            "L1W": L1W, "L1b": L1b, "ln_g": ln_g, "ln_b": ln_b, "L2W": L2W, "L2b": L2b}


def gcn_conv(x, edge_index, edge_weight, W, b):
    # PyG GCNConv: x' = D^{-1/2} (A + I) D^{-1/2} (X W) + b
    xw = x @ W
    row = edge_index[0]
    col = edge_index[1]
    loop = jnp.arange(N, dtype=row.dtype)
    row = jnp.concatenate([row, loop])
    col = jnp.concatenate([col, loop])
    ew = jnp.concatenate([edge_weight, jnp.ones((N,), dtype=xw.dtype)])
    deg = jax.ops.segment_sum(ew, col, num_segments=N)
    dinv = jnp.where(deg > 0, jax.lax.rsqrt(deg), 0.0)
    norm = dinv[row] * ew * dinv[col]
    msg = jnp.take(xw, row, axis=0) * norm[:, None]
    out = jax.ops.segment_sum(msg, col, num_segments=N)
    return out + b


def layer_norm(h, g, b, eps=1e-5):
    mu = jnp.mean(h, axis=-1, keepdims=True)
    var = jnp.var(h, axis=-1, keepdims=True)
    return (h - mu) * jax.lax.rsqrt(var + eps) * g + b


def reference(x, edge_index, edge_weight, batch_idx, W1, b1, W2, b2, L1W, L1b, ln_g, ln_b, L2W, L2b):
    h = gcn_conv(x, edge_index, edge_weight, W1, b1)
    h = jax.nn.relu(h)
    h = gcn_conv(h, edge_index, edge_weight, W2, b2)
    # global_mean_pool
    sums = jax.ops.segment_sum(h, batch_idx, num_segments=B)
    counts = jax.ops.segment_sum(jnp.ones((N,), dtype=h.dtype), batch_idx, num_segments=B)
    g = sums / jnp.clip(counts, 1.0, None)[:, None]
    # MLP head: Linear -> ReLU -> LayerNorm -> Linear
    z = g @ L1W + L1b
    z = jax.nn.relu(z)
    z = layer_norm(z, ln_g, ln_b)
    logits = z @ L2W + L2b
    return logits

if __name__ == "__main__":
    import jax
    _d = setup_inputs()
    print(jax.jit(kernel)(*tuple(_d.values())))

</pallas_src>

<mosaic_0001>
#map = affine_map<(d0, d1) -> (0, 0)>
#map1 = affine_map<(d0, d1) -> (0, 0, 0)>
module attributes {stable_mosaic.version = 14 : i64} {
  func.func @_msg_kernel(%arg0: i32, %arg1: i32, %arg2: memref<10000x128xf32, #tpu.memory_space<hbm>>, %arg3: memref<16x160x128xi32, #tpu.memory_space<hbm>>, %arg4: memref<16x160x128xi32, #tpu.memory_space<hbm>>, %arg5: memref<16x160x128xf32, #tpu.memory_space<hbm>>, %arg6: memref<2x10240x128xf32, #tpu.memory_space<hbm>>, %arg7: memref<40x128xi32, #tpu.memory_space<vmem>>, %arg8: memref<40x128xi32, #tpu.memory_space<vmem>>, %arg9: memref<40x128xf32, #tpu.memory_space<vmem>>, %arg10: memref<2x128x128xf32, #tpu.memory_space<vmem>>, %arg11: memref<10240x128xf32, #tpu.memory_space<vmem_shared>>, %arg12: memref<!tpu.dma_semaphore, #tpu.memory_space<semaphore_mem>>, %arg13: memref<!tpu.dma_semaphore, #tpu.memory_space<semaphore_mem>>) attributes {dimension_semantics = [#tpu.dimension_semantics<core_parallel>, #tpu.dimension_semantics<subcore_parallel>], iteration_bounds = array<i64: 2, 16>, scalar_prefetch = 0 : i64, scratch_operands = 7 : i64, tpu.core_type = #tpu.core_type<sc_vector_subcore>, window_params = [{transform_indices = #map}, {transform_indices = #map1}, {transform_indices = #map1}, {transform_indices = #map1}, {transform_indices = #map1}]} {
    %mul3A = arith.constant 2 : i32
    %mul3A_0 = arith.muli %arg1, %mul3A : i32
    %add3A = arith.addi %mul3A_0, %arg0 : i32
    %broadcast_in_dim3A = arith.constant 0.000000e+00 : f32
    %broadcast_in_dim3A_1 = vector.broadcast %broadcast_in_dim3A : f32 to vector<16xf32>
    %scan3A = arith.constant 0 : i32
    %scan3A_2 = arith.constant 128 : i32
    %scan3A_3 = arith.addi %scan3A, %scan3A_2 : i32
    %scan3A_4 = arith.constant 1 : i32
    scf.for %scan3A_24 = %scan3A to %scan3A_3 step %scan3A_4  : i32 {
      %mul3A_25 = arith.constant 1 : i32
      %mul3A_26 = arith.muli %scan3A_24, %mul3A_25 : i32
      %add3A_27 = arith.constant 0 : i32
      %add3A_28 = arith.addi %add3A_27, %mul3A_26 : i32
      %swap3A = arith.constant 0 : i32
      %swap3A_29 = arith.index_cast %swap3A : i32 to index
      %swap3A_30 = arith.index_cast %add3A_28 : i32 to index
      %swap3A_31 = arith.constant 0 : index
      %swap3A_32 = tpu.vector_load %arg10[%swap3A_29, %swap3A_30, %swap3A_31] {strides = array<i32>} : memref<2x128x128xf32, #tpu.memory_space<vmem>>, vector<16xf32>,
      tpu.vector_store %arg10[%swap3A_29, %swap3A_30, %swap3A_31], %broadcast_in_dim3A_1 {strides = array<i32>} : memref<2x128x128xf32, #tpu.memory_space<vmem>>, vector<16xf32>,
      %swap3A_33 = arith.constant 0 : i32
      %swap3A_34 = arith.index_cast %swap3A_33 : i32 to index
      %swap3A_35 = arith.index_cast %add3A_28 : i32 to index
      %swap3A_36 = arith.constant 16 : index
      %swap3A_37 = tpu.vector_load %arg10[%swap3A_34, %swap3A_35, %swap3A_36] {strides = array<i32>} : memref<2x128x128xf32, #tpu.memory_space<vmem>>, vector<16xf32>,
      tpu.vector_store %arg10[%swap3A_34, %swap3A_35, %swap3A_36], %broadcast_in_dim3A_1 {strides = array<i32>} : memref<2x128x128xf32, #tpu.memory_space<vmem>>, vector<16xf32>,
      %swap3A_38 = arith.constant 0 : i32
      %swap3A_39 = arith.index_cast %swap3A_38 : i32 to index
      %swap3A_40 = arith.index_cast %add3A_28 : i32 to index
      %swap3A_41 = arith.constant 32 : index
      %swap3A_42 = tpu.vector_load %arg10[%swap3A_39, %swap3A_40, %swap3A_41] {strides = array<i32>} : memref<2x128x128xf32, #tpu.memory_space<vmem>>, vector<16xf32>,
      tpu.vector_store %arg10[%swap3A_39, %swap3A_40, %swap3A_41], %broadcast_in_dim3A_1 {strides = array<i32>} : memref<2x128x128xf32, #tpu.memory_space<vmem>>, vector<16xf32>,
      %swap3A_43 = arith.constant 0 : i32
      %swap3A_44 = arith.index_cast %swap3A_43 : i32 to index
      %swap3A_45 = arith.index_cast %add3A_28 : i32 to index
      %swap3A_46 = arith.constant 48 : index
      %swap3A_47 = tpu.vector_load %arg10[%swap3A_44, %swap3A_45, %swap3A_46] {strides = array<i32>} : memref<2x128x128xf32, #tpu.memory_space<vmem>>, vector<16xf32>,
      tpu.vector_store %arg10[%swap3A_44, %swap3A_45, %swap3A_46], %broadcast_in_dim3A_1 {strides = array<i32>} : memref<2x128x128xf32, #tpu.memory_space<vmem>>, vector<16xf32>,
      %swap3A_48 = arith.constant 0 : i32
      %swap3A_49 = arith.index_cast %swap3A_48 : i32 to index
      %swap3A_50 = arith.index_cast %add3A_28 : i32 to index
      %swap3A_51 = arith.constant 64 : index
      %swap3A_52 = tpu.vector_load %arg10[%swap3A_49, %swap3A_50, %swap3A_51] {strides = array<i32>} : memref<2x128x128xf32, #tpu.memory_space<vmem>>, vector<16xf32>,
      tpu.vector_store %arg10[%swap3A_49, %swap3A_50, %swap3A_51], %broadcast_in_dim3A_1 {strides = array<i32>} : memref<2x128x128xf32, #tpu.memory_space<vmem>>, vector<16xf32>,
      %swap3A_53 = arith.constant 0 : i32
      %swap3A_54 = arith.index_cast %swap3A_53 : i32 to index
      %swap3A_55 = arith.index_cast %add3A_28 : i32 to index
      %swap3A_56 = arith.constant 80 : index
      %swap3A_57 = tpu.vector_load %arg10[%swap3A_54, %swap3A_55, %swap3A_56] {strides = array<i32>} : memref<2x128x128xf32, #tpu.memory_space<vmem>>, vector<16xf32>,
      tpu.vector_store %arg10[%swap3A_54, %swap3A_55, %swap3A_56], %broadcast_in_dim3A_1 {strides = array<i32>} : memref<2x128x128xf32, #tpu.memory_space<vmem>>, vector<16xf32>,
      %swap3A_58 = arith.constant 0 : i32
      %swap3A_59 = arith.index_cast %swap3A_58 : i32 to index
      %swap3A_60 = arith.index_cast %add3A_28 : i32 to index
      %swap3A_61 = arith.constant 96 : index
      %swap3A_62 = tpu.vector_load %arg10[%swap3A_59, %swap3A_60, %swap3A_61] {strides = array<i32>} : memref<2x128x128xf32, #tpu.memory_space<vmem>>, vector<16xf32>,
      tpu.vector_store %arg10[%swap3A_59, %swap3A_60, %swap3A_61], %broadcast_in_dim3A_1 {strides = array<i32>} : memref<2x128x128xf32, #tpu.memory_space<vmem>>, vector<16xf32>,
      %swap3A_63 = arith.constant 0 : i32
      %swap3A_64 = arith.index_cast %swap3A_63 : i32 to index
      %swap3A_65 = arith.index_cast %add3A_28 : i32 to index
      %swap3A_66 = arith.constant 112 : index
      %swap3A_67 = tpu.vector_load %arg10[%swap3A_64, %swap3A_65, %swap3A_66] {strides = array<i32>} : memref<2x128x128xf32, #tpu.memory_space<vmem>>, vector<16xf32>,
      tpu.vector_store %arg10[%swap3A_64, %swap3A_65, %swap3A_66], %broadcast_in_dim3A_1 {strides = array<i32>} : memref<2x128x128xf32, #tpu.memory_space<vmem>>, vector<16xf32>,
    }
    %scan3A_5 = arith.constant 128 : i32
    %scan3A_6 = arith.constant 0 : i32
    %scan3A_7 = arith.constant 5 : i32
    %scan3A_8 = arith.addi %scan3A_6, %scan3A_7 : i32
    %scan3A_9 = arith.constant 1 : i32
    scf.for %scan3A_24 = %scan3A_6 to %scan3A_8 step %scan3A_9  : i32 {
      %mul3A_25 = arith.constant 128 : i32
      %mul3A_26 = arith.muli %scan3A_24, %mul3A_25 : i32
      %add3A_27 = arith.constant 0 : i32
      %add3A_28 = arith.addi %add3A_27, %mul3A_26 : i32
      %mul3A_29 = arith.constant 640 : i32
      %mul3A_30 = arith.muli %arg1, %mul3A_29 : i32
      %add3A_31 = arith.addi %mul3A_30, %add3A_28 : i32
      %run_scoped3A = arith.constant 0 : i32
      "tpu.region"() ({
        %run_scoped3A_32 = tpu.sem_alloc : memref<!tpu.dma_semaphore, #tpu.memory_space<semaphore_mem>>
        %dma_start3A = arith.constant 0 : i32
        %dma_start3A_33 = arith.constant 0 : i32
        %dma_start3A_34 = tpu.memref_slice %arg10[%run_scoped3A, %dma_start3A, %dma_start3A_33] : memref<2x128x128xf32, #tpu.memory_space<vmem>> -> memref<1x128x128xf32, #tpu.memory_space<vmem>>
        %dma_start3A_35 = tpu.memref_squeeze %dma_start3A_34 : memref<1x128x128xf32, #tpu.memory_space<vmem>> -> memref<128x128xf32, #tpu.memory_space<vmem>>
        %dma_start3A_36 = arith.constant 0 : i32
        %dma_start3A_37 = tpu.memref_slice %arg11[%add3A_31, %dma_start3A_36] : memref<10240x128xf32, #tpu.memory_space<vmem_shared>> -> memref<128x128xf32, #tpu.memory_space<vmem_shared>>
        %dma_start3A_38 = arith.constant 0 : i32
        %dma_start3A_39 = tpu.memref_slice %arg11[%add3A_31, %dma_start3A_38] : memref<10240x128xf32, #tpu.memory_space<vmem_shared>> -> memref<128x128xf32, #tpu.memory_space<vmem_shared>>
        %dma_start3A_40 = arith.constant 0 : i32
        %dma_start3A_41 = arith.constant 0 : i32
        %dma_start3A_42 = tpu.memref_slice %arg10[%run_scoped3A, %dma_start3A_40, %dma_start3A_41] : memref<2x128x128xf32, #tpu.memory_space<vmem>> -> memref<1x128x128xf32, #tpu.memory_space<vmem>>
        %dma_start3A_43 = tpu.memref_squeeze %dma_start3A_42 : memref<1x128x128xf32, #tpu.memory_space<vmem>> -> memref<128x128xf32, #tpu.memory_space<vmem>>
        tpu.enqueue_dma source(%dma_start3A_43 : memref<128x128xf32, #tpu.memory_space<vmem>>) target(%dma_start3A_39 : memref<128x128xf32, #tpu.memory_space<vmem_shared>>) target_semaphore(%run_scoped3A_32 : memref<!tpu.dma_semaphore, #tpu.memory_space<semaphore_mem>>)
        %dma_wait3A = arith.constant 0 : i32
        %dma_wait3A_44 = arith.constant 0 : i32
        %dma_wait3A_45 = tpu.memref_slice %arg10[%run_scoped3A, %dma_wait3A, %dma_wait3A_44] : memref<2x128x128xf32, #tpu.memory_space<vmem>> -> memref<1x128x128xf32, #tpu.memory_space<vmem>>
        %dma_wait3A_46 = tpu.memref_squeeze %dma_wait3A_45 : memref<1x128x128xf32, #tpu.memory_space<vmem>> -> memref<128x128xf32, #tpu.memory_space<vmem>>
        %dma_wait3A_47 = arith.constant 0 : i32
        %dma_wait3A_48 = tpu.memref_slice %arg11[%add3A_31, %dma_wait3A_47] : memref<10240x128xf32, #tpu.memory_space<vmem_shared>> -> memref<128x128xf32, #tpu.memory_space<vmem_shared>>
        %dma_wait3A_49 = arith.constant 0 : i32
        %dma_wait3A_50 = tpu.memref_slice %arg11[%add3A_31, %dma_wait3A_49] : memref<10240x128xf32, #tpu.memory_space<vmem_shared>> -> memref<128x128xf32, #tpu.memory_space<vmem_shared>>
        %dma_wait3A_51 = arith.constant 0 : i32
        %dma_wait3A_52 = arith.constant 0 : i32
        %dma_wait3A_53 = tpu.memref_slice %arg10[%run_scoped3A, %dma_wait3A_51, %dma_wait3A_52] : memref<2x128x128xf32, #tpu.memory_space<vmem>> -> memref<1x128x128xf32, #tpu.memory_space<vmem>>
        %dma_wait3A_54 = tpu.memref_squeeze %dma_wait3A_53 : memref<1x128x128xf32, #tpu.memory_space<vmem>> -> memref<128x128xf32, #tpu.memory_space<vmem>>
        tpu.wait_dma2 semaphore(%run_scoped3A_32 : memref<!tpu.dma_semaphore, #tpu.memory_space<semaphore_mem>>) src(%dma_wait3A_54 : memref<128x128xf32, #tpu.memory_space<vmem>>) dst(%dma_wait3A_50 : memref<128x128xf32, #tpu.memory_space<vmem_shared>>)
        tpu.yield
      }) : () -> ()
    }
    %scan3A_10 = arith.constant 5 : i32
    %barrier3A = arith.constant 0 : index
    tpu.barrier barrier_id(%barrier3A)
    %eq3A = arith.constant 0 : i32
    %eq3A_11 = arith.cmpi eq, %arg0, %eq3A : i32
    %convert_element_type3A = arith.extui %eq3A_11 : i1 to i32
    %cond3A = arith.constant 0 : i32
    %cond3A_12 = arith.cmpi ne, %convert_element_type3A, %cond3A : i32
    scf.if %cond3A_12 {
      %scan3A_24 = arith.constant 0 : i32
      %scan3A_25 = arith.constant 3 : i32
      %scan3A_26 = arith.addi %scan3A_24, %scan3A_25 : i32
      %scan3A_27 = arith.constant 1 : i32
      scf.for %scan3A_29 = %scan3A_24 to %scan3A_26 step %scan3A_27  : i32 {
        %mul3A_30 = arith.constant 1 : i32
        %mul3A_31 = arith.muli %scan3A_29, %mul3A_30 : i32
        %add3A_32 = arith.constant 0 : i32
        %add3A_33 = arith.addi %add3A_32, %mul3A_31 : i32
        %mul3A_34 = arith.constant 40 : i32
        %mul3A_35 = arith.muli %add3A_33, %mul3A_34 : i32
        %add3A_36 = arith.constant 0 : i32
        %add3A_37 = arith.addi %add3A_36, %mul3A_35 : i32
        "tpu.region"() ({
          %run_scoped3A = tpu.sem_alloc : memref<!tpu.dma_semaphore, #tpu.memory_space<semaphore_mem>>
          %dma_start3A_66 = arith.constant 0 : i32
          %dma_start3A_67 = tpu.memref_slice %arg3[%arg1, %add3A_37, %dma_start3A_66] : memref<16x160x128xi32, #tpu.memory_space<hbm>> -> memref<1x40x128xi32, #tpu.memory_space<hbm>>
          %dma_start3A_68 = tpu.memref_squeeze %dma_start3A_67 : memref<1x40x128xi32, #tpu.memory_space<hbm>> -> memref<40x128xi32, #tpu.memory_space<hbm>>
          %dma_start3A_69 = arith.constant 0 : i32
          %dma_start3A_70 = tpu.memref_slice %arg3[%arg1, %add3A_37, %dma_start3A_69] : memref<16x160x128xi32, #tpu.memory_space<hbm>> -> memref<1x40x128xi32, #tpu.memory_space<hbm>>
          %dma_start3A_71 = tpu.memref_squeeze %dma_start3A_70 : memref<1x40x128xi32, #tpu.memory_space<hbm>> -> memref<40x128xi32, #tpu.memory_space<hbm>>
          tpu.enqueue_dma source(%dma_start3A_71 : memref<40x128xi32, #tpu.memory_space<hbm>>) target(%arg7 : memref<40x128xi32, #tpu.memory_space<vmem>>) target_semaphore(%run_scoped3A : memref<!tpu.dma_semaphore, #tpu.memory_space<semaphore_mem>>)
          %dma_wait3A = arith.constant 0 : i32
          %dma_wait3A_72 = tpu.memref_slice %arg3[%arg1, %add3A_37, %dma_wait3A] : memref<16x160x128xi32, #tpu.memory_space<hbm>> -> memref<1x40x128xi32, #tpu.memory_space<hbm>>
          %dma_wait3A_73 = tpu.memref_squeeze %dma_wait3A_72 : memref<1x40x128xi32, #tpu.memory_space<hbm>> -> memref<40x128xi32, #tpu.memory_space<hbm>>
          %dma_wait3A_74 = arith.constant 0 : i32
          %dma_wait3A_75 = tpu.memref_slice %arg3[%arg1, %add3A_37, %dma_wait3A_74] : memref<16x160x128xi32, #tpu.memory_space<hbm>> -> memref<1x40x128xi32, #tpu.memory_space<hbm>>
          %dma_wait3A_76 = tpu.memref_squeeze %dma_wait3A_75 : memref<1x40x128xi32, #tpu.memory_space<hbm>> -> memref<40x128xi32, #tpu.memory_space<hbm>>
          tpu.wait_dma2 semaphore(%run_scoped3A : memref<!tpu.dma_semaphore, #tpu.memory_space<semaphore_mem>>) src(%dma_wait3A_76 : memref<40x128xi32, #tpu.memory_space<hbm>>) dst(%arg7 : memref<40x128xi32, #tpu.memory_space<vmem>>)
          tpu.yield
        }) : () -> ()
        "tpu.region"() ({
          %run_scoped3A = tpu.sem_alloc : memref<!tpu.dma_semaphore, #tpu.memory_space<semaphore_mem>>
          %dma_start3A_66 = arith.constant 0 : i32
          %dma_start3A_67 = tpu.memref_slice %arg4[%arg1, %add3A_37, %dma_start3A_66] : memref<16x160x128xi32, #tpu.memory_space<hbm>> -> memref<1x40x128xi32, #tpu.memory_space<hbm>>
          %dma_start3A_68 = tpu.memref_squeeze %dma_start3A_67 : memref<1x40x128xi32, #tpu.memory_space<hbm>> -> memref<40x128xi32, #tpu.memory_space<hbm>>
          %dma_start3A_69 = arith.constant 0 : i32
          %dma_start3A_70 = tpu.memref_slice %arg4[%arg1, %add3A_37, %dma_start3A_69] : memref<16x160x128xi32, #tpu.memory_space<hbm>> -> memref<1x40x128xi32, #tpu.memory_space<hbm>>
          %dma_start3A_71 = tpu.memref_squeeze %dma_start3A_70 : memref<1x40x128xi32, #tpu.memory_space<hbm>> -> memref<40x128xi32, #tpu.memory_space<hbm>>
          tpu.enqueue_dma source(%dma_start3A_71 : memref<40x128xi32, #tpu.memory_space<hbm>>) target(%arg8 : memref<40x128xi32, #tpu.memory_space<vmem>>) target_semaphore(%run_scoped3A : memref<!tpu.dma_semaphore, #tpu.memory_space<semaphore_mem>>)
          %dma_wait3A = arith.constant 0 : i32
          %dma_wait3A_72 = tpu.memref_slice %arg4[%arg1, %add3A_37, %dma_wait3A] : memref<16x160x128xi32, #tpu.memory_space<hbm>> -> memref<1x40x128xi32, #tpu.memory_space<hbm>>
          %dma_wait3A_73 = tpu.memref_squeeze %dma_wait3A_72 : memref<1x40x128xi32, #tpu.memory_space<hbm>> -> memref<40x128xi32, #tpu.memory_space<hbm>>
          %dma_wait3A_74 = arith.constant 0 : i32
          %dma_wait3A_75 = tpu.memref_slice %arg4[%arg1, %add3A_37, %dma_wait3A_74] : memref<16x160x128xi32, #tpu.memory_space<hbm>> -> memref<1x40x128xi32, #tpu.memory_space<hbm>>
          %dma_wait3A_76 = tpu.memref_squeeze %dma_wait3A_75 : memref<1x40x128xi32, #tpu.memory_space<hbm>> -> memref<40x128xi32, #tpu.memory_space<hbm>>
          tpu.wait_dma2 semaphore(%run_scoped3A : memref<!tpu.dma_semaphore, #tpu.memory_space<semaphore_mem>>) src(%dma_wait3A_76 : memref<40x128xi32, #tpu.memory_space<hbm>>) dst(%arg8 : memref<40x128xi32, #tpu.memory_space<vmem>>)
          tpu.yield
        }) : () -> ()
        "tpu.region"() ({
          %run_scoped3A = tpu.sem_alloc : memref<!tpu.dma_semaphore, #tpu.memory_space<semaphore_mem>>
          %dma_start3A_66 = arith.constant 0 : i32
          %dma_start3A_67 = tpu.memref_slice %arg5[%arg1, %add3A_37, %dma_start3A_66] : memref<16x160x128xf32, #tpu.memory_space<hbm>> -> memref<1x40x128xf32, #tpu.memory_space<hbm>>
          %dma_start3A_68 = tpu.memref_squeeze %dma_start3A_67 : memref<1x40x128xf32, #tpu.memory_space<hbm>> -> memref<40x128xf32, #tpu.memory_space<hbm>>
          %dma_start3A_69 = arith.constant 0 : i32
          %dma_start3A_70 = tpu.memref_slice %arg5[%arg1, %add3A_37, %dma_start3A_69] : memref<16x160x128xf32, #tpu.memory_space<hbm>> -> memref<1x40x128xf32, #tpu.memory_space<hbm>>
          %dma_start3A_71 = tpu.memref_squeeze %dma_start3A_70 : memref<1x40x128xf32, #tpu.memory_space<hbm>> -> memref<40x128xf32, #tpu.memory_space<hbm>>
          tpu.enqueue_dma source(%dma_start3A_71 : memref<40x128xf32, #tpu.memory_space<hbm>>) target(%arg9 : memref<40x128xf32, #tpu.memory_space<vmem>>) target_semaphore(%run_scoped3A : memref<!tpu.dma_semaphore, #tpu.memory_space<semaphore_mem>>)
          %dma_wait3A = arith.constant 0 : i32
          %dma_wait3A_72 = tpu.memref_slice %arg5[%arg1, %add3A_37, %dma_wait3A] : memref<16x160x128xf32, #tpu.memory_space<hbm>> -> memref<1x40x128xf32, #tpu.memory_space<hbm>>
          %dma_wait3A_73 = tpu.memref_squeeze %dma_wait3A_72 : memref<1x40x128xf32, #tpu.memory_space<hbm>> -> memref<40x128xf32, #tpu.memory_space<hbm>>
          %dma_wait3A_74 = arith.constant 0 : i32
          %dma_wait3A_75 = tpu.memref_slice %arg5[%arg1, %add3A_37, %dma_wait3A_74] : memref<16x160x128xf32, #tpu.memory_space<hbm>> -> memref<1x40x128xf32, #tpu.memory_space<hbm>>
          %dma_wait3A_76 = tpu.memref_squeeze %dma_wait3A_75 : memref<1x40x128xf32, #tpu.memory_space<hbm>> -> memref<40x128xf32, #tpu.memory_space<hbm>>
          tpu.wait_dma2 semaphore(%run_scoped3A : memref<!tpu.dma_semaphore, #tpu.memory_space<semaphore_mem>>) src(%dma_wait3A_76 : memref<40x128xf32, #tpu.memory_space<hbm>>) dst(%arg9 : memref<40x128xf32, #tpu.memory_space<vmem>>)
          tpu.yield
        }) : () -> ()
        %dma_start3A = arith.constant 0 : i32
        %dma_start3A_38 = arith.constant 0 : i32
        %dma_start3A_39 = arith.constant 0 : i32
        %dma_start3A_40 = arith.constant 0 : i32
        %dma_start3A_41 = tpu.memref_slice %arg10[%dma_start3A_38, %dma_start3A_39, %dma_start3A_40] : memref<2x128x128xf32, #tpu.memory_space<vmem>> -> memref<1x128x128xf32, #tpu.memory_space<vmem>>
        %dma_start3A_42 = tpu.memref_squeeze %dma_start3A_41 : memref<1x128x128xf32, #tpu.memory_space<vmem>> -> memref<128x128xf32, #tpu.memory_space<vmem>>
        %dma_start3A_43 = arith.constant 0 : i32
        %dma_start3A_44 = tpu.memref_slice %arg7[%dma_start3A, %dma_start3A_43] : memref<40x128xi32, #tpu.memory_space<vmem>> -> memref<1x128xi32, #tpu.memory_space<vmem>>
        %dma_start3A_45 = tpu.memref_squeeze %dma_start3A_44 : memref<1x128xi32, #tpu.memory_space<vmem>> -> memref<128xi32, #tpu.memory_space<vmem>>
        %dma_start3A_46 = arith.constant 0 : i32
        %dma_start3A_47 = arith.constant 0 : i32
        %dma_start3A_48 = tpu.memref_slice %arg2[%dma_start3A_46, %dma_start3A_47] : memref<10000x128xf32, #tpu.memory_space<hbm>> -> memref<10000x128xf32, #tpu.memory_space<hbm>>
        tpu.enqueue_indirect_dma source(%dma_start3A_48 : memref<10000x128xf32, #tpu.memory_space<hbm>>) target(%dma_start3A_42 : memref<128x128xf32, #tpu.memory_space<vmem>>) offsets(%dma_start3A_45 : memref<128xi32, #tpu.memory_space<vmem>>) semaphore(%arg12 : memref<!tpu.dma_semaphore, #tpu.memory_space<semaphore_mem>>)
        %dma_start3A_49 = arith.constant 1 : i32
        %dma_start3A_50 = arith.constant 1 : i32
        %dma_start3A_51 = arith.constant 0 : i32
        %dma_start3A_52 = arith.constant 0 : i32
        %dma_start3A_53 = tpu.memref_slice %arg10[%dma_start3A_50, %dma_start3A_51, %dma_start3A_52] : memref<2x128x128xf32, #tpu.memory_space<vmem>> -> memref<1x128x128xf32, #tpu.memory_space<vmem>>
        %dma_start3A_54 = tpu.memref_squeeze %dma_start3A_53 : memref<1x128x128xf32, #tpu.memory_space<vmem>> -> memref<128x128xf32, #tpu.memory_space<vmem>>
        %dma_start3A_55 = arith.constant 0 : i32
        %dma_start3A_56 = tpu.memref_slice %arg7[%dma_start3A_49, %dma_start3A_55] : memref<40x128xi32, #tpu.memory_space<vmem>> -> memref<1x128xi32, #tpu.memory_space<vmem>>
        %dma_start3A_57 = tpu.memref_squeeze %dma_start3A_56 : memref<1x128xi32, #tpu.memory_space<vmem>> -> memref<128xi32, #tpu.memory_space<vmem>>
        %dma_start3A_58 = arith.constant 0 : i32
        %dma_start3A_59 = arith.constant 0 : i32
        %dma_start3A_60 = tpu.memref_slice %arg2[%dma_start3A_58, %dma_start3A_59] : memref<10000x128xf32, #tpu.memory_space<hbm>> -> memref<10000x128xf32, #tpu.memory_space<hbm>>
        tpu.enqueue_indirect_dma source(%dma_start3A_60 : memref<10000x128xf32, #tpu.memory_space<hbm>>) target(%dma_start3A_54 : memref<128x128xf32, #tpu.memory_space<vmem>>) offsets(%dma_start3A_57 : memref<128xi32, #tpu.memory_space<vmem>>) semaphore(%arg13 : memref<!tpu.dma_semaphore, #tpu.memory_space<semaphore_mem>>)
        %scan3A_61 = arith.constant 0 : i32
        %scan3A_62 = arith.constant 20 : i32
        %scan3A_63 = arith.addi %scan3A_61, %scan3A_62 : i32
        %scan3A_64 = arith.constant 1 : i32
        scf.for %scan3A_66 = %scan3A_61 to %scan3A_63 step %scan3A_64  : i32 {
          %mul3A_67 = arith.constant 2 : i32
          %mul3A_68 = arith.muli %scan3A_66, %mul3A_67 : i32
          %add3A_69 = arith.constant 0 : i32
          %add3A_70 = arith.addi %add3A_69, %mul3A_68 : i32
          %add3A_71 = arith.constant 0 : i32
          %add3A_72 = arith.addi %add3A_70, %add3A_71 : i32
          %dma_wait3A = arith.constant 0 : i32
          %dma_wait3A_73 = arith.constant 0 : i32
          %dma_wait3A_74 = arith.constant 0 : i32
          %dma_wait3A_75 = tpu.memref_slice %arg10[%dma_wait3A, %dma_wait3A_73, %dma_wait3A_74] : memref<2x128x128xf32, #tpu.memory_space<vmem>> -> memref<1x128x128xf32, #tpu.memory_space<vmem>>
          %dma_wait3A_76 = tpu.memref_squeeze %dma_wait3A_75 : memref<1x128x128xf32, #tpu.memory_space<vmem>> -> memref<128x128xf32, #tpu.memory_space<vmem>>
          %dma_wait3A_77 = arith.constant 0 : i32
          %dma_wait3A_78 = tpu.memref_slice %arg7[%add3A_72, %dma_wait3A_77] : memref<40x128xi32, #tpu.memory_space<vmem>> -> memref<1x128xi32, #tpu.memory_space<vmem>>
          %dma_wait3A_79 = tpu.memref_squeeze %dma_wait3A_78 : memref<1x128xi32, #tpu.memory_space<vmem>> -> memref<128xi32, #tpu.memory_space<vmem>>
          %dma_wait3A_80 = arith.constant 0 : i32
          %dma_wait3A_81 = arith.constant 0 : i32
          %dma_wait3A_82 = tpu.memref_slice %arg2[%dma_wait3A_80, %dma_wait3A_81] : memref<10000x128xf32, #tpu.memory_space<hbm>> -> memref<10000x128xf32, #tpu.memory_space<hbm>>
          tpu.wait_indirect_dma semaphore(%arg12 : memref<!tpu.dma_semaphore, #tpu.memory_space<semaphore_mem>>) src(%dma_wait3A_82 : memref<10000x128xf32, #tpu.memory_space<hbm>>) dst(%dma_wait3A_76 : memref<128x128xf32, #tpu.memory_space<vmem>>)
          %scan3A_83 = arith.constant 0 : i32
          %scan3A_84 = arith.constant 64 : i32
          %scan3A_85 = arith.addi %scan3A_83, %scan3A_84 : i32
          %scan3A_86 = arith.constant 1 : i32
          scf.for %scan3A_122 = %scan3A_83 to %scan3A_85 step %scan3A_86  : i32 {
            %mul3A_123 = arith.constant 2 : i32
            %mul3A_124 = arith.muli %scan3A_122, %mul3A_123 : i32
            %add3A_125 = arith.constant 0 : i32
            %add3A_126 = arith.addi %add3A_125, %mul3A_124 : i32
            %broadcast_in_dim3A_127 = vector.broadcast %add3A_72 : i32 to vector<16xi32>
            %add3A_128 = arith.constant 0 : i32
            %add3A_129 = arith.addi %add3A_126, %add3A_128 : i32
            %broadcast_in_dim3A_130 = vector.broadcast %add3A_129 : i32 to vector<16xi32>
            %gather3A = tpu.vector_load_idx %arg9[%broadcast_in_dim3A_127, %broadcast_in_dim3A_130] : memref<40x128xf32, #tpu.memory_space<vmem>>[vector<16xi32>, vector<16xi32>], vector<16xf32>,
            %add3A_131 = arith.constant 0 : i32
            %add3A_132 = arith.addi %add3A_126, %add3A_131 : i32
            %get3A = arith.constant 0 : i32
            %get3A_133 = arith.index_cast %get3A : i32 to index
            %get3A_134 = arith.index_cast %add3A_132 : i32 to index
            %get3A_135 = arith.constant 0 : index
            %get3A_136 = tpu.vector_load %arg10[%get3A_133, %get3A_134, %get3A_135] {strides = array<i32>} : memref<2x128x128xf32, #tpu.memory_space<vmem>>, vector<16xf32>,
            %mul3A_137 = arith.mulf %get3A_136, %gather3A : vector<16xf32>
            %add3A_138 = arith.constant 0 : i32
            %add3A_139 = arith.addi %add3A_126, %add3A_138 : i32
            %swap3A = arith.constant 0 : i32
            %swap3A_140 = arith.index_cast %swap3A : i32 to index
            %swap3A_141 = arith.index_cast %add3A_139 : i32 to index
            %swap3A_142 = arith.constant 0 : index
            %swap3A_143 = tpu.vector_load %arg10[%swap3A_140, %swap3A_141, %swap3A_142] {strides = array<i32>} : memref<2x128x128xf32, #tpu.memory_space<vmem>>, vector<16xf32>,
            tpu.vector_store %arg10[%swap3A_140, %swap3A_141, %swap3A_142], %mul3A_137 {strides = array<i32>} : memref<2x128x128xf32, #tpu.memory_space<vmem>>, vector<16xf32>,
            %add3A_144 = arith.constant 0 : i32
            %add3A_145 = arith.addi %add3A_126, %add3A_144 : i32
            %get3A_146 = arith.constant 0 : i32
            %get3A_147 = arith.index_cast %get3A_146 : i32 to index
            %get3A_148 = arith.index_cast %add3A_145 : i32 to index
            %get3A_149 = arith.constant 16 : index
            %get3A_150 = tpu.vector_load %arg10[%get3A_147, %get3A_148, %get3A_149] {strides = array<i32>} : memref<2x128x128xf32, #tpu.memory_space<vmem>>, vector<16xf32>,
            %mul3A_151 = arith.mulf %get3A_150, %gather3A : vector<16xf32>
            %add3A_152 = arith.constant 0 : i32
            %add3A_153 = arith.addi %add3A_126, %add3A_152 : i32
            %swap3A_154 = arith.constant 0 : i32
            %swap3A_155 = arith.index_cast %swap3A_154 : i32 to index
            %swap3A_156 = arith.index_cast %add3A_153 : i32 to index
            %swap3A_157 = arith.constant 16 : index
            %swap3A_158 = tpu.vector_load %arg10[%swap3A_155, %swap3A_156, %swap3A_157] {strides = array<i32>} : memref<2x128x128xf32, #tpu.memory_space<vmem>>, vector<16xf32>,
            tpu.vector_store %arg10[%swap3A_155, %swap3A_156, %swap3A_157], %mul3A_151 {strides = array<i32>} : memref<2x128x128xf32, #tpu.memory_space<vmem>>, vector<16xf32>,
            %add3A_159 = arith.constant 0 : i32
            %add3A_160 = arith.addi %add3A_126, %add3A_159 : i32
            %get3A_161 = arith.constant 0 : i32
            %get3A_162 = arith.index_cast %get3A_161 : i32 to index
            %get3A_163 = arith.index_cast %add3A_160 : i32 to index
            %get3A_164 = arith.constant 32 : index
            %get3A_165 = tpu.vector_load %arg10[%get3A_162, %get3A_163, %get3A_164] {strides = array<i32>} : memref<2x128x128xf32, #tpu.memory_space<vmem>>, vector<16xf32>,
            %mul3A_166 = arith.mulf %get3A_165, %gather3A : vector<16xf32>
            %add3A_167 = arith.constant 0 : i32
            %add3A_168 = arith.addi %add3A_126, %add3A_167 : i32
            %swap3A_169 = arith.constant 0 : i32
            %swap3A_170 = arith.index_cast %swap3A_169 : i32 to index
            %swap3A_171 = arith.index_cast %add3A_168 : i32 to index
            %swap3A_172 = arith.constant 32 : index
            %swap3A_173 = tpu.vector_load %arg10[%swap3A_170, %swap3A_171, %swap3A_172] {strides = array<i32>} : memref<2x128x128xf32, #tpu.memory_space<vmem>>, vector<16xf32>,
            tpu.vector_store %arg10[%swap3A_170, %swap3A_171, %swap3A_172], %mul3A_166 {strides = array<i32>} : memref<2x128x128xf32, #tpu.memory_space<vmem>>, vector<16xf32>,
            %add3A_174 = arith.constant 0 : i32
            %add3A_175 = arith.addi %add3A_126, %add3A_174 : i32
            %get3A_176 = arith.constant 0 : i32
            %get3A_177 = arith.index_cast %get3A_176 : i32 to index
            %get3A_178 = arith.index_cast %add3A_175 : i32 to index
            %get3A_179 = arith.constant 48 : index
            %get3A_180 = tpu.vector_load %arg10[%get3A_177, %get3A_178, %get3A_179] {strides = array<i32>} : memref<2x128x128xf32, #tpu.memory_space<vmem>>, vector<16xf32>,
            %mul3A_181 = arith.mulf %get3A_180, %gather3A : vector<16xf32>
            %add3A_182 = arith.constant 0 : i32
            %add3A_183 = arith.addi %add3A_126, %add3A_182 : i32
            %swap3A_184 = arith.constant 0 : i32
            %swap3A_185 = arith.index_cast %swap3A_184 : i32 to index
            %swap3A_186 = arith.index_cast %add3A_183 : i32 to index
            %swap3A_187 = arith.constant 48 : index
            %swap3A_188 = tpu.vector_load %arg10[%swap3A_185, %swap3A_186, %swap3A_187] {strides = array<i32>} : memref<2x128x128xf32, #tpu.memory_space<vmem>>, vector<16xf32>,
            tpu.vector_store %arg10[%swap3A_185, %swap3A_186, %swap3A_187], %mul3A_181 {strides = array<i32>} : memref<2x128x128xf32, #tpu.memory_space<vmem>>, vector<16xf32>,
            %add3A_189 = arith.constant 0 : i32
            %add3A_190 = arith.addi %add3A_126, %add3A_189 : i32
            %get3A_191 = arith.constant 0 : i32
            %get3A_192 = arith.index_cast %get3A_191 : i32 to index
            %get3A_193 = arith.index_cast %add3A_190 : i32 to index
            %get3A_194 = arith.constant 64 : index
            %get3A_195 = tpu.vector_load %arg10[%get3A_192, %get3A_193, %get3A_194] {strides = array<i32>} : memref<2x128x128xf32, #tpu.memory_space<vmem>>, vector<16xf32>,
            %mul3A_196 = arith.mulf %get3A_195, %gather3A : vector<16xf32>
            %add3A_197 = arith.constant 0 : i32
            %add3A_198 = arith.addi %add3A_126, %add3A_197 : i32
            %swap3A_199 = arith.constant 0 : i32
            %swap3A_200 = arith.index_cast %swap3A_199 : i32 to index
            %swap3A_201 = arith.index_cast %add3A_198 : i32 to index
            %swap3A_202 = arith.constant 64 : index
            %swap3A_203 = tpu.vector_load %arg10[%swap3A_200, %swap3A_201, %swap3A_202] {strides = array<i32>} : memref<2x128x128xf32, #tpu.memory_space<vmem>>, vector<16xf32>,
            tpu.vector_store %arg10[%swap3A_200, %swap3A_201, %swap3A_202], %mul3A_196 {strides = array<i32>} : memref<2x128x128xf32, #tpu.memory_space<vmem>>, vector<16xf32>,
            %add3A_204 = arith.constant 0 : i32
            %add3A_205 = arith.addi %add3A_126, %add3A_204 : i32
            %get3A_206 = arith.constant 0 : i32
            %get3A_207 = arith.index_cast %get3A_206 : i32 to index
            %get3A_208 = arith.index_cast %add3A_205 : i32 to index
            %get3A_209 = arith.constant 80 : index
            %get3A_210 = tpu.vector_load %arg10[%get3A_207, %get3A_208, %get3A_209] {strides = array<i32>} : memref<2x128x128xf32, #tpu.memory_space<vmem>>, vector<16xf32>,
            %mul3A_211 = arith.mulf %get3A_210, %gather3A : vector<16xf32>
            %add3A_212 = arith.constant 0 : i32
            %add3A_213 = arith.addi %add3A_126, %add3A_212 : i32
            %swap3A_214 = arith.constant 0 : i32
            %swap3A_215 = arith.index_cast %swap3A_214 : i32 to index
            %swap3A_216 = arith.index_cast %add3A_213 : i32 to index
            %swap3A_217 = arith.constant 80 : index
            %swap3A_218 = tpu.vector_load %arg10[%swap3A_215, %swap3A_216, %swap3A_217] {strides = array<i32>} : memref<2x128x128xf32, #tpu.memory_space<vmem>>, vector<16xf32>,
            tpu.vector_store %arg10[%swap3A_215, %swap3A_216, %swap3A_217], %mul3A_211 {strides = array<i32>} : memref<2x128x128xf32, #tpu.memory_space<vmem>>, vector<16xf32>,
            %add3A_219 = arith.constant 0 : i32
            %add3A_220 = arith.addi %add3A_126, %add3A_219 : i32
            %get3A_221 = arith.constant 0 : i32
            %get3A_222 = arith.index_cast %get3A_221 : i32 to index
            %get3A_223 = arith.index_cast %add3A_220 : i32 to index
            %get3A_224 = arith.constant 96 : index
            %get3A_225 = tpu.vector_load %arg10[%get3A_222, %get3A_223, %get3A_224] {strides = array<i32>} : memref<2x128x128xf32, #tpu.memory_space<vmem>>, vector<16xf32>,
            %mul3A_226 = arith.mulf %get3A_225, %gather3A : vector<16xf32>
            %add3A_227 = arith.constant 0 : i32
            %add3A_228 = arith.addi %add3A_126, %add3A_227 : i32
            %swap3A_229 = arith.constant 0 : i32
            %swap3A_230 = arith.index_cast %swap3A_229 : i32 to index
            %swap3A_231 = arith.index_cast %add3A_228 : i32 to index
            %swap3A_232 = arith.constant 96 : index
            %swap3A_233 = tpu.vector_load %arg10[%swap3A_230, %swap3A_231, %swap3A_232] {strides = array<i32>} : memref<2x128x128xf32, #tpu.memory_space<vmem>>, vector<16xf32>,
            tpu.vector_store %arg10[%swap3A_230, %swap3A_231, %swap3A_232], %mul3A_226 {strides = array<i32>} : memref<2x128x128xf32, #tpu.memory_space<vmem>>, vector<16xf32>,
            %add3A_234 = arith.constant 0 : i32
            %add3A_235 = arith.addi %add3A_126, %add3A_234 : i32
            %get3A_236 = arith.constant 0 : i32
            %get3A_237 = arith.index_cast %get3A_236 : i32 to index
            %get3A_238 = arith.index_cast %add3A_235 : i32 to index
            %get3A_239 = arith.constant 112 : index
            %get3A_240 = tpu.vector_load %arg10[%get3A_237, %get3A_238, %get3A_239] {strides = array<i32>} : memref<2x128x128xf32, #tpu.memory_space<vmem>>, vector<16xf32>,
            %mul3A_241 = arith.mulf %get3A_240, %gather3A : vector<16xf32>
            %add3A_242 = arith.constant 0 : i32
            %add3A_243 = arith.addi %add3A_126, %add3A_242 : i32
            %swap3A_244 = arith.constant 0 : i32
            %swap3A_245 = arith.index_cast %swap3A_244 : i32 to index
            %swap3A_246 = arith.index_cast %add3A_243 : i32 to index
            %swap3A_247 = arith.constant 112 : index
            %swap3A_248 = tpu.vector_load %arg10[%swap3A_245, %swap3A_246, %swap3A_247] {strides = array<i32>} : memref<2x128x128xf32, #tpu.memory_space<vmem>>, vector<16xf32>,
            tpu.vector_store %arg10[%swap3A_245, %swap3A_246, %swap3A_247], %mul3A_241 {strides = array<i32>} : memref<2x128x128xf32, #tpu.memory_space<vmem>>, vector<16xf32>,
            %add3A_249 = arith.constant 1 : i32
            %add3A_250 = arith.addi %add3A_126, %add3A_249 : i32
            %broadcast_in_dim3A_251 = vector.broadcast %add3A_250 : i32 to vector<16xi32>
            %gather3A_252 = tpu.vector_load_idx %arg9[%broadcast_in_dim3A_127, %broadcast_in_dim3A_251] : memref<40x128xf32, #tpu.memory_space<vmem>>[vector<16xi32>, vector<16xi32>], vector<16xf32>,
            %add3A_253 = arith.constant 1 : i32
            %add3A_254 = arith.addi %add3A_126, %add3A_253 : i32
            %get3A_255 = arith.constant 0 : i32
            %get3A_256 = arith.index_cast %get3A_255 : i32 to index
            %get3A_257 = arith.index_cast %add3A_254 : i32 to index
            %get3A_258 = arith.constant 0 : index
            %get3A_259 = tpu.vector_load %arg10[%get3A_256, %get3A_257, %get3A_258] {strides = array<i32>} : memref<2x128x128xf32, #tpu.memory_space<vmem>>, vector<16xf32>,
            %mul3A_260 = arith.mulf %get3A_259, %gather3A_252 : vector<16xf32>
            %add3A_261 = arith.constant 1 : i32
            %add3A_262 = arith.addi %add3A_126, %add3A_261 : i32
            %swap3A_263 = arith.constant 0 : i32
            %swap3A_264 = arith.index_cast %swap3A_263 : i32 to index
            %swap3A_265 = arith.index_cast %add3A_262 : i32 to index
            %swap3A_266 = arith.constant 0 : index
            %swap3A_267 = tpu.vector_load %arg10[%swap3A_264, %swap3A_265, %swap3A_266] {strides = array<i32>} : memref<2x128x128xf32, #tpu.memory_space<vmem>>, vector<16xf32>,
            tpu.vector_store %arg10[%swap3A_264, %swap3A_265, %swap3A_266], %mul3A_260 {strides = array<i32>} : memref<2x128x128xf32, #tpu.memory_space<vmem>>, vector<16xf32>,
            %add3A_268 = arith.constant 1 : i32
            %add3A_269 = arith.addi %add3A_126, %add3A_268 : i32
            %get3A_270 = arith.constant 0 : i32
            %get3A_271 = arith.index_cast %get3A_270 : i32 to index
            %get3A_272 = arith.index_cast %add3A_269 : i32 to index
            %get3A_273 = arith.constant 16 : index
            %get3A_274 = tpu.vector_load %arg10[%get3A_271, %get3A_272, %get3A_273] {strides = array<i32>} : memref<2x128x128xf32, #tpu.memory_space<vmem>>, vector<16xf32>,
            %mul3A_275 = arith.mulf %get3A_274, %gather3A_252 : vector<16xf32>
            %add3A_276 = arith.constant 1 : i32
            %add3A_277 = arith.addi %add3A_126, %add3A_276 : i32
            %swap3A_278 = arith.constant 0 : i32
            %swap3A_279 = arith.index_cast %swap3A_278 : i32 to index
            %swap3A_280 = arith.index_cast %add3A_277 : i32 to index
            %swap3A_281 = arith.constant 16 : index
            %swap3A_282 = tpu.vector_load %arg10[%swap3A_279, %swap3A_280, %swap3A_281] {strides = array<i32>} : memref<2x128x128xf32, #tpu.memory_space<vmem>>, vector<16xf32>,
            tpu.vector_store %arg10[%swap3A_279, %swap3A_280, %swap3A_281], %mul3A_275 {strides = array<i32>} : memref<2x128x128xf32, #tpu.memory_space<vmem>>, vector<16xf32>,
            %add3A_283 = arith.constant 1 : i32
            %add3A_284 = arith.addi %add3A_126, %add3A_283 : i32
            %get3A_285 = arith.constant 0 : i32
            %get3A_286 = arith.index_cast %get3A_285 : i32 to index
            %get3A_287 = arith.index_cast %add3A_284 : i32 to index
            %get3A_288 = arith.constant 32 : index
            %get3A_289 = tpu.vector_load %arg10[%get3A_286, %get3A_287, %get3A_288] {strides = array<i32>} : memref<2x128x128xf32, #tpu.memory_space<vmem>>, vector<16xf32>,
            %mul3A_290 = arith.mulf %get3A_289, %gather3A_252 : vector<16xf32>
            %add3A_291 = arith.constant 1 : i32
            %add3A_292 = arith.addi %add3A_126, %add3A_291 : i32
            %swap3A_293 = arith.constant 0 : i32
            %swap3A_294 = arith.index_cast %swap3A_293 : i32 to index
            %swap3A_295 = arith.index_cast %add3A_292 : i32 to index
            %swap3A_296 = arith.constant 32 : index
            %swap3A_297 = tpu.vector_load %arg10[%swap3A_294, %swap3A_295, %swap3A_296] {strides = array<i32>} : memref<2x128x128xf32, #tpu.memory_space<vmem>>, vector<16xf32>,
            tpu.vector_store %arg10[%swap3A_294, %swap3A_295, %swap3A_296], %mul3A_290 {strides = array<i32>} : memref<2x128x128xf32, #tpu.memory_space<vmem>>, vector<16xf32>,
            %add3A_298 = arith.constant 1 : i32
            %add3A_299 = arith.addi %add3A_126, %add3A_298 : i32
            %get3A_300 = arith.constant 0 : i32
            %get3A_301 = arith.index_cast %get3A_300 : i32 to index
            %get3A_302 = arith.index_cast %add3A_299 : i32 to index
            %get3A_303 = arith.constant 48 : index
            %get3A_304 = tpu.vector_load %arg10[%get3A_301, %get3A_302, %get3A_303] {strides = array<i32>} : memref<2x128x128xf32, #tpu.memory_space<vmem>>, vector<16xf32>,
            %mul3A_305 = arith.mulf %get3A_304, %gather3A_252 : vector<16xf32>
            %add3A_306 = arith.constant 1 : i32
            %add3A_307 = arith.addi %add3A_126, %add3A_306 : i32
            %swap3A_308 = arith.constant 0 : i32
            %swap3A_309 = arith.index_cast %swap3A_308 : i32 to index
            %swap3A_310 = arith.index_cast %add3A_307 : i32 to index
            %swap3A_311 = arith.constant 48 : index
            %swap3A_312 = tpu.vector_load %arg10[%swap3A_309, %swap3A_310, %swap3A_311] {strides = array<i32>} : memref<2x128x128xf32, #tpu.memory_space<vmem>>, vector<16xf32>,
            tpu.vector_store %arg10[%swap3A_309, %swap3A_310, %swap3A_311], %mul3A_305 {strides = array<i32>} : memref<2x128x128xf32, #tpu.memory_space<vmem>>, vector<16xf32>,
            %add3A_313 = arith.constant 1 : i32
            %add3A_314 = arith.addi %add3A_126, %add3A_313 : i32
            %get3A_315 = arith.constant 0 : i32
            %get3A_316 = arith.index_cast %get3A_315 : i32 to index
            %get3A_317 = arith.index_cast %add3A_314 : i32 to index
            %get3A_318 = arith.constant 64 : index
            %get3A_319 = tpu.vector_load %arg10[%get3A_316, %get3A_317, %get3A_318] {strides = array<i32>} : memref<2x128x128xf32, #tpu.memory_space<vmem>>, vector<16xf32>,
            %mul3A_320 = arith.mulf %get3A_319, %gather3A_252 : vector<16xf32>
            %add3A_321 = arith.constant 1 : i32
            %add3A_322 = arith.addi %add3A_126, %add3A_321 : i32
            %swap3A_323 = arith.constant 0 : i32
            %swap3A_324 = arith.index_cast %swap3A_323 : i32 to index
            %swap3A_325 = arith.index_cast %add3A_322 : i32 to index
            %swap3A_326 = arith.constant 64 : index
            %swap3A_327 = tpu.vector_load %arg10[%swap3A_324, %swap3A_325, %swap3A_326] {strides = array<i32>} : memref<2x128x128xf32, #tpu.memory_space<vmem>>, vector<16xf32>,
            tpu.vector_store %arg10[%swap3A_324, %swap3A_325, %swap3A_326], %mul3A_320 {strides = array<i32>} : memref<2x128x128xf32, #tpu.memory_space<vmem>>, vector<16xf32>,
            %add3A_328 = arith.constant 1 : i32
            %add3A_329 = arith.addi %add3A_126, %add3A_328 : i32
            %get3A_330 = arith.constant 0 : i32
            %get3A_331 = arith.index_cast %get3A_330 : i32 to index
            %get3A_332 = arith.index_cast %add3A_329 : i32 to index
            %get3A_333 = arith.constant 80 : index
            %get3A_334 = tpu.vector_load %arg10[%get3A_331, %get3A_332, %get3A_333] {strides = array<i32>} : memref<2x128x128xf32, #tpu.memory_space<vmem>>, vector<16xf32>,
            %mul3A_335 = arith.mulf %get3A_334, %gather3A_252 : vector<16xf32>
            %add3A_336 = arith.constant 1 : i32
            %add3A_337 = arith.addi %add3A_126, %add3A_336 : i32
            %swap3A_338 = arith.constant 0 : i32
            %swap3A_339 = arith.index_cast %swap3A_338 : i32 to index
            %swap3A_340 = arith.index_cast %add3A_337 : i32 to index
            %swap3A_341 = arith.constant 80 : index
            %swap3A_342 = tpu.vector_load %arg10[%swap3A_339, %swap3A_340, %swap3A_341] {strides = array<i32>} : memref<2x128x128xf32, #tpu.memory_space<vmem>>, vector<16xf32>,
            tpu.vector_store %arg10[%swap3A_339, %swap3A_340, %swap3A_341], %mul3A_335 {strides = array<i32>} : memref<2x128x128xf32, #tpu.memory_space<vmem>>, vector<16xf32>,
            %add3A_343 = arith.constant 1 : i32
            %add3A_344 = arith.addi %add3A_126, %add3A_343 : i32
            %get3A_345 = arith.constant 0 : i32
            %get3A_346 = arith.index_cast %get3A_345 : i32 to index
            %get3A_347 = arith.index_cast %add3A_344 : i32 to index
            %get3A_348 = arith.constant 96 : index
            %get3A_349 = tpu.vector_load %arg10[%get3A_346, %get3A_347, %get3A_348] {strides = array<i32>} : memref<2x128x128xf32, #tpu.memory_space<vmem>>, vector<16xf32>,
            %mul3A_350 = arith.mulf %get3A_349, %gather3A_252 : vector<16xf32>
            %add3A_351 = arith.constant 1 : i32
            %add3A_352 = arith.addi %add3A_126, %add3A_351 : i32
            %swap3A_353 = arith.constant 0 : i32
            %swap3A_354 = arith.index_cast %swap3A_353 : i32 to index
            %swap3A_355 = arith.index_cast %add3A_352 : i32 to index
            %swap3A_356 = arith.constant 96 : index
            %swap3A_357 = tpu.vector_load %arg10[%swap3A_354, %swap3A_355, %swap3A_356] {strides = array<i32>} : memref<2x128x128xf32, #tpu.memory_space<vmem>>, vector<16xf32>,
            tpu.vector_store %arg10[%swap3A_354, %swap3A_355, %swap3A_356], %mul3A_350 {strides = array<i32>} : memref<2x128x128xf32, #tpu.memory_space<vmem>>, vector<16xf32>,
            %add3A_358 = arith.constant 1 : i32
            %add3A_359 = arith.addi %add3A_126, %add3A_358 : i32
            %get3A_360 = arith.constant 0 : i32
            %get3A_361 = arith.index_cast %get3A_360 : i32 to index
            %get3A_362 = arith.index_cast %add3A_359 : i32 to index
            %get3A_363 = arith.constant 112 : index
            %get3A_364 = tpu.vector_load %arg10[%get3A_361, %get3A_362, %get3A_363] {strides = array<i32>} : memref<2x128x128xf32, #tpu.memory_space<vmem>>, vector<16xf32>,
            %mul3A_365 = arith.mulf %get3A_364, %gather3A_252 : vector<16xf32>
            %add3A_366 = arith.constant 1 : i32
            %add3A_367 = arith.addi %add3A_126, %add3A_366 : i32
            %swap3A_368 = arith.constant 0 : i32
            %swap3A_369 = arith.index_cast %swap3A_368 : i32 to index
            %swap3A_370 = arith.index_cast %add3A_367 : i32 to index
            %swap3A_371 = arith.constant 112 : index
            %swap3A_372 = tpu.vector_load %arg10[%swap3A_369, %swap3A_370, %swap3A_371] {strides = array<i32>} : memref<2x128x128xf32, #tpu.memory_space<vmem>>, vector<16xf32>,
            tpu.vector_store %arg10[%swap3A_369, %swap3A_370, %swap3A_371], %mul3A_365 {strides = array<i32>} : memref<2x128x128xf32, #tpu.memory_space<vmem>>, vector<16xf32>,
          }
          %scan3A_87 = arith.constant 64 : i32
          %run_scoped3A = arith.constant 0 : i32
          "tpu.region"() ({
            %run_scoped3A_122 = tpu.sem_alloc : memref<!tpu.dma_semaphore, #tpu.memory_space<semaphore_mem>>
            %dma_start3A_123 = arith.constant 0 : i32
            %dma_start3A_124 = arith.constant 0 : i32
            %dma_start3A_125 = tpu.memref_slice %arg10[%run_scoped3A, %dma_start3A_123, %dma_start3A_124] : memref<2x128x128xf32, #tpu.memory_space<vmem>> -> memref<1x128x128xf32, #tpu.memory_space<vmem>>
            %dma_start3A_126 = tpu.memref_squeeze %dma_start3A_125 : memref<1x128x128xf32, #tpu.memory_space<vmem>> -> memref<128x128xf32, #tpu.memory_space<vmem>>
            %dma_start3A_127 = arith.constant 0 : i32
            %dma_start3A_128 = tpu.memref_slice %arg8[%add3A_72, %dma_start3A_127] : memref<40x128xi32, #tpu.memory_space<vmem>> -> memref<1x128xi32, #tpu.memory_space<vmem>>
            %dma_start3A_129 = tpu.memref_squeeze %dma_start3A_128 : memref<1x128xi32, #tpu.memory_space<vmem>> -> memref<128xi32, #tpu.memory_space<vmem>>
            %dma_start3A_130 = arith.constant 0 : i32
            %dma_start3A_131 = arith.constant 0 : i32
            %dma_start3A_132 = tpu.memref_slice %arg11[%dma_start3A_130, %dma_start3A_131] : memref<10240x128xf32, #tpu.memory_space<vmem_shared>> -> memref<10240x128xf32, #tpu.memory_space<vmem_shared>>
            tpu.enqueue_indirect_dma source(%dma_start3A_126 : memref<128x128xf32, #tpu.memory_space<vmem>>) target(%dma_start3A_132 : memref<10240x128xf32, #tpu.memory_space<vmem_shared>>) offsets(%dma_start3A_129 : memref<128xi32, #tpu.memory_space<vmem>>) semaphore(%run_scoped3A_122 : memref<!tpu.dma_semaphore, #tpu.memory_space<semaphore_mem>>) {add = true}
            %dma_wait3A_133 = arith.constant 0 : i32
            %dma_wait3A_134 = arith.constant 0 : i32
            %dma_wait3A_135 = tpu.memref_slice %arg10[%run_scoped3A, %dma_wait3A_133, %dma_wait3A_134] : memref<2x128x128xf32, #tpu.memory_space<vmem>> -> memref<1x128x128xf32, #tpu.memory_space<vmem>>
            %dma_wait3A_136 = tpu.memref_squeeze %dma_wait3A_135 : memref<1x128x128xf32, #tpu.memory_space<vmem>> -> memref<128x128xf32, #tpu.memory_space<vmem>>
            %dma_wait3A_137 = arith.constant 0 : i32
            %dma_wait3A_138 = tpu.memref_slice %arg8[%add3A_72, %dma_wait3A_137] : memref<40x128xi32, #tpu.memory_space<vmem>> -> memref<1x128xi32, #tpu.memory_space<vmem>>
            %dma_wait3A_139 = tpu.memref_squeeze %dma_wait3A_138 : memref<1x128xi32, #tpu.memory_space<vmem>> -> memref<128xi32, #tpu.memory_space<vmem>>
            %dma_wait3A_140 = arith.constant 0 : i32
            %dma_wait3A_141 = arith.constant 0 : i32
            %dma_wait3A_142 = tpu.memref_slice %arg11[%dma_wait3A_140, %dma_wait3A_141] : memref<10240x128xf32, #tpu.memory_space<vmem_shared>> -> memref<10240x128xf32, #tpu.memory_space<vmem_shared>>
            tpu.wait_indirect_dma semaphore(%run_scoped3A_122 : memref<!tpu.dma_semaphore, #tpu.memory_space<semaphore_mem>>) src(%dma_wait3A_136 : memref<128x128xf32, #tpu.memory_space<vmem>>) dst(%dma_wait3A_142 : memref<10240x128xf32, #tpu.memory_space<vmem_shared>>)
            tpu.yield
          }) : () -> ()
          %add3A_88 = arith.constant 2 : i32
          %add3A_89 = arith.addi %add3A_72, %add3A_88 : i32
          %lt3A = arith.constant 40 : i32
          %lt3A_90 = arith.cmpi slt, %add3A_89, %lt3A : i32
          %convert_element_type3A_91 = arith.extui %lt3A_90 : i1 to i32
          %cond3A_92 = arith.constant 0 : i32
          %cond3A_93 = arith.constant 0 : i32
          %cond3A_94 = arith.cmpi ne, %convert_element_type3A_91, %cond3A_93 : i32
          scf.if %cond3A_94 {
            %add3A_122 = arith.constant 2 : i32
            %add3A_123 = arith.addi %add3A_72, %add3A_122 : i32
            %dma_start3A_124 = arith.constant 0 : i32
            %dma_start3A_125 = arith.constant 0 : i32
            %dma_start3A_126 = tpu.memref_slice %arg10[%cond3A_92, %dma_start3A_124, %dma_start3A_125] : memref<2x128x128xf32, #tpu.memory_space<vmem>> -> memref<1x128x128xf32, #tpu.memory_space<vmem>>
            %dma_start3A_127 = tpu.memref_squeeze %dma_start3A_126 : memref<1x128x128xf32, #tpu.memory_space<vmem>> -> memref<128x128xf32, #tpu.memory_space<vmem>>
            %dma_start3A_128 = arith.constant 0 : i32
            %dma_start3A_129 = tpu.memref_slice %arg7[%add3A_123, %dma_start3A_128] : memref<40x128xi32, #tpu.memory_space<vmem>> -> memref<1x128xi32, #tpu.memory_space<vmem>>
            %dma_start3A_130 = tpu.memref_squeeze %dma_start3A_129 : memref<1x128xi32, #tpu.memory_space<vmem>> -> memref<128xi32, #tpu.memory_space<vmem>>
            %dma_start3A_131 = arith.constant 0 : i32
            %dma_start3A_132 = arith.constant 0 : i32
            %dma_start3A_133 = tpu.memref_slice %arg2[%dma_start3A_131, %dma_start3A_132] : memref<10000x128xf32, #tpu.memory_space<hbm>> -> memref<10000x128xf32, #tpu.memory_space<hbm>>
            tpu.enqueue_indirect_dma source(%dma_start3A_133 : memref<10000x128xf32, #tpu.memory_space<hbm>>) target(%dma_start3A_127 : memref<128x128xf32, #tpu.memory_space<vmem>>) offsets(%dma_start3A_130 : memref<128xi32, #tpu.memory_space<vmem>>) semaphore(%arg12 : memref<!tpu.dma_semaphore, #tpu.memory_space<semaphore_mem>>)
          } else {
          }
          %add3A_95 = arith.constant 1 : i32
          %add3A_96 = arith.addi %add3A_70, %add3A_95 : i32
          %dma_wait3A_97 = arith.constant 1 : i32
          %dma_wait3A_98 = arith.constant 0 : i32
          %dma_wait3A_99 = arith.constant 0 : i32
          %dma_wait3A_100 = tpu.memref_slice %arg10[%dma_wait3A_97, %dma_wait3A_98, %dma_wait3A_99] : memref<2x128x128xf32, #tpu.memory_space<vmem>> -> memref<1x128x128xf32, #tpu.memory_space<vmem>>
          %dma_wait3A_101 = tpu.memref_squeeze %dma_wait3A_100 : memref<1x128x128xf32, #tpu.memory_space<vmem>> -> memref<128x128xf32, #tpu.memory_space<vmem>>
          %dma_wait3A_102 = arith.constant 0 : i32
          %dma_wait3A_103 = tpu.memref_slice %arg7[%add3A_96, %dma_wait3A_102] : memref<40x128xi32, #tpu.memory_space<vmem>> -> memref<1x128xi32, #tpu.memory_space<vmem>>
          %dma_wait3A_104 = tpu.memref_squeeze %dma_wait3A_103 : memref<1x128xi32, #tpu.memory_space<vmem>> -> memref<128xi32, #tpu.memory_space<vmem>>
          %dma_wait3A_105 = arith.constant 0 : i32
          %dma_wait3A_106 = arith.constant 0 : i32
          %dma_wait3A_107 = tpu.memref_slice %arg2[%dma_wait3A_105, %dma_wait3A_106] : memref<10000x128xf32, #tpu.memory_space<hbm>> -> memref<10000x128xf32, #tpu.memory_space<hbm>>
          tpu.wait_indirect_dma semaphore(%arg13 : memref<!tpu.dma_semaphore, #tpu.memory_space<semaphore_mem>>) src(%dma_wait3A_107 : memref<10000x128xf32, #tpu.memory_space<hbm>>) dst(%dma_wait3A_101 : memref<128x128xf32, #tpu.memory_space<vmem>>)
          %scan3A_108 = arith.constant 0 : i32
          %scan3A_109 = arith.constant 64 : i32
          %scan3A_110 = arith.addi %scan3A_108, %scan3A_109 : i32
          %scan3A_111 = arith.constant 1 : i32
          scf.for %scan3A_122 = %scan3A_108 to %scan3A_110 step %scan3A_111  : i32 {
            %mul3A_123 = arith.constant 2 : i32
            %mul3A_124 = arith.muli %scan3A_122, %mul3A_123 : i32
            %add3A_125 = arith.constant 0 : i32
            %add3A_126 = arith.addi %add3A_125, %mul3A_124 : i32
            %broadcast_in_dim3A_127 = vector.broadcast %add3A_96 : i32 to vector<16xi32>
            %add3A_128 = arith.constant 0 : i32
            %add3A_129 = arith.addi %add3A_126, %add3A_128 : i32
            %broadcast_in_dim3A_130 = vector.broadcast %add3A_129 : i32 to vector<16xi32>
            %gather3A = tpu.vector_load_idx %arg9[%broadcast_in_dim3A_127, %broadcast_in_dim3A_130] : memref<40x128xf32, #tpu.memory_space<vmem>>[vector<16xi32>, vector<16xi32>], vector<16xf32>,
            %add3A_131 = arith.constant 0 : i32
            %add3A_132 = arith.addi %add3A_126, %add3A_131 : i32
            %get3A = arith.constant 1 : i32
            %get3A_133 = arith.index_cast %get3A : i32 to index
            %get3A_134 = arith.index_cast %add3A_132 : i32 to index
            %get3A_135 = arith.constant 0 : index
            %get3A_136 = tpu.vector_load %arg10[%get3A_133, %get3A_134, %get3A_135] {strides = array<i32>} : memref<2x128x128xf32, #tpu.memory_space<vmem>>, vector<16xf32>,
            %mul3A_137 = arith.mulf %get3A_136, %gather3A : vector<16xf32>
            %add3A_138 = arith.constant 0 : i32
            %add3A_139 = arith.addi %add3A_126, %add3A_138 : i32
            %swap3A = arith.constant 1 : i32
            %swap3A_140 = arith.index_cast %swap3A : i32 to index
            %swap3A_141 = arith.index_cast %add3A_139 : i32 to index
            %swap3A_142 = arith.constant 0 : index
            %swap3A_143 = tpu.vector_load %arg10[%swap3A_140, %swap3A_141, %swap3A_142] {strides = array<i32>} : memref<2x128x128xf32, #tpu.memory_space<vmem>>, vector<16xf32>,
            tpu.vector_store %arg10[%swap3A_140, %swap3A_141, %swap3A_142], %mul3A_137 {strides = array<i32>} : memref<2x128x128xf32, #tpu.memory_space<vmem>>, vector<16xf32>,
            %add3A_144 = arith.constant 0 : i32
            %add3A_145 = arith.addi %add3A_126, %add3A_144 : i32
            %get3A_146 = arith.constant 1 : i32
            %get3A_147 = arith.index_cast %get3A_146 : i32 to index
            %get3A_148 = arith.index_cast %add3A_145 : i32 to index
            %get3A_149 = arith.constant 16 : index
            %get3A_150 = tpu.vector_load %arg10[%get3A_147, %get3A_148, %get3A_149] {strides = array<i32>} : memref<2x128x128xf32, #tpu.memory_space<vmem>>, vector<16xf32>,
            %mul3A_151 = arith.mulf %get3A_150, %gather3A : vector<16xf32>
            %add3A_152 = arith.constant 0 : i32
            %add3A_153 = arith.addi %add3A_126, %add3A_152 : i32
            %swap3A_154 = arith.constant 1 : i32
            %swap3A_155 = arith.index_cast %swap3A_154 : i32 to index
            %swap3A_156 = arith.index_cast %add3A_153 : i32 to index
            %swap3A_157 = arith.constant 16 : index
            %swap3A_158 = tpu.vector_load %arg10[%swap3A_155, %swap3A_156, %swap3A_157] {strides = array<i32>} : memref<2x128x128xf32, #tpu.memory_space<vmem>>, vector<16xf32>,
            tpu.vector_store %arg10[%swap3A_155, %swap3A_156, %swap3A_157], %mul3A_151 {strides = array<i32>} : memref<2x128x128xf32, #tpu.memory_space<vmem>>, vector<16xf32>,
            %add3A_159 = arith.constant 0 : i32
            %add3A_160 = arith.addi %add3A_126, %add3A_159 : i32
            %get3A_161 = arith.constant 1 : i32
            %get3A_162 = arith.index_cast %get3A_161 : i32 to index
            %get3A_163 = arith.index_cast %add3A_160 : i32 to index
            %get3A_164 = arith.constant 32 : index
            %get3A_165 = tpu.vector_load %arg10[%get3A_162, %get3A_163, %get3A_164] {strides = array<i32>} : memref<2x128x128xf32, #tpu.memory_space<vmem>>, vector<16xf32>,
            %mul3A_166 = arith.mulf %get3A_165, %gather3A : vector<16xf32>
            %add3A_167 = arith.constant 0 : i32
            %add3A_168 = arith.addi %add3A_126, %add3A_167 : i32
            %swap3A_169 = arith.constant 1 : i32
            %swap3A_170 = arith.index_cast %swap3A_169 : i32 to index
            %swap3A_171 = arith.index_cast %add3A_168 : i32 to index
            %swap3A_172 = arith.constant 32 : index
            %swap3A_173 = tpu.vector_load %arg10[%swap3A_170, %swap3A_171, %swap3A_172] {strides = array<i32>} : memref<2x128x128xf32, #tpu.memory_space<vmem>>, vector<16xf32>,
            tpu.vector_store %arg10[%swap3A_170, %swap3A_171, %swap3A_172], %mul3A_166 {strides = array<i32>} : memref<2x128x128xf32, #tpu.memory_space<vmem>>, vector<16xf32>,
            %add3A_174 = arith.constant 0 : i32
            %add3A_175 = arith.addi %add3A_126, %add3A_174 : i32
            %get3A_176 = arith.constant 1 : i32
            %get3A_177 = arith.index_cast %get3A_176 : i32 to index
            %get3A_178 = arith.index_cast %add3A_175 : i32 to index
            %get3A_179 = arith.constant 48 : index
            %get3A_180 = tpu.vector_load %arg10[%get3A_177, %get3A_178, %get3A_179] {strides = array<i32>} : memref<2x128x128xf32, #tpu.memory_space<vmem>>, vector<16xf32>,
            %mul3A_181 = arith.mulf %get3A_180, %gather3A : vector<16xf32>
            %add3A_182 = arith.constant 0 : i32
            %add3A_183 = arith.addi %add3A_126, %add3A_182 : i32
            %swap3A_184 = arith.constant 1 : i32
            %swap3A_185 = arith.index_cast %swap3A_184 : i32 to index
            %swap3A_186 = arith.index_cast %add3A_183 : i32 to index
            %swap3A_187 = arith.constant 48 : index
            %swap3A_188 = tpu.vector_load %arg10[%swap3A_185, %swap3A_186, %swap3A_187] {strides = array<i32>} : memref<2x128x128xf32, #tpu.memory_space<vmem>>, vector<16xf32>,
            tpu.vector_store %arg10[%swap3A_185, %swap3A_186, %swap3A_187], %mul3A_181 {strides = array<i32>} : memref<2x128x128xf32, #tpu.memory_space<vmem>>, vector<16xf32>,
            %add3A_189 = arith.constant 0 : i32
            %add3A_190 = arith.addi %add3A_126, %add3A_189 : i32
            %get3A_191 = arith.constant 1 : i32
            %get3A_192 = arith.index_cast %get3A_191 : i32 to index
            %get3A_193 = arith.index_cast %add3A_190 : i32 to index
            %get3A_194 = arith.constant 64 : index
            %get3A_195 = tpu.vector_load %arg10[%get3A_192, %get3A_193, %get3A_194] {strides = array<i32>} : memref<2x128x128xf32, #tpu.memory_space<vmem>>, vector<16xf32>,
            %mul3A_196 = arith.mulf %get3A_195, %gather3A : vector<16xf32>
            %add3A_197 = arith.constant 0 : i32
            %add3A_198 = arith.addi %add3A_126, %add3A_197 : i32
            %swap3A_199 = arith.constant 1 : i32
            %swap3A_200 = arith.index_cast %swap3A_199 : i32 to index
            %swap3A_201 = arith.index_cast %add3A_198 : i32 to index
            %swap3A_202 = arith.constant 64 : index
            %swap3A_203 = tpu.vector_load %arg10[%swap3A_200, %swap3A_201, %swap3A_202] {strides = array<i32>} : memref<2x128x128xf32, #tpu.memory_space<vmem>>, vector<16xf32>,
            tpu.vector_store %arg10[%swap3A_200, %swap3A_201, %swap3A_202], %mul3A_196 {strides = array<i32>} : memref<2x128x128xf32, #tpu.memory_space<vmem>>, vector<16xf32>,
            %add3A_204 = arith.constant 0 : i32
            %add3A_205 = arith.addi %add3A_126, %add3A_204 : i32
            %get3A_206 = arith.constant 1 : i32
            %get3A_207 = arith.index_cast %get3A_206 : i32 to index
            %get3A_208 = arith.index_cast %add3A_205 : i32 to index
            %get3A_209 = arith.constant 80 : index
            %get3A_210 = tpu.vector_load %arg10[%get3A_207, %get3A_208, %get3A_209] {strides = array<i32>} : memref<2x128x128xf32, #tpu.memory_space<vmem>>, vector<16xf32>,
            %mul3A_211 = arith.mulf %get3A_210, %gather3A : vector<16xf32>
            %add3A_212 = arith.constant 0 : i32
            %add3A_213 = arith.addi %add3A_126, %add3A_212 : i32
            %swap3A_214 = arith.constant 1 : i32
            %swap3A_215 = arith.index_cast %swap3A_214 : i32 to index
            %swap3A_216 = arith.index_cast %add3A_213 : i32 to index
            %swap3A_217 = arith.constant 80 : index
            %swap3A_218 = tpu.vector_load %arg10[%swap3A_215, %swap3A_216, %swap3A_217] {strides = array<i32>} : memref<2x128x128xf32, #tpu.memory_space<vmem>>, vector<16xf32>,
            tpu.vector_store %arg10[%swap3A_215, %swap3A_216, %swap3A_217], %mul3A_211 {strides = array<i32>} : memref<2x128x128xf32, #tpu.memory_space<vmem>>, vector<16xf32>,
            %add3A_219 = arith.constant 0 : i32
            %add3A_220 = arith.addi %add3A_126, %add3A_219 : i32
            %get3A_221 = arith.constant 1 : i32
            %get3A_222 = arith.index_cast %get3A_221 : i32 to index
            %get3A_223 = arith.index_cast %add3A_220 : i32 to index
            %get3A_224 = arith.constant 96 : index
            %get3A_225 = tpu.vector_load %arg10[%get3A_222, %get3A_223, %get3A_224] {strides = array<i32>} : memref<2x128x128xf32, #tpu.memory_space<vmem>>, vector<16xf32>,
            %mul3A_226 = arith.mulf %get3A_225, %gather3A : vector<16xf32>
            %add3A_227 = arith.constant 0 : i32
            %add3A_228 = arith.addi %add3A_126, %add3A_227 : i32
            %swap3A_229 = arith.constant 1 : i32
            %swap3A_230 = arith.index_cast %swap3A_229 : i32 to index
            %swap3A_231 = arith.index_cast %add3A_228 : i32 to index
            %swap3A_232 = arith.constant 96 : index
            %swap3A_233 = tpu.vector_load %arg10[%swap3A_230, %swap3A_231, %swap3A_232] {strides = array<i32>} : memref<2x128x128xf32, #tpu.memory_space<vmem>>, vector<16xf32>,
            tpu.vector_store %arg10[%swap3A_230, %swap3A_231, %swap3A_232], %mul3A_226 {strides = array<i32>} : memref<2x128x128xf32, #tpu.memory_space<vmem>>, vector<16xf32>,
            %add3A_234 = arith.constant 0 : i32
            %add3A_235 = arith.addi %add3A_126, %add3A_234 : i32
            %get3A_236 = arith.constant 1 : i32
            %get3A_237 = arith.index_cast %get3A_236 : i32 to index
            %get3A_238 = arith.index_cast %add3A_235 : i32 to index
            %get3A_239 = arith.constant 112 : index
            %get3A_240 = tpu.vector_load %arg10[%get3A_237, %get3A_238, %get3A_239] {strides = array<i32>} : memref<2x128x128xf32, #tpu.memory_space<vmem>>, vector<16xf32>,
            %mul3A_241 = arith.mulf %get3A_240, %gather3A : vector<16xf32>
            %add3A_242 = arith.constant 0 : i32
            %add3A_243 = arith.addi %add3A_126, %add3A_242 : i32
            %swap3A_244 = arith.constant 1 : i32
            %swap3A_245 = arith.index_cast %swap3A_244 : i32 to index
            %swap3A_246 = arith.index_cast %add3A_243 : i32 to index
            %swap3A_247 = arith.constant 112 : index
            %swap3A_248 = tpu.vector_load %arg10[%swap3A_245, %swap3A_246, %swap3A_247] {strides = array<i32>} : memref<2x128x128xf32, #tpu.memory_space<vmem>>, vector<16xf32>,
            tpu.vector_store %arg10[%swap3A_245, %swap3A_246, %swap3A_247], %mul3A_241 {strides = array<i32>} : memref<2x128x128xf32, #tpu.memory_space<vmem>>, vector<16xf32>,
            %add3A_249 = arith.constant 1 : i32
            %add3A_250 = arith.addi %add3A_126, %add3A_249 : i32
            %broadcast_in_dim3A_251 = vector.broadcast %add3A_250 : i32 to vector<16xi32>
            %gather3A_252 = tpu.vector_load_idx %arg9[%broadcast_in_dim3A_127, %broadcast_in_dim3A_251] : memref<40x128xf32, #tpu.memory_space<vmem>>[vector<16xi32>, vector<16xi32>], vector<16xf32>,
            %add3A_253 = arith.constant 1 : i32
            %add3A_254 = arith.addi %add3A_126, %add3A_253 : i32
            %get3A_255 = arith.constant 1 : i32
            %get3A_256 = arith.index_cast %get3A_255 : i32 to index
            %get3A_257 = arith.index_cast %add3A_254 : i32 to index
            %get3A_258 = arith.constant 0 : index
            %get3A_259 = tpu.vector_load %arg10[%get3A_256, %get3A_257, %get3A_258] {strides = array<i32>} : memref<2x128x128xf32, #tpu.memory_space<vmem>>, vector<16xf32>,
            %mul3A_260 = arith.mulf %get3A_259, %gather3A_252 : vector<16xf32>
            %add3A_261 = arith.constant 1 : i32
            %add3A_262 = arith.addi %add3A_126, %add3A_261 : i32
            %swap3A_263 = arith.constant 1 : i32
            %swap3A_264 = arith.index_cast %swap3A_263 : i32 to index
            %swap3A_265 = arith.index_cast %add3A_262 : i32 to index
            %swap3A_266 = arith.constant 0 : index
            %swap3A_267 = tpu.vector_load %arg10[%swap3A_264, %swap3A_265, %swap3A_266] {strides = array<i32>} : memref<2x128x128xf32, #tpu.memory_space<vmem>>, vector<16xf32>,
            tpu.vector_store %arg10[%swap3A_264, %swap3A_265, %swap3A_266], %mul3A_260 {strides = array<i32>} : memref<2x128x128xf32, #tpu.memory_space<vmem>>, vector<16xf32>,
            %add3A_268 = arith.constant 1 : i32
            %add3A_269 = arith.addi %add3A_126, %add3A_268 : i32
            %get3A_270 = arith.constant 1 : i32
            %get3A_271 = arith.index_cast %get3A_270 : i32 to index
            %get3A_272 = arith.index_cast %add3A_269 : i32 to index
            %get3A_273 = arith.constant 16 : index
            %get3A_274 = tpu.vector_load %arg10[%get3A_271, %get3A_272, %get3A_273] {strides = array<i32>} : memref<2x128x128xf32, #tpu.memory_space<vmem>>, vector<16xf32>,
            %mul3A_275 = arith.mulf %get3A_274, %gather3A_252 : vector<16xf32>
            %add3A_276 = arith.constant 1 : i32
            %add3A_277 = arith.addi %add3A_126, %add3A_276 : i32
            %swap3A_278 = arith.constant 1 : i32
            %swap3A_279 = arith.index_cast %swap3A_278 : i32 to index
            %swap3A_280 = arith.index_cast %add3A_277 : i32 to index
            %swap3A_281 = arith.constant 16 : index
            %swap3A_282 = tpu.vector_load %arg10[%swap3A_279, %swap3A_280, %swap3A_281] {strides = array<i32>} : memref<2x128x128xf32, #tpu.memory_space<vmem>>, vector<16xf32>,
            tpu.vector_store %arg10[%swap3A_279, %swap3A_280, %swap3A_281], %mul3A_275 {strides = array<i32>} : memref<2x128x128xf32, #tpu.memory_space<vmem>>, vector<16xf32>,
            %add3A_283 = arith.constant 1 : i32
            %add3A_284 = arith.addi %add3A_126, %add3A_283 : i32
            %get3A_285 = arith.constant 1 : i32
            %get3A_286 = arith.index_cast %get3A_285 : i32 to index
            %get3A_287 = arith.index_cast %add3A_284 : i32 to index
            %get3A_288 = arith.constant 32 : index
            %get3A_289 = tpu.vector_load %arg10[%get3A_286, %get3A_287, %get3A_288] {strides = array<i32>} : memref<2x128x128xf32, #tpu.memory_space<vmem>>, vector<16xf32>,
            %mul3A_290 = arith.mulf %get3A_289, %gather3A_252 : vector<16xf32>
            %add3A_291 = arith.constant 1 : i32
            %add3A_292 = arith.addi %add3A_126, %add3A_291 : i32
            %swap3A_293 = arith.constant 1 : i32
            %swap3A_294 = arith.index_cast %swap3A_293 : i32 to index
            %swap3A_295 = arith.index_cast %add3A_292 : i32 to index
            %swap3A_296 = arith.constant 32 : index
            %swap3A_297 = tpu.vector_load %arg10[%swap3A_294, %swap3A_295, %swap3A_296] {strides = array<i32>} : memref<2x128x128xf32, #tpu.memory_space<vmem>>, vector<16xf32>,
            tpu.vector_store %arg10[%swap3A_294, %swap3A_295, %swap3A_296], %mul3A_290 {strides = array<i32>} : memref<2x128x128xf32, #tpu.memory_space<vmem>>, vector<16xf32>,
            %add3A_298 = arith.constant 1 : i32
            %add3A_299 = arith.addi %add3A_126, %add3A_298 : i32
            %get3A_300 = arith.constant 1 : i32
            %get3A_301 = arith.index_cast %get3A_300 : i32 to index
            %get3A_302 = arith.index_cast %add3A_299 : i32 to index
            %get3A_303 = arith.constant 48 : index
            %get3A_304 = tpu.vector_load %arg10[%get3A_301, %get3A_302, %get3A_303] {strides = array<i32>} : memref<2x128x128xf32, #tpu.memory_space<vmem>>, vector<16xf32>,
            %mul3A_305 = arith.mulf %get3A_304, %gather3A_252 : vector<16xf32>
            %add3A_306 = arith.constant 1 : i32
            %add3A_307 = arith.addi %add3A_126, %add3A_306 : i32
            %swap3A_308 = arith.constant 1 : i32
            %swap3A_309 = arith.index_cast %swap3A_308 : i32 to index
            %swap3A_310 = arith.index_cast %add3A_307 : i32 to index
            %swap3A_311 = arith.constant 48 : index
            %swap3A_312 = tpu.vector_load %arg10[%swap3A_309, %swap3A_310, %swap3A_311] {strides = array<i32>} : memref<2x128x128xf32, #tpu.memory_space<vmem>>, vector<16xf32>,
            tpu.vector_store %arg10[%swap3A_309, %swap3A_310, %swap3A_311], %mul3A_305 {strides = array<i32>} : memref<2x128x128xf32, #tpu.memory_space<vmem>>, vector<16xf32>,
            %add3A_313 = arith.constant 1 : i32
            %add3A_314 = arith.addi %add3A_126, %add3A_313 : i32
            %get3A_315 = arith.constant 1 : i32
            %get3A_316 = arith.index_cast %get3A_315 : i32 to index
            %get3A_317 = arith.index_cast %add3A_314 : i32 to index
            %get3A_318 = arith.constant 64 : index
            %get3A_319 = tpu.vector_load %arg10[%get3A_316, %get3A_317, %get3A_318] {strides = array<i32>} : memref<2x128x128xf32, #tpu.memory_space<vmem>>, vector<16xf32>,
            %mul3A_320 = arith.mulf %get3A_319, %gather3A_252 : vector<16xf32>
            %add3A_321 = arith.constant 1 : i32
            %add3A_322 = arith.addi %add3A_126, %add3A_321 : i32
            %swap3A_323 = arith.constant 1 : i32
            %swap3A_324 = arith.index_cast %swap3A_323 : i32 to index
            %swap3A_325 = arith.index_cast %add3A_322 : i32 to index
            %swap3A_326 = arith.constant 64 : index
            %swap3A_327 = tpu.vector_load %arg10[%swap3A_324, %swap3A_325, %swap3A_326] {strides = array<i32>} : memref<2x128x128xf32, #tpu.memory_space<vmem>>, vector<16xf32>,
            tpu.vector_store %arg10[%swap3A_324, %swap3A_325, %swap3A_326], %mul3A_320 {strides = array<i32>} : memref<2x128x128xf32, #tpu.memory_space<vmem>>, vector<16xf32>,
            %add3A_328 = arith.constant 1 : i32
            %add3A_329 = arith.addi %add3A_126, %add3A_328 : i32
            %get3A_330 = arith.constant 1 : i32
            %get3A_331 = arith.index_cast %get3A_330 : i32 to index
            %get3A_332 = arith.index_cast %add3A_329 : i32 to index
            %get3A_333 = arith.constant 80 : index
            %get3A_334 = tpu.vector_load %arg10[%get3A_331, %get3A_332, %get3A_333] {strides = array<i32>} : memref<2x128x128xf32, #tpu.memory_space<vmem>>, vector<16xf32>,
            %mul3A_335 = arith.mulf %get3A_334, %gather3A_252 : vector<16xf32>
            %add3A_336 = arith.constant 1 : i32
            %add3A_337 = arith.addi %add3A_126, %add3A_336 : i32
            %swap3A_338 = arith.constant 1 : i32
            %swap3A_339 = arith.index_cast %swap3A_338 : i32 to index
            %swap3A_340 = arith.index_cast %add3A_337 : i32 to index
            %swap3A_341 = arith.constant 80 : index
            %swap3A_342 = tpu.vector_load %arg10[%swap3A_339, %swap3A_340, %swap3A_341] {strides = array<i32>} : memref<2x128x128xf32, #tpu.memory_space<vmem>>, vector<16xf32>,
            tpu.vector_store %arg10[%swap3A_339, %swap3A_340, %swap3A_341], %mul3A_335 {strides = array<i32>} : memref<2x128x128xf32, #tpu.memory_space<vmem>>, vector<16xf32>,
            %add3A_343 = arith.constant 1 : i32
            %add3A_344 = arith.addi %add3A_126, %add3A_343 : i32
            %get3A_345 = arith.constant 1 : i32
            %get3A_346 = arith.index_cast %get3A_345 : i32 to index
            %get3A_347 = arith.index_cast %add3A_344 : i32 to index
            %get3A_348 = arith.constant 96 : index
            %get3A_349 = tpu.vector_load %arg10[%get3A_346, %get3A_347, %get3A_348] {strides = array<i32>} : memref<2x128x128xf32, #tpu.memory_space<vmem>>, vector<16xf32>,
            %mul3A_350 = arith.mulf %get3A_349, %gather3A_252 : vector<16xf32>
            %add3A_351 = arith.constant 1 : i32
            %add3A_352 = arith.addi %add3A_126, %add3A_351 : i32
            %swap3A_353 = arith.constant 1 : i32
            %swap3A_354 = arith.index_cast %swap3A_353 : i32 to index
            %swap3A_355 = arith.index_cast %add3A_352 : i32 to index
            %swap3A_356 = arith.constant 96 : index
            %swap3A_357 = tpu.vector_load %arg10[%swap3A_354, %swap3A_355, %swap3A_356] {strides = array<i32>} : memref<2x128x128xf32, #tpu.memory_space<vmem>>, vector<16xf32>,
            tpu.vector_store %arg10[%swap3A_354, %swap3A_355, %swap3A_356], %mul3A_350 {strides = array<i32>} : memref<2x128x128xf32, #tpu.memory_space<vmem>>, vector<16xf32>,
            %add3A_358 = arith.constant 1 : i32
            %add3A_359 = arith.addi %add3A_126, %add3A_358 : i32
            %get3A_360 = arith.constant 1 : i32
            %get3A_361 = arith.index_cast %get3A_360 : i32 to index
            %get3A_362 = arith.index_cast %add3A_359 : i32 to index
            %get3A_363 = arith.constant 112 : index
            %get3A_364 = tpu.vector_load %arg10[%get3A_361, %get3A_362, %get3A_363] {strides = array<i32>} : memref<2x128x128xf32, #tpu.memory_space<vmem>>, vector<16xf32>,
            %mul3A_365 = arith.mulf %get3A_364, %gather3A_252 : vector<16xf32>
            %add3A_366 = arith.constant 1 : i32
            %add3A_367 = arith.addi %add3A_126, %add3A_366 : i32
            %swap3A_368 = arith.constant 1 : i32
            %swap3A_369 = arith.index_cast %swap3A_368 : i32 to index
            %swap3A_370 = arith.index_cast %add3A_367 : i32 to index
            %swap3A_371 = arith.constant 112 : index
            %swap3A_372 = tpu.vector_load %arg10[%swap3A_369, %swap3A_370, %swap3A_371] {strides = array<i32>} : memref<2x128x128xf32, #tpu.memory_space<vmem>>, vector<16xf32>,
            tpu.vector_store %arg10[%swap3A_369, %swap3A_370, %swap3A_371], %mul3A_365 {strides = array<i32>} : memref<2x128x128xf32, #tpu.memory_space<vmem>>, vector<16xf32>,
          }
          %scan3A_112 = arith.constant 64 : i32
          %run_scoped3A_113 = arith.constant 1 : i32
          "tpu.region"() ({
            %run_scoped3A_122 = tpu.sem_alloc : memref<!tpu.dma_semaphore, #tpu.memory_space<semaphore_mem>>
            %dma_start3A_123 = arith.constant 0 : i32
            %dma_start3A_124 = arith.constant 0 : i32
            %dma_start3A_125 = tpu.memref_slice %arg10[%run_scoped3A_113, %dma_start3A_123, %dma_start3A_124] : memref<2x128x128xf32, #tpu.memory_space<vmem>> -> memref<1x128x128xf32, #tpu.memory_space<vmem>>
            %dma_start3A_126 = tpu.memref_squeeze %dma_start3A_125 : memref<1x128x128xf32, #tpu.memory_space<vmem>> -> memref<128x128xf32, #tpu.memory_space<vmem>>
            %dma_start3A_127 = arith.constant 0 : i32
            %dma_start3A_128 = tpu.memref_slice %arg8[%add3A_96, %dma_start3A_127] : memref<40x128xi32, #tpu.memory_space<vmem>> -> memref<1x128xi32, #tpu.memory_space<vmem>>
            %dma_start3A_129 = tpu.memref_squeeze %dma_start3A_128 : memref<1x128xi32, #tpu.memory_space<vmem>> -> memref<128xi32, #tpu.memory_space<vmem>>
            %dma_start3A_130 = arith.constant 0 : i32
            %dma_start3A_131 = arith.constant 0 : i32
            %dma_start3A_132 = tpu.memref_slice %arg11[%dma_start3A_130, %dma_start3A_131] : memref<10240x128xf32, #tpu.memory_space<vmem_shared>> -> memref<10240x128xf32, #tpu.memory_space<vmem_shared>>
            tpu.enqueue_indirect_dma source(%dma_start3A_126 : memref<128x128xf32, #tpu.memory_space<vmem>>) target(%dma_start3A_132 : memref<10240x128xf32, #tpu.memory_space<vmem_shared>>) offsets(%dma_start3A_129 : memref<128xi32, #tpu.memory_space<vmem>>) semaphore(%run_scoped3A_122 : memref<!tpu.dma_semaphore, #tpu.memory_space<semaphore_mem>>) {add = true}
            %dma_wait3A_133 = arith.constant 0 : i32
            %dma_wait3A_134 = arith.constant 0 : i32
            %dma_wait3A_135 = tpu.memref_slice %arg10[%run_scoped3A_113, %dma_wait3A_133, %dma_wait3A_134] : memref<2x128x128xf32, #tpu.memory_space<vmem>> -> memref<1x128x128xf32, #tpu.memory_space<vmem>>
            %dma_wait3A_136 = tpu.memref_squeeze %dma_wait3A_135 : memref<1x128x128xf32, #tpu.memory_space<vmem>> -> memref<128x128xf32, #tpu.memory_space<vmem>>
            %dma_wait3A_137 = arith.constant 0 : i32
            %dma_wait3A_138 = tpu.memref_slice %arg8[%add3A_96, %dma_wait3A_137] : memref<40x128xi32, #tpu.memory_space<vmem>> -> memref<1x128xi32, #tpu.memory_space<vmem>>
            %dma_wait3A_139 = tpu.memref_squeeze %dma_wait3A_138 : memref<1x128xi32, #tpu.memory_space<vmem>> -> memref<128xi32, #tpu.memory_space<vmem>>
            %dma_wait3A_140 = arith.constant 0 : i32
            %dma_wait3A_141 = arith.constant 0 : i32
            %dma_wait3A_142 = tpu.memref_slice %arg11[%dma_wait3A_140, %dma_wait3A_141] : memref<10240x128xf32, #tpu.memory_space<vmem_shared>> -> memref<10240x128xf32, #tpu.memory_space<vmem_shared>>
            tpu.wait_indirect_dma semaphore(%run_scoped3A_122 : memref<!tpu.dma_semaphore, #tpu.memory_space<semaphore_mem>>) src(%dma_wait3A_136 : memref<128x128xf32, #tpu.memory_space<vmem>>) dst(%dma_wait3A_142 : memref<10240x128xf32, #tpu.memory_space<vmem_shared>>)
            tpu.yield
          }) : () -> ()
          %add3A_114 = arith.constant 2 : i32
          %add3A_115 = arith.addi %add3A_96, %add3A_114 : i32
          %lt3A_116 = arith.constant 40 : i32
          %lt3A_117 = arith.cmpi slt, %add3A_115, %lt3A_116 : i32
          %convert_element_type3A_118 = arith.extui %lt3A_117 : i1 to i32
          %cond3A_119 = arith.constant 1 : i32
          %cond3A_120 = arith.constant 0 : i32
          %cond3A_121 = arith.cmpi ne, %convert_element_type3A_118, %cond3A_120 : i32
          scf.if %cond3A_121 {
            %add3A_122 = arith.constant 2 : i32
            %add3A_123 = arith.addi %add3A_96, %add3A_122 : i32
            %dma_start3A_124 = arith.constant 0 : i32
            %dma_start3A_125 = arith.constant 0 : i32
            %dma_start3A_126 = tpu.memref_slice %arg10[%cond3A_119, %dma_start3A_124, %dma_start3A_125] : memref<2x128x128xf32, #tpu.memory_space<vmem>> -> memref<1x128x128xf32, #tpu.memory_space<vmem>>
            %dma_start3A_127 = tpu.memref_squeeze %dma_start3A_126 : memref<1x128x128xf32, #tpu.memory_space<vmem>> -> memref<128x128xf32, #tpu.memory_space<vmem>>
            %dma_start3A_128 = arith.constant 0 : i32
            %dma_start3A_129 = tpu.memref_slice %arg7[%add3A_123, %dma_start3A_128] : memref<40x128xi32, #tpu.memory_space<vmem>> -> memref<1x128xi32, #tpu.memory_space<vmem>>
            %dma_start3A_130 = tpu.memref_squeeze %dma_start3A_129 : memref<1x128xi32, #tpu.memory_space<vmem>> -> memref<128xi32, #tpu.memory_space<vmem>>
            %dma_start3A_131 = arith.constant 0 : i32
            %dma_start3A_132 = arith.constant 0 : i32
            %dma_start3A_133 = tpu.memref_slice %arg2[%dma_start3A_131, %dma_start3A_132] : memref<10000x128xf32, #tpu.memory_space<hbm>> -> memref<10000x128xf32, #tpu.memory_space<hbm>>
            tpu.enqueue_indirect_dma source(%dma_start3A_133 : memref<10000x128xf32, #tpu.memory_space<hbm>>) target(%dma_start3A_127 : memref<128x128xf32, #tpu.memory_space<vmem>>) offsets(%dma_start3A_130 : memref<128xi32, #tpu.memory_space<vmem>>) semaphore(%arg13 : memref<!tpu.dma_semaphore, #tpu.memory_space<semaphore_mem>>)
          } else {
          }
        }
        %scan3A_65 = arith.constant 20 : i32
      }
      %scan3A_28 = arith.constant 3 : i32
    } else {
    }
    %eq3A_13 = arith.constant 1 : i32
    %eq3A_14 = arith.cmpi eq, %arg0, %eq3A_13 : i32
    %convert_element_type3A_15 = arith.extui %eq3A_14 : i1 to i32
    %cond3A_16 = arith.constant 0 : i32
    %cond3A_17 = arith.cmpi ne, %convert_element_type3A_15, %cond3A_16 : i32
    scf.if %cond3A_17 {
      %scan3A_24 = arith.constant 0 : i32
      %mul3A_25 = arith.constant 1 : i32
      %mul3A_26 = arith.muli %scan3A_24, %mul3A_25 : i32
      %add3A_27 = arith.constant 0 : i32
      %add3A_28 = arith.addi %add3A_27, %mul3A_26 : i32
      %mul3A_29 = arith.constant 40 : i32
      %mul3A_30 = arith.muli %add3A_28, %mul3A_29 : i32
      %add3A_31 = arith.constant 120 : i32
      %add3A_32 = arith.addi %add3A_31, %mul3A_30 : i32
      "tpu.region"() ({
        %run_scoped3A = tpu.sem_alloc : memref<!tpu.dma_semaphore, #tpu.memory_space<semaphore_mem>>
        %dma_start3A_62 = arith.constant 0 : i32
        %dma_start3A_63 = tpu.memref_slice %arg3[%arg1, %add3A_32, %dma_start3A_62] : memref<16x160x128xi32, #tpu.memory_space<hbm>> -> memref<1x40x128xi32, #tpu.memory_space<hbm>>
        %dma_start3A_64 = tpu.memref_squeeze %dma_start3A_63 : memref<1x40x128xi32, #tpu.memory_space<hbm>> -> memref<40x128xi32, #tpu.memory_space<hbm>>
        %dma_start3A_65 = arith.constant 0 : i32
        %dma_start3A_66 = tpu.memref_slice %arg3[%arg1, %add3A_32, %dma_start3A_65] : memref<16x160x128xi32, #tpu.memory_space<hbm>> -> memref<1x40x128xi32, #tpu.memory_space<hbm>>
        %dma_start3A_67 = tpu.memref_squeeze %dma_start3A_66 : memref<1x40x128xi32, #tpu.memory_space<hbm>> -> memref<40x128xi32, #tpu.memory_space<hbm>>
        tpu.enqueue_dma source(%dma_start3A_67 : memref<40x128xi32, #tpu.memory_space<hbm>>) target(%arg7 : memref<40x128xi32, #tpu.memory_space<vmem>>) target_semaphore(%run_scoped3A : memref<!tpu.dma_semaphore, #tpu.memory_space<semaphore_mem>>)
        %dma_wait3A = arith.constant 0 : i32
        %dma_wait3A_68 = tpu.memref_slice %arg3[%arg1, %add3A_32, %dma_wait3A] : memref<16x160x128xi32, #tpu.memory_space<hbm>> -> memref<1x40x128xi32, #tpu.memory_space<hbm>>
        %dma_wait3A_69 = tpu.memref_squeeze %dma_wait3A_68 : memref<1x40x128xi32, #tpu.memory_space<hbm>> -> memref<40x128xi32, #tpu.memory_space<hbm>>
        %dma_wait3A_70 = arith.constant 0 : i32
        %dma_wait3A_71 = tpu.memref_slice %arg3[%arg1, %add3A_32, %dma_wait3A_70] : memref<16x160x128xi32, #tpu.memory_space<hbm>> -> memref<1x40x128xi32, #tpu.memory_space<hbm>>
        %dma_wait3A_72 = tpu.memref_squeeze %dma_wait3A_71 : memref<1x40x128xi32, #tpu.memory_space<hbm>> -> memref<40x128xi32, #tpu.memory_space<hbm>>
        tpu.wait_dma2 semaphore(%run_scoped3A : memref<!tpu.dma_semaphore, #tpu.memory_space<semaphore_mem>>) src(%dma_wait3A_72 : memref<40x128xi32, #tpu.memory_space<hbm>>) dst(%arg7 : memref<40x128xi32, #tpu.memory_space<vmem>>)
        tpu.yield
      }) : () -> ()
      "tpu.region"() ({
        %run_scoped3A = tpu.sem_alloc : memref<!tpu.dma_semaphore, #tpu.memory_space<semaphore_mem>>
        %dma_start3A_62 = arith.constant 0 : i32
        %dma_start3A_63 = tpu.memref_slice %arg4[%arg1, %add3A_32, %dma_start3A_62] : memref<16x160x128xi32, #tpu.memory_space<hbm>> -> memref<1x40x128xi32, #tpu.memory_space<hbm>>
        %dma_start3A_64 = tpu.memref_squeeze %dma_start3A_63 : memref<1x40x128xi32, #tpu.memory_space<hbm>> -> memref<40x128xi32, #tpu.memory_space<hbm>>
        %dma_start3A_65 = arith.constant 0 : i32
        %dma_start3A_66 = tpu.memref_slice %arg4[%arg1, %add3A_32, %dma_start3A_65] : memref<16x160x128xi32, #tpu.memory_space<hbm>> -> memref<1x40x128xi32, #tpu.memory_space<hbm>>
        %dma_start3A_67 = tpu.memref_squeeze %dma_start3A_66 : memref<1x40x128xi32, #tpu.memory_space<hbm>> -> memref<40x128xi32, #tpu.memory_space<hbm>>
        tpu.enqueue_dma source(%dma_start3A_67 : memref<40x128xi32, #tpu.memory_space<hbm>>) target(%arg8 : memref<40x128xi32, #tpu.memory_space<vmem>>) target_semaphore(%run_scoped3A : memref<!tpu.dma_semaphore, #tpu.memory_space<semaphore_mem>>)
        %dma_wait3A = arith.constant 0 : i32
        %dma_wait3A_68 = tpu.memref_slice %arg4[%arg1, %add3A_32, %dma_wait3A] : memref<16x160x128xi32, #tpu.memory_space<hbm>> -> memref<1x40x128xi32, #tpu.memory_space<hbm>>
        %dma_wait3A_69 = tpu.memref_squeeze %dma_wait3A_68 : memref<1x40x128xi32, #tpu.memory_space<hbm>> -> memref<40x128xi32, #tpu.memory_space<hbm>>
        %dma_wait3A_70 = arith.constant 0 : i32
        %dma_wait3A_71 = tpu.memref_slice %arg4[%arg1, %add3A_32, %dma_wait3A_70] : memref<16x160x128xi32, #tpu.memory_space<hbm>> -> memref<1x40x128xi32, #tpu.memory_space<hbm>>
        %dma_wait3A_72 = tpu.memref_squeeze %dma_wait3A_71 : memref<1x40x128xi32, #tpu.memory_space<hbm>> -> memref<40x128xi32, #tpu.memory_space<hbm>>
        tpu.wait_dma2 semaphore(%run_scoped3A : memref<!tpu.dma_semaphore, #tpu.memory_space<semaphore_mem>>) src(%dma_wait3A_72 : memref<40x128xi32, #tpu.memory_space<hbm>>) dst(%arg8 : memref<40x128xi32, #tpu.memory_space<vmem>>)
        tpu.yield
      }) : () -> ()
      "tpu.region"() ({
        %run_scoped3A = tpu.sem_alloc : memref<!tpu.dma_semaphore, #tpu.memory_space<semaphore_mem>>
        %dma_start3A_62 = arith.constant 0 : i32
        %dma_start3A_63 = tpu.memref_slice %arg5[%arg1, %add3A_32, %dma_start3A_62] : memref<16x160x128xf32, #tpu.memory_space<hbm>> -> memref<1x40x128xf32, #tpu.memory_space<hbm>>
        %dma_start3A_64 = tpu.memref_squeeze %dma_start3A_63 : memref<1x40x128xf32, #tpu.memory_space<hbm>> -> memref<40x128xf32, #tpu.memory_space<hbm>>
        %dma_start3A_65 = arith.constant 0 : i32
        %dma_start3A_66 = tpu.memref_slice %arg5[%arg1, %add3A_32, %dma_start3A_65] : memref<16x160x128xf32, #tpu.memory_space<hbm>> -> memref<1x40x128xf32, #tpu.memory_space<hbm>>
        %dma_start3A_67 = tpu.memref_squeeze %dma_start3A_66 : memref<1x40x128xf32, #tpu.memory_space<hbm>> -> memref<40x128xf32, #tpu.memory_space<hbm>>
        tpu.enqueue_dma source(%dma_start3A_67 : memref<40x128xf32, #tpu.memory_space<hbm>>) target(%arg9 : memref<40x128xf32, #tpu.memory_space<vmem>>) target_semaphore(%run_scoped3A : memref<!tpu.dma_semaphore, #tpu.memory_space<semaphore_mem>>)
        %dma_wait3A = arith.constant 0 : i32
        %dma_wait3A_68 = tpu.memref_slice %arg5[%arg1, %add3A_32, %dma_wait3A] : memref<16x160x128xf32, #tpu.memory_space<hbm>> -> memref<1x40x128xf32, #tpu.memory_space<hbm>>
        %dma_wait3A_69 = tpu.memref_squeeze %dma_wait3A_68 : memref<1x40x128xf32, #tpu.memory_space<hbm>> -> memref<40x128xf32, #tpu.memory_space<hbm>>
        %dma_wait3A_70 = arith.constant 0 : i32
        %dma_wait3A_71 = tpu.memref_slice %arg5[%arg1, %add3A_32, %dma_wait3A_70] : memref<16x160x128xf32, #tpu.memory_space<hbm>> -> memref<1x40x128xf32, #tpu.memory_space<hbm>>
        %dma_wait3A_72 = tpu.memref_squeeze %dma_wait3A_71 : memref<1x40x128xf32, #tpu.memory_space<hbm>> -> memref<40x128xf32, #tpu.memory_space<hbm>>
        tpu.wait_dma2 semaphore(%run_scoped3A : memref<!tpu.dma_semaphore, #tpu.memory_space<semaphore_mem>>) src(%dma_wait3A_72 : memref<40x128xf32, #tpu.memory_space<hbm>>) dst(%arg9 : memref<40x128xf32, #tpu.memory_space<vmem>>)
        tpu.yield
      }) : () -> ()
      %dma_start3A = arith.constant 0 : i32
      %dma_start3A_33 = arith.constant 0 : i32
      %dma_start3A_34 = arith.constant 0 : i32
      %dma_start3A_35 = arith.constant 0 : i32
      %dma_start3A_36 = tpu.memref_slice %arg10[%dma_start3A_33, %dma_start3A_34, %dma_start3A_35] : memref<2x128x128xf32, #tpu.memory_space<vmem>> -> memref<1x128x128xf32, #tpu.memory_space<vmem>>
      %dma_start3A_37 = tpu.memref_squeeze %dma_start3A_36 : memref<1x128x128xf32, #tpu.memory_space<vmem>> -> memref<128x128xf32, #tpu.memory_space<vmem>>
      %dma_start3A_38 = arith.constant 0 : i32
      %dma_start3A_39 = tpu.memref_slice %arg7[%dma_start3A, %dma_start3A_38] : memref<40x128xi32, #tpu.memory_space<vmem>> -> memref<1x128xi32, #tpu.memory_space<vmem>>
      %dma_start3A_40 = tpu.memref_squeeze %dma_start3A_39 : memref<1x128xi32, #tpu.memory_space<vmem>> -> memref<128xi32, #tpu.memory_space<vmem>>
      %dma_start3A_41 = arith.constant 0 : i32
      %dma_start3A_42 = arith.constant 0 : i32
      %dma_start3A_43 = tpu.memref_slice %arg2[%dma_start3A_41, %dma_start3A_42] : memref<10000x128xf32, #tpu.memory_space<hbm>> -> memref<10000x128xf32, #tpu.memory_space<hbm>>
      tpu.enqueue_indirect_dma source(%dma_start3A_43 : memref<10000x128xf32, #tpu.memory_space<hbm>>) target(%dma_start3A_37 : memref<128x128xf32, #tpu.memory_space<vmem>>) offsets(%dma_start3A_40 : memref<128xi32, #tpu.memory_space<vmem>>) semaphore(%arg12 : memref<!tpu.dma_semaphore, #tpu.memory_space<semaphore_mem>>)
      %dma_start3A_44 = arith.constant 1 : i32
      %dma_start3A_45 = arith.constant 1 : i32
      %dma_start3A_46 = arith.constant 0 : i32
      %dma_start3A_47 = arith.constant 0 : i32
      %dma_start3A_48 = tpu.memref_slice %arg10[%dma_start3A_45, %dma_start3A_46, %dma_start3A_47] : memref<2x128x128xf32, #tpu.memory_space<vmem>> -> memref<1x128x128xf32, #tpu.memory_space<vmem>>
      %dma_start3A_49 = tpu.memref_squeeze %dma_start3A_48 : memref<1x128x128xf32, #tpu.memory_space<vmem>> -> memref<128x128xf32, #tpu.memory_space<vmem>>
      %dma_start3A_50 = arith.constant 0 : i32
      %dma_start3A_51 = tpu.memref_slice %arg7[%dma_start3A_44, %dma_start3A_50] : memref<40x128xi32, #tpu.memory_space<vmem>> -> memref<1x128xi32, #tpu.memory_space<vmem>>
      %dma_start3A_52 = tpu.memref_squeeze %dma_start3A_51 : memref<1x128xi32, #tpu.memory_space<vmem>> -> memref<128xi32, #tpu.memory_space<vmem>>
      %dma_start3A_53 = arith.constant 0 : i32
      %dma_start3A_54 = arith.constant 0 : i32
      %dma_start3A_55 = tpu.memref_slice %arg2[%dma_start3A_53, %dma_start3A_54] : memref<10000x128xf32, #tpu.memory_space<hbm>> -> memref<10000x128xf32, #tpu.memory_space<hbm>>
      tpu.enqueue_indirect_dma source(%dma_start3A_55 : memref<10000x128xf32, #tpu.memory_space<hbm>>) target(%dma_start3A_49 : memref<128x128xf32, #tpu.memory_space<vmem>>) offsets(%dma_start3A_52 : memref<128xi32, #tpu.memory_space<vmem>>) semaphore(%arg13 : memref<!tpu.dma_semaphore, #tpu.memory_space<semaphore_mem>>)
      %scan3A_56 = arith.constant 0 : i32
      %scan3A_57 = arith.constant 20 : i32
      %scan3A_58 = arith.addi %scan3A_56, %scan3A_57 : i32
      %scan3A_59 = arith.constant 1 : i32
      scf.for %scan3A_62 = %scan3A_56 to %scan3A_58 step %scan3A_59  : i32 {
        %mul3A_63 = arith.constant 2 : i32
        %mul3A_64 = arith.muli %scan3A_62, %mul3A_63 : i32
        %add3A_65 = arith.constant 0 : i32
        %add3A_66 = arith.addi %add3A_65, %mul3A_64 : i32
        %add3A_67 = arith.constant 0 : i32
        %add3A_68 = arith.addi %add3A_66, %add3A_67 : i32
        %dma_wait3A = arith.constant 0 : i32
        %dma_wait3A_69 = arith.constant 0 : i32
        %dma_wait3A_70 = arith.constant 0 : i32
        %dma_wait3A_71 = tpu.memref_slice %arg10[%dma_wait3A, %dma_wait3A_69, %dma_wait3A_70] : memref<2x128x128xf32, #tpu.memory_space<vmem>> -> memref<1x128x128xf32, #tpu.memory_space<vmem>>
        %dma_wait3A_72 = tpu.memref_squeeze %dma_wait3A_71 : memref<1x128x128xf32, #tpu.memory_space<vmem>> -> memref<128x128xf32, #tpu.memory_space<vmem>>
        %dma_wait3A_73 = arith.constant 0 : i32
        %dma_wait3A_74 = tpu.memref_slice %arg7[%add3A_68, %dma_wait3A_73] : memref<40x128xi32, #tpu.memory_space<vmem>> -> memref<1x128xi32, #tpu.memory_space<vmem>>
        %dma_wait3A_75 = tpu.memref_squeeze %dma_wait3A_74 : memref<1x128xi32, #tpu.memory_space<vmem>> -> memref<128xi32, #tpu.memory_space<vmem>>
        %dma_wait3A_76 = arith.constant 0 : i32
        %dma_wait3A_77 = arith.constant 0 : i32
        %dma_wait3A_78 = tpu.memref_slice %arg2[%dma_wait3A_76, %dma_wait3A_77] : memref<10000x128xf32, #tpu.memory_space<hbm>> -> memref<10000x128xf32, #tpu.memory_space<hbm>>
        tpu.wait_indirect_dma semaphore(%arg12 : memref<!tpu.dma_semaphore, #tpu.memory_space<semaphore_mem>>) src(%dma_wait3A_78 : memref<10000x128xf32, #tpu.memory_space<hbm>>) dst(%dma_wait3A_72 : memref<128x128xf32, #tpu.memory_space<vmem>>)
        %scan3A_79 = arith.constant 0 : i32
        %scan3A_80 = arith.constant 64 : i32
        %scan3A_81 = arith.addi %scan3A_79, %scan3A_80 : i32
        %scan3A_82 = arith.constant 1 : i32
        scf.for %scan3A_118 = %scan3A_79 to %scan3A_81 step %scan3A_82  : i32 {
          %mul3A_119 = arith.constant 2 : i32
          %mul3A_120 = arith.muli %scan3A_118, %mul3A_119 : i32
          %add3A_121 = arith.constant 0 : i32
          %add3A_122 = arith.addi %add3A_121, %mul3A_120 : i32
          %broadcast_in_dim3A_123 = vector.broadcast %add3A_68 : i32 to vector<16xi32>
          %add3A_124 = arith.constant 0 : i32
          %add3A_125 = arith.addi %add3A_122, %add3A_124 : i32
          %broadcast_in_dim3A_126 = vector.broadcast %add3A_125 : i32 to vector<16xi32>
          %gather3A = tpu.vector_load_idx %arg9[%broadcast_in_dim3A_123, %broadcast_in_dim3A_126] : memref<40x128xf32, #tpu.memory_space<vmem>>[vector<16xi32>, vector<16xi32>], vector<16xf32>,
          %add3A_127 = arith.constant 0 : i32
          %add3A_128 = arith.addi %add3A_122, %add3A_127 : i32
          %get3A = arith.constant 0 : i32
          %get3A_129 = arith.index_cast %get3A : i32 to index
          %get3A_130 = arith.index_cast %add3A_128 : i32 to index
          %get3A_131 = arith.constant 0 : index
          %get3A_132 = tpu.vector_load %arg10[%get3A_129, %get3A_130, %get3A_131] {strides = array<i32>} : memref<2x128x128xf32, #tpu.memory_space<vmem>>, vector<16xf32>,
          %mul3A_133 = arith.mulf %get3A_132, %gather3A : vector<16xf32>
          %add3A_134 = arith.constant 0 : i32
          %add3A_135 = arith.addi %add3A_122, %add3A_134 : i32
          %swap3A = arith.constant 0 : i32
          %swap3A_136 = arith.index_cast %swap3A : i32 to index
          %swap3A_137 = arith.index_cast %add3A_135 : i32 to index
          %swap3A_138 = arith.constant 0 : index
          %swap3A_139 = tpu.vector_load %arg10[%swap3A_136, %swap3A_137, %swap3A_138] {strides = array<i32>} : memref<2x128x128xf32, #tpu.memory_space<vmem>>, vector<16xf32>,
          tpu.vector_store %arg10[%swap3A_136, %swap3A_137, %swap3A_138], %mul3A_133 {strides = array<i32>} : memref<2x128x128xf32, #tpu.memory_space<vmem>>, vector<16xf32>,
          %add3A_140 = arith.constant 0 : i32
          %add3A_141 = arith.addi %add3A_122, %add3A_140 : i32
          %get3A_142 = arith.constant 0 : i32
          %get3A_143 = arith.index_cast %get3A_142 : i32 to index
          %get3A_144 = arith.index_cast %add3A_141 : i32 to index
          %get3A_145 = arith.constant 16 : index
          %get3A_146 = tpu.vector_load %arg10[%get3A_143, %get3A_144, %get3A_145] {strides = array<i32>} : memref<2x128x128xf32, #tpu.memory_space<vmem>>, vector<16xf32>,
          %mul3A_147 = arith.mulf %get3A_146, %gather3A : vector<16xf32>
          %add3A_148 = arith.constant 0 : i32
          %add3A_149 = arith.addi %add3A_122, %add3A_148 : i32
          %swap3A_150 = arith.constant 0 : i32
          %swap3A_151 = arith.index_cast %swap3A_150 : i32 to index
          %swap3A_152 = arith.index_cast %add3A_149 : i32 to index
          %swap3A_153 = arith.constant 16 : index
          %swap3A_154 = tpu.vector_load %arg10[%swap3A_151, %swap3A_152, %swap3A_153] {strides = array<i32>} : memref<2x128x128xf32, #tpu.memory_space<vmem>>, vector<16xf32>,
          tpu.vector_store %arg10[%swap3A_151, %swap3A_152, %swap3A_153], %mul3A_147 {strides = array<i32>} : memref<2x128x128xf32, #tpu.memory_space<vmem>>, vector<16xf32>,
          %add3A_155 = arith.constant 0 : i32
          %add3A_156 = arith.addi %add3A_122, %add3A_155 : i32
          %get3A_157 = arith.constant 0 : i32
          %get3A_158 = arith.index_cast %get3A_157 : i32 to index
          %get3A_159 = arith.index_cast %add3A_156 : i32 to index
          %get3A_160 = arith.constant 32 : index
          %get3A_161 = tpu.vector_load %arg10[%get3A_158, %get3A_159, %get3A_160] {strides = array<i32>} : memref<2x128x128xf32, #tpu.memory_space<vmem>>, vector<16xf32>,
          %mul3A_162 = arith.mulf %get3A_161, %gather3A : vector<16xf32>
          %add3A_163 = arith.constant 0 : i32
          %add3A_164 = arith.addi %add3A_122, %add3A_163 : i32
          %swap3A_165 = arith.constant 0 : i32
          %swap3A_166 = arith.index_cast %swap3A_165 : i32 to index
          %swap3A_167 = arith.index_cast %add3A_164 : i32 to index
          %swap3A_168 = arith.constant 32 : index
          %swap3A_169 = tpu.vector_load %arg10[%swap3A_166, %swap3A_167, %swap3A_168] {strides = array<i32>} : memref<2x128x128xf32, #tpu.memory_space<vmem>>, vector<16xf32>,
          tpu.vector_store %arg10[%swap3A_166, %swap3A_167, %swap3A_168], %mul3A_162 {strides = array<i32>} : memref<2x128x128xf32, #tpu.memory_space<vmem>>, vector<16xf32>,
          %add3A_170 = arith.constant 0 : i32
          %add3A_171 = arith.addi %add3A_122, %add3A_170 : i32
          %get3A_172 = arith.constant 0 : i32
          %get3A_173 = arith.index_cast %get3A_172 : i32 to index
          %get3A_174 = arith.index_cast %add3A_171 : i32 to index
          %get3A_175 = arith.constant 48 : index
          %get3A_176 = tpu.vector_load %arg10[%get3A_173, %get3A_174, %get3A_175] {strides = array<i32>} : memref<2x128x128xf32, #tpu.memory_space<vmem>>, vector<16xf32>,
          %mul3A_177 = arith.mulf %get3A_176, %gather3A : vector<16xf32>
          %add3A_178 = arith.constant 0 : i32
          %add3A_179 = arith.addi %add3A_122, %add3A_178 : i32
          %swap3A_180 = arith.constant 0 : i32
          %swap3A_181 = arith.index_cast %swap3A_180 : i32 to index
          %swap3A_182 = arith.index_cast %add3A_179 : i32 to index
          %swap3A_183 = arith.constant 48 : index
          %swap3A_184 = tpu.vector_load %arg10[%swap3A_181, %swap3A_182, %swap3A_183] {strides = array<i32>} : memref<2x128x128xf32, #tpu.memory_space<vmem>>, vector<16xf32>,
          tpu.vector_store %arg10[%swap3A_181, %swap3A_182, %swap3A_183], %mul3A_177 {strides = array<i32>} : memref<2x128x128xf32, #tpu.memory_space<vmem>>, vector<16xf32>,
          %add3A_185 = arith.constant 0 : i32
          %add3A_186 = arith.addi %add3A_122, %add3A_185 : i32
          %get3A_187 = arith.constant 0 : i32
          %get3A_188 = arith.index_cast %get3A_187 : i32 to index
          %get3A_189 = arith.index_cast %add3A_186 : i32 to index
          %get3A_190 = arith.constant 64 : index
          %get3A_191 = tpu.vector_load %arg10[%get3A_188, %get3A_189, %get3A_190] {strides = array<i32>} : memref<2x128x128xf32, #tpu.memory_space<vmem>>, vector<16xf32>,
          %mul3A_192 = arith.mulf %get3A_191, %gather3A : vector<16xf32>
          %add3A_193 = arith.constant 0 : i32
          %add3A_194 = arith.addi %add3A_122, %add3A_193 : i32
          %swap3A_195 = arith.constant 0 : i32
          %swap3A_196 = arith.index_cast %swap3A_195 : i32 to index
          %swap3A_197 = arith.index_cast %add3A_194 : i32 to index
          %swap3A_198 = arith.constant 64 : index
          %swap3A_199 = tpu.vector_load %arg10[%swap3A_196, %swap3A_197, %swap3A_198] {strides = array<i32>} : memref<2x128x128xf32, #tpu.memory_space<vmem>>, vector<16xf32>,
          tpu.vector_store %arg10[%swap3A_196, %swap3A_197, %swap3A_198], %mul3A_192 {strides = array<i32>} : memref<2x128x128xf32, #tpu.memory_space<vmem>>, vector<16xf32>,
          %add3A_200 = arith.constant 0 : i32
          %add3A_201 = arith.addi %add3A_122, %add3A_200 : i32
          %get3A_202 = arith.constant 0 : i32
          %get3A_203 = arith.index_cast %get3A_202 : i32 to index
          %get3A_204 = arith.index_cast %add3A_201 : i32 to index
          %get3A_205 = arith.constant 80 : index
          %get3A_206 = tpu.vector_load %arg10[%get3A_203, %get3A_204, %get3A_205] {strides = array<i32>} : memref<2x128x128xf32, #tpu.memory_space<vmem>>, vector<16xf32>,
          %mul3A_207 = arith.mulf %get3A_206, %gather3A : vector<16xf32>
          %add3A_208 = arith.constant 0 : i32
          %add3A_209 = arith.addi %add3A_122, %add3A_208 : i32
          %swap3A_210 = arith.constant 0 : i32
          %swap3A_211 = arith.index_cast %swap3A_210 : i32 to index
          %swap3A_212 = arith.index_cast %add3A_209 : i32 to index
          %swap3A_213 = arith.constant 80 : index
          %swap3A_214 = tpu.vector_load %arg10[%swap3A_211, %swap3A_212, %swap3A_213] {strides = array<i32>} : memref<2x128x128xf32, #tpu.memory_space<vmem>>, vector<16xf32>,
          tpu.vector_store %arg10[%swap3A_211, %swap3A_212, %swap3A_213], %mul3A_207 {strides = array<i32>} : memref<2x128x128xf32, #tpu.memory_space<vmem>>, vector<16xf32>,
          %add3A_215 = arith.constant 0 : i32
          %add3A_216 = arith.addi %add3A_122, %add3A_215 : i32
          %get3A_217 = arith.constant 0 : i32
          %get3A_218 = arith.index_cast %get3A_217 : i32 to index
          %get3A_219 = arith.index_cast %add3A_216 : i32 to index
          %get3A_220 = arith.constant 96 : index
          %get3A_221 = tpu.vector_load %arg10[%get3A_218, %get3A_219, %get3A_220] {strides = array<i32>} : memref<2x128x128xf32, #tpu.memory_space<vmem>>, vector<16xf32>,
          %mul3A_222 = arith.mulf %get3A_221, %gather3A : vector<16xf32>
          %add3A_223 = arith.constant 0 : i32
          %add3A_224 = arith.addi %add3A_122, %add3A_223 : i32
          %swap3A_225 = arith.constant 0 : i32
          %swap3A_226 = arith.index_cast %swap3A_225 : i32 to index
          %swap3A_227 = arith.index_cast %add3A_224 : i32 to index
          %swap3A_228 = arith.constant 96 : index
          %swap3A_229 = tpu.vector_load %arg10[%swap3A_226, %swap3A_227, %swap3A_228] {strides = array<i32>} : memref<2x128x128xf32, #tpu.memory_space<vmem>>, vector<16xf32>,
          tpu.vector_store %arg10[%swap3A_226, %swap3A_227, %swap3A_228], %mul3A_222 {strides = array<i32>} : memref<2x128x128xf32, #tpu.memory_space<vmem>>, vector<16xf32>,
          %add3A_230 = arith.constant 0 : i32
          %add3A_231 = arith.addi %add3A_122, %add3A_230 : i32
          %get3A_232 = arith.constant 0 : i32
          %get3A_233 = arith.index_cast %get3A_232 : i32 to index
          %get3A_234 = arith.index_cast %add3A_231 : i32 to index
          %get3A_235 = arith.constant 112 : index
          %get3A_236 = tpu.vector_load %arg10[%get3A_233, %get3A_234, %get3A_235] {strides = array<i32>} : memref<2x128x128xf32, #tpu.memory_space<vmem>>, vector<16xf32>,
          %mul3A_237 = arith.mulf %get3A_236, %gather3A : vector<16xf32>
          %add3A_238 = arith.constant 0 : i32
          %add3A_239 = arith.addi %add3A_122, %add3A_238 : i32
          %swap3A_240 = arith.constant 0 : i32
          %swap3A_241 = arith.index_cast %swap3A_240 : i32 to index
          %swap3A_242 = arith.index_cast %add3A_239 : i32 to index
          %swap3A_243 = arith.constant 112 : index
          %swap3A_244 = tpu.vector_load %arg10[%swap3A_241, %swap3A_242, %swap3A_243] {strides = array<i32>} : memref<2x128x128xf32, #tpu.memory_space<vmem>>, vector<16xf32>,
          tpu.vector_store %arg10[%swap3A_241, %swap3A_242, %swap3A_243], %mul3A_237 {strides = array<i32>} : memref<2x128x128xf32, #tpu.memory_space<vmem>>, vector<16xf32>,
          %add3A_245 = arith.constant 1 : i32
          %add3A_246 = arith.addi %add3A_122, %add3A_245 : i32
          %broadcast_in_dim3A_247 = vector.broadcast %add3A_246 : i32 to vector<16xi32>
          %gather3A_248 = tpu.vector_load_idx %arg9[%broadcast_in_dim3A_123, %broadcast_in_dim3A_247] : memref<40x128xf32, #tpu.memory_space<vmem>>[vector<16xi32>, vector<16xi32>], vector<16xf32>,
          %add3A_249 = arith.constant 1 : i32
          %add3A_250 = arith.addi %add3A_122, %add3A_249 : i32
          %get3A_251 = arith.constant 0 : i32
          %get3A_252 = arith.index_cast %get3A_251 : i32 to index
          %get3A_253 = arith.index_cast %add3A_250 : i32 to index
          %get3A_254 = arith.constant 0 : index
          %get3A_255 = tpu.vector_load %arg10[%get3A_252, %get3A_253, %get3A_254] {strides = array<i32>} : memref<2x128x128xf32, #tpu.memory_space<vmem>>, vector<16xf32>,
          %mul3A_256 = arith.mulf %get3A_255, %gather3A_248 : vector<16xf32>
          %add3A_257 = arith.constant 1 : i32
          %add3A_258 = arith.addi %add3A_122, %add3A_257 : i32
          %swap3A_259 = arith.constant 0 : i32
          %swap3A_260 = arith.index_cast %swap3A_259 : i32 to index
          %swap3A_261 = arith.index_cast %add3A_258 : i32 to index
          %swap3A_262 = arith.constant 0 : index
          %swap3A_263 = tpu.vector_load %arg10[%swap3A_260, %swap3A_261, %swap3A_262] {strides = array<i32>} : memref<2x128x128xf32, #tpu.memory_space<vmem>>, vector<16xf32>,
          tpu.vector_store %arg10[%swap3A_260, %swap3A_261, %swap3A_262], %mul3A_256 {strides = array<i32>} : memref<2x128x128xf32, #tpu.memory_space<vmem>>, vector<16xf32>,
          %add3A_264 = arith.constant 1 : i32
          %add3A_265 = arith.addi %add3A_122, %add3A_264 : i32
          %get3A_266 = arith.constant 0 : i32
          %get3A_267 = arith.index_cast %get3A_266 : i32 to index
          %get3A_268 = arith.index_cast %add3A_265 : i32 to index
          %get3A_269 = arith.constant 16 : index
          %get3A_270 = tpu.vector_load %arg10[%get3A_267, %get3A_268, %get3A_269] {strides = array<i32>} : memref<2x128x128xf32, #tpu.memory_space<vmem>>, vector<16xf32>,
          %mul3A_271 = arith.mulf %get3A_270, %gather3A_248 : vector<16xf32>
          %add3A_272 = arith.constant 1 : i32
          %add3A_273 = arith.addi %add3A_122, %add3A_272 : i32
          %swap3A_274 = arith.constant 0 : i32
          %swap3A_275 = arith.index_cast %swap3A_274 : i32 to index
          %swap3A_276 = arith.index_cast %add3A_273 : i32 to index
          %swap3A_277 = arith.constant 16 : index
          %swap3A_278 = tpu.vector_load %arg10[%swap3A_275, %swap3A_276, %swap3A_277] {strides = array<i32>} : memref<2x128x128xf32, #tpu.memory_space<vmem>>, vector<16xf32>,
          tpu.vector_store %arg10[%swap3A_275, %swap3A_276, %swap3A_277], %mul3A_271 {strides = array<i32>} : memref<2x128x128xf32, #tpu.memory_space<vmem>>, vector<16xf32>,
          %add3A_279 = arith.constant 1 : i32
          %add3A_280 = arith.addi %add3A_122, %add3A_279 : i32
          %get3A_281 = arith.constant 0 : i32
          %get3A_282 = arith.index_cast %get3A_281 : i32 to index
          %get3A_283 = arith.index_cast %add3A_280 : i32 to index
          %get3A_284 = arith.constant 32 : index
          %get3A_285 = tpu.vector_load %arg10[%get3A_282, %get3A_283, %get3A_284] {strides = array<i32>} : memref<2x128x128xf32, #tpu.memory_space<vmem>>, vector<16xf32>,
          %mul3A_286 = arith.mulf %get3A_285, %gather3A_248 : vector<16xf32>
          %add3A_287 = arith.constant 1 : i32
          %add3A_288 = arith.addi %add3A_122, %add3A_287 : i32
          %swap3A_289 = arith.constant 0 : i32
          %swap3A_290 = arith.index_cast %swap3A_289 : i32 to index
          %swap3A_291 = arith.index_cast %add3A_288 : i32 to index
          %swap3A_292 = arith.constant 32 : index
          %swap3A_293 = tpu.vector_load %arg10[%swap3A_290, %swap3A_291, %swap3A_292] {strides = array<i32>} : memref<2x128x128xf32, #tpu.memory_space<vmem>>, vector<16xf32>,
          tpu.vector_store %arg10[%swap3A_290, %swap3A_291, %swap3A_292], %mul3A_286 {strides = array<i32>} : memref<2x128x128xf32, #tpu.memory_space<vmem>>, vector<16xf32>,
          %add3A_294 = arith.constant 1 : i32
          %add3A_295 = arith.addi %add3A_122, %add3A_294 : i32
          %get3A_296 = arith.constant 0 : i32
          %get3A_297 = arith.index_cast %get3A_296 : i32 to index
          %get3A_298 = arith.index_cast %add3A_295 : i32 to index
          %get3A_299 = arith.constant 48 : index
          %get3A_300 = tpu.vector_load %arg10[%get3A_297, %get3A_298, %get3A_299] {strides = array<i32>} : memref<2x128x128xf32, #tpu.memory_space<vmem>>, vector<16xf32>,
          %mul3A_301 = arith.mulf %get3A_300, %gather3A_248 : vector<16xf32>
          %add3A_302 = arith.constant 1 : i32
          %add3A_303 = arith.addi %add3A_122, %add3A_302 : i32
          %swap3A_304 = arith.constant 0 : i32
          %swap3A_305 = arith.index_cast %swap3A_304 : i32 to index
          %swap3A_306 = arith.index_cast %add3A_303 : i32 to index
          %swap3A_307 = arith.constant 48 : index
          %swap3A_308 = tpu.vector_load %arg10[%swap3A_305, %swap3A_306, %swap3A_307] {strides = array<i32>} : memref<2x128x128xf32, #tpu.memory_space<vmem>>, vector<16xf32>,
          tpu.vector_store %arg10[%swap3A_305, %swap3A_306, %swap3A_307], %mul3A_301 {strides = array<i32>} : memref<2x128x128xf32, #tpu.memory_space<vmem>>, vector<16xf32>,
          %add3A_309 = arith.constant 1 : i32
          %add3A_310 = arith.addi %add3A_122, %add3A_309 : i32
          %get3A_311 = arith.constant 0 : i32
          %get3A_312 = arith.index_cast %get3A_311 : i32 to index
          %get3A_313 = arith.index_cast %add3A_310 : i32 to index
          %get3A_314 = arith.constant 64 : index
          %get3A_315 = tpu.vector_load %arg10[%get3A_312, %get3A_313, %get3A_314] {strides = array<i32>} : memref<2x128x128xf32, #tpu.memory_space<vmem>>, vector<16xf32>,
          %mul3A_316 = arith.mulf %get3A_315, %gather3A_248 : vector<16xf32>
          %add3A_317 = arith.constant 1 : i32
          %add3A_318 = arith.addi %add3A_122, %add3A_317 : i32
          %swap3A_319 = arith.constant 0 : i32
          %swap3A_320 = arith.index_cast %swap3A_319 : i32 to index
          %swap3A_321 = arith.index_cast %add3A_318 : i32 to index
          %swap3A_322 = arith.constant 64 : index
          %swap3A_323 = tpu.vector_load %arg10[%swap3A_320, %swap3A_321, %swap3A_322] {strides = array<i32>} : memref<2x128x128xf32, #tpu.memory_space<vmem>>, vector<16xf32>,
          tpu.vector_store %arg10[%swap3A_320, %swap3A_321, %swap3A_322], %mul3A_316 {strides = array<i32>} : memref<2x128x128xf32, #tpu.memory_space<vmem>>, vector<16xf32>,
          %add3A_324 = arith.constant 1 : i32
          %add3A_325 = arith.addi %add3A_122, %add3A_324 : i32
          %get3A_326 = arith.constant 0 : i32
          %get3A_327 = arith.index_cast %get3A_326 : i32 to index
          %get3A_328 = arith.index_cast %add3A_325 : i32 to index
          %get3A_329 = arith.constant 80 : index
          %get3A_330 = tpu.vector_load %arg10[%get3A_327, %get3A_328, %get3A_329] {strides = array<i32>} : memref<2x128x128xf32, #tpu.memory_space<vmem>>, vector<16xf32>,
          %mul3A_331 = arith.mulf %get3A_330, %gather3A_248 : vector<16xf32>
          %add3A_332 = arith.constant 1 : i32
          %add3A_333 = arith.addi %add3A_122, %add3A_332 : i32
          %swap3A_334 = arith.constant 0 : i32
          %swap3A_335 = arith.index_cast %swap3A_334 : i32 to index
          %swap3A_336 = arith.index_cast %add3A_333 : i32 to index
          %swap3A_337 = arith.constant 80 : index
          %swap3A_338 = tpu.vector_load %arg10[%swap3A_335, %swap3A_336, %swap3A_337] {strides = array<i32>} : memref<2x128x128xf32, #tpu.memory_space<vmem>>, vector<16xf32>,
          tpu.vector_store %arg10[%swap3A_335, %swap3A_336, %swap3A_337], %mul3A_331 {strides = array<i32>} : memref<2x128x128xf32, #tpu.memory_space<vmem>>, vector<16xf32>,
          %add3A_339 = arith.constant 1 : i32
          %add3A_340 = arith.addi %add3A_122, %add3A_339 : i32
          %get3A_341 = arith.constant 0 : i32
          %get3A_342 = arith.index_cast %get3A_341 : i32 to index
          %get3A_343 = arith.index_cast %add3A_340 : i32 to index
          %get3A_344 = arith.constant 96 : index
          %get3A_345 = tpu.vector_load %arg10[%get3A_342, %get3A_343, %get3A_344] {strides = array<i32>} : memref<2x128x128xf32, #tpu.memory_space<vmem>>, vector<16xf32>,
          %mul3A_346 = arith.mulf %get3A_345, %gather3A_248 : vector<16xf32>
          %add3A_347 = arith.constant 1 : i32
          %add3A_348 = arith.addi %add3A_122, %add3A_347 : i32
          %swap3A_349 = arith.constant 0 : i32
          %swap3A_350 = arith.index_cast %swap3A_349 : i32 to index
          %swap3A_351 = arith.index_cast %add3A_348 : i32 to index
          %swap3A_352 = arith.constant 96 : index
          %swap3A_353 = tpu.vector_load %arg10[%swap3A_350, %swap3A_351, %swap3A_352] {strides = array<i32>} : memref<2x128x128xf32, #tpu.memory_space<vmem>>, vector<16xf32>,
          tpu.vector_store %arg10[%swap3A_350, %swap3A_351, %swap3A_352], %mul3A_346 {strides = array<i32>} : memref<2x128x128xf32, #tpu.memory_space<vmem>>, vector<16xf32>,
          %add3A_354 = arith.constant 1 : i32
          %add3A_355 = arith.addi %add3A_122, %add3A_354 : i32
          %get3A_356 = arith.constant 0 : i32
          %get3A_357 = arith.index_cast %get3A_356 : i32 to index
          %get3A_358 = arith.index_cast %add3A_355 : i32 to index
          %get3A_359 = arith.constant 112 : index
          %get3A_360 = tpu.vector_load %arg10[%get3A_357, %get3A_358, %get3A_359] {strides = array<i32>} : memref<2x128x128xf32, #tpu.memory_space<vmem>>, vector<16xf32>,
          %mul3A_361 = arith.mulf %get3A_360, %gather3A_248 : vector<16xf32>
          %add3A_362 = arith.constant 1 : i32
          %add3A_363 = arith.addi %add3A_122, %add3A_362 : i32
          %swap3A_364 = arith.constant 0 : i32
          %swap3A_365 = arith.index_cast %swap3A_364 : i32 to index
          %swap3A_366 = arith.index_cast %add3A_363 : i32 to index
          %swap3A_367 = arith.constant 112 : index
          %swap3A_368 = tpu.vector_load %arg10[%swap3A_365, %swap3A_366, %swap3A_367] {strides = array<i32>} : memref<2x128x128xf32, #tpu.memory_space<vmem>>, vector<16xf32>,
          tpu.vector_store %arg10[%swap3A_365, %swap3A_366, %swap3A_367], %mul3A_361 {strides = array<i32>} : memref<2x128x128xf32, #tpu.memory_space<vmem>>, vector<16xf32>,
        }
        %scan3A_83 = arith.constant 64 : i32
        %run_scoped3A = arith.constant 0 : i32
        "tpu.region"() ({
          %run_scoped3A_118 = tpu.sem_alloc : memref<!tpu.dma_semaphore, #tpu.memory_space<semaphore_mem>>
          %dma_start3A_119 = arith.constant 0 : i32
          %dma_start3A_120 = arith.constant 0 : i32
          %dma_start3A_121 = tpu.memref_slice %arg10[%run_scoped3A, %dma_start3A_119, %dma_start3A_120] : memref<2x128x128xf32, #tpu.memory_space<vmem>> -> memref<1x128x128xf32, #tpu.memory_space<vmem>>
          %dma_start3A_122 = tpu.memref_squeeze %dma_start3A_121 : memref<1x128x128xf32, #tpu.memory_space<vmem>> -> memref<128x128xf32, #tpu.memory_space<vmem>>
          %dma_start3A_123 = arith.constant 0 : i32
          %dma_start3A_124 = tpu.memref_slice %arg8[%add3A_68, %dma_start3A_123] : memref<40x128xi32, #tpu.memory_space<vmem>> -> memref<1x128xi32, #tpu.memory_space<vmem>>
          %dma_start3A_125 = tpu.memref_squeeze %dma_start3A_124 : memref<1x128xi32, #tpu.memory_space<vmem>> -> memref<128xi32, #tpu.memory_space<vmem>>
          %dma_start3A_126 = arith.constant 0 : i32
          %dma_start3A_127 = arith.constant 0 : i32
          %dma_start3A_128 = tpu.memref_slice %arg11[%dma_start3A_126, %dma_start3A_127] : memref<10240x128xf32, #tpu.memory_space<vmem_shared>> -> memref<10240x128xf32, #tpu.memory_space<vmem_shared>>
          tpu.enqueue_indirect_dma source(%dma_start3A_122 : memref<128x128xf32, #tpu.memory_space<vmem>>) target(%dma_start3A_128 : memref<10240x128xf32, #tpu.memory_space<vmem_shared>>) offsets(%dma_start3A_125 : memref<128xi32, #tpu.memory_space<vmem>>) semaphore(%run_scoped3A_118 : memref<!tpu.dma_semaphore, #tpu.memory_space<semaphore_mem>>) {add = true}
          %dma_wait3A_129 = arith.constant 0 : i32
          %dma_wait3A_130 = arith.constant 0 : i32
          %dma_wait3A_131 = tpu.memref_slice %arg10[%run_scoped3A, %dma_wait3A_129, %dma_wait3A_130] : memref<2x128x128xf32, #tpu.memory_space<vmem>> -> memref<1x128x128xf32, #tpu.memory_space<vmem>>
          %dma_wait3A_132 = tpu.memref_squeeze %dma_wait3A_131 : memref<1x128x128xf32, #tpu.memory_space<vmem>> -> memref<128x128xf32, #tpu.memory_space<vmem>>
          %dma_wait3A_133 = arith.constant 0 : i32
          %dma_wait3A_134 = tpu.memref_slice %arg8[%add3A_68, %dma_wait3A_133] : memref<40x128xi32, #tpu.memory_space<vmem>> -> memref<1x128xi32, #tpu.memory_space<vmem>>
          %dma_wait3A_135 = tpu.memref_squeeze %dma_wait3A_134 : memref<1x128xi32, #tpu.memory_space<vmem>> -> memref<128xi32, #tpu.memory_space<vmem>>
          %dma_wait3A_136 = arith.constant 0 : i32
          %dma_wait3A_137 = arith.constant 0 : i32
          %dma_wait3A_138 = tpu.memref_slice %arg11[%dma_wait3A_136, %dma_wait3A_137] : memref<10240x128xf32, #tpu.memory_space<vmem_shared>> -> memref<10240x128xf32, #tpu.memory_space<vmem_shared>>
          tpu.wait_indirect_dma semaphore(%run_scoped3A_118 : memref<!tpu.dma_semaphore, #tpu.memory_space<semaphore_mem>>) src(%dma_wait3A_132 : memref<128x128xf32, #tpu.memory_space<vmem>>) dst(%dma_wait3A_138 : memref<10240x128xf32, #tpu.memory_space<vmem_shared>>)
          tpu.yield
        }) : () -> ()
        %add3A_84 = arith.constant 2 : i32
        %add3A_85 = arith.addi %add3A_68, %add3A_84 : i32
        %lt3A = arith.constant 40 : i32
        %lt3A_86 = arith.cmpi slt, %add3A_85, %lt3A : i32
        %convert_element_type3A_87 = arith.extui %lt3A_86 : i1 to i32
        %cond3A_88 = arith.constant 0 : i32
        %cond3A_89 = arith.constant 0 : i32
        %cond3A_90 = arith.cmpi ne, %convert_element_type3A_87, %cond3A_89 : i32
        scf.if %cond3A_90 {
          %add3A_118 = arith.constant 2 : i32
          %add3A_119 = arith.addi %add3A_68, %add3A_118 : i32
          %dma_start3A_120 = arith.constant 0 : i32
          %dma_start3A_121 = arith.constant 0 : i32
          %dma_start3A_122 = tpu.memref_slice %arg10[%cond3A_88, %dma_start3A_120, %dma_start3A_121] : memref<2x128x128xf32, #tpu.memory_space<vmem>> -> memref<1x128x128xf32, #tpu.memory_space<vmem>>
          %dma_start3A_123 = tpu.memref_squeeze %dma_start3A_122 : memref<1x128x128xf32, #tpu.memory_space<vmem>> -> memref<128x128xf32, #tpu.memory_space<vmem>>
          %dma_start3A_124 = arith.constant 0 : i32
          %dma_start3A_125 = tpu.memref_slice %arg7[%add3A_119, %dma_start3A_124] : memref<40x128xi32, #tpu.memory_space<vmem>> -> memref<1x128xi32, #tpu.memory_space<vmem>>
          %dma_start3A_126 = tpu.memref_squeeze %dma_start3A_125 : memref<1x128xi32, #tpu.memory_space<vmem>> -> memref<128xi32, #tpu.memory_space<vmem>>
          %dma_start3A_127 = arith.constant 0 : i32
          %dma_start3A_128 = arith.constant 0 : i32
          %dma_start3A_129 = tpu.memref_slice %arg2[%dma_start3A_127, %dma_start3A_128] : memref<10000x128xf32, #tpu.memory_space<hbm>> -> memref<10000x128xf32, #tpu.memory_space<hbm>>
          tpu.enqueue_indirect_dma source(%dma_start3A_129 : memref<10000x128xf32, #tpu.memory_space<hbm>>) target(%dma_start3A_123 : memref<128x128xf32, #tpu.memory_space<vmem>>) offsets(%dma_start3A_126 : memref<128xi32, #tpu.memory_space<vmem>>) semaphore(%arg12 : memref<!tpu.dma_semaphore, #tpu.memory_space<semaphore_mem>>)
        } else {
        }
        %add3A_91 = arith.constant 1 : i32
        %add3A_92 = arith.addi %add3A_66, %add3A_91 : i32
        %dma_wait3A_93 = arith.constant 1 : i32
        %dma_wait3A_94 = arith.constant 0 : i32
        %dma_wait3A_95 = arith.constant 0 : i32
        %dma_wait3A_96 = tpu.memref_slice %arg10[%dma_wait3A_93, %dma_wait3A_94, %dma_wait3A_95] : memref<2x128x128xf32, #tpu.memory_space<vmem>> -> memref<1x128x128xf32, #tpu.memory_space<vmem>>
        %dma_wait3A_97 = tpu.memref_squeeze %dma_wait3A_96 : memref<1x128x128xf32, #tpu.memory_space<vmem>> -> memref<128x128xf32, #tpu.memory_space<vmem>>
        %dma_wait3A_98 = arith.constant 0 : i32
        %dma_wait3A_99 = tpu.memref_slice %arg7[%add3A_92, %dma_wait3A_98] : memref<40x128xi32, #tpu.memory_space<vmem>> -> memref<1x128xi32, #tpu.memory_space<vmem>>
        %dma_wait3A_100 = tpu.memref_squeeze %dma_wait3A_99 : memref<1x128xi32, #tpu.memory_space<vmem>> -> memref<128xi32, #tpu.memory_space<vmem>>
        %dma_wait3A_101 = arith.constant 0 : i32
        %dma_wait3A_102 = arith.constant 0 : i32
        %dma_wait3A_103 = tpu.memref_slice %arg2[%dma_wait3A_101, %dma_wait3A_102] : memref<10000x128xf32, #tpu.memory_space<hbm>> -> memref<10000x128xf32, #tpu.memory_space<hbm>>
        tpu.wait_indirect_dma semaphore(%arg13 : memref<!tpu.dma_semaphore, #tpu.memory_space<semaphore_mem>>) src(%dma_wait3A_103 : memref<10000x128xf32, #tpu.memory_space<hbm>>) dst(%dma_wait3A_97 : memref<128x128xf32, #tpu.memory_space<vmem>>)
        %scan3A_104 = arith.constant 0 : i32
        %scan3A_105 = arith.constant 64 : i32
        %scan3A_106 = arith.addi %scan3A_104, %scan3A_105 : i32
        %scan3A_107 = arith.constant 1 : i32
        scf.for %scan3A_118 = %scan3A_104 to %scan3A_106 step %scan3A_107  : i32 {
          %mul3A_119 = arith.constant 2 : i32
          %mul3A_120 = arith.muli %scan3A_118, %mul3A_119 : i32
          %add3A_121 = arith.constant 0 : i32
          %add3A_122 = arith.addi %add3A_121, %mul3A_120 : i32
          %broadcast_in_dim3A_123 = vector.broadcast %add3A_92 : i32 to vector<16xi32>
          %add3A_124 = arith.constant 0 : i32
          %add3A_125 = arith.addi %add3A_122, %add3A_124 : i32
          %broadcast_in_dim3A_126 = vector.broadcast %add3A_125 : i32 to vector<16xi32>
          %gather3A = tpu.vector_load_idx %arg9[%broadcast_in_dim3A_123, %broadcast_in_dim3A_126] : memref<40x128xf32, #tpu.memory_space<vmem>>[vector<16xi32>, vector<16xi32>], vector<16xf32>,
          %add3A_127 = arith.constant 0 : i32
          %add3A_128 = arith.addi %add3A_122, %add3A_127 : i32
          %get3A = arith.constant 1 : i32
          %get3A_129 = arith.index_cast %get3A : i32 to index
          %get3A_130 = arith.index_cast %add3A_128 : i32 to index
          %get3A_131 = arith.constant 0 : index
          %get3A_132 = tpu.vector_load %arg10[%get3A_129, %get3A_130, %get3A_131] {strides = array<i32>} : memref<2x128x128xf32, #tpu.memory_space<vmem>>, vector<16xf32>,
          %mul3A_133 = arith.mulf %get3A_132, %gather3A : vector<16xf32>
          %add3A_134 = arith.constant 0 : i32
          %add3A_135 = arith.addi %add3A_122, %add3A_134 : i32
          %swap3A = arith.constant 1 : i32
          %swap3A_136 = arith.index_cast %swap3A : i32 to index
          %swap3A_137 = arith.index_cast %add3A_135 : i32 to index
          %swap3A_138 = arith.constant 0 : index
          %swap3A_139 = tpu.vector_load %arg10[%swap3A_136, %swap3A_137, %swap3A_138] {strides = array<i32>} : memref<2x128x128xf32, #tpu.memory_space<vmem>>, vector<16xf32>,
          tpu.vector_store %arg10[%swap3A_136, %swap3A_137, %swap3A_138], %mul3A_133 {strides = array<i32>} : memref<2x128x128xf32, #tpu.memory_space<vmem>>, vector<16xf32>,
          %add3A_140 = arith.constant 0 : i32
          %add3A_141 = arith.addi %add3A_122, %add3A_140 : i32
          %get3A_142 = arith.constant 1 : i32
          %get3A_143 = arith.index_cast %get3A_142 : i32 to index
          %get3A_144 = arith.index_cast %add3A_141 : i32 to index
          %get3A_145 = arith.constant 16 : index
          %get3A_146 = tpu.vector_load %arg10[%get3A_143, %get3A_144, %get3A_145] {strides = array<i32>} : memref<2x128x128xf32, #tpu.memory_space<vmem>>, vector<16xf32>,
          %mul3A_147 = arith.mulf %get3A_146, %gather3A : vector<16xf32>
          %add3A_148 = arith.constant 0 : i32
          %add3A_149 = arith.addi %add3A_122, %add3A_148 : i32
          %swap3A_150 = arith.constant 1 : i32
          %swap3A_151 = arith.index_cast %swap3A_150 : i32 to index
          %swap3A_152 = arith.index_cast %add3A_149 : i32 to index
          %swap3A_153 = arith.constant 16 : index
          %swap3A_154 = tpu.vector_load %arg10[%swap3A_151, %swap3A_152, %swap3A_153] {strides = array<i32>} : memref<2x128x128xf32, #tpu.memory_space<vmem>>, vector<16xf32>,
          tpu.vector_store %arg10[%swap3A_151, %swap3A_152, %swap3A_153], %mul3A_147 {strides = array<i32>} : memref<2x128x128xf32, #tpu.memory_space<vmem>>, vector<16xf32>,
          %add3A_155 = arith.constant 0 : i32
          %add3A_156 = arith.addi %add3A_122, %add3A_155 : i32
          %get3A_157 = arith.constant 1 : i32
          %get3A_158 = arith.index_cast %get3A_157 : i32 to index
          %get3A_159 = arith.index_cast %add3A_156 : i32 to index
          %get3A_160 = arith.constant 32 : index
          %get3A_161 = tpu.vector_load %arg10[%get3A_158, %get3A_159, %get3A_160] {strides = array<i32>} : memref<2x128x128xf32, #tpu.memory_space<vmem>>, vector<16xf32>,
          %mul3A_162 = arith.mulf %get3A_161, %gather3A : vector<16xf32>
          %add3A_163 = arith.constant 0 : i32
          %add3A_164 = arith.addi %add3A_122, %add3A_163 : i32
          %swap3A_165 = arith.constant 1 : i32
          %swap3A_166 = arith.index_cast %swap3A_165 : i32 to index
          %swap3A_167 = arith.index_cast %add3A_164 : i32 to index
          %swap3A_168 = arith.constant 32 : index
          %swap3A_169 = tpu.vector_load %arg10[%swap3A_166, %swap3A_167, %swap3A_168] {strides = array<i32>} : memref<2x128x128xf32, #tpu.memory_space<vmem>>, vector<16xf32>,
          tpu.vector_store %arg10[%swap3A_166, %swap3A_167, %swap3A_168], %mul3A_162 {strides = array<i32>} : memref<2x128x128xf32, #tpu.memory_space<vmem>>, vector<16xf32>,
          %add3A_170 = arith.constant 0 : i32
          %add3A_171 = arith.addi %add3A_122, %add3A_170 : i32
          %get3A_172 = arith.constant 1 : i32
          %get3A_173 = arith.index_cast %get3A_172 : i32 to index
          %get3A_174 = arith.index_cast %add3A_171 : i32 to index
          %get3A_175 = arith.constant 48 : index
          %get3A_176 = tpu.vector_load %arg10[%get3A_173, %get3A_174, %get3A_175] {strides = array<i32>} : memref<2x128x128xf32, #tpu.memory_space<vmem>>, vector<16xf32>,
          %mul3A_177 = arith.mulf %get3A_176, %gather3A : vector<16xf32>
          %add3A_178 = arith.constant 0 : i32
          %add3A_179 = arith.addi %add3A_122, %add3A_178 : i32
          %swap3A_180 = arith.constant 1 : i32
          %swap3A_181 = arith.index_cast %swap3A_180 : i32 to index
          %swap3A_182 = arith.index_cast %add3A_179 : i32 to index
          %swap3A_183 = arith.constant 48 : index
          %swap3A_184 = tpu.vector_load %arg10[%swap3A_181, %swap3A_182, %swap3A_183] {strides = array<i32>} : memref<2x128x128xf32, #tpu.memory_space<vmem>>, vector<16xf32>,
          tpu.vector_store %arg10[%swap3A_181, %swap3A_182, %swap3A_183], %mul3A_177 {strides = array<i32>} : memref<2x128x128xf32, #tpu.memory_space<vmem>>, vector<16xf32>,
          %add3A_185 = arith.constant 0 : i32
          %add3A_186 = arith.addi %add3A_122, %add3A_185 : i32
          %get3A_187 = arith.constant 1 : i32
          %get3A_188 = arith.index_cast %get3A_187 : i32 to index
          %get3A_189 = arith.index_cast %add3A_186 : i32 to index
          %get3A_190 = arith.constant 64 : index
          %get3A_191 = tpu.vector_load %arg10[%get3A_188, %get3A_189, %get3A_190] {strides = array<i32>} : memref<2x128x128xf32, #tpu.memory_space<vmem>>, vector<16xf32>,
          %mul3A_192 = arith.mulf %get3A_191, %gather3A : vector<16xf32>
          %add3A_193 = arith.constant 0 : i32
          %add3A_194 = arith.addi %add3A_122, %add3A_193 : i32
          %swap3A_195 = arith.constant 1 : i32
          %swap3A_196 = arith.index_cast %swap3A_195 : i32 to index
          %swap3A_197 = arith.index_cast %add3A_194 : i32 to index
          %swap3A_198 = arith.constant 64 : index
          %swap3A_199 = tpu.vector_load %arg10[%swap3A_196, %swap3A_197, %swap3A_198] {strides = array<i32>} : memref<2x128x128xf32, #tpu.memory_space<vmem>>, vector<16xf32>,
          tpu.vector_store %arg10[%swap3A_196, %swap3A_197, %swap3A_198], %mul3A_192 {strides = array<i32>} : memref<2x128x128xf32, #tpu.memory_space<vmem>>, vector<16xf32>,
          %add3A_200 = arith.constant 0 : i32
          %add3A_201 = arith.addi %add3A_122, %add3A_200 : i32
          %get3A_202 = arith.constant 1 : i32
          %get3A_203 = arith.index_cast %get3A_202 : i32 to index
          %get3A_204 = arith.index_cast %add3A_201 : i32 to index
          %get3A_205 = arith.constant 80 : index
          %get3A_206 = tpu.vector_load %arg10[%get3A_203, %get3A_204, %get3A_205] {strides = array<i32>} : memref<2x128x128xf32, #tpu.memory_space<vmem>>, vector<16xf32>,
          %mul3A_207 = arith.mulf %get3A_206, %gather3A : vector<16xf32>
          %add3A_208 = arith.constant 0 : i32
          %add3A_209 = arith.addi %add3A_122, %add3A_208 : i32
          %swap3A_210 = arith.constant 1 : i32
          %swap3A_211 = arith.index_cast %swap3A_210 : i32 to index
          %swap3A_212 = arith.index_cast %add3A_209 : i32 to index
          %swap3A_213 = arith.constant 80 : index
          %swap3A_214 = tpu.vector_load %arg10[%swap3A_211, %swap3A_212, %swap3A_213] {strides = array<i32>} : memref<2x128x128xf32, #tpu.memory_space<vmem>>, vector<16xf32>,
          tpu.vector_store %arg10[%swap3A_211, %swap3A_212, %swap3A_213], %mul3A_207 {strides = array<i32>} : memref<2x128x128xf32, #tpu.memory_space<vmem>>, vector<16xf32>,
          %add3A_215 = arith.constant 0 : i32
          %add3A_216 = arith.addi %add3A_122, %add3A_215 : i32
          %get3A_217 = arith.constant 1 : i32
          %get3A_218 = arith.index_cast %get3A_217 : i32 to index
          %get3A_219 = arith.index_cast %add3A_216 : i32 to index
          %get3A_220 = arith.constant 96 : index
          %get3A_221 = tpu.vector_load %arg10[%get3A_218, %get3A_219, %get3A_220] {strides = array<i32>} : memref<2x128x128xf32, #tpu.memory_space<vmem>>, vector<16xf32>,
          %mul3A_222 = arith.mulf %get3A_221, %gather3A : vector<16xf32>
          %add3A_223 = arith.constant 0 : i32
          %add3A_224 = arith.addi %add3A_122, %add3A_223 : i32
          %swap3A_225 = arith.constant 1 : i32
          %swap3A_226 = arith.index_cast %swap3A_225 : i32 to index
          %swap3A_227 = arith.index_cast %add3A_224 : i32 to index
          %swap3A_228 = arith.constant 96 : index
          %swap3A_229 = tpu.vector_load %arg10[%swap3A_226, %swap3A_227, %swap3A_228] {strides = array<i32>} : memref<2x128x128xf32, #tpu.memory_space<vmem>>, vector<16xf32>,
          tpu.vector_store %arg10[%swap3A_226, %swap3A_227, %swap3A_228], %mul3A_222 {strides = array<i32>} : memref<2x128x128xf32, #tpu.memory_space<vmem>>, vector<16xf32>,
          %add3A_230 = arith.constant 0 : i32
          %add3A_231 = arith.addi %add3A_122, %add3A_230 : i32
          %get3A_232 = arith.constant 1 : i32
          %get3A_233 = arith.index_cast %get3A_232 : i32 to index
          %get3A_234 = arith.index_cast %add3A_231 : i32 to index
          %get3A_235 = arith.constant 112 : index
          %get3A_236 = tpu.vector_load %arg10[%get3A_233, %get3A_234, %get3A_235] {strides = array<i32>} : memref<2x128x128xf32, #tpu.memory_space<vmem>>, vector<16xf32>,
          %mul3A_237 = arith.mulf %get3A_236, %gather3A : vector<16xf32>
          %add3A_238 = arith.constant 0 : i32
          %add3A_239 = arith.addi %add3A_122, %add3A_238 : i32
          %swap3A_240 = arith.constant 1 : i32
          %swap3A_241 = arith.index_cast %swap3A_240 : i32 to index
          %swap3A_242 = arith.index_cast %add3A_239 : i32 to index
          %swap3A_243 = arith.constant 112 : index
          %swap3A_244 = tpu.vector_load %arg10[%swap3A_241, %swap3A_242, %swap3A_243] {strides = array<i32>} : memref<2x128x128xf32, #tpu.memory_space<vmem>>, vector<16xf32>,
          tpu.vector_store %arg10[%swap3A_241, %swap3A_242, %swap3A_243], %mul3A_237 {strides = array<i32>} : memref<2x128x128xf32, #tpu.memory_space<vmem>>, vector<16xf32>,
          %add3A_245 = arith.constant 1 : i32
          %add3A_246 = arith.addi %add3A_122, %add3A_245 : i32
          %broadcast_in_dim3A_247 = vector.broadcast %add3A_246 : i32 to vector<16xi32>
          %gather3A_248 = tpu.vector_load_idx %arg9[%broadcast_in_dim3A_123, %broadcast_in_dim3A_247] : memref<40x128xf32, #tpu.memory_space<vmem>>[vector<16xi32>, vector<16xi32>], vector<16xf32>,
          %add3A_249 = arith.constant 1 : i32
          %add3A_250 = arith.addi %add3A_122, %add3A_249 : i32
          %get3A_251 = arith.constant 1 : i32
          %get3A_252 = arith.index_cast %get3A_251 : i32 to index
          %get3A_253 = arith.index_cast %add3A_250 : i32 to index
          %get3A_254 = arith.constant 0 : index
          %get3A_255 = tpu.vector_load %arg10[%get3A_252, %get3A_253, %get3A_254] {strides = array<i32>} : memref<2x128x128xf32, #tpu.memory_space<vmem>>, vector<16xf32>,
          %mul3A_256 = arith.mulf %get3A_255, %gather3A_248 : vector<16xf32>
          %add3A_257 = arith.constant 1 : i32
          %add3A_258 = arith.addi %add3A_122, %add3A_257 : i32
          %swap3A_259 = arith.constant 1 : i32
          %swap3A_260 = arith.index_cast %swap3A_259 : i32 to index
          %swap3A_261 = arith.index_cast %add3A_258 : i32 to index
          %swap3A_262 = arith.constant 0 : index
          %swap3A_263 = tpu.vector_load %arg10[%swap3A_260, %swap3A_261, %swap3A_262] {strides = array<i32>} : memref<2x128x128xf32, #tpu.memory_space<vmem>>, vector<16xf32>,
          tpu.vector_store %arg10[%swap3A_260, %swap3A_261, %swap3A_262], %mul3A_256 {strides = array<i32>} : memref<2x128x128xf32, #tpu.memory_space<vmem>>, vector<16xf32>,
          %add3A_264 = arith.constant 1 : i32
          %add3A_265 = arith.addi %add3A_122, %add3A_264 : i32
          %get3A_266 = arith.constant 1 : i32
          %get3A_267 = arith.index_cast %get3A_266 : i32 to index
          %get3A_268 = arith.index_cast %add3A_265 : i32 to index
          %get3A_269 = arith.constant 16 : index
          %get3A_270 = tpu.vector_load %arg10[%get3A_267, %get3A_268, %get3A_269] {strides = array<i32>} : memref<2x128x128xf32, #tpu.memory_space<vmem>>, vector<16xf32>,
          %mul3A_271 = arith.mulf %get3A_270, %gather3A_248 : vector<16xf32>
          %add3A_272 = arith.constant 1 : i32
          %add3A_273 = arith.addi %add3A_122, %add3A_272 : i32
          %swap3A_274 = arith.constant 1 : i32
          %swap3A_275 = arith.index_cast %swap3A_274 : i32 to index
          %swap3A_276 = arith.index_cast %add3A_273 : i32 to index
          %swap3A_277 = arith.constant 16 : index
          %swap3A_278 = tpu.vector_load %arg10[%swap3A_275, %swap3A_276, %swap3A_277] {strides = array<i32>} : memref<2x128x128xf32, #tpu.memory_space<vmem>>, vector<16xf32>,
          tpu.vector_store %arg10[%swap3A_275, %swap3A_276, %swap3A_277], %mul3A_271 {strides = array<i32>} : memref<2x128x128xf32, #tpu.memory_space<vmem>>, vector<16xf32>,
          %add3A_279 = arith.constant 1 : i32
          %add3A_280 = arith.addi %add3A_122, %add3A_279 : i32
          %get3A_281 = arith.constant 1 : i32
          %get3A_282 = arith.index_cast %get3A_281 : i32 to index
          %get3A_283 = arith.index_cast %add3A_280 : i32 to index
          %get3A_284 = arith.constant 32 : index
          %get3A_285 = tpu.vector_load %arg10[%get3A_282, %get3A_283, %get3A_284] {strides = array<i32>} : memref<2x128x128xf32, #tpu.memory_space<vmem>>, vector<16xf32>,
          %mul3A_286 = arith.mulf %get3A_285, %gather3A_248 : vector<16xf32>
          %add3A_287 = arith.constant 1 : i32
          %add3A_288 = arith.addi %add3A_122, %add3A_287 : i32
          %swap3A_289 = arith.constant 1 : i32
          %swap3A_290 = arith.index_cast %swap3A_289 : i32 to index
          %swap3A_291 = arith.index_cast %add3A_288 : i32 to index
          %swap3A_292 = arith.constant 32 : index
          %swap3A_293 = tpu.vector_load %arg10[%swap3A_290, %swap3A_291, %swap3A_292] {strides = array<i32>} : memref<2x128x128xf32, #tpu.memory_space<vmem>>, vector<16xf32>,
          tpu.vector_store %arg10[%swap3A_290, %swap3A_291, %swap3A_292], %mul3A_286 {strides = array<i32>} : memref<2x128x128xf32, #tpu.memory_space<vmem>>, vector<16xf32>,
          %add3A_294 = arith.constant 1 : i32
          %add3A_295 = arith.addi %add3A_122, %add3A_294 : i32
          %get3A_296 = arith.constant 1 : i32
          %get3A_297 = arith.index_cast %get3A_296 : i32 to index
          %get3A_298 = arith.index_cast %add3A_295 : i32 to index
          %get3A_299 = arith.constant 48 : index
          %get3A_300 = tpu.vector_load %arg10[%get3A_297, %get3A_298, %get3A_299] {strides = array<i32>} : memref<2x128x128xf32, #tpu.memory_space<vmem>>, vector<16xf32>,
          %mul3A_301 = arith.mulf %get3A_300, %gather3A_248 : vector<16xf32>
          %add3A_302 = arith.constant 1 : i32
          %add3A_303 = arith.addi %add3A_122, %add3A_302 : i32
          %swap3A_304 = arith.constant 1 : i32
          %swap3A_305 = arith.index_cast %swap3A_304 : i32 to index
          %swap3A_306 = arith.index_cast %add3A_303 : i32 to index
          %swap3A_307 = arith.constant 48 : index
          %swap3A_308 = tpu.vector_load %arg10[%swap3A_305, %swap3A_306, %swap3A_307] {strides = array<i32>} : memref<2x128x128xf32, #tpu.memory_space<vmem>>, vector<16xf32>,
          tpu.vector_store %arg10[%swap3A_305, %swap3A_306, %swap3A_307], %mul3A_301 {strides = array<i32>} : memref<2x128x128xf32, #tpu.memory_space<vmem>>, vector<16xf32>,
          %add3A_309 = arith.constant 1 : i32
          %add3A_310 = arith.addi %add3A_122, %add3A_309 : i32
          %get3A_311 = arith.constant 1 : i32
          %get3A_312 = arith.index_cast %get3A_311 : i32 to index
          %get3A_313 = arith.index_cast %add3A_310 : i32 to index
          %get3A_314 = arith.constant 64 : index
          %get3A_315 = tpu.vector_load %arg10[%get3A_312, %get3A_313, %get3A_314] {strides = array<i32>} : memref<2x128x128xf32, #tpu.memory_space<vmem>>, vector<16xf32>,
          %mul3A_316 = arith.mulf %get3A_315, %gather3A_248 : vector<16xf32>
          %add3A_317 = arith.constant 1 : i32
          %add3A_318 = arith.addi %add3A_122, %add3A_317 : i32
          %swap3A_319 = arith.constant 1 : i32
          %swap3A_320 = arith.index_cast %swap3A_319 : i32 to index
          %swap3A_321 = arith.index_cast %add3A_318 : i32 to index
          %swap3A_322 = arith.constant 64 : index
          %swap3A_323 = tpu.vector_load %arg10[%swap3A_320, %swap3A_321, %swap3A_322] {strides = array<i32>} : memref<2x128x128xf32, #tpu.memory_space<vmem>>, vector<16xf32>,
          tpu.vector_store %arg10[%swap3A_320, %swap3A_321, %swap3A_322], %mul3A_316 {strides = array<i32>} : memref<2x128x128xf32, #tpu.memory_space<vmem>>, vector<16xf32>,
          %add3A_324 = arith.constant 1 : i32
          %add3A_325 = arith.addi %add3A_122, %add3A_324 : i32
          %get3A_326 = arith.constant 1 : i32
          %get3A_327 = arith.index_cast %get3A_326 : i32 to index
          %get3A_328 = arith.index_cast %add3A_325 : i32 to index
          %get3A_329 = arith.constant 80 : index
          %get3A_330 = tpu.vector_load %arg10[%get3A_327, %get3A_328, %get3A_329] {strides = array<i32>} : memref<2x128x128xf32, #tpu.memory_space<vmem>>, vector<16xf32>,
          %mul3A_331 = arith.mulf %get3A_330, %gather3A_248 : vector<16xf32>
          %add3A_332 = arith.constant 1 : i32
          %add3A_333 = arith.addi %add3A_122, %add3A_332 : i32
          %swap3A_334 = arith.constant 1 : i32
          %swap3A_335 = arith.index_cast %swap3A_334 : i32 to index
          %swap3A_336 = arith.index_cast %add3A_333 : i32 to index
          %swap3A_337 = arith.constant 80 : index
          %swap3A_338 = tpu.vector_load %arg10[%swap3A_335, %swap3A_336, %swap3A_337] {strides = array<i32>} : memref<2x128x128xf32, #tpu.memory_space<vmem>>, vector<16xf32>,
          tpu.vector_store %arg10[%swap3A_335, %swap3A_336, %swap3A_337], %mul3A_331 {strides = array<i32>} : memref<2x128x128xf32, #tpu.memory_space<vmem>>, vector<16xf32>,
          %add3A_339 = arith.constant 1 : i32
          %add3A_340 = arith.addi %add3A_122, %add3A_339 : i32
          %get3A_341 = arith.constant 1 : i32
          %get3A_342 = arith.index_cast %get3A_341 : i32 to index
          %get3A_343 = arith.index_cast %add3A_340 : i32 to index
          %get3A_344 = arith.constant 96 : index
          %get3A_345 = tpu.vector_load %arg10[%get3A_342, %get3A_343, %get3A_344] {strides = array<i32>} : memref<2x128x128xf32, #tpu.memory_space<vmem>>, vector<16xf32>,
          %mul3A_346 = arith.mulf %get3A_345, %gather3A_248 : vector<16xf32>
          %add3A_347 = arith.constant 1 : i32
          %add3A_348 = arith.addi %add3A_122, %add3A_347 : i32
          %swap3A_349 = arith.constant 1 : i32
          %swap3A_350 = arith.index_cast %swap3A_349 : i32 to index
          %swap3A_351 = arith.index_cast %add3A_348 : i32 to index
          %swap3A_352 = arith.constant 96 : index
          %swap3A_353 = tpu.vector_load %arg10[%swap3A_350, %swap3A_351, %swap3A_352] {strides = array<i32>} : memref<2x128x128xf32, #tpu.memory_space<vmem>>, vector<16xf32>,
          tpu.vector_store %arg10[%swap3A_350, %swap3A_351, %swap3A_352], %mul3A_346 {strides = array<i32>} : memref<2x128x128xf32, #tpu.memory_space<vmem>>, vector<16xf32>,
          %add3A_354 = arith.constant 1 : i32
          %add3A_355 = arith.addi %add3A_122, %add3A_354 : i32
          %get3A_356 = arith.constant 1 : i32
          %get3A_357 = arith.index_cast %get3A_356 : i32 to index
          %get3A_358 = arith.index_cast %add3A_355 : i32 to index
          %get3A_359 = arith.constant 112 : index
          %get3A_360 = tpu.vector_load %arg10[%get3A_357, %get3A_358, %get3A_359] {strides = array<i32>} : memref<2x128x128xf32, #tpu.memory_space<vmem>>, vector<16xf32>,
          %mul3A_361 = arith.mulf %get3A_360, %gather3A_248 : vector<16xf32>
          %add3A_362 = arith.constant 1 : i32
          %add3A_363 = arith.addi %add3A_122, %add3A_362 : i32
          %swap3A_364 = arith.constant 1 : i32
          %swap3A_365 = arith.index_cast %swap3A_364 : i32 to index
          %swap3A_366 = arith.index_cast %add3A_363 : i32 to index
          %swap3A_367 = arith.constant 112 : index
          %swap3A_368 = tpu.vector_load %arg10[%swap3A_365, %swap3A_366, %swap3A_367] {strides = array<i32>} : memref<2x128x128xf32, #tpu.memory_space<vmem>>, vector<16xf32>,
          tpu.vector_store %arg10[%swap3A_365, %swap3A_366, %swap3A_367], %mul3A_361 {strides = array<i32>} : memref<2x128x128xf32, #tpu.memory_space<vmem>>, vector<16xf32>,
        }
        %scan3A_108 = arith.constant 64 : i32
        %run_scoped3A_109 = arith.constant 1 : i32
        "tpu.region"() ({
          %run_scoped3A_118 = tpu.sem_alloc : memref<!tpu.dma_semaphore, #tpu.memory_space<semaphore_mem>>
          %dma_start3A_119 = arith.constant 0 : i32
          %dma_start3A_120 = arith.constant 0 : i32
          %dma_start3A_121 = tpu.memref_slice %arg10[%run_scoped3A_109, %dma_start3A_119, %dma_start3A_120] : memref<2x128x128xf32, #tpu.memory_space<vmem>> -> memref<1x128x128xf32, #tpu.memory_space<vmem>>
          %dma_start3A_122 = tpu.memref_squeeze %dma_start3A_121 : memref<1x128x128xf32, #tpu.memory_space<vmem>> -> memref<128x128xf32, #tpu.memory_space<vmem>>
          %dma_start3A_123 = arith.constant 0 : i32
          %dma_start3A_124 = tpu.memref_slice %arg8[%add3A_92, %dma_start3A_123] : memref<40x128xi32, #tpu.memory_space<vmem>> -> memref<1x128xi32, #tpu.memory_space<vmem>>
          %dma_start3A_125 = tpu.memref_squeeze %dma_start3A_124 : memref<1x128xi32, #tpu.memory_space<vmem>> -> memref<128xi32, #tpu.memory_space<vmem>>
          %dma_start3A_126 = arith.constant 0 : i32
          %dma_start3A_127 = arith.constant 0 : i32
          %dma_start3A_128 = tpu.memref_slice %arg11[%dma_start3A_126, %dma_start3A_127] : memref<10240x128xf32, #tpu.memory_space<vmem_shared>> -> memref<10240x128xf32, #tpu.memory_space<vmem_shared>>
          tpu.enqueue_indirect_dma source(%dma_start3A_122 : memref<128x128xf32, #tpu.memory_space<vmem>>) target(%dma_start3A_128 : memref<10240x128xf32, #tpu.memory_space<vmem_shared>>) offsets(%dma_start3A_125 : memref<128xi32, #tpu.memory_space<vmem>>) semaphore(%run_scoped3A_118 : memref<!tpu.dma_semaphore, #tpu.memory_space<semaphore_mem>>) {add = true}
          %dma_wait3A_129 = arith.constant 0 : i32
          %dma_wait3A_130 = arith.constant 0 : i32
          %dma_wait3A_131 = tpu.memref_slice %arg10[%run_scoped3A_109, %dma_wait3A_129, %dma_wait3A_130] : memref<2x128x128xf32, #tpu.memory_space<vmem>> -> memref<1x128x128xf32, #tpu.memory_space<vmem>>
          %dma_wait3A_132 = tpu.memref_squeeze %dma_wait3A_131 : memref<1x128x128xf32, #tpu.memory_space<vmem>> -> memref<128x128xf32, #tpu.memory_space<vmem>>
          %dma_wait3A_133 = arith.constant 0 : i32
          %dma_wait3A_134 = tpu.memref_slice %arg8[%add3A_92, %dma_wait3A_133] : memref<40x128xi32, #tpu.memory_space<vmem>> -> memref<1x128xi32, #tpu.memory_space<vmem>>
          %dma_wait3A_135 = tpu.memref_squeeze %dma_wait3A_134 : memref<1x128xi32, #tpu.memory_space<vmem>> -> memref<128xi32, #tpu.memory_space<vmem>>
          %dma_wait3A_136 = arith.constant 0 : i32
          %dma_wait3A_137 = arith.constant 0 : i32
          %dma_wait3A_138 = tpu.memref_slice %arg11[%dma_wait3A_136, %dma_wait3A_137] : memref<10240x128xf32, #tpu.memory_space<vmem_shared>> -> memref<10240x128xf32, #tpu.memory_space<vmem_shared>>
          tpu.wait_indirect_dma semaphore(%run_scoped3A_118 : memref<!tpu.dma_semaphore, #tpu.memory_space<semaphore_mem>>) src(%dma_wait3A_132 : memref<128x128xf32, #tpu.memory_space<vmem>>) dst(%dma_wait3A_138 : memref<10240x128xf32, #tpu.memory_space<vmem_shared>>)
          tpu.yield
        }) : () -> ()
        %add3A_110 = arith.constant 2 : i32
        %add3A_111 = arith.addi %add3A_92, %add3A_110 : i32
        %lt3A_112 = arith.constant 40 : i32
        %lt3A_113 = arith.cmpi slt, %add3A_111, %lt3A_112 : i32
        %convert_element_type3A_114 = arith.extui %lt3A_113 : i1 to i32
        %cond3A_115 = arith.constant 1 : i32
        %cond3A_116 = arith.constant 0 : i32
        %cond3A_117 = arith.cmpi ne, %convert_element_type3A_114, %cond3A_116 : i32
        scf.if %cond3A_117 {
          %add3A_118 = arith.constant 2 : i32
          %add3A_119 = arith.addi %add3A_92, %add3A_118 : i32
          %dma_start3A_120 = arith.constant 0 : i32
          %dma_start3A_121 = arith.constant 0 : i32
          %dma_start3A_122 = tpu.memref_slice %arg10[%cond3A_115, %dma_start3A_120, %dma_start3A_121] : memref<2x128x128xf32, #tpu.memory_space<vmem>> -> memref<1x128x128xf32, #tpu.memory_space<vmem>>
          %dma_start3A_123 = tpu.memref_squeeze %dma_start3A_122 : memref<1x128x128xf32, #tpu.memory_space<vmem>> -> memref<128x128xf32, #tpu.memory_space<vmem>>
          %dma_start3A_124 = arith.constant 0 : i32
          %dma_start3A_125 = tpu.memref_slice %arg7[%add3A_119, %dma_start3A_124] : memref<40x128xi32, #tpu.memory_space<vmem>> -> memref<1x128xi32, #tpu.memory_space<vmem>>
          %dma_start3A_126 = tpu.memref_squeeze %dma_start3A_125 : memref<1x128xi32, #tpu.memory_space<vmem>> -> memref<128xi32, #tpu.memory_space<vmem>>
          %dma_start3A_127 = arith.constant 0 : i32
          %dma_start3A_128 = arith.constant 0 : i32
          %dma_start3A_129 = tpu.memref_slice %arg2[%dma_start3A_127, %dma_start3A_128] : memref<10000x128xf32, #tpu.memory_space<hbm>> -> memref<10000x128xf32, #tpu.memory_space<hbm>>
          tpu.enqueue_indirect_dma source(%dma_start3A_129 : memref<10000x128xf32, #tpu.memory_space<hbm>>) target(%dma_start3A_123 : memref<128x128xf32, #tpu.memory_space<vmem>>) offsets(%dma_start3A_126 : memref<128xi32, #tpu.memory_space<vmem>>) semaphore(%arg13 : memref<!tpu.dma_semaphore, #tpu.memory_space<semaphore_mem>>)
        } else {
        }
      }
      %scan3A_60 = arith.constant 20 : i32
      %scan3A_61 = arith.constant 1 : i32
    } else {
    }
    %barrier3A_18 = arith.constant 0 : index
    tpu.barrier barrier_id(%barrier3A_18)
    %scan3A_19 = arith.constant 0 : i32
    %scan3A_20 = arith.constant 5 : i32
    %scan3A_21 = arith.addi %scan3A_19, %scan3A_20 : i32
    %scan3A_22 = arith.constant 1 : i32
    scf.for %scan3A_24 = %scan3A_19 to %scan3A_21 step %scan3A_22  : i32 {
      %mul3A_25 = arith.constant 128 : i32
      %mul3A_26 = arith.muli %scan3A_24, %mul3A_25 : i32
      %add3A_27 = arith.constant 0 : i32
      %add3A_28 = arith.addi %add3A_27, %mul3A_26 : i32
      %mul3A_29 = arith.constant 640 : i32
      %mul3A_30 = arith.muli %arg1, %mul3A_29 : i32
      %add3A_31 = arith.addi %mul3A_30, %add3A_28 : i32
      "tpu.region"() ({
        %run_scoped3A = tpu.sem_alloc : memref<!tpu.dma_semaphore, #tpu.memory_space<semaphore_mem>>
        %dma_start3A = arith.constant 0 : i32
        %dma_start3A_32 = tpu.memref_slice %arg6[%arg0, %add3A_31, %dma_start3A] : memref<2x10240x128xf32, #tpu.memory_space<hbm>> -> memref<1x128x128xf32, #tpu.memory_space<hbm>>
        %dma_start3A_33 = tpu.memref_squeeze %dma_start3A_32 : memref<1x128x128xf32, #tpu.memory_space<hbm>> -> memref<128x128xf32, #tpu.memory_space<hbm>>
        %dma_start3A_34 = arith.constant 0 : i32
        %dma_start3A_35 = tpu.memref_slice %arg11[%add3A_31, %dma_start3A_34] : memref<10240x128xf32, #tpu.memory_space<vmem_shared>> -> memref<128x128xf32, #tpu.memory_space<vmem_shared>>
        tpu.enqueue_dma source(%dma_start3A_35 : memref<128x128xf32, #tpu.memory_space<vmem_shared>>) target(%dma_start3A_33 : memref<128x128xf32, #tpu.memory_space<hbm>>) target_semaphore(%run_scoped3A : memref<!tpu.dma_semaphore, #tpu.memory_space<semaphore_mem>>)
        %dma_wait3A = arith.constant 0 : i32
        %dma_wait3A_36 = tpu.memref_slice %arg6[%arg0, %add3A_31, %dma_wait3A] : memref<2x10240x128xf32, #tpu.memory_space<hbm>> -> memref<1x128x128xf32, #tpu.memory_space<hbm>>
        %dma_wait3A_37 = tpu.memref_squeeze %dma_wait3A_36 : memref<1x128x128xf32, #tpu.memory_space<hbm>> -> memref<128x128xf32, #tpu.memory_space<hbm>>
        %dma_wait3A_38 = arith.constant 0 : i32
        %dma_wait3A_39 = tpu.memref_slice %arg11[%add3A_31, %dma_wait3A_38] : memref<10240x128xf32, #tpu.memory_space<vmem_shared>> -> memref<128x128xf32, #tpu.memory_space<vmem_shared>>
        tpu.wait_dma2 semaphore(%run_scoped3A : memref<!tpu.dma_semaphore, #tpu.memory_space<semaphore_mem>>) src(%dma_wait3A_39 : memref<128x128xf32, #tpu.memory_space<vmem_shared>>) dst(%dma_wait3A_37 : memref<128x128xf32, #tpu.memory_space<hbm>>)
        tpu.yield
      }) : () -> ()
    }
    %scan3A_23 = arith.constant 5 : i32
    return
  }
}

#map = affine_map<(d0, d1) -> (0, 0, 0)>
#map1 = affine_map<(d0, d1) -> (0, 0)>
module attributes {stable_mosaic.version = 14 : i64} {
  func.func @_deg_kernel(%arg0: i32, %arg1: i32, %arg2: memref<32x80x128xi32, #tpu.memory_space<hbm>>, %arg3: memref<32x80x128xf32, #tpu.memory_space<hbm>>, %arg4: memref<2x10240xf32, #tpu.memory_space<hbm>>, %arg5: memref<80x128xi32, #tpu.memory_space<vmem>>, %arg6: memref<80x128xf32, #tpu.memory_space<vmem>>, %arg7: memref<640xf32, #tpu.memory_space<vmem>>, %arg8: memref<10240xf32, #tpu.memory_space<vmem_shared>>) attributes {dimension_semantics = [#tpu.dimension_semantics<core_parallel>, #tpu.dimension_semantics<subcore_parallel>], iteration_bounds = array<i64: 2, 16>, scalar_prefetch = 0 : i64, scratch_operands = 4 : i64, tpu.core_type = #tpu.core_type<sc_vector_subcore>, window_params = [{transform_indices = #map}, {transform_indices = #map}, {transform_indices = #map1}]} {
    %mul3A = arith.constant 2 : i32
    %mul3A_0 = arith.muli %arg1, %mul3A : i32
    %add3A = arith.addi %mul3A_0, %arg0 : i32
    "tpu.region"() ({
      %run_scoped3A = tpu.sem_alloc : memref<!tpu.dma_semaphore, #tpu.memory_space<semaphore_mem>>
      %dma_start3A = arith.constant 0 : i32
      %dma_start3A_18 = arith.constant 0 : i32
      %dma_start3A_19 = tpu.memref_slice %arg2[%add3A, %dma_start3A, %dma_start3A_18] : memref<32x80x128xi32, #tpu.memory_space<hbm>> -> memref<1x80x128xi32, #tpu.memory_space<hbm>>
      %dma_start3A_20 = tpu.memref_squeeze %dma_start3A_19 : memref<1x80x128xi32, #tpu.memory_space<hbm>> -> memref<80x128xi32, #tpu.memory_space<hbm>>
      %dma_start3A_21 = arith.constant 0 : i32
      %dma_start3A_22 = arith.constant 0 : i32
      %dma_start3A_23 = tpu.memref_slice %arg2[%add3A, %dma_start3A_21, %dma_start3A_22] : memref<32x80x128xi32, #tpu.memory_space<hbm>> -> memref<1x80x128xi32, #tpu.memory_space<hbm>>
      %dma_start3A_24 = tpu.memref_squeeze %dma_start3A_23 : memref<1x80x128xi32, #tpu.memory_space<hbm>> -> memref<80x128xi32, #tpu.memory_space<hbm>>
      tpu.enqueue_dma source(%dma_start3A_24 : memref<80x128xi32, #tpu.memory_space<hbm>>) target(%arg5 : memref<80x128xi32, #tpu.memory_space<vmem>>) target_semaphore(%run_scoped3A : memref<!tpu.dma_semaphore, #tpu.memory_space<semaphore_mem>>)
      %dma_wait3A = arith.constant 0 : i32
      %dma_wait3A_25 = arith.constant 0 : i32
      %dma_wait3A_26 = tpu.memref_slice %arg2[%add3A, %dma_wait3A, %dma_wait3A_25] : memref<32x80x128xi32, #tpu.memory_space<hbm>> -> memref<1x80x128xi32, #tpu.memory_space<hbm>>
      %dma_wait3A_27 = tpu.memref_squeeze %dma_wait3A_26 : memref<1x80x128xi32, #tpu.memory_space<hbm>> -> memref<80x128xi32, #tpu.memory_space<hbm>>
      %dma_wait3A_28 = arith.constant 0 : i32
      %dma_wait3A_29 = arith.constant 0 : i32
      %dma_wait3A_30 = tpu.memref_slice %arg2[%add3A, %dma_wait3A_28, %dma_wait3A_29] : memref<32x80x128xi32, #tpu.memory_space<hbm>> -> memref<1x80x128xi32, #tpu.memory_space<hbm>>
      %dma_wait3A_31 = tpu.memref_squeeze %dma_wait3A_30 : memref<1x80x128xi32, #tpu.memory_space<hbm>> -> memref<80x128xi32, #tpu.memory_space<hbm>>
      tpu.wait_dma2 semaphore(%run_scoped3A : memref<!tpu.dma_semaphore, #tpu.memory_space<semaphore_mem>>) src(%dma_wait3A_31 : memref<80x128xi32, #tpu.memory_space<hbm>>) dst(%arg5 : memref<80x128xi32, #tpu.memory_space<vmem>>)
      tpu.yield
    }) : () -> ()
    "tpu.region"() ({
      %run_scoped3A = tpu.sem_alloc : memref<!tpu.dma_semaphore, #tpu.memory_space<semaphore_mem>>
      %dma_start3A = arith.constant 0 : i32
      %dma_start3A_18 = arith.constant 0 : i32
      %dma_start3A_19 = tpu.memref_slice %arg3[%add3A, %dma_start3A, %dma_start3A_18] : memref<32x80x128xf32, #tpu.memory_space<hbm>> -> memref<1x80x128xf32, #tpu.memory_space<hbm>>
      %dma_start3A_20 = tpu.memref_squeeze %dma_start3A_19 : memref<1x80x128xf32, #tpu.memory_space<hbm>> -> memref<80x128xf32, #tpu.memory_space<hbm>>
      %dma_start3A_21 = arith.constant 0 : i32
      %dma_start3A_22 = arith.constant 0 : i32
      %dma_start3A_23 = tpu.memref_slice %arg3[%add3A, %dma_start3A_21, %dma_start3A_22] : memref<32x80x128xf32, #tpu.memory_space<hbm>> -> memref<1x80x128xf32, #tpu.memory_space<hbm>>
      %dma_start3A_24 = tpu.memref_squeeze %dma_start3A_23 : memref<1x80x128xf32, #tpu.memory_space<hbm>> -> memref<80x128xf32, #tpu.memory_space<hbm>>
      tpu.enqueue_dma source(%dma_start3A_24 : memref<80x128xf32, #tpu.memory_space<hbm>>) target(%arg6 : memref<80x128xf32, #tpu.memory_space<vmem>>) target_semaphore(%run_scoped3A : memref<!tpu.dma_semaphore, #tpu.memory_space<semaphore_mem>>)
      %dma_wait3A = arith.constant 0 : i32
      %dma_wait3A_25 = arith.constant 0 : i32
      %dma_wait3A_26 = tpu.memref_slice %arg3[%add3A, %dma_wait3A, %dma_wait3A_25] : memref<32x80x128xf32, #tpu.memory_space<hbm>> -> memref<1x80x128xf32, #tpu.memory_space<hbm>>
      %dma_wait3A_27 = tpu.memref_squeeze %dma_wait3A_26 : memref<1x80x128xf32, #tpu.memory_space<hbm>> -> memref<80x128xf32, #tpu.memory_space<hbm>>
      %dma_wait3A_28 = arith.constant 0 : i32
      %dma_wait3A_29 = arith.constant 0 : i32
      %dma_wait3A_30 = tpu.memref_slice %arg3[%add3A, %dma_wait3A_28, %dma_wait3A_29] : memref<32x80x128xf32, #tpu.memory_space<hbm>> -> memref<1x80x128xf32, #tpu.memory_space<hbm>>
      %dma_wait3A_31 = tpu.memref_squeeze %dma_wait3A_30 : memref<1x80x128xf32, #tpu.memory_space<hbm>> -> memref<80x128xf32, #tpu.memory_space<hbm>>
      tpu.wait_dma2 semaphore(%run_scoped3A : memref<!tpu.dma_semaphore, #tpu.memory_space<semaphore_mem>>) src(%dma_wait3A_31 : memref<80x128xf32, #tpu.memory_space<hbm>>) dst(%arg6 : memref<80x128xf32, #tpu.memory_space<vmem>>)
      tpu.yield
    }) : () -> ()
    %broadcast_in_dim3A = arith.constant 0.000000e+00 : f32
    %broadcast_in_dim3A_1 = vector.broadcast %broadcast_in_dim3A : f32 to vector<16xf32>
    %scan3A = arith.constant 0 : i32
    %scan3A_2 = arith.constant 40 : i32
    %scan3A_3 = arith.addi %scan3A, %scan3A_2 : i32
    %scan3A_4 = arith.constant 1 : i32
    scf.for %scan3A_18 = %scan3A to %scan3A_3 step %scan3A_4  : i32 {
      %mul3A_19 = arith.constant 16 : i32
      %mul3A_20 = arith.muli %scan3A_18, %mul3A_19 : i32
      %add3A_21 = arith.constant 0 : i32
      %add3A_22 = arith.addi %add3A_21, %mul3A_20 : i32
      %swap3A = arith.index_cast %add3A_22 : i32 to index
      %swap3A_23 = tpu.vector_load %arg7[%swap3A] {strides = array<i32>} : memref<640xf32, #tpu.memory_space<vmem>>, vector<16xf32>,
      tpu.vector_store %arg7[%swap3A], %broadcast_in_dim3A_1 {strides = array<i32>} : memref<640xf32, #tpu.memory_space<vmem>>, vector<16xf32>,
    }
    %scan3A_5 = arith.constant 40 : i32
    %mul3A_6 = arith.constant 640 : i32
    %mul3A_7 = arith.muli %arg1, %mul3A_6 : i32
    "tpu.region"() ({
      %run_scoped3A = tpu.sem_alloc : memref<!tpu.dma_semaphore, #tpu.memory_space<semaphore_mem>>
      %dma_start3A = tpu.memref_slice %arg8[%mul3A_7] : memref<10240xf32, #tpu.memory_space<vmem_shared>> -> memref<640xf32, #tpu.memory_space<vmem_shared>>
      %dma_start3A_18 = tpu.memref_slice %arg8[%mul3A_7] : memref<10240xf32, #tpu.memory_space<vmem_shared>> -> memref<640xf32, #tpu.memory_space<vmem_shared>>
      tpu.enqueue_dma source(%arg7 : memref<640xf32, #tpu.memory_space<vmem>>) target(%dma_start3A_18 : memref<640xf32, #tpu.memory_space<vmem_shared>>) target_semaphore(%run_scoped3A : memref<!tpu.dma_semaphore, #tpu.memory_space<semaphore_mem>>)
      %dma_wait3A = tpu.memref_slice %arg8[%mul3A_7] : memref<10240xf32, #tpu.memory_space<vmem_shared>> -> memref<640xf32, #tpu.memory_space<vmem_shared>>
      %dma_wait3A_19 = tpu.memref_slice %arg8[%mul3A_7] : memref<10240xf32, #tpu.memory_space<vmem_shared>> -> memref<640xf32, #tpu.memory_space<vmem_shared>>
      tpu.wait_dma2 semaphore(%run_scoped3A : memref<!tpu.dma_semaphore, #tpu.memory_space<semaphore_mem>>) src(%arg7 : memref<640xf32, #tpu.memory_space<vmem>>) dst(%dma_wait3A_19 : memref<640xf32, #tpu.memory_space<vmem_shared>>)
      tpu.yield
    }) : () -> ()
    %barrier3A = arith.constant 0 : index
    tpu.barrier barrier_id(%barrier3A)
    %scan3A_8 = arith.constant 0 : i32
    %scan3A_9 = arith.constant 80 : i32
    %scan3A_10 = arith.addi %scan3A_8, %scan3A_9 : i32
    %scan3A_11 = arith.constant 1 : i32
    scf.for %scan3A_18 = %scan3A_8 to %scan3A_10 step %scan3A_11  : i32 {
      %mul3A_19 = arith.constant 1 : i32
      %mul3A_20 = arith.muli %scan3A_18, %mul3A_19 : i32
      %add3A_21 = arith.constant 0 : i32
      %add3A_22 = arith.addi %add3A_21, %mul3A_20 : i32
      "tpu.region"() ({
        %run_scoped3A = tpu.sem_alloc : memref<!tpu.dma_semaphore, #tpu.memory_space<semaphore_mem>>
        %dma_start3A = arith.constant 0 : i32
        %dma_start3A_23 = tpu.memref_slice %arg6[%add3A_22, %dma_start3A] : memref<80x128xf32, #tpu.memory_space<vmem>> -> memref<1x128xf32, #tpu.memory_space<vmem>>
        %dma_start3A_24 = tpu.memref_squeeze %dma_start3A_23 : memref<1x128xf32, #tpu.memory_space<vmem>> -> memref<128xf32, #tpu.memory_space<vmem>>
        %dma_start3A_25 = arith.constant 0 : i32
        %dma_start3A_26 = tpu.memref_slice %arg5[%add3A_22, %dma_start3A_25] : memref<80x128xi32, #tpu.memory_space<vmem>> -> memref<1x128xi32, #tpu.memory_space<vmem>>
        %dma_start3A_27 = tpu.memref_squeeze %dma_start3A_26 : memref<1x128xi32, #tpu.memory_space<vmem>> -> memref<128xi32, #tpu.memory_space<vmem>>
        %dma_start3A_28 = arith.constant 0 : i32
        %dma_start3A_29 = tpu.memref_slice %arg8[%dma_start3A_28] : memref<10240xf32, #tpu.memory_space<vmem_shared>> -> memref<10240xf32, #tpu.memory_space<vmem_shared>>
        tpu.enqueue_indirect_dma source(%dma_start3A_24 : memref<128xf32, #tpu.memory_space<vmem>>) target(%dma_start3A_29 : memref<10240xf32, #tpu.memory_space<vmem_shared>>) offsets(%dma_start3A_27 : memref<128xi32, #tpu.memory_space<vmem>>) semaphore(%run_scoped3A : memref<!tpu.dma_semaphore, #tpu.memory_space<semaphore_mem>>) {add = true}
        %dma_wait3A = arith.constant 0 : i32
        %dma_wait3A_30 = tpu.memref_slice %arg6[%add3A_22, %dma_wait3A] : memref<80x128xf32, #tpu.memory_space<vmem>> -> memref<1x128xf32, #tpu.memory_space<vmem>>
        %dma_wait3A_31 = tpu.memref_squeeze %dma_wait3A_30 : memref<1x128xf32, #tpu.memory_space<vmem>> -> memref<128xf32, #tpu.memory_space<vmem>>
        %dma_wait3A_32 = arith.constant 0 : i32
        %dma_wait3A_33 = tpu.memref_slice %arg5[%add3A_22, %dma_wait3A_32] : memref<80x128xi32, #tpu.memory_space<vmem>> -> memref<1x128xi32, #tpu.memory_space<vmem>>
        %dma_wait3A_34 = tpu.memref_squeeze %dma_wait3A_33 : memref<1x128xi32, #tpu.memory_space<vmem>> -> memref<128xi32, #tpu.memory_space<vmem>>
        %dma_wait3A_35 = arith.constant 0 : i32
        %dma_wait3A_36 = tpu.memref_slice %arg8[%dma_wait3A_35] : memref<10240xf32, #tpu.memory_space<vmem_shared>> -> memref<10240xf32, #tpu.memory_space<vmem_shared>>
        tpu.wait_indirect_dma semaphore(%run_scoped3A : memref<!tpu.dma_semaphore, #tpu.memory_space<semaphore_mem>>) src(%dma_wait3A_31 : memref<128xf32, #tpu.memory_space<vmem>>) dst(%dma_wait3A_36 : memref<10240xf32, #tpu.memory_space<vmem_shared>>)
        tpu.yield
      }) : () -> ()
    }
    %scan3A_12 = arith.constant 80 : i32
    %barrier3A_13 = arith.constant 0 : index
    tpu.barrier barrier_id(%barrier3A_13)
    %mul3A_14 = arith.constant 640 : i32
    %mul3A_15 = arith.muli %arg1, %mul3A_14 : i32
    %mul3A_16 = arith.constant 640 : i32
    %mul3A_17 = arith.muli %arg1, %mul3A_16 : i32
    "tpu.region"() ({
      %run_scoped3A = tpu.sem_alloc : memref<!tpu.dma_semaphore, #tpu.memory_space<semaphore_mem>>
      %dma_start3A = tpu.memref_slice %arg4[%arg0, %mul3A_17] : memref<2x10240xf32, #tpu.memory_space<hbm>> -> memref<1x640xf32, #tpu.memory_space<hbm>>
      %dma_start3A_18 = tpu.memref_squeeze %dma_start3A : memref<1x640xf32, #tpu.memory_space<hbm>> -> memref<640xf32, #tpu.memory_space<hbm>>
      %dma_start3A_19 = tpu.memref_slice %arg8[%mul3A_15] : memref<10240xf32, #tpu.memory_space<vmem_shared>> -> memref<640xf32, #tpu.memory_space<vmem_shared>>
      tpu.enqueue_dma source(%dma_start3A_19 : memref<640xf32, #tpu.memory_space<vmem_shared>>) target(%dma_start3A_18 : memref<640xf32, #tpu.memory_space<hbm>>) target_semaphore(%run_scoped3A : memref<!tpu.dma_semaphore, #tpu.memory_space<semaphore_mem>>)
      %dma_wait3A = tpu.memref_slice %arg4[%arg0, %mul3A_17] : memref<2x10240xf32, #tpu.memory_space<hbm>> -> memref<1x640xf32, #tpu.memory_space<hbm>>
      %dma_wait3A_20 = tpu.memref_squeeze %dma_wait3A : memref<1x640xf32, #tpu.memory_space<hbm>> -> memref<640xf32, #tpu.memory_space<hbm>>
      %dma_wait3A_21 = tpu.memref_slice %arg8[%mul3A_15] : memref<10240xf32, #tpu.memory_space<vmem_shared>> -> memref<640xf32, #tpu.memory_space<vmem_shared>>
      tpu.wait_dma2 semaphore(%run_scoped3A : memref<!tpu.dma_semaphore, #tpu.memory_space<semaphore_mem>>) src(%dma_wait3A_21 : memref<640xf32, #tpu.memory_space<vmem_shared>>) dst(%dma_wait3A_20 : memref<640xf32, #tpu.memory_space<hbm>>)
      tpu.yield
    }) : () -> ()
    return
  }
}

#map = affine_map<(d0, d1) -> (0, 0)>
#map1 = affine_map<(d0, d1) -> (0, 0, 0)>
module attributes {stable_mosaic.version = 14 : i64} {
  func.func @_msg_kernel(%arg0: i32, %arg1: i32, %arg2: memref<10000x128xf32, #tpu.memory_space<hbm>>, %arg3: memref<16x160x128xi32, #tpu.memory_space<hbm>>, %arg4: memref<16x160x128xi32, #tpu.memory_space<hbm>>, %arg5: memref<16x160x128xf32, #tpu.memory_space<hbm>>, %arg6: memref<2x10240x128xf32, #tpu.memory_space<hbm>>, %arg7: memref<40x128xi32, #tpu.memory_space<vmem>>, %arg8: memref<40x128xi32, #tpu.memory_space<vmem>>, %arg9: memref<40x128xf32, #tpu.memory_space<vmem>>, %arg10: memref<2x128x128xf32, #tpu.memory_space<vmem>>, %arg11: memref<10240x128xf32, #tpu.memory_space<vmem_shared>>, %arg12: memref<!tpu.dma_semaphore, #tpu.memory_space<semaphore_mem>>, %arg13: memref<!tpu.dma_semaphore, #tpu.memory_space<semaphore_mem>>) attributes {dimension_semantics = [#tpu.dimension_semantics<core_parallel>, #tpu.dimension_semantics<subcore_parallel>], iteration_bounds = array<i64: 2, 16>, scalar_prefetch = 0 : i64, scratch_operands = 7 : i64, tpu.core_type = #tpu.core_type<sc_vector_subcore>, window_params = [{transform_indices = #map}, {transform_indices = #map1}, {transform_indices = #map1}, {transform_indices = #map1}, {transform_indices = #map1}]} {
    %mul3A = arith.constant 2 : i32
    %mul3A_0 = arith.muli %arg1, %mul3A : i32
    %add3A = arith.addi %mul3A_0, %arg0 : i32
    %broadcast_in_dim3A = arith.constant 0.000000e+00 : f32
    %broadcast_in_dim3A_1 = vector.broadcast %broadcast_in_dim3A : f32 to vector<16xf32>
    %scan3A = arith.constant 0 : i32
    %scan3A_2 = arith.constant 128 : i32
    %scan3A_3 = arith.addi %scan3A, %scan3A_2 : i32
    %scan3A_4 = arith.constant 1 : i32
    scf.for %scan3A_24 = %scan3A to %scan3A_3 step %scan3A_4  : i32 {
      %mul3A_25 = arith.constant 1 : i32
      %mul3A_26 = arith.muli %scan3A_24, %mul3A_25 : i32
      %add3A_27 = arith.constant 0 : i32
      %add3A_28 = arith.addi %add3A_27, %mul3A_26 : i32
      %swap3A = arith.constant 0 : i32
      %swap3A_29 = arith.index_cast %swap3A : i32 to index
      %swap3A_30 = arith.index_cast %add3A_28 : i32 to index
      %swap3A_31 = arith.constant 0 : index
      %swap3A_32 = tpu.vector_load %arg10[%swap3A_29, %swap3A_30, %swap3A_31] {strides = array<i32>} : memref<2x128x128xf32, #tpu.memory_space<vmem>>, vector<16xf32>,
      tpu.vector_store %arg10[%swap3A_29, %swap3A_30, %swap3A_31], %broadcast_in_dim3A_1 {strides = array<i32>} : memref<2x128x128xf32, #tpu.memory_space<vmem>>, vector<16xf32>,
      %swap3A_33 = arith.constant 0 : i32
      %swap3A_34 = arith.index_cast %swap3A_33 : i32 to index
      %swap3A_35 = arith.index_cast %add3A_28 : i32 to index
      %swap3A_36 = arith.constant 16 : index
      %swap3A_37 = tpu.vector_load %arg10[%swap3A_34, %swap3A_35, %swap3A_36] {strides = array<i32>} : memref<2x128x128xf32, #tpu.memory_space<vmem>>, vector<16xf32>,
      tpu.vector_store %arg10[%swap3A_34, %swap3A_35, %swap3A_36], %broadcast_in_dim3A_1 {strides = array<i32>} : memref<2x128x128xf32, #tpu.memory_space<vmem>>, vector<16xf32>,
      %swap3A_38 = arith.constant 0 : i32
      %swap3A_39 = arith.index_cast %swap3A_38 : i32 to index
      %swap3A_40 = arith.index_cast %add3A_28 : i32 to index
      %swap3A_41 = arith.constant 32 : index
      %swap3A_42 = tpu.vector_load %arg10[%swap3A_39, %swap3A_40, %swap3A_41] {strides = array<i32>} : memref<2x128x128xf32, #tpu.memory_space<vmem>>, vector<16xf32>,
      tpu.vector_store %arg10[%swap3A_39, %swap3A_40, %swap3A_41], %broadcast_in_dim3A_1 {strides = array<i32>} : memref<2x128x128xf32, #tpu.memory_space<vmem>>, vector<16xf32>,
      %swap3A_43 = arith.constant 0 : i32
      %swap3A_44 = arith.index_cast %swap3A_43 : i32 to index
      %swap3A_45 = arith.index_cast %add3A_28 : i32 to index
      %swap3A_46 = arith.constant 48 : index
      %swap3A_47 = tpu.vector_load %arg10[%swap3A_44, %swap3A_45, %swap3A_46] {strides = array<i32>} : memref<2x128x128xf32, #tpu.memory_space<vmem>>, vector<16xf32>,
      tpu.vector_store %arg10[%swap3A_44, %swap3A_45, %swap3A_46], %broadcast_in_dim3A_1 {strides = array<i32>} : memref<2x128x128xf32, #tpu.memory_space<vmem>>, vector<16xf32>,
      %swap3A_48 = arith.constant 0 : i32
      %swap3A_49 = arith.index_cast %swap3A_48 : i32 to index
      %swap3A_50 = arith.index_cast %add3A_28 : i32 to index
      %swap3A_51 = arith.constant 64 : index
      %swap3A_52 = tpu.vector_load %arg10[%swap3A_49, %swap3A_50, %swap3A_51] {strides = array<i32>} : memref<2x128x128xf32, #tpu.memory_space<vmem>>, vector<16xf32>,
      tpu.vector_store %arg10[%swap3A_49, %swap3A_50, %swap3A_51], %broadcast_in_dim3A_1 {strides = array<i32>} : memref<2x128x128xf32, #tpu.memory_space<vmem>>, vector<16xf32>,
      %swap3A_53 = arith.constant 0 : i32
      %swap3A_54 = arith.index_cast %swap3A_53 : i32 to index
      %swap3A_55 = arith.index_cast %add3A_28 : i32 to index
      %swap3A_56 = arith.constant 80 : index
      %swap3A_57 = tpu.vector_load %arg10[%swap3A_54, %swap3A_55, %swap3A_56] {strides = array<i32>} : memref<2x128x128xf32, #tpu.memory_space<vmem>>, vector<16xf32>,
      tpu.vector_store %arg10[%swap3A_54, %swap3A_55, %swap3A_56], %broadcast_in_dim3A_1 {strides = array<i32>} : memref<2x128x128xf32, #tpu.memory_space<vmem>>, vector<16xf32>,
      %swap3A_58 = arith.constant 0 : i32
      %swap3A_59 = arith.index_cast %swap3A_58 : i32 to index
      %swap3A_60 = arith.index_cast %add3A_28 : i32 to index
      %swap3A_61 = arith.constant 96 : index
      %swap3A_62 = tpu.vector_load %arg10[%swap3A_59, %swap3A_60, %swap3A_61] {strides = array<i32>} : memref<2x128x128xf32, #tpu.memory_space<vmem>>, vector<16xf32>,
      tpu.vector_store %arg10[%swap3A_59, %swap3A_60, %swap3A_61], %broadcast_in_dim3A_1 {strides = array<i32>} : memref<2x128x128xf32, #tpu.memory_space<vmem>>, vector<16xf32>,
      %swap3A_63 = arith.constant 0 : i32
      %swap3A_64 = arith.index_cast %swap3A_63 : i32 to index
      %swap3A_65 = arith.index_cast %add3A_28 : i32 to index
      %swap3A_66 = arith.constant 112 : index
      %swap3A_67 = tpu.vector_load %arg10[%swap3A_64, %swap3A_65, %swap3A_66] {strides = array<i32>} : memref<2x128x128xf32, #tpu.memory_space<vmem>>, vector<16xf32>,
      tpu.vector_store %arg10[%swap3A_64, %swap3A_65, %swap3A_66], %broadcast_in_dim3A_1 {strides = array<i32>} : memref<2x128x128xf32, #tpu.memory_space<vmem>>, vector<16xf32>,
    }
    %scan3A_5 = arith.constant 128 : i32
    %scan3A_6 = arith.constant 0 : i32
    %scan3A_7 = arith.constant 5 : i32
    %scan3A_8 = arith.addi %scan3A_6, %scan3A_7 : i32
    %scan3A_9 = arith.constant 1 : i32
    scf.for %scan3A_24 = %scan3A_6 to %scan3A_8 step %scan3A_9  : i32 {
      %mul3A_25 = arith.constant 128 : i32
      %mul3A_26 = arith.muli %scan3A_24, %mul3A_25 : i32
      %add3A_27 = arith.constant 0 : i32
      %add3A_28 = arith.addi %add3A_27, %mul3A_26 : i32
      %mul3A_29 = arith.constant 640 : i32
      %mul3A_30 = arith.muli %arg1, %mul3A_29 : i32
      %add3A_31 = arith.addi %mul3A_30, %add3A_28 : i32
      %run_scoped3A = arith.constant 0 : i32
      "tpu.region"() ({
        %run_scoped3A_32 = tpu.sem_alloc : memref<!tpu.dma_semaphore, #tpu.memory_space<semaphore_mem>>
        %dma_start3A = arith.constant 0 : i32
        %dma_start3A_33 = arith.constant 0 : i32
        %dma_start3A_34 = tpu.memref_slice %arg10[%run_scoped3A, %dma_start3A, %dma_start3A_33] : memref<2x128x128xf32, #tpu.memory_space<vmem>> -> memref<1x128x128xf32, #tpu.memory_space<vmem>>
        %dma_start3A_35 = tpu.memref_squeeze %dma_start3A_34 : memref<1x128x128xf32, #tpu.memory_space<vmem>> -> memref<128x128xf32, #tpu.memory_space<vmem>>
        %dma_start3A_36 = arith.constant 0 : i32
        %dma_start3A_37 = tpu.memref_slice %arg11[%add3A_31, %dma_start3A_36] : memref<10240x128xf32, #tpu.memory_space<vmem_shared>> -> memref<128x128xf32, #tpu.memory_space<vmem_shared>>
        %dma_start3A_38 = arith.constant 0 : i32
        %dma_start3A_39 = tpu.memref_slice %arg11[%add3A_31, %dma_start3A_38] : memref<10240x128xf32, #tpu.memory_space<vmem_shared>> -> memref<128x128xf32, #tpu.memory_space<vmem_shared>>
        %dma_start3A_40 = arith.constant 0 : i32
        %dma_start3A_41 = arith.constant 0 : i32
        %dma_start3A_42 = tpu.memref_slice %arg10[%run_scoped3A, %dma_start3A_40, %dma_start3A_41] : memref<2x128x128xf32, #tpu.memory_space<vmem>> -> memref<1x128x128xf32, #tpu.memory_space<vmem>>
        %dma_start3A_43 = tpu.memref_squeeze %dma_start3A_42 : memref<1x128x128xf32, #tpu.memory_space<vmem>> -> memref<128x128xf32, #tpu.memory_space<vmem>>
        tpu.enqueue_dma source(%dma_start3A_43 : memref<128x128xf32, #tpu.memory_space<vmem>>) target(%dma_start3A_39 : memref<128x128xf32, #tpu.memory_space<vmem_shared>>) target_semaphore(%run_scoped3A_32 : memref<!tpu.dma_semaphore, #tpu.memory_space<semaphore_mem>>)
        %dma_wait3A = arith.constant 0 : i32
        %dma_wait3A_44 = arith.constant 0 : i32
        %dma_wait3A_45 = tpu.memref_slice %arg10[%run_scoped3A, %dma_wait3A, %dma_wait3A_44] : memref<2x128x128xf32, #tpu.memory_space<vmem>> -> memref<1x128x128xf32, #tpu.memory_space<vmem>>
        %dma_wait3A_46 = tpu.memref_squeeze %dma_wait3A_45 : memref<1x128x128xf32, #tpu.memory_space<vmem>> -> memref<128x128xf32, #tpu.memory_space<vmem>>
        %dma_wait3A_47 = arith.constant 0 : i32
        %dma_wait3A_48 = tpu.memref_slice %arg11[%add3A_31, %dma_wait3A_47] : memref<10240x128xf32, #tpu.memory_space<vmem_shared>> -> memref<128x128xf32, #tpu.memory_space<vmem_shared>>
        %dma_wait3A_49 = arith.constant 0 : i32
        %dma_wait3A_50 = tpu.memref_slice %arg11[%add3A_31, %dma_wait3A_49] : memref<10240x128xf32, #tpu.memory_space<vmem_shared>> -> memref<128x128xf32, #tpu.memory_space<vmem_shared>>
        %dma_wait3A_51 = arith.constant 0 : i32
        %dma_wait3A_52 = arith.constant 0 : i32
        %dma_wait3A_53 = tpu.memref_slice %arg10[%run_scoped3A, %dma_wait3A_51, %dma_wait3A_52] : memref<2x128x128xf32, #tpu.memory_space<vmem>> -> memref<1x128x128xf32, #tpu.memory_space<vmem>>
        %dma_wait3A_54 = tpu.memref_squeeze %dma_wait3A_53 : memref<1x128x128xf32, #tpu.memory_space<vmem>> -> memref<128x128xf32, #tpu.memory_space<vmem>>
        tpu.wait_dma2 semaphore(%run_scoped3A_32 : memref<!tpu.dma_semaphore, #tpu.memory_space<semaphore_mem>>) src(%dma_wait3A_54 : memref<128x128xf32, #tpu.memory_space<vmem>>) dst(%dma_wait3A_50 : memref<128x128xf32, #tpu.memory_space<vmem_shared>>)
        tpu.yield
      }) : () -> ()
    }
    %scan3A_10 = arith.constant 5 : i32
    %barrier3A = arith.constant 0 : index
    tpu.barrier barrier_id(%barrier3A)
    %eq3A = arith.constant 0 : i32
    %eq3A_11 = arith.cmpi eq, %arg0, %eq3A : i32
    %convert_element_type3A = arith.extui %eq3A_11 : i1 to i32
    %cond3A = arith.constant 0 : i32
    %cond3A_12 = arith.cmpi ne, %convert_element_type3A, %cond3A : i32
    scf.if %cond3A_12 {
      %scan3A_24 = arith.constant 0 : i32
      %scan3A_25 = arith.constant 3 : i32
      %scan3A_26 = arith.addi %scan3A_24, %scan3A_25 : i32
      %scan3A_27 = arith.constant 1 : i32
      scf.for %scan3A_29 = %scan3A_24 to %scan3A_26 step %scan3A_27  : i32 {
        %mul3A_30 = arith.constant 1 : i32
        %mul3A_31 = arith.muli %scan3A_29, %mul3A_30 : i32
        %add3A_32 = arith.constant 0 : i32
        %add3A_33 = arith.addi %add3A_32, %mul3A_31 : i32
        %mul3A_34 = arith.constant 40 : i32
        %mul3A_35 = arith.muli %add3A_33, %mul3A_34 : i32
        %add3A_36 = arith.constant 0 : i32
        %add3A_37 = arith.addi %add3A_36, %mul3A_35 : i32
        "tpu.region"() ({
          %run_scoped3A = tpu.sem_alloc : memref<!tpu.dma_semaphore, #tpu.memory_space<semaphore_mem>>
          %dma_start3A_66 = arith.constant 0 : i32
          %dma_start3A_67 = tpu.memref_slice %arg3[%arg1, %add3A_37, %dma_start3A_66] : memref<16x160x128xi32, #tpu.memory_space<hbm>> -> memref<1x40x128xi32, #tpu.memory_space<hbm>>
          %dma_start3A_68 = tpu.memref_squeeze %dma_start3A_67 : memref<1x40x128xi32, #tpu.memory_space<hbm>> -> memref<40x128xi32, #tpu.memory_space<hbm>>
          %dma_start3A_69 = arith.constant 0 : i32
          %dma_start3A_70 = tpu.memref_slice %arg3[%arg1, %add3A_37, %dma_start3A_69] : memref<16x160x128xi32, #tpu.memory_space<hbm>> -> memref<1x40x128xi32, #tpu.memory_space<hbm>>
          %dma_start3A_71 = tpu.memref_squeeze %dma_start3A_70 : memref<1x40x128xi32, #tpu.memory_space<hbm>> -> memref<40x128xi32, #tpu.memory_space<hbm>>
          tpu.enqueue_dma source(%dma_start3A_71 : memref<40x128xi32, #tpu.memory_space<hbm>>) target(%arg7 : memref<40x128xi32, #tpu.memory_space<vmem>>) target_semaphore(%run_scoped3A : memref<!tpu.dma_semaphore, #tpu.memory_space<semaphore_mem>>)
          %dma_wait3A = arith.constant 0 : i32
          %dma_wait3A_72 = tpu.memref_slice %arg3[%arg1, %add3A_37, %dma_wait3A] : memref<16x160x128xi32, #tpu.memory_space<hbm>> -> memref<1x40x128xi32, #tpu.memory_space<hbm>>
          %dma_wait3A_73 = tpu.memref_squeeze %dma_wait3A_72 : memref<1x40x128xi32, #tpu.memory_space<hbm>> -> memref<40x128xi32, #tpu.memory_space<hbm>>
          %dma_wait3A_74 = arith.constant 0 : i32
          %dma_wait3A_75 = tpu.memref_slice %arg3[%arg1, %add3A_37, %dma_wait3A_74] : memref<16x160x128xi32, #tpu.memory_space<hbm>> -> memref<1x40x128xi32, #tpu.memory_space<hbm>>
          %dma_wait3A_76 = tpu.memref_squeeze %dma_wait3A_75 : memref<1x40x128xi32, #tpu.memory_space<hbm>> -> memref<40x128xi32, #tpu.memory_space<hbm>>
          tpu.wait_dma2 semaphore(%run_scoped3A : memref<!tpu.dma_semaphore, #tpu.memory_space<semaphore_mem>>) src(%dma_wait3A_76 : memref<40x128xi32, #tpu.memory_space<hbm>>) dst(%arg7 : memref<40x128xi32, #tpu.memory_space<vmem>>)
          tpu.yield
        }) : () -> ()
        "tpu.region"() ({
          %run_scoped3A = tpu.sem_alloc : memref<!tpu.dma_semaphore, #tpu.memory_space<semaphore_mem>>
          %dma_start3A_66 = arith.constant 0 : i32
          %dma_start3A_67 = tpu.memref_slice %arg4[%arg1, %add3A_37, %dma_start3A_66] : memref<16x160x128xi32, #tpu.memory_space<hbm>> -> memref<1x40x128xi32, #tpu.memory_space<hbm>>
          %dma_start3A_68 = tpu.memref_squeeze %dma_start3A_67 : memref<1x40x128xi32, #tpu.memory_space<hbm>> -> memref<40x128xi32, #tpu.memory_space<hbm>>
          %dma_start3A_69 = arith.constant 0 : i32
          %dma_start3A_70 = tpu.memref_slice %arg4[%arg1, %add3A_37, %dma_start3A_69] : memref<16x160x128xi32, #tpu.memory_space<hbm>> -> memref<1x40x128xi32, #tpu.memory_space<hbm>>
          %dma_start3A_71 = tpu.memref_squeeze %dma_start3A_70 : memref<1x40x128xi32, #tpu.memory_space<hbm>> -> memref<40x128xi32, #tpu.memory_space<hbm>>
          tpu.enqueue_dma source(%dma_start3A_71 : memref<40x128xi32, #tpu.memory_space<hbm>>) target(%arg8 : memref<40x128xi32, #tpu.memory_space<vmem>>) target_semaphore(%run_scoped3A : memref<!tpu.dma_semaphore, #tpu.memory_space<semaphore_mem>>)
          %dma_wait3A = arith.constant 0 : i32
          %dma_wait3A_72 = tpu.memref_slice %arg4[%arg1, %add3A_37, %dma_wait3A] : memref<16x160x128xi32, #tpu.memory_space<hbm>> -> memref<1x40x128xi32, #tpu.memory_space<hbm>>
          %dma_wait3A_73 = tpu.memref_squeeze %dma_wait3A_72 : memref<1x40x128xi32, #tpu.memory_space<hbm>> -> memref<40x128xi32, #tpu.memory_space<hbm>>
          %dma_wait3A_74 = arith.constant 0 : i32
          %dma_wait3A_75 = tpu.memref_slice %arg4[%arg1, %add3A_37, %dma_wait3A_74] : memref<16x160x128xi32, #tpu.memory_space<hbm>> -> memref<1x40x128xi32, #tpu.memory_space<hbm>>
          %dma_wait3A_76 = tpu.memref_squeeze %dma_wait3A_75 : memref<1x40x128xi32, #tpu.memory_space<hbm>> -> memref<40x128xi32, #tpu.memory_space<hbm>>
          tpu.wait_dma2 semaphore(%run_scoped3A : memref<!tpu.dma_semaphore, #tpu.memory_space<semaphore_mem>>) src(%dma_wait3A_76 : memref<40x128xi32, #tpu.memory_space<hbm>>) dst(%arg8 : memref<40x128xi32, #tpu.memory_space<vmem>>)
          tpu.yield
        }) : () -> ()
        "tpu.region"() ({
          %run_scoped3A = tpu.sem_alloc : memref<!tpu.dma_semaphore, #tpu.memory_space<semaphore_mem>>
          %dma_start3A_66 = arith.constant 0 : i32
          %dma_start3A_67 = tpu.memref_slice %arg5[%arg1, %add3A_37, %dma_start3A_66] : memref<16x160x128xf32, #tpu.memory_space<hbm>> -> memref<1x40x128xf32, #tpu.memory_space<hbm>>
          %dma_start3A_68 = tpu.memref_squeeze %dma_start3A_67 : memref<1x40x128xf32, #tpu.memory_space<hbm>> -> memref<40x128xf32, #tpu.memory_space<hbm>>
          %dma_start3A_69 = arith.constant 0 : i32
          %dma_start3A_70 = tpu.memref_slice %arg5[%arg1, %add3A_37, %dma_start3A_69] : memref<16x160x128xf32, #tpu.memory_space<hbm>> -> memref<1x40x128xf32, #tpu.memory_space<hbm>>
          %dma_start3A_71 = tpu.memref_squeeze %dma_start3A_70 : memref<1x40x128xf32, #tpu.memory_space<hbm>> -> memref<40x128xf32, #tpu.memory_space<hbm>>
          tpu.enqueue_dma source(%dma_start3A_71 : memref<40x128xf32, #tpu.memory_space<hbm>>) target(%arg9 : memref<40x128xf32, #tpu.memory_space<vmem>>) target_semaphore(%run_scoped3A : memref<!tpu.dma_semaphore, #tpu.memory_space<semaphore_mem>>)
          %dma_wait3A = arith.constant 0 : i32
          %dma_wait3A_72 = tpu.memref_slice %arg5[%arg1, %add3A_37, %dma_wait3A] : memref<16x160x128xf32, #tpu.memory_space<hbm>> -> memref<1x40x128xf32, #tpu.memory_space<hbm>>
          %dma_wait3A_73 = tpu.memref_squeeze %dma_wait3A_72 : memref<1x40x128xf32, #tpu.memory_space<hbm>> -> memref<40x128xf32, #tpu.memory_space<hbm>>
          %dma_wait3A_74 = arith.constant 0 : i32
          %dma_wait3A_75 = tpu.memref_slice %arg5[%arg1, %add3A_37, %dma_wait3A_74] : memref<16x160x128xf32, #tpu.memory_space<hbm>> -> memref<1x40x128xf32, #tpu.memory_space<hbm>>
          %dma_wait3A_76 = tpu.memref_squeeze %dma_wait3A_75 : memref<1x40x128xf32, #tpu.memory_space<hbm>> -> memref<40x128xf32, #tpu.memory_space<hbm>>
          tpu.wait_dma2 semaphore(%run_scoped3A : memref<!tpu.dma_semaphore, #tpu.memory_space<semaphore_mem>>) src(%dma_wait3A_76 : memref<40x128xf32, #tpu.memory_space<hbm>>) dst(%arg9 : memref<40x128xf32, #tpu.memory_space<vmem>>)
          tpu.yield
        }) : () -> ()
        %dma_start3A = arith.constant 0 : i32
        %dma_start3A_38 = arith.constant 0 : i32
        %dma_start3A_39 = arith.constant 0 : i32
        %dma_start3A_40 = arith.constant 0 : i32
        %dma_start3A_41 = tpu.memref_slice %arg10[%dma_start3A_38, %dma_start3A_39, %dma_start3A_40] : memref<2x128x128xf32, #tpu.memory_space<vmem>> -> memref<1x128x128xf32, #tpu.memory_space<vmem>>
        %dma_start3A_42 = tpu.memref_squeeze %dma_start3A_41 : memref<1x128x128xf32, #tpu.memory_space<vmem>> -> memref<128x128xf32, #tpu.memory_space<vmem>>
        %dma_start3A_43 = arith.constant 0 : i32
        %dma_start3A_44 = tpu.memref_slice %arg7[%dma_start3A, %dma_start3A_43] : memref<40x128xi32, #tpu.memory_space<vmem>> -> memref<1x128xi32, #tpu.memory_space<vmem>>
        %dma_start3A_45 = tpu.memref_squeeze %dma_start3A_44 : memref<1x128xi32, #tpu.memory_space<vmem>> -> memref<128xi32, #tpu.memory_space<vmem>>
        %dma_start3A_46 = arith.constant 0 : i32
        %dma_start3A_47 = arith.constant 0 : i32
        %dma_start3A_48 = tpu.memref_slice %arg2[%dma_start3A_46, %dma_start3A_47] : memref<10000x128xf32, #tpu.memory_space<hbm>> -> memref<10000x128xf32, #tpu.memory_space<hbm>>
        tpu.enqueue_indirect_dma source(%dma_start3A_48 : memref<10000x128xf32, #tpu.memory_space<hbm>>) target(%dma_start3A_42 : memref<128x128xf32, #tpu.memory_space<vmem>>) offsets(%dma_start3A_45 : memref<128xi32, #tpu.memory_space<vmem>>) semaphore(%arg12 : memref<!tpu.dma_semaphore, #tpu.memory_space<semaphore_mem>>)
        %dma_start3A_49 = arith.constant 1 : i32
        %dma_start3A_50 = arith.constant 1 : i32
        %dma_start3A_51 = arith.constant 0 : i32
        %dma_start3A_52 = arith.constant 0 : i32
        %dma_start3A_53 = tpu.memref_slice %arg10[%dma_start3A_50, %dma_start3A_51, %dma_start3A_52] : memref<2x128x128xf32, #tpu.memory_space<vmem>> -> memref<1x128x128xf32, #tpu.memory_space<vmem>>
        %dma_start3A_54 = tpu.memref_squeeze %dma_start3A_53 : memref<1x128x128xf32, #tpu.memory_space<vmem>> -> memref<128x128xf32, #tpu.memory_space<vmem>>
        %dma_start3A_55 = arith.constant 0 : i32
        %dma_start3A_56 = tpu.memref_slice %arg7[%dma_start3A_49, %dma_start3A_55] : memref<40x128xi32, #tpu.memory_space<vmem>> -> memref<1x128xi32, #tpu.memory_space<vmem>>
        %dma_start3A_57 = tpu.memref_squeeze %dma_start3A_56 : memref<1x128xi32, #tpu.memory_space<vmem>> -> memref<128xi32, #tpu.memory_space<vmem>>
        %dma_start3A_58 = arith.constant 0 : i32
        %dma_start3A_59 = arith.constant 0 : i32
        %dma_start3A_60 = tpu.memref_slice %arg2[%dma_start3A_58, %dma_start3A_59] : memref<10000x128xf32, #tpu.memory_space<hbm>> -> memref<10000x128xf32, #tpu.memory_space<hbm>>
        tpu.enqueue_indirect_dma source(%dma_start3A_60 : memref<10000x128xf32, #tpu.memory_space<hbm>>) target(%dma_start3A_54 : memref<128x128xf32, #tpu.memory_space<vmem>>) offsets(%dma_start3A_57 : memref<128xi32, #tpu.memory_space<vmem>>) semaphore(%arg13 : memref<!tpu.dma_semaphore, #tpu.memory_space<semaphore_mem>>)
        %scan3A_61 = arith.constant 0 : i32
        %scan3A_62 = arith.constant 20 : i32
        %scan3A_63 = arith.addi %scan3A_61, %scan3A_62 : i32
        %scan3A_64 = arith.constant 1 : i32
        scf.for %scan3A_66 = %scan3A_61 to %scan3A_63 step %scan3A_64  : i32 {
          %mul3A_67 = arith.constant 2 : i32
          %mul3A_68 = arith.muli %scan3A_66, %mul3A_67 : i32
          %add3A_69 = arith.constant 0 : i32
          %add3A_70 = arith.addi %add3A_69, %mul3A_68 : i32
          %add3A_71 = arith.constant 0 : i32
          %add3A_72 = arith.addi %add3A_70, %add3A_71 : i32
          %dma_wait3A = arith.constant 0 : i32
          %dma_wait3A_73 = arith.constant 0 : i32
          %dma_wait3A_74 = arith.constant 0 : i32
          %dma_wait3A_75 = tpu.memref_slice %arg10[%dma_wait3A, %dma_wait3A_73, %dma_wait3A_74] : memref<2x128x128xf32, #tpu.memory_space<vmem>> -> memref<1x128x128xf32, #tpu.memory_space<vmem>>
          %dma_wait3A_76 = tpu.memref_squeeze %dma_wait3A_75 : memref<1x128x128xf32, #tpu.memory_space<vmem>> -> memref<128x128xf32, #tpu.memory_space<vmem>>
          %dma_wait3A_77 = arith.constant 0 : i32
          %dma_wait3A_78 = tpu.memref_slice %arg7[%add3A_72, %dma_wait3A_77] : memref<40x128xi32, #tpu.memory_space<vmem>> -> memref<1x128xi32, #tpu.memory_space<vmem>>
          %dma_wait3A_79 = tpu.memref_squeeze %dma_wait3A_78 : memref<1x128xi32, #tpu.memory_space<vmem>> -> memref<128xi32, #tpu.memory_space<vmem>>
          %dma_wait3A_80 = arith.constant 0 : i32
          %dma_wait3A_81 = arith.constant 0 : i32
          %dma_wait3A_82 = tpu.memref_slice %arg2[%dma_wait3A_80, %dma_wait3A_81] : memref<10000x128xf32, #tpu.memory_space<hbm>> -> memref<10000x128xf32, #tpu.memory_space<hbm>>
          tpu.wait_indirect_dma semaphore(%arg12 : memref<!tpu.dma_semaphore, #tpu.memory_space<semaphore_mem>>) src(%dma_wait3A_82 : memref<10000x128xf32, #tpu.memory_space<hbm>>) dst(%dma_wait3A_76 : memref<128x128xf32, #tpu.memory_space<vmem>>)
          %scan3A_83 = arith.constant 0 : i32
          %scan3A_84 = arith.constant 64 : i32
          %scan3A_85 = arith.addi %scan3A_83, %scan3A_84 : i32
          %scan3A_86 = arith.constant 1 : i32
          scf.for %scan3A_122 = %scan3A_83 to %scan3A_85 step %scan3A_86  : i32 {
            %mul3A_123 = arith.constant 2 : i32
            %mul3A_124 = arith.muli %scan3A_122, %mul3A_123 : i32
            %add3A_125 = arith.constant 0 : i32
            %add3A_126 = arith.addi %add3A_125, %mul3A_124 : i32
            %broadcast_in_dim3A_127 = vector.broadcast %add3A_72 : i32 to vector<16xi32>
            %add3A_128 = arith.constant 0 : i32
            %add3A_129 = arith.addi %add3A_126, %add3A_128 : i32
            %broadcast_in_dim3A_130 = vector.broadcast %add3A_129 : i32 to vector<16xi32>
            %gather3A = tpu.vector_load_idx %arg9[%broadcast_in_dim3A_127, %broadcast_in_dim3A_130] : memref<40x128xf32, #tpu.memory_space<vmem>>[vector<16xi32>, vector<16xi32>], vector<16xf32>,
            %add3A_131 = arith.constant 0 : i32
            %add3A_132 = arith.addi %add3A_126, %add3A_131 : i32
            %get3A = arith.constant 0 : i32
            %get3A_133 = arith.index_cast %get3A : i32 to index
            %get3A_134 = arith.index_cast %add3A_132 : i32 to index
            %get3A_135 = arith.constant 0 : index
            %get3A_136 = tpu.vector_load %arg10[%get3A_133, %get3A_134, %get3A_135] {strides = array<i32>} : memref<2x128x128xf32, #tpu.memory_space<vmem>>, vector<16xf32>,
            %mul3A_137 = arith.mulf %get3A_136, %gather3A : vector<16xf32>
            %add3A_138 = arith.constant 0 : i32
            %add3A_139 = arith.addi %add3A_126, %add3A_138 : i32
            %swap3A = arith.constant 0 : i32
            %swap3A_140 = arith.index_cast %swap3A : i32 to index
            %swap3A_141 = arith.index_cast %add3A_139 : i32 to index
            %swap3A_142 = arith.constant 0 : index
            %swap3A_143 = tpu.vector_load %arg10[%swap3A_140, %swap3A_141, %swap3A_142] {strides = array<i32>} : memref<2x128x128xf32, #tpu.memory_space<vmem>>, vector<16xf32>,
            tpu.vector_store %arg10[%swap3A_140, %swap3A_141, %swap3A_142], %mul3A_137 {strides = array<i32>} : memref<2x128x128xf32, #tpu.memory_space<vmem>>, vector<16xf32>,
            %add3A_144 = arith.constant 0 : i32
            %add3A_145 = arith.addi %add3A_126, %add3A_144 : i32
            %get3A_146 = arith.constant 0 : i32
            %get3A_147 = arith.index_cast %get3A_146 : i32 to index
            %get3A_148 = arith.index_cast %add3A_145 : i32 to index
            %get3A_149 = arith.constant 16 : index
            %get3A_150 = tpu.vector_load %arg10[%get3A_147, %get3A_148, %get3A_149] {strides = array<i32>} : memref<2x128x128xf32, #tpu.memory_space<vmem>>, vector<16xf32>,
            %mul3A_151 = arith.mulf %get3A_150, %gather3A : vector<16xf32>
            %add3A_152 = arith.constant 0 : i32
            %add3A_153 = arith.addi %add3A_126, %add3A_152 : i32
            %swap3A_154 = arith.constant 0 : i32
            %swap3A_155 = arith.index_cast %swap3A_154 : i32 to index
            %swap3A_156 = arith.index_cast %add3A_153 : i32 to index
            %swap3A_157 = arith.constant 16 : index
            %swap3A_158 = tpu.vector_load %arg10[%swap3A_155, %swap3A_156, %swap3A_157] {strides = array<i32>} : memref<2x128x128xf32, #tpu.memory_space<vmem>>, vector<16xf32>,
            tpu.vector_store %arg10[%swap3A_155, %swap3A_156, %swap3A_157], %mul3A_151 {strides = array<i32>} : memref<2x128x128xf32, #tpu.memory_space<vmem>>, vector<16xf32>,
            %add3A_159 = arith.constant 0 : i32
            %add3A_160 = arith.addi %add3A_126, %add3A_159 : i32
            %get3A_161 = arith.constant 0 : i32
            %get3A_162 = arith.index_cast %get3A_161 : i32 to index
            %get3A_163 = arith.index_cast %add3A_160 : i32 to index
            %get3A_164 = arith.constant 32 : index
            %get3A_165 = tpu.vector_load %arg10[%get3A_162, %get3A_163, %get3A_164] {strides = array<i32>} : memref<2x128x128xf32, #tpu.memory_space<vmem>>, vector<16xf32>,
            %mul3A_166 = arith.mulf %get3A_165, %gather3A : vector<16xf32>
            %add3A_167 = arith.constant 0 : i32
            %add3A_168 = arith.addi %add3A_126, %add3A_167 : i32
            %swap3A_169 = arith.constant 0 : i32
            %swap3A_170 = arith.index_cast %swap3A_169 : i32 to index
            %swap3A_171 = arith.index_cast %add3A_168 : i32 to index
            %swap3A_172 = arith.constant 32 : index
            %swap3A_173 = tpu.vector_load %arg10[%swap3A_170, %swap3A_171, %swap3A_172] {strides = array<i32>} : memref<2x128x128xf32, #tpu.memory_space<vmem>>, vector<16xf32>,
            tpu.vector_store %arg10[%swap3A_170, %swap3A_171, %swap3A_172], %mul3A_166 {strides = array<i32>} : memref<2x128x128xf32, #tpu.memory_space<vmem>>, vector<16xf32>,
            %add3A_174 = arith.constant 0 : i32
            %add3A_175 = arith.addi %add3A_126, %add3A_174 : i32
            %get3A_176 = arith.constant 0 : i32
            %get3A_177 = arith.index_cast %get3A_176 : i32 to index
            %get3A_178 = arith.index_cast %add3A_175 : i32 to index
            %get3A_179 = arith.constant 48 : index
            %get3A_180 = tpu.vector_load %arg10[%get3A_177, %get3A_178, %get3A_179] {strides = array<i32>} : memref<2x128x128xf32, #tpu.memory_space<vmem>>, vector<16xf32>,
            %mul3A_181 = arith.mulf %get3A_180, %gather3A : vector<16xf32>
            %add3A_182 = arith.constant 0 : i32
            %add3A_183 = arith.addi %add3A_126, %add3A_182 : i32
            %swap3A_184 = arith.constant 0 : i32
            %swap3A_185 = arith.index_cast %swap3A_184 : i32 to index
            %swap3A_186 = arith.index_cast %add3A_183 : i32 to index
            %swap3A_187 = arith.constant 48 : index
            %swap3A_188 = tpu.vector_load %arg10[%swap3A_185, %swap3A_186, %swap3A_187] {strides = array<i32>} : memref<2x128x128xf32, #tpu.memory_space<vmem>>, vector<16xf32>,
            tpu.vector_store %arg10[%swap3A_185, %swap3A_186, %swap3A_187], %mul3A_181 {strides = array<i32>} : memref<2x128x128xf32, #tpu.memory_space<vmem>>, vector<16xf32>,
            %add3A_189 = arith.constant 0 : i32
            %add3A_190 = arith.addi %add3A_126, %add3A_189 : i32
            %get3A_191 = arith.constant 0 : i32
            %get3A_192 = arith.index_cast %get3A_191 : i32 to index
            %get3A_193 = arith.index_cast %add3A_190 : i32 to index
            %get3A_194 = arith.constant 64 : index
            %get3A_195 = tpu.vector_load %arg10[%get3A_192, %get3A_193, %get3A_194] {strides = array<i32>} : memref<2x128x128xf32, #tpu.memory_space<vmem>>, vector<16xf32>,
            %mul3A_196 = arith.mulf %get3A_195, %gather3A : vector<16xf32>
            %add3A_197 = arith.constant 0 : i32
            %add3A_198 = arith.addi %add3A_126, %add3A_197 : i32
            %swap3A_199 = arith.constant 0 : i32
            %swap3A_200 = arith.index_cast %swap3A_199 : i32 to index
            %swap3A_201 = arith.index_cast %add3A_198 : i32 to index
            %swap3A_202 = arith.constant 64 : index
            %swap3A_203 = tpu.vector_load %arg10[%swap3A_200, %swap3A_201, %swap3A_202] {strides = array<i32>} : memref<2x128x128xf32, #tpu.memory_space<vmem>>, vector<16xf32>,
            tpu.vector_store %arg10[%swap3A_200, %swap3A_201, %swap3A_202], %mul3A_196 {strides = array<i32>} : memref<2x128x128xf32, #tpu.memory_space<vmem>>, vector<16xf32>,
            %add3A_204 = arith.constant 0 : i32
            %add3A_205 = arith.addi %add3A_126, %add3A_204 : i32
            %get3A_206 = arith.constant 0 : i32
            %get3A_207 = arith.index_cast %get3A_206 : i32 to index
            %get3A_208 = arith.index_cast %add3A_205 : i32 to index
            %get3A_209 = arith.constant 80 : index
            %get3A_210 = tpu.vector_load %arg10[%get3A_207, %get3A_208, %get3A_209] {strides = array<i32>} : memref<2x128x128xf32, #tpu.memory_space<vmem>>, vector<16xf32>,
            %mul3A_211 = arith.mulf %get3A_210, %gather3A : vector<16xf32>
            %add3A_212 = arith.constant 0 : i32
            %add3A_213 = arith.addi %add3A_126, %add3A_212 : i32
            %swap3A_214 = arith.constant 0 : i32
            %swap3A_215 = arith.index_cast %swap3A_214 : i32 to index
            %swap3A_216 = arith.index_cast %add3A_213 : i32 to index
            %swap3A_217 = arith.constant 80 : index
            %swap3A_218 = tpu.vector_load %arg10[%swap3A_215, %swap3A_216, %swap3A_217] {strides = array<i32>} : memref<2x128x128xf32, #tpu.memory_space<vmem>>, vector<16xf32>,
            tpu.vector_store %arg10[%swap3A_215, %swap3A_216, %swap3A_217], %mul3A_211 {strides = array<i32>} : memref<2x128x128xf32, #tpu.memory_space<vmem>>, vector<16xf32>,
            %add3A_219 = arith.constant 0 : i32
            %add3A_220 = arith.addi %add3A_126, %add3A_219 : i32
            %get3A_221 = arith.constant 0 : i32
            %get3A_222 = arith.index_cast %get3A_221 : i32 to index
            %get3A_223 = arith.index_cast %add3A_220 : i32 to index
            %get3A_224 = arith.constant 96 : index
            %get3A_225 = tpu.vector_load %arg10[%get3A_222, %get3A_223, %get3A_224] {strides = array<i32>} : memref<2x128x128xf32, #tpu.memory_space<vmem>>, vector<16xf32>,
            %mul3A_226 = arith.mulf %get3A_225, %gather3A : vector<16xf32>
            %add3A_227 = arith.constant 0 : i32
            %add3A_228 = arith.addi %add3A_126, %add3A_227 : i32
            %swap3A_229 = arith.constant 0 : i32
            %swap3A_230 = arith.index_cast %swap3A_229 : i32 to index
            %swap3A_231 = arith.index_cast %add3A_228 : i32 to index
            %swap3A_232 = arith.constant 96 : index
            %swap3A_233 = tpu.vector_load %arg10[%swap3A_230, %swap3A_231, %swap3A_232] {strides = array<i32>} : memref<2x128x128xf32, #tpu.memory_space<vmem>>, vector<16xf32>,
            tpu.vector_store %arg10[%swap3A_230, %swap3A_231, %swap3A_232], %mul3A_226 {strides = array<i32>} : memref<2x128x128xf32, #tpu.memory_space<vmem>>, vector<16xf32>,
            %add3A_234 = arith.constant 0 : i32
            %add3A_235 = arith.addi %add3A_126, %add3A_234 : i32
            %get3A_236 = arith.constant 0 : i32
            %get3A_237 = arith.index_cast %get3A_236 : i32 to index
            %get3A_238 = arith.index_cast %add3A_235 : i32 to index
            %get3A_239 = arith.constant 112 : index
            %get3A_240 = tpu.vector_load %arg10[%get3A_237, %get3A_238, %get3A_239] {strides = array<i32>} : memref<2x128x128xf32, #tpu.memory_space<vmem>>, vector<16xf32>,
            %mul3A_241 = arith.mulf %get3A_240, %gather3A : vector<16xf32>
            %add3A_242 = arith.constant 0 : i32
            %add3A_243 = arith.addi %add3A_126, %add3A_242 : i32
            %swap3A_244 = arith.constant 0 : i32
            %swap3A_245 = arith.index_cast %swap3A_244 : i32 to index
            %swap3A_246 = arith.index_cast %add3A_243 : i32 to index
            %swap3A_247 = arith.constant 112 : index
            %swap3A_248 = tpu.vector_load %arg10[%swap3A_245, %swap3A_246, %swap3A_247] {strides = array<i32>} : memref<2x128x128xf32, #tpu.memory_space<vmem>>, vector<16xf32>,
            tpu.vector_store %arg10[%swap3A_245, %swap3A_246, %swap3A_247], %mul3A_241 {strides = array<i32>} : memref<2x128x128xf32, #tpu.memory_space<vmem>>, vector<16xf32>,
            %add3A_249 = arith.constant 1 : i32
            %add3A_250 = arith.addi %add3A_126, %add3A_249 : i32
            %broadcast_in_dim3A_251 = vector.broadcast %add3A_250 : i32 to vector<16xi32>
            %gather3A_252 = tpu.vector_load_idx %arg9[%broadcast_in_dim3A_127, %broadcast_in_dim3A_251] : memref<40x128xf32, #tpu.memory_space<vmem>>[vector<16xi32>, vector<16xi32>], vector<16xf32>,
            %add3A_253 = arith.constant 1 : i32
            %add3A_254 = arith.addi %add3A_126, %add3A_253 : i32
            %get3A_255 = arith.constant 0 : i32
            %get3A_256 = arith.index_cast %get3A_255 : i32 to index
            %get3A_257 = arith.index_cast %add3A_254 : i32 to index
            %get3A_258 = arith.constant 0 : index
            %get3A_259 = tpu.vector_load %arg10[%get3A_256, %get3A_257, %get3A_258] {strides = array<i32>} : memref<2x128x128xf32, #tpu.memory_space<vmem>>, vector<16xf32>,
            %mul3A_260 = arith.mulf %get3A_259, %gather3A_252 : vector<16xf32>
            %add3A_261 = arith.constant 1 : i32
            %add3A_262 = arith.addi %add3A_126, %add3A_261 : i32
            %swap3A_263 = arith.constant 0 : i32
            %swap3A_264 = arith.index_cast %swap3A_263 : i32 to index
            %swap3A_265 = arith.index_cast %add3A_262 : i32 to index
            %swap3A_266 = arith.constant 0 : index
            %swap3A_267 = tpu.vector_load %arg10[%swap3A_264, %swap3A_265, %swap3A_266] {strides = array<i32>} : memref<2x128x128xf32, #tpu.memory_space<vmem>>, vector<16xf32>,
            tpu.vector_store %arg10[%swap3A_264, %swap3A_265, %swap3A_266], %mul3A_260 {strides = array<i32>} : memref<2x128x128xf32, #tpu.memory_space<vmem>>, vector<16xf32>,
            %add3A_268 = arith.constant 1 : i32
            %add3A_269 = arith.addi %add3A_126, %add3A_268 : i32
            %get3A_270 = arith.constant 0 : i32
            %get3A_271 = arith.index_cast %get3A_270 : i32 to index
            %get3A_272 = arith.index_cast %add3A_269 : i32 to index
            %get3A_273 = arith.constant 16 : index
            %get3A_274 = tpu.vector_load %arg10[%get3A_271, %get3A_272, %get3A_273] {strides = array<i32>} : memref<2x128x128xf32, #tpu.memory_space<vmem>>, vector<16xf32>,
            %mul3A_275 = arith.mulf %get3A_274, %gather3A_252 : vector<16xf32>
            %add3A_276 = arith.constant 1 : i32
            %add3A_277 = arith.addi %add3A_126, %add3A_276 : i32
            %swap3A_278 = arith.constant 0 : i32
            %swap3A_279 = arith.index_cast %swap3A_278 : i32 to index
            %swap3A_280 = arith.index_cast %add3A_277 : i32 to index
            %swap3A_281 = arith.constant 16 : index
            %swap3A_282 = tpu.vector_load %arg10[%swap3A_279, %swap3A_280, %swap3A_281] {strides = array<i32>} : memref<2x128x128xf32, #tpu.memory_space<vmem>>, vector<16xf32>,
            tpu.vector_store %arg10[%swap3A_279, %swap3A_280, %swap3A_281], %mul3A_275 {strides = array<i32>} : memref<2x128x128xf32, #tpu.memory_space<vmem>>, vector<16xf32>,
            %add3A_283 = arith.constant 1 : i32
            %add3A_284 = arith.addi %add3A_126, %add3A_283 : i32
            %get3A_285 = arith.constant 0 : i32
            %get3A_286 = arith.index_cast %get3A_285 : i32 to index
            %get3A_287 = arith.index_cast %add3A_284 : i32 to index
            %get3A_288 = arith.constant 32 : index
            %get3A_289 = tpu.vector_load %arg10[%get3A_286, %get3A_287, %get3A_288] {strides = array<i32>} : memref<2x128x128xf32, #tpu.memory_space<vmem>>, vector<16xf32>,
            %mul3A_290 = arith.mulf %get3A_289, %gather3A_252 : vector<16xf32>
            %add3A_291 = arith.constant 1 : i32
            %add3A_292 = arith.addi %add3A_126, %add3A_291 : i32
            %swap3A_293 = arith.constant 0 : i32
            %swap3A_294 = arith.index_cast %swap3A_293 : i32 to index
            %swap3A_295 = arith.index_cast %add3A_292 : i32 to index
            %swap3A_296 = arith.constant 32 : index
            %swap3A_297 = tpu.vector_load %arg10[%swap3A_294, %swap3A_295, %swap3A_296] {strides = array<i32>} : memref<2x128x128xf32, #tpu.memory_space<vmem>>, vector<16xf32>,
            tpu.vector_store %arg10[%swap3A_294, %swap3A_295, %swap3A_296], %mul3A_290 {strides = array<i32>} : memref<2x128x128xf32, #tpu.memory_space<vmem>>, vector<16xf32>,
            %add3A_298 = arith.constant 1 : i32
            %add3A_299 = arith.addi %add3A_126, %add3A_298 : i32
            %get3A_300 = arith.constant 0 : i32
            %get3A_301 = arith.index_cast %get3A_300 : i32 to index
            %get3A_302 = arith.index_cast %add3A_299 : i32 to index
            %get3A_303 = arith.constant 48 : index
            %get3A_304 = tpu.vector_load %arg10[%get3A_301, %get3A_302, %get3A_303] {strides = array<i32>} : memref<2x128x128xf32, #tpu.memory_space<vmem>>, vector<16xf32>,
            %mul3A_305 = arith.mulf %get3A_304, %gather3A_252 : vector<16xf32>
            %add3A_306 = arith.constant 1 : i32
            %add3A_307 = arith.addi %add3A_126, %add3A_306 : i32
            %swap3A_308 = arith.constant 0 : i32
            %swap3A_309 = arith.index_cast %swap3A_308 : i32 to index
            %swap3A_310 = arith.index_cast %add3A_307 : i32 to index
            %swap3A_311 = arith.constant 48 : index
            %swap3A_312 = tpu.vector_load %arg10[%swap3A_309, %swap3A_310, %swap3A_311] {strides = array<i32>} : memref<2x128x128xf32, #tpu.memory_space<vmem>>, vector<16xf32>,
            tpu.vector_store %arg10[%swap3A_309, %swap3A_310, %swap3A_311], %mul3A_305 {strides = array<i32>} : memref<2x128x128xf32, #tpu.memory_space<vmem>>, vector<16xf32>,
            %add3A_313 = arith.constant 1 : i32
            %add3A_314 = arith.addi %add3A_126, %add3A_313 : i32
            %get3A_315 = arith.constant 0 : i32
            %get3A_316 = arith.index_cast %get3A_315 : i32 to index
            %get3A_317 = arith.index_cast %add3A_314 : i32 to index
            %get3A_318 = arith.constant 64 : index
            %get3A_319 = tpu.vector_load %arg10[%get3A_316, %get3A_317, %get3A_318] {strides = array<i32>} : memref<2x128x128xf32, #tpu.memory_space<vmem>>, vector<16xf32>,
            %mul3A_320 = arith.mulf %get3A_319, %gather3A_252 : vector<16xf32>
            %add3A_321 = arith.constant 1 : i32
            %add3A_322 = arith.addi %add3A_126, %add3A_321 : i32
            %swap3A_323 = arith.constant 0 : i32
            %swap3A_324 = arith.index_cast %swap3A_323 : i32 to index
            %swap3A_325 = arith.index_cast %add3A_322 : i32 to index
            %swap3A_326 = arith.constant 64 : index
            %swap3A_327 = tpu.vector_load %arg10[%swap3A_324, %swap3A_325, %swap3A_326] {strides = array<i32>} : memref<2x128x128xf32, #tpu.memory_space<vmem>>, vector<16xf32>,
            tpu.vector_store %arg10[%swap3A_324, %swap3A_325, %swap3A_326], %mul3A_320 {strides = array<i32>} : memref<2x128x128xf32, #tpu.memory_space<vmem>>, vector<16xf32>,
            %add3A_328 = arith.constant 1 : i32
            %add3A_329 = arith.addi %add3A_126, %add3A_328 : i32
            %get3A_330 = arith.constant 0 : i32
            %get3A_331 = arith.index_cast %get3A_330 : i32 to index
            %get3A_332 = arith.index_cast %add3A_329 : i32 to index
            %get3A_333 = arith.constant 80 : index
            %get3A_334 = tpu.vector_load %arg10[%get3A_331, %get3A_332, %get3A_333] {strides = array<i32>} : memref<2x128x128xf32, #tpu.memory_space<vmem>>, vector<16xf32>,
            %mul3A_335 = arith.mulf %get3A_334, %gather3A_252 : vector<16xf32>
            %add3A_336 = arith.constant 1 : i32
            %add3A_337 = arith.addi %add3A_126, %add3A_336 : i32
            %swap3A_338 = arith.constant 0 : i32
            %swap3A_339 = arith.index_cast %swap3A_338 : i32 to index
            %swap3A_340 = arith.index_cast %add3A_337 : i32 to index
            %swap3A_341 = arith.constant 80 : index
            %swap3A_342 = tpu.vector_load %arg10[%swap3A_339, %swap3A_340, %swap3A_341] {strides = array<i32>} : memref<2x128x128xf32, #tpu.memory_space<vmem>>, vector<16xf32>,
            tpu.vector_store %arg10[%swap3A_339, %swap3A_340, %swap3A_341], %mul3A_335 {strides = array<i32>} : memref<2x128x128xf32, #tpu.memory_space<vmem>>, vector<16xf32>,
            %add3A_343 = arith.constant 1 : i32
            %add3A_344 = arith.addi %add3A_126, %add3A_343 : i32
            %get3A_345 = arith.constant 0 : i32
            %get3A_346 = arith.index_cast %get3A_345 : i32 to index
            %get3A_347 = arith.index_cast %add3A_344 : i32 to index
            %get3A_348 = arith.constant 96 : index
            %get3A_349 = tpu.vector_load %arg10[%get3A_346, %get3A_347, %get3A_348] {strides = array<i32>} : memref<2x128x128xf32, #tpu.memory_space<vmem>>, vector<16xf32>,
            %mul3A_350 = arith.mulf %get3A_349, %gather3A_252 : vector<16xf32>
            %add3A_351 = arith.constant 1 : i32
            %add3A_352 = arith.addi %add3A_126, %add3A_351 : i32
            %swap3A_353 = arith.constant 0 : i32
            %swap3A_354 = arith.index_cast %swap3A_353 : i32 to index
            %swap3A_355 = arith.index_cast %add3A_352 : i32 to index
            %swap3A_356 = arith.constant 96 : index
            %swap3A_357 = tpu.vector_load %arg10[%swap3A_354, %swap3A_355, %swap3A_356] {strides = array<i32>} : memref<2x128x128xf32, #tpu.memory_space<vmem>>, vector<16xf32>,
            tpu.vector_store %arg10[%swap3A_354, %swap3A_355, %swap3A_356], %mul3A_350 {strides = array<i32>} : memref<2x128x128xf32, #tpu.memory_space<vmem>>, vector<16xf32>,
            %add3A_358 = arith.constant 1 : i32
            %add3A_359 = arith.addi %add3A_126, %add3A_358 : i32
            %get3A_360 = arith.constant 0 : i32
            %get3A_361 = arith.index_cast %get3A_360 : i32 to index
            %get3A_362 = arith.index_cast %add3A_359 : i32 to index
            %get3A_363 = arith.constant 112 : index
            %get3A_364 = tpu.vector_load %arg10[%get3A_361, %get3A_362, %get3A_363] {strides = array<i32>} : memref<2x128x128xf32, #tpu.memory_space<vmem>>, vector<16xf32>,
            %mul3A_365 = arith.mulf %get3A_364, %gather3A_252 : vector<16xf32>
            %add3A_366 = arith.constant 1 : i32
            %add3A_367 = arith.addi %add3A_126, %add3A_366 : i32
            %swap3A_368 = arith.constant 0 : i32
            %swap3A_369 = arith.index_cast %swap3A_368 : i32 to index
            %swap3A_370 = arith.index_cast %add3A_367 : i32 to index
            %swap3A_371 = arith.constant 112 : index
            %swap3A_372 = tpu.vector_load %arg10[%swap3A_369, %swap3A_370, %swap3A_371] {strides = array<i32>} : memref<2x128x128xf32, #tpu.memory_space<vmem>>, vector<16xf32>,
            tpu.vector_store %arg10[%swap3A_369, %swap3A_370, %swap3A_371], %mul3A_365 {strides = array<i32>} : memref<2x128x128xf32, #tpu.memory_space<vmem>>, vector<16xf32>,
          }
          %scan3A_87 = arith.constant 64 : i32
          %run_scoped3A = arith.constant 0 : i32
          "tpu.region"() ({
            %run_scoped3A_122 = tpu.sem_alloc : memref<!tpu.dma_semaphore, #tpu.memory_space<semaphore_mem>>
            %dma_start3A_123 = arith.constant 0 : i32
            %dma_start3A_124 = arith.constant 0 : i32
            %dma_start3A_125 = tpu.memref_slice %arg10[%run_scoped3A, %dma_start3A_123, %dma_start3A_124] : memref<2x128x128xf32, #tpu.memory_space<vmem>> -> memref<1x128x128xf32, #tpu.memory_space<vmem>>
            %dma_start3A_126 = tpu.memref_squeeze %dma_start3A_125 : memref<1x128x128xf32, #tpu.memory_space<vmem>> -> memref<128x128xf32, #tpu.memory_space<vmem>>
            %dma_start3A_127 = arith.constant 0 : i32
            %dma_start3A_128 = tpu.memref_slice %arg8[%add3A_72, %dma_start3A_127] : memref<40x128xi32, #tpu.memory_space<vmem>> -> memref<1x128xi32, #tpu.memory_space<vmem>>
            %dma_start3A_129 = tpu.memref_squeeze %dma_start3A_128 : memref<1x128xi32, #tpu.memory_space<vmem>> -> memref<128xi32, #tpu.memory_space<vmem>>
            %dma_start3A_130 = arith.constant 0 : i32
            %dma_start3A_131 = arith.constant 0 : i32
            %dma_start3A_132 = tpu.memref_slice %arg11[%dma_start3A_130, %dma_start3A_131] : memref<10240x128xf32, #tpu.memory_space<vmem_shared>> -> memref<10240x128xf32, #tpu.memory_space<vmem_shared>>
            tpu.enqueue_indirect_dma source(%dma_start3A_126 : memref<128x128xf32, #tpu.memory_space<vmem>>) target(%dma_start3A_132 : memref<10240x128xf32, #tpu.memory_space<vmem_shared>>) offsets(%dma_start3A_129 : memref<128xi32, #tpu.memory_space<vmem>>) semaphore(%run_scoped3A_122 : memref<!tpu.dma_semaphore, #tpu.memory_space<semaphore_mem>>) {add = true}
            %dma_wait3A_133 = arith.constant 0 : i32
            %dma_wait3A_134 = arith.constant 0 : i32
            %dma_wait3A_135 = tpu.memref_slice %arg10[%run_scoped3A, %dma_wait3A_133, %dma_wait3A_134] : memref<2x128x128xf32, #tpu.memory_space<vmem>> -> memref<1x128x128xf32, #tpu.memory_space<vmem>>
            %dma_wait3A_136 = tpu.memref_squeeze %dma_wait3A_135 : memref<1x128x128xf32, #tpu.memory_space<vmem>> -> memref<128x128xf32, #tpu.memory_space<vmem>>
            %dma_wait3A_137 = arith.constant 0 : i32
            %dma_wait3A_138 = tpu.memref_slice %arg8[%add3A_72, %dma_wait3A_137] : memref<40x128xi32, #tpu.memory_space<vmem>> -> memref<1x128xi32, #tpu.memory_space<vmem>>
            %dma_wait3A_139 = tpu.memref_squeeze %dma_wait3A_138 : memref<1x128xi32, #tpu.memory_space<vmem>> -> memref<128xi32, #tpu.memory_space<vmem>>
            %dma_wait3A_140 = arith.constant 0 : i32
            %dma_wait3A_141 = arith.constant 0 : i32
            %dma_wait3A_142 = tpu.memref_slice %arg11[%dma_wait3A_140, %dma_wait3A_141] : memref<10240x128xf32, #tpu.memory_space<vmem_shared>> -> memref<10240x128xf32, #tpu.memory_space<vmem_shared>>
            tpu.wait_indirect_dma semaphore(%run_scoped3A_122 : memref<!tpu.dma_semaphore, #tpu.memory_space<semaphore_mem>>) src(%dma_wait3A_136 : memref<128x128xf32, #tpu.memory_space<vmem>>) dst(%dma_wait3A_142 : memref<10240x128xf32, #tpu.memory_space<vmem_shared>>)
            tpu.yield
          }) : () -> ()
          %add3A_88 = arith.constant 2 : i32
          %add3A_89 = arith.addi %add3A_72, %add3A_88 : i32
          %lt3A = arith.constant 40 : i32
          %lt3A_90 = arith.cmpi slt, %add3A_89, %lt3A : i32
          %convert_element_type3A_91 = arith.extui %lt3A_90 : i1 to i32
          %cond3A_92 = arith.constant 0 : i32
          %cond3A_93 = arith.constant 0 : i32
          %cond3A_94 = arith.cmpi ne, %convert_element_type3A_91, %cond3A_93 : i32
          scf.if %cond3A_94 {
            %add3A_122 = arith.constant 2 : i32
            %add3A_123 = arith.addi %add3A_72, %add3A_122 : i32
            %dma_start3A_124 = arith.constant 0 : i32
            %dma_start3A_125 = arith.constant 0 : i32
            %dma_start3A_126 = tpu.memref_slice %arg10[%cond3A_92, %dma_start3A_124, %dma_start3A_125] : memref<2x128x128xf32, #tpu.memory_space<vmem>> -> memref<1x128x128xf32, #tpu.memory_space<vmem>>
            %dma_start3A_127 = tpu.memref_squeeze %dma_start3A_126 : memref<1x128x128xf32, #tpu.memory_space<vmem>> -> memref<128x128xf32, #tpu.memory_space<vmem>>
            %dma_start3A_128 = arith.constant 0 : i32
            %dma_start3A_129 = tpu.memref_slice %arg7[%add3A_123, %dma_start3A_128] : memref<40x128xi32, #tpu.memory_space<vmem>> -> memref<1x128xi32, #tpu.memory_space<vmem>>
            %dma_start3A_130 = tpu.memref_squeeze %dma_start3A_129 : memref<1x128xi32, #tpu.memory_space<vmem>> -> memref<128xi32, #tpu.memory_space<vmem>>
            %dma_start3A_131 = arith.constant 0 : i32
            %dma_start3A_132 = arith.constant 0 : i32
            %dma_start3A_133 = tpu.memref_slice %arg2[%dma_start3A_131, %dma_start3A_132] : memref<10000x128xf32, #tpu.memory_space<hbm>> -> memref<10000x128xf32, #tpu.memory_space<hbm>>
            tpu.enqueue_indirect_dma source(%dma_start3A_133 : memref<10000x128xf32, #tpu.memory_space<hbm>>) target(%dma_start3A_127 : memref<128x128xf32, #tpu.memory_space<vmem>>) offsets(%dma_start3A_130 : memref<128xi32, #tpu.memory_space<vmem>>) semaphore(%arg12 : memref<!tpu.dma_semaphore, #tpu.memory_space<semaphore_mem>>)
          } else {
          }
          %add3A_95 = arith.constant 1 : i32
          %add3A_96 = arith.addi %add3A_70, %add3A_95 : i32
          %dma_wait3A_97 = arith.constant 1 : i32
          %dma_wait3A_98 = arith.constant 0 : i32
          %dma_wait3A_99 = arith.constant 0 : i32
          %dma_wait3A_100 = tpu.memref_slice %arg10[%dma_wait3A_97, %dma_wait3A_98, %dma_wait3A_99] : memref<2x128x128xf32, #tpu.memory_space<vmem>> -> memref<1x128x128xf32, #tpu.memory_space<vmem>>
          %dma_wait3A_101 = tpu.memref_squeeze %dma_wait3A_100 : memref<1x128x128xf32, #tpu.memory_space<vmem>> -> memref<128x128xf32, #tpu.memory_space<vmem>>
          %dma_wait3A_102 = arith.constant 0 : i32
          %dma_wait3A_103 = tpu.memref_slice %arg7[%add3A_96, %dma_wait3A_102] : memref<40x128xi32, #tpu.memory_space<vmem>> -> memref<1x128xi32, #tpu.memory_space<vmem>>
          %dma_wait3A_104 = tpu.memref_squeeze %dma_wait3A_103 : memref<1x128xi32, #tpu.memory_space<vmem>> -> memref<128xi32, #tpu.memory_space<vmem>>
          %dma_wait3A_105 = arith.constant 0 : i32
          %dma_wait3A_106 = arith.constant 0 : i32
          %dma_wait3A_107 = tpu.memref_slice %arg2[%dma_wait3A_105, %dma_wait3A_106] : memref<10000x128xf32, #tpu.memory_space<hbm>> -> memref<10000x128xf32, #tpu.memory_space<hbm>>
          tpu.wait_indirect_dma semaphore(%arg13 : memref<!tpu.dma_semaphore, #tpu.memory_space<semaphore_mem>>) src(%dma_wait3A_107 : memref<10000x128xf32, #tpu.memory_space<hbm>>) dst(%dma_wait3A_101 : memref<128x128xf32, #tpu.memory_space<vmem>>)
          %scan3A_108 = arith.constant 0 : i32
          %scan3A_109 = arith.constant 64 : i32
          %scan3A_110 = arith.addi %scan3A_108, %scan3A_109 : i32
          %scan3A_111 = arith.constant 1 : i32
          scf.for %scan3A_122 = %scan3A_108 to %scan3A_110 step %scan3A_111  : i32 {
            %mul3A_123 = arith.constant 2 : i32
            %mul3A_124 = arith.muli %scan3A_122, %mul3A_123 : i32
            %add3A_125 = arith.constant 0 : i32
            %add3A_126 = arith.addi %add3A_125, %mul3A_124 : i32
            %broadcast_in_dim3A_127 = vector.broadcast %add3A_96 : i32 to vector<16xi32>
            %add3A_128 = arith.constant 0 : i32
            %add3A_129 = arith.addi %add3A_126, %add3A_128 : i32
            %broadcast_in_dim3A_130 = vector.broadcast %add3A_129 : i32 to vector<16xi32>
            %gather3A = tpu.vector_load_idx %arg9[%broadcast_in_dim3A_127, %broadcast_in_dim3A_130] : memref<40x128xf32, #tpu.memory_space<vmem>>[vector<16xi32>, vector<16xi32>], vector<16xf32>,
            %add3A_131 = arith.constant 0 : i32
            %add3A_132 = arith.addi %add3A_126, %add3A_131 : i32
            %get3A = arith.constant 1 : i32
            %get3A_133 = arith.index_cast %get3A : i32 to index
            %get3A_134 = arith.index_cast %add3A_132 : i32 to index
            %get3A_135 = arith.constant 0 : index
            %get3A_136 = tpu.vector_load %arg10[%get3A_133, %get3A_134, %get3A_135] {strides = array<i32>} : memref<2x128x128xf32, #tpu.memory_space<vmem>>, vector<16xf32>,
            %mul3A_137 = arith.mulf %get3A_136, %gather3A : vector<16xf32>
            %add3A_138 = arith.constant 0 : i32
            %add3A_139 = arith.addi %add3A_126, %add3A_138 : i32
            %swap3A = arith.constant 1 : i32
            %swap3A_140 = arith.index_cast %swap3A : i32 to index
            %swap3A_141 = arith.index_cast %add3A_139 : i32 to index
            %swap3A_142 = arith.constant 0 : index
            %swap3A_143 = tpu.vector_load %arg10[%swap3A_140, %swap3A_141, %swap3A_142] {strides = array<i32>} : memref<2x128x128xf32, #tpu.memory_space<vmem>>, vector<16xf32>,
            tpu.vector_store %arg10[%swap3A_140, %swap3A_141, %swap3A_142], %mul3A_137 {strides = array<i32>} : memref<2x128x128xf32, #tpu.memory_space<vmem>>, vector<16xf32>,
            %add3A_144 = arith.constant 0 : i32
            %add3A_145 = arith.addi %add3A_126, %add3A_144 : i32
            %get3A_146 = arith.constant 1 : i32
            %get3A_147 = arith.index_cast %get3A_146 : i32 to index
            %get3A_148 = arith.index_cast %add3A_145 : i32 to index
            %get3A_149 = arith.constant 16 : index
            %get3A_150 = tpu.vector_load %arg10[%get3A_147, %get3A_148, %get3A_149] {strides = array<i32>} : memref<2x128x128xf32, #tpu.memory_space<vmem>>, vector<16xf32>,
            %mul3A_151 = arith.mulf %get3A_150, %gather3A : vector<16xf32>
            %add3A_152 = arith.constant 0 : i32
            %add3A_153 = arith.addi %add3A_126, %add3A_152 : i32
            %swap3A_154 = arith.constant 1 : i32
            %swap3A_155 = arith.index_cast %swap3A_154 : i32 to index
            %swap3A_156 = arith.index_cast %add3A_153 : i32 to index
            %swap3A_157 = arith.constant 16 : index
            %swap3A_158 = tpu.vector_load %arg10[%swap3A_155, %swap3A_156, %swap3A_157] {strides = array<i32>} : memref<2x128x128xf32, #tpu.memory_space<vmem>>, vector<16xf32>,
            tpu.vector_store %arg10[%swap3A_155, %swap3A_156, %swap3A_157], %mul3A_151 {strides = array<i32>} : memref<2x128x128xf32, #tpu.memory_space<vmem>>, vector<16xf32>,
            %add3A_159 = arith.constant 0 : i32
            %add3A_160 = arith.addi %add3A_126, %add3A_159 : i32
            %get3A_161 = arith.constant 1 : i32
            %get3A_162 = arith.index_cast %get3A_161 : i32 to index
            %get3A_163 = arith.index_cast %add3A_160 : i32 to index
            %get3A_164 = arith.constant 32 : index
            %get3A_165 = tpu.vector_load %arg10[%get3A_162, %get3A_163, %get3A_164] {strides = array<i32>} : memref<2x128x128xf32, #tpu.memory_space<vmem>>, vector<16xf32>,
            %mul3A_166 = arith.mulf %get3A_165, %gather3A : vector<16xf32>
            %add3A_167 = arith.constant 0 : i32
            %add3A_168 = arith.addi %add3A_126, %add3A_167 : i32
            %swap3A_169 = arith.constant 1 : i32
            %swap3A_170 = arith.index_cast %swap3A_169 : i32 to index
            %swap3A_171 = arith.index_cast %add3A_168 : i32 to index
            %swap3A_172 = arith.constant 32 : index
            %swap3A_173 = tpu.vector_load %arg10[%swap3A_170, %swap3A_171, %swap3A_172] {strides = array<i32>} : memref<2x128x128xf32, #tpu.memory_space<vmem>>, vector<16xf32>,
            tpu.vector_store %arg10[%swap3A_170, %swap3A_171, %swap3A_172], %mul3A_166 {strides = array<i32>} : memref<2x128x128xf32, #tpu.memory_space<vmem>>, vector<16xf32>,
            %add3A_174 = arith.constant 0 : i32
            %add3A_175 = arith.addi %add3A_126, %add3A_174 : i32
            %get3A_176 = arith.constant 1 : i32
            %get3A_177 = arith.index_cast %get3A_176 : i32 to index
            %get3A_178 = arith.index_cast %add3A_175 : i32 to index
            %get3A_179 = arith.constant 48 : index
            %get3A_180 = tpu.vector_load %arg10[%get3A_177, %get3A_178, %get3A_179] {strides = array<i32>} : memref<2x128x128xf32, #tpu.memory_space<vmem>>, vector<16xf32>,
            %mul3A_181 = arith.mulf %get3A_180, %gather3A : vector<16xf32>
            %add3A_182 = arith.constant 0 : i32
            %add3A_183 = arith.addi %add3A_126, %add3A_182 : i32
            %swap3A_184 = arith.constant 1 : i32
            %swap3A_185 = arith.index_cast %swap3A_184 : i32 to index
            %swap3A_186 = arith.index_cast %add3A_183 : i32 to index
            %swap3A_187 = arith.constant 48 : index
            %swap3A_188 = tpu.vector_load %arg10[%swap3A_185, %swap3A_186, %swap3A_187] {strides = array<i32>} : memref<2x128x128xf32, #tpu.memory_space<vmem>>, vector<16xf32>,
            tpu.vector_store %arg10[%swap3A_185, %swap3A_186, %swap3A_187], %mul3A_181 {strides = array<i32>} : memref<2x128x128xf32, #tpu.memory_space<vmem>>, vector<16xf32>,
            %add3A_189 = arith.constant 0 : i32
            %add3A_190 = arith.addi %add3A_126, %add3A_189 : i32
            %get3A_191 = arith.constant 1 : i32
            %get3A_192 = arith.index_cast %get3A_191 : i32 to index
            %get3A_193 = arith.index_cast %add3A_190 : i32 to index
            %get3A_194 = arith.constant 64 : index
            %get3A_195 = tpu.vector_load %arg10[%get3A_192, %get3A_193, %get3A_194] {strides = array<i32>} : memref<2x128x128xf32, #tpu.memory_space<vmem>>, vector<16xf32>,
            %mul3A_196 = arith.mulf %get3A_195, %gather3A : vector<16xf32>
            %add3A_197 = arith.constant 0 : i32
            %add3A_198 = arith.addi %add3A_126, %add3A_197 : i32
            %swap3A_199 = arith.constant 1 : i32
            %swap3A_200 = arith.index_cast %swap3A_199 : i32 to index
            %swap3A_201 = arith.index_cast %add3A_198 : i32 to index
            %swap3A_202 = arith.constant 64 : index
            %swap3A_203 = tpu.vector_load %arg10[%swap3A_200, %swap3A_201, %swap3A_202] {strides = array<i32>} : memref<2x128x128xf32, #tpu.memory_space<vmem>>, vector<16xf32>,
            tpu.vector_store %arg10[%swap3A_200, %swap3A_201, %swap3A_202], %mul3A_196 {strides = array<i32>} : memref<2x128x128xf32, #tpu.memory_space<vmem>>, vector<16xf32>,
            %add3A_204 = arith.constant 0 : i32
            %add3A_205 = arith.addi %add3A_126, %add3A_204 : i32
            %get3A_206 = arith.constant 1 : i32
            %get3A_207 = arith.index_cast %get3A_206 : i32 to index
            %get3A_208 = arith.index_cast %add3A_205 : i32 to index
            %get3A_209 = arith.constant 80 : index
            %get3A_210 = tpu.vector_load %arg10[%get3A_207, %get3A_208, %get3A_209] {strides = array<i32>} : memref<2x128x128xf32, #tpu.memory_space<vmem>>, vector<16xf32>,
            %mul3A_211 = arith.mulf %get3A_210, %gather3A : vector<16xf32>
            %add3A_212 = arith.constant 0 : i32
            %add3A_213 = arith.addi %add3A_126, %add3A_212 : i32
            %swap3A_214 = arith.constant 1 : i32
            %swap3A_215 = arith.index_cast %swap3A_214 : i32 to index
            %swap3A_216 = arith.index_cast %add3A_213 : i32 to index
            %swap3A_217 = arith.constant 80 : index
            %swap3A_218 = tpu.vector_load %arg10[%swap3A_215, %swap3A_216, %swap3A_217] {strides = array<i32>} : memref<2x128x128xf32, #tpu.memory_space<vmem>>, vector<16xf32>,
            tpu.vector_store %arg10[%swap3A_215, %swap3A_216, %swap3A_217], %mul3A_211 {strides = array<i32>} : memref<2x128x128xf32, #tpu.memory_space<vmem>>, vector<16xf32>,
            %add3A_219 = arith.constant 0 : i32
            %add3A_220 = arith.addi %add3A_126, %add3A_219 : i32
            %get3A_221 = arith.constant 1 : i32
            %get3A_222 = arith.index_cast %get3A_221 : i32 to index
            %get3A_223 = arith.index_cast %add3A_220 : i32 to index
            %get3A_224 = arith.constant 96 : index
            %get3A_225 = tpu.vector_load %arg10[%get3A_222, %get3A_223, %get3A_224] {strides = array<i32>} : memref<2x128x128xf32, #tpu.memory_space<vmem>>, vector<16xf32>,
            %mul3A_226 = arith.mulf %get3A_225, %gather3A : vector<16xf32>
            %add3A_227 = arith.constant 0 : i32
            %add3A_228 = arith.addi %add3A_126, %add3A_227 : i32
            %swap3A_229 = arith.constant 1 : i32
            %swap3A_230 = arith.index_cast %swap3A_229 : i32 to index
            %swap3A_231 = arith.index_cast %add3A_228 : i32 to index
            %swap3A_232 = arith.constant 96 : index
            %swap3A_233 = tpu.vector_load %arg10[%swap3A_230, %swap3A_231, %swap3A_232] {strides = array<i32>} : memref<2x128x128xf32, #tpu.memory_space<vmem>>, vector<16xf32>,
            tpu.vector_store %arg10[%swap3A_230, %swap3A_231, %swap3A_232], %mul3A_226 {strides = array<i32>} : memref<2x128x128xf32, #tpu.memory_space<vmem>>, vector<16xf32>,
            %add3A_234 = arith.constant 0 : i32
            %add3A_235 = arith.addi %add3A_126, %add3A_234 : i32
            %get3A_236 = arith.constant 1 : i32
            %get3A_237 = arith.index_cast %get3A_236 : i32 to index
            %get3A_238 = arith.index_cast %add3A_235 : i32 to index
            %get3A_239 = arith.constant 112 : index
            %get3A_240 = tpu.vector_load %arg10[%get3A_237, %get3A_238, %get3A_239] {strides = array<i32>} : memref<2x128x128xf32, #tpu.memory_space<vmem>>, vector<16xf32>,
            %mul3A_241 = arith.mulf %get3A_240, %gather3A : vector<16xf32>
            %add3A_242 = arith.constant 0 : i32
            %add3A_243 = arith.addi %add3A_126, %add3A_242 : i32
            %swap3A_244 = arith.constant 1 : i32
            %swap3A_245 = arith.index_cast %swap3A_244 : i32 to index
            %swap3A_246 = arith.index_cast %add3A_243 : i32 to index
            %swap3A_247 = arith.constant 112 : index
            %swap3A_248 = tpu.vector_load %arg10[%swap3A_245, %swap3A_246, %swap3A_247] {strides = array<i32>} : memref<2x128x128xf32, #tpu.memory_space<vmem>>, vector<16xf32>,
            tpu.vector_store %arg10[%swap3A_245, %swap3A_246, %swap3A_247], %mul3A_241 {strides = array<i32>} : memref<2x128x128xf32, #tpu.memory_space<vmem>>, vector<16xf32>,
            %add3A_249 = arith.constant 1 : i32
            %add3A_250 = arith.addi %add3A_126, %add3A_249 : i32
            %broadcast_in_dim3A_251 = vector.broadcast %add3A_250 : i32 to vector<16xi32>
            %gather3A_252 = tpu.vector_load_idx %arg9[%broadcast_in_dim3A_127, %broadcast_in_dim3A_251] : memref<40x128xf32, #tpu.memory_space<vmem>>[vector<16xi32>, vector<16xi32>], vector<16xf32>,
            %add3A_253 = arith.constant 1 : i32
            %add3A_254 = arith.addi %add3A_126, %add3A_253 : i32
            %get3A_255 = arith.constant 1 : i32
            %get3A_256 = arith.index_cast %get3A_255 : i32 to index
            %get3A_257 = arith.index_cast %add3A_254 : i32 to index
            %get3A_258 = arith.constant 0 : index
            %get3A_259 = tpu.vector_load %arg10[%get3A_256, %get3A_257, %get3A_258] {strides = array<i32>} : memref<2x128x128xf32, #tpu.memory_space<vmem>>, vector<16xf32>,
            %mul3A_260 = arith.mulf %get3A_259, %gather3A_252 : vector<16xf32>
            %add3A_261 = arith.constant 1 : i32
            %add3A_262 = arith.addi %add3A_126, %add3A_261 : i32
            %swap3A_263 = arith.constant 1 : i32
            %swap3A_264 = arith.index_cast %swap3A_263 : i32 to index
            %swap3A_265 = arith.index_cast %add3A_262 : i32 to index
            %swap3A_266 = arith.constant 0 : index
            %swap3A_267 = tpu.vector_load %arg10[%swap3A_264, %swap3A_265, %swap3A_266] {strides = array<i32>} : memref<2x128x128xf32, #tpu.memory_space<vmem>>, vector<16xf32>,
            tpu.vector_store %arg10[%swap3A_264, %swap3A_265, %swap3A_266], %mul3A_260 {strides = array<i32>} : memref<2x128x128xf32, #tpu.memory_space<vmem>>, vector<16xf32>,
            %add3A_268 = arith.constant 1 : i32
            %add3A_269 = arith.addi %add3A_126, %add3A_268 : i32
            %get3A_270 = arith.constant 1 : i32
            %get3A_271 = arith.index_cast %get3A_270 : i32 to index
            %get3A_272 = arith.index_cast %add3A_269 : i32 to index
            %get3A_273 = arith.constant 16 : index
            %get3A_274 = tpu.vector_load %arg10[%get3A_271, %get3A_272, %get3A_273] {strides = array<i32>} : memref<2x128x128xf32, #tpu.memory_space<vmem>>, vector<16xf32>,
            %mul3A_275 = arith.mulf %get3A_274, %gather3A_252 : vector<16xf32>
            %add3A_276 = arith.constant 1 : i32
            %add3A_277 = arith.addi %add3A_126, %add3A_276 : i32
            %swap3A_278 = arith.constant 1 : i32
            %swap3A_279 = arith.index_cast %swap3A_278 : i32 to index
            %swap3A_280 = arith.index_cast %add3A_277 : i32 to index
            %swap3A_281 = arith.constant 16 : index
            %swap3A_282 = tpu.vector_load %arg10[%swap3A_279, %swap3A_280, %swap3A_281] {strides = array<i32>} : memref<2x128x128xf32, #tpu.memory_space<vmem>>, vector<16xf32>,
            tpu.vector_store %arg10[%swap3A_279, %swap3A_280, %swap3A_281], %mul3A_275 {strides = array<i32>} : memref<2x128x128xf32, #tpu.memory_space<vmem>>, vector<16xf32>,
            %add3A_283 = arith.constant 1 : i32
            %add3A_284 = arith.addi %add3A_126, %add3A_283 : i32
            %get3A_285 = arith.constant 1 : i32
            %get3A_286 = arith.index_cast %get3A_285 : i32 to index
            %get3A_287 = arith.index_cast %add3A_284 : i32 to index
            %get3A_288 = arith.constant 32 : index
            %get3A_289 = tpu.vector_load %arg10[%get3A_286, %get3A_287, %get3A_288] {strides = array<i32>} : memref<2x128x128xf32, #tpu.memory_space<vmem>>, vector<16xf32>,
            %mul3A_290 = arith.mulf %get3A_289, %gather3A_252 : vector<16xf32>
            %add3A_291 = arith.constant 1 : i32
            %add3A_292 = arith.addi %add3A_126, %add3A_291 : i32
            %swap3A_293 = arith.constant 1 : i32
            %swap3A_294 = arith.index_cast %swap3A_293 : i32 to index
            %swap3A_295 = arith.index_cast %add3A_292 : i32 to index
            %swap3A_296 = arith.constant 32 : index
            %swap3A_297 = tpu.vector_load %arg10[%swap3A_294, %swap3A_295, %swap3A_296] {strides = array<i32>} : memref<2x128x128xf32, #tpu.memory_space<vmem>>, vector<16xf32>,
            tpu.vector_store %arg10[%swap3A_294, %swap3A_295, %swap3A_296], %mul3A_290 {strides = array<i32>} : memref<2x128x128xf32, #tpu.memory_space<vmem>>, vector<16xf32>,
            %add3A_298 = arith.constant 1 : i32
            %add3A_299 = arith.addi %add3A_126, %add3A_298 : i32
            %get3A_300 = arith.constant 1 : i32
            %get3A_301 = arith.index_cast %get3A_300 : i32 to index
            %get3A_302 = arith.index_cast %add3A_299 : i32 to index
            %get3A_303 = arith.constant 48 : index
            %get3A_304 = tpu.vector_load %arg10[%get3A_301, %get3A_302, %get3A_303] {strides = array<i32>} : memref<2x128x128xf32, #tpu.memory_space<vmem>>, vector<16xf32>,
            %mul3A_305 = arith.mulf %get3A_304, %gather3A_252 : vector<16xf32>
            %add3A_306 = arith.constant 1 : i32
            %add3A_307 = arith.addi %add3A_126, %add3A_306 : i32
            %swap3A_308 = arith.constant 1 : i32
            %swap3A_309 = arith.index_cast %swap3A_308 : i32 to index
            %swap3A_310 = arith.index_cast %add3A_307 : i32 to index
            %swap3A_311 = arith.constant 48 : index
            %swap3A_312 = tpu.vector_load %arg10[%swap3A_309, %swap3A_310, %swap3A_311] {strides = array<i32>} : memref<2x128x128xf32, #tpu.memory_space<vmem>>, vector<16xf32>,
            tpu.vector_store %arg10[%swap3A_309, %swap3A_310, %swap3A_311], %mul3A_305 {strides = array<i32>} : memref<2x128x128xf32, #tpu.memory_space<vmem>>, vector<16xf32>,
            %add3A_313 = arith.constant 1 : i32
            %add3A_314 = arith.addi %add3A_126, %add3A_313 : i32
            %get3A_315 = arith.constant 1 : i32
            %get3A_316 = arith.index_cast %get3A_315 : i32 to index
            %get3A_317 = arith.index_cast %add3A_314 : i32 to index
            %get3A_318 = arith.constant 64 : index
            %get3A_319 = tpu.vector_load %arg10[%get3A_316, %get3A_317, %get3A_318] {strides = array<i32>} : memref<2x128x128xf32, #tpu.memory_space<vmem>>, vector<16xf32>,
            %mul3A_320 = arith.mulf %get3A_319, %gather3A_252 : vector<16xf32>
            %add3A_321 = arith.constant 1 : i32
            %add3A_322 = arith.addi %add3A_126, %add3A_321 : i32
            %swap3A_323 = arith.constant 1 : i32
            %swap3A_324 = arith.index_cast %swap3A_323 : i32 to index
            %swap3A_325 = arith.index_cast %add3A_322 : i32 to index
            %swap3A_326 = arith.constant 64 : index
            %swap3A_327 = tpu.vector_load %arg10[%swap3A_324, %swap3A_325, %swap3A_326] {strides = array<i32>} : memref<2x128x128xf32, #tpu.memory_space<vmem>>, vector<16xf32>,
            tpu.vector_store %arg10[%swap3A_324, %swap3A_325, %swap3A_326], %mul3A_320 {strides = array<i32>} : memref<2x128x128xf32, #tpu.memory_space<vmem>>, vector<16xf32>,
            %add3A_328 = arith.constant 1 : i32
            %add3A_329 = arith.addi %add3A_126, %add3A_328 : i32
            %get3A_330 = arith.constant 1 : i32
            %get3A_331 = arith.index_cast %get3A_330 : i32 to index
            %get3A_332 = arith.index_cast %add3A_329 : i32 to index
            %get3A_333 = arith.constant 80 : index
            %get3A_334 = tpu.vector_load %arg10[%get3A_331, %get3A_332, %get3A_333] {strides = array<i32>} : memref<2x128x128xf32, #tpu.memory_space<vmem>>, vector<16xf32>,
            %mul3A_335 = arith.mulf %get3A_334, %gather3A_252 : vector<16xf32>
            %add3A_336 = arith.constant 1 : i32
            %add3A_337 = arith.addi %add3A_126, %add3A_336 : i32
            %swap3A_338 = arith.constant 1 : i32
            %swap3A_339 = arith.index_cast %swap3A_338 : i32 to index
            %swap3A_340 = arith.index_cast %add3A_337 : i32 to index
            %swap3A_341 = arith.constant 80 : index
            %swap3A_342 = tpu.vector_load %arg10[%swap3A_339, %swap3A_340, %swap3A_341] {strides = array<i32>} : memref<2x128x128xf32, #tpu.memory_space<vmem>>, vector<16xf32>,
            tpu.vector_store %arg10[%swap3A_339, %swap3A_340, %swap3A_341], %mul3A_335 {strides = array<i32>} : memref<2x128x128xf32, #tpu.memory_space<vmem>>, vector<16xf32>,
            %add3A_343 = arith.constant 1 : i32
            %add3A_344 = arith.addi %add3A_126, %add3A_343 : i32
            %get3A_345 = arith.constant 1 : i32
            %get3A_346 = arith.index_cast %get3A_345 : i32 to index
            %get3A_347 = arith.index_cast %add3A_344 : i32 to index
            %get3A_348 = arith.constant 96 : index
            %get3A_349 = tpu.vector_load %arg10[%get3A_346, %get3A_347, %get3A_348] {strides = array<i32>} : memref<2x128x128xf32, #tpu.memory_space<vmem>>, vector<16xf32>,
            %mul3A_350 = arith.mulf %get3A_349, %gather3A_252 : vector<16xf32>
            %add3A_351 = arith.constant 1 : i32
            %add3A_352 = arith.addi %add3A_126, %add3A_351 : i32
            %swap3A_353 = arith.constant 1 : i32
            %swap3A_354 = arith.index_cast %swap3A_353 : i32 to index
            %swap3A_355 = arith.index_cast %add3A_352 : i32 to index
            %swap3A_356 = arith.constant 96 : index
            %swap3A_357 = tpu.vector_load %arg10[%swap3A_354, %swap3A_355, %swap3A_356] {strides = array<i32>} : memref<2x128x128xf32, #tpu.memory_space<vmem>>, vector<16xf32>,
            tpu.vector_store %arg10[%swap3A_354, %swap3A_355, %swap3A_356], %mul3A_350 {strides = array<i32>} : memref<2x128x128xf32, #tpu.memory_space<vmem>>, vector<16xf32>,
            %add3A_358 = arith.constant 1 : i32
            %add3A_359 = arith.addi %add3A_126, %add3A_358 : i32
            %get3A_360 = arith.constant 1 : i32
            %get3A_361 = arith.index_cast %get3A_360 : i32 to index
            %get3A_362 = arith.index_cast %add3A_359 : i32 to index
            %get3A_363 = arith.constant 112 : index
            %get3A_364 = tpu.vector_load %arg10[%get3A_361, %get3A_362, %get3A_363] {strides = array<i32>} : memref<2x128x128xf32, #tpu.memory_space<vmem>>, vector<16xf32>,
            %mul3A_365 = arith.mulf %get3A_364, %gather3A_252 : vector<16xf32>
            %add3A_366 = arith.constant 1 : i32
            %add3A_367 = arith.addi %add3A_126, %add3A_366 : i32
            %swap3A_368 = arith.constant 1 : i32
            %swap3A_369 = arith.index_cast %swap3A_368 : i32 to index
            %swap3A_370 = arith.index_cast %add3A_367 : i32 to index
            %swap3A_371 = arith.constant 112 : index
            %swap3A_372 = tpu.vector_load %arg10[%swap3A_369, %swap3A_370, %swap3A_371] {strides = array<i32>} : memref<2x128x128xf32, #tpu.memory_space<vmem>>, vector<16xf32>,
            tpu.vector_store %arg10[%swap3A_369, %swap3A_370, %swap3A_371], %mul3A_365 {strides = array<i32>} : memref<2x128x128xf32, #tpu.memory_space<vmem>>, vector<16xf32>,
          }
          %scan3A_112 = arith.constant 64 : i32
          %run_scoped3A_113 = arith.constant 1 : i32
          "tpu.region"() ({
            %run_scoped3A_122 = tpu.sem_alloc : memref<!tpu.dma_semaphore, #tpu.memory_space<semaphore_mem>>
            %dma_start3A_123 = arith.constant 0 : i32
            %dma_start3A_124 = arith.constant 0 : i32
            %dma_start3A_125 = tpu.memref_slice %arg10[%run_scoped3A_113, %dma_start3A_123, %dma_start3A_124] : memref<2x128x128xf32, #tpu.memory_space<vmem>> -> memref<1x128x128xf32, #tpu.memory_space<vmem>>
            %dma_start3A_126 = tpu.memref_squeeze %dma_start3A_125 : memref<1x128x128xf32, #tpu.memory_space<vmem>> -> memref<128x128xf32, #tpu.memory_space<vmem>>
            %dma_start3A_127 = arith.constant 0 : i32
            %dma_start3A_128 = tpu.memref_slice %arg8[%add3A_96, %dma_start3A_127] : memref<40x128xi32, #tpu.memory_space<vmem>> -> memref<1x128xi32, #tpu.memory_space<vmem>>
            %dma_start3A_129 = tpu.memref_squeeze %dma_start3A_128 : memref<1x128xi32, #tpu.memory_space<vmem>> -> memref<128xi32, #tpu.memory_space<vmem>>
            %dma_start3A_130 = arith.constant 0 : i32
            %dma_start3A_131 = arith.constant 0 : i32
            %dma_start3A_132 = tpu.memref_slice %arg11[%dma_start3A_130, %dma_start3A_131] : memref<10240x128xf32, #tpu.memory_space<vmem_shared>> -> memref<10240x128xf32, #tpu.memory_space<vmem_shared>>
            tpu.enqueue_indirect_dma source(%dma_start3A_126 : memref<128x128xf32, #tpu.memory_space<vmem>>) target(%dma_start3A_132 : memref<10240x128xf32, #tpu.memory_space<vmem_shared>>) offsets(%dma_start3A_129 : memref<128xi32, #tpu.memory_space<vmem>>) semaphore(%run_scoped3A_122 : memref<!tpu.dma_semaphore, #tpu.memory_space<semaphore_mem>>) {add = true}
            %dma_wait3A_133 = arith.constant 0 : i32
            %dma_wait3A_134 = arith.constant 0 : i32
            %dma_wait3A_135 = tpu.memref_slice %arg10[%run_scoped3A_113, %dma_wait3A_133, %dma_wait3A_134] : memref<2x128x128xf32, #tpu.memory_space<vmem>> -> memref<1x128x128xf32, #tpu.memory_space<vmem>>
            %dma_wait3A_136 = tpu.memref_squeeze %dma_wait3A_135 : memref<1x128x128xf32, #tpu.memory_space<vmem>> -> memref<128x128xf32, #tpu.memory_space<vmem>>
            %dma_wait3A_137 = arith.constant 0 : i32
            %dma_wait3A_138 = tpu.memref_slice %arg8[%add3A_96, %dma_wait3A_137] : memref<40x128xi32, #tpu.memory_space<vmem>> -> memref<1x128xi32, #tpu.memory_space<vmem>>
            %dma_wait3A_139 = tpu.memref_squeeze %dma_wait3A_138 : memref<1x128xi32, #tpu.memory_space<vmem>> -> memref<128xi32, #tpu.memory_space<vmem>>
            %dma_wait3A_140 = arith.constant 0 : i32
            %dma_wait3A_141 = arith.constant 0 : i32
            %dma_wait3A_142 = tpu.memref_slice %arg11[%dma_wait3A_140, %dma_wait3A_141] : memref<10240x128xf32, #tpu.memory_space<vmem_shared>> -> memref<10240x128xf32, #tpu.memory_space<vmem_shared>>
            tpu.wait_indirect_dma semaphore(%run_scoped3A_122 : memref<!tpu.dma_semaphore, #tpu.memory_space<semaphore_mem>>) src(%dma_wait3A_136 : memref<128x128xf32, #tpu.memory_space<vmem>>) dst(%dma_wait3A_142 : memref<10240x128xf32, #tpu.memory_space<vmem_shared>>)
            tpu.yield
          }) : () -> ()
          %add3A_114 = arith.constant 2 : i32
          %add3A_115 = arith.addi %add3A_96, %add3A_114 : i32
          %lt3A_116 = arith.constant 40 : i32
          %lt3A_117 = arith.cmpi slt, %add3A_115, %lt3A_116 : i32
          %convert_element_type3A_118 = arith.extui %lt3A_117 : i1 to i32
          %cond3A_119 = arith.constant 1 : i32
          %cond3A_120 = arith.constant 0 : i32
          %cond3A_121 = arith.cmpi ne, %convert_element_type3A_118, %cond3A_120 : i32
          scf.if %cond3A_121 {
            %add3A_122 = arith.constant 2 : i32
            %add3A_123 = arith.addi %add3A_96, %add3A_122 : i32
            %dma_start3A_124 = arith.constant 0 : i32
            %dma_start3A_125 = arith.constant 0 : i32
            %dma_start3A_126 = tpu.memref_slice %arg10[%cond3A_119, %dma_start3A_124, %dma_start3A_125] : memref<2x128x128xf32, #tpu.memory_space<vmem>> -> memref<1x128x128xf32, #tpu.memory_space<vmem>>
            %dma_start3A_127 = tpu.memref_squeeze %dma_start3A_126 : memref<1x128x128xf32, #tpu.memory_space<vmem>> -> memref<128x128xf32, #tpu.memory_space<vmem>>
            %dma_start3A_128 = arith.constant 0 : i32
            %dma_start3A_129 = tpu.memref_slice %arg7[%add3A_123, %dma_start3A_128] : memref<40x128xi32, #tpu.memory_space<vmem>> -> memref<1x128xi32, #tpu.memory_space<vmem>>
            %dma_start3A_130 = tpu.memref_squeeze %dma_start3A_129 : memref<1x128xi32, #tpu.memory_space<vmem>> -> memref<128xi32, #tpu.memory_space<vmem>>
            %dma_start3A_131 = arith.constant 0 : i32
            %dma_start3A_132 = arith.constant 0 : i32
            %dma_start3A_133 = tpu.memref_slice %arg2[%dma_start3A_131, %dma_start3A_132] : memref<10000x128xf32, #tpu.memory_space<hbm>> -> memref<10000x128xf32, #tpu.memory_space<hbm>>
            tpu.enqueue_indirect_dma source(%dma_start3A_133 : memref<10000x128xf32, #tpu.memory_space<hbm>>) target(%dma_start3A_127 : memref<128x128xf32, #tpu.memory_space<vmem>>) offsets(%dma_start3A_130 : memref<128xi32, #tpu.memory_space<vmem>>) semaphore(%arg13 : memref<!tpu.dma_semaphore, #tpu.memory_space<semaphore_mem>>)
          } else {
          }
        }
        %scan3A_65 = arith.constant 20 : i32
      }
      %scan3A_28 = arith.constant 3 : i32
    } else {
    }
    %eq3A_13 = arith.constant 1 : i32
    %eq3A_14 = arith.cmpi eq, %arg0, %eq3A_13 : i32
    %convert_element_type3A_15 = arith.extui %eq3A_14 : i1 to i32
    %cond3A_16 = arith.constant 0 : i32
    %cond3A_17 = arith.cmpi ne, %convert_element_type3A_15, %cond3A_16 : i32
    scf.if %cond3A_17 {
      %scan3A_24 = arith.constant 0 : i32
      %mul3A_25 = arith.constant 1 : i32
      %mul3A_26 = arith.muli %scan3A_24, %mul3A_25 : i32
      %add3A_27 = arith.constant 0 : i32
      %add3A_28 = arith.addi %add3A_27, %mul3A_26 : i32
      %mul3A_29 = arith.constant 40 : i32
      %mul3A_30 = arith.muli %add3A_28, %mul3A_29 : i32
      %add3A_31 = arith.constant 120 : i32
      %add3A_32 = arith.addi %add3A_31, %mul3A_30 : i32
      "tpu.region"() ({
        %run_scoped3A = tpu.sem_alloc : memref<!tpu.dma_semaphore, #tpu.memory_space<semaphore_mem>>
        %dma_start3A_62 = arith.constant 0 : i32
        %dma_start3A_63 = tpu.memref_slice %arg3[%arg1, %add3A_32, %dma_start3A_62] : memref<16x160x128xi32, #tpu.memory_space<hbm>> -> memref<1x40x128xi32, #tpu.memory_space<hbm>>
        %dma_start3A_64 = tpu.memref_squeeze %dma_start3A_63 : memref<1x40x128xi32, #tpu.memory_space<hbm>> -> memref<40x128xi32, #tpu.memory_space<hbm>>
        %dma_start3A_65 = arith.constant 0 : i32
        %dma_start3A_66 = tpu.memref_slice %arg3[%arg1, %add3A_32, %dma_start3A_65] : memref<16x160x128xi32, #tpu.memory_space<hbm>> -> memref<1x40x128xi32, #tpu.memory_space<hbm>>
        %dma_start3A_67 = tpu.memref_squeeze %dma_start3A_66 : memref<1x40x128xi32, #tpu.memory_space<hbm>> -> memref<40x128xi32, #tpu.memory_space<hbm>>
        tpu.enqueue_dma source(%dma_start3A_67 : memref<40x128xi32, #tpu.memory_space<hbm>>) target(%arg7 : memref<40x128xi32, #tpu.memory_space<vmem>>) target_semaphore(%run_scoped3A : memref<!tpu.dma_semaphore, #tpu.memory_space<semaphore_mem>>)
        %dma_wait3A = arith.constant 0 : i32
        %dma_wait3A_68 = tpu.memref_slice %arg3[%arg1, %add3A_32, %dma_wait3A] : memref<16x160x128xi32, #tpu.memory_space<hbm>> -> memref<1x40x128xi32, #tpu.memory_space<hbm>>
        %dma_wait3A_69 = tpu.memref_squeeze %dma_wait3A_68 : memref<1x40x128xi32, #tpu.memory_space<hbm>> -> memref<40x128xi32, #tpu.memory_space<hbm>>
        %dma_wait3A_70 = arith.constant 0 : i32
        %dma_wait3A_71 = tpu.memref_slice %arg3[%arg1, %add3A_32, %dma_wait3A_70] : memref<16x160x128xi32, #tpu.memory_space<hbm>> -> memref<1x40x128xi32, #tpu.memory_space<hbm>>
        %dma_wait3A_72 = tpu.memref_squeeze %dma_wait3A_71 : memref<1x40x128xi32, #tpu.memory_space<hbm>> -> memref<40x128xi32, #tpu.memory_space<hbm>>
        tpu.wait_dma2 semaphore(%run_scoped3A : memref<!tpu.dma_semaphore, #tpu.memory_space<semaphore_mem>>) src(%dma_wait3A_72 : memref<40x128xi32, #tpu.memory_space<hbm>>) dst(%arg7 : memref<40x128xi32, #tpu.memory_space<vmem>>)
        tpu.yield
      }) : () -> ()
      "tpu.region"() ({
        %run_scoped3A = tpu.sem_alloc : memref<!tpu.dma_semaphore, #tpu.memory_space<semaphore_mem>>
        %dma_start3A_62 = arith.constant 0 : i32
        %dma_start3A_63 = tpu.memref_slice %arg4[%arg1, %add3A_32, %dma_start3A_62] : memref<16x160x128xi32, #tpu.memory_space<hbm>> -> memref<1x40x128xi32, #tpu.memory_space<hbm>>
        %dma_start3A_64 = tpu.memref_squeeze %dma_start3A_63 : memref<1x40x128xi32, #tpu.memory_space<hbm>> -> memref<40x128xi32, #tpu.memory_space<hbm>>
        %dma_start3A_65 = arith.constant 0 : i32
        %dma_start3A_66 = tpu.memref_slice %arg4[%arg1, %add3A_32, %dma_start3A_65] : memref<16x160x128xi32, #tpu.memory_space<hbm>> -> memref<1x40x128xi32, #tpu.memory_space<hbm>>
        %dma_start3A_67 = tpu.memref_squeeze %dma_start3A_66 : memref<1x40x128xi32, #tpu.memory_space<hbm>> -> memref<40x128xi32, #tpu.memory_space<hbm>>
        tpu.enqueue_dma source(%dma_start3A_67 : memref<40x128xi32, #tpu.memory_space<hbm>>) target(%arg8 : memref<40x128xi32, #tpu.memory_space<vmem>>) target_semaphore(%run_scoped3A : memref<!tpu.dma_semaphore, #tpu.memory_space<semaphore_mem>>)
        %dma_wait3A = arith.constant 0 : i32
        %dma_wait3A_68 = tpu.memref_slice %arg4[%arg1, %add3A_32, %dma_wait3A] : memref<16x160x128xi32, #tpu.memory_space<hbm>> -> memref<1x40x128xi32, #tpu.memory_space<hbm>>
        %dma_wait3A_69 = tpu.memref_squeeze %dma_wait3A_68 : memref<1x40x128xi32, #tpu.memory_space<hbm>> -> memref<40x128xi32, #tpu.memory_space<hbm>>
        %dma_wait3A_70 = arith.constant 0 : i32
        %dma_wait3A_71 = tpu.memref_slice %arg4[%arg1, %add3A_32, %dma_wait3A_70] : memref<16x160x128xi32, #tpu.memory_space<hbm>> -> memref<1x40x128xi32, #tpu.memory_space<hbm>>
        %dma_wait3A_72 = tpu.memref_squeeze %dma_wait3A_71 : memref<1x40x128xi32, #tpu.memory_space<hbm>> -> memref<40x128xi32, #tpu.memory_space<hbm>>
        tpu.wait_dma2 semaphore(%run_scoped3A : memref<!tpu.dma_semaphore, #tpu.memory_space<semaphore_mem>>) src(%dma_wait3A_72 : memref<40x128xi32, #tpu.memory_space<hbm>>) dst(%arg8 : memref<40x128xi32, #tpu.memory_space<vmem>>)
        tpu.yield
      }) : () -> ()
      "tpu.region"() ({
        %run_scoped3A = tpu.sem_alloc : memref<!tpu.dma_semaphore, #tpu.memory_space<semaphore_mem>>
        %dma_start3A_62 = arith.constant 0 : i32
        %dma_start3A_63 = tpu.memref_slice %arg5[%arg1, %add3A_32, %dma_start3A_62] : memref<16x160x128xf32, #tpu.memory_space<hbm>> -> memref<1x40x128xf32, #tpu.memory_space<hbm>>
        %dma_start3A_64 = tpu.memref_squeeze %dma_start3A_63 : memref<1x40x128xf32, #tpu.memory_space<hbm>> -> memref<40x128xf32, #tpu.memory_space<hbm>>
        %dma_start3A_65 = arith.constant 0 : i32
        %dma_start3A_66 = tpu.memref_slice %arg5[%arg1, %add3A_32, %dma_start3A_65] : memref<16x160x128xf32, #tpu.memory_space<hbm>> -> memref<1x40x128xf32, #tpu.memory_space<hbm>>
        %dma_start3A_67 = tpu.memref_squeeze %dma_start3A_66 : memref<1x40x128xf32, #tpu.memory_space<hbm>> -> memref<40x128xf32, #tpu.memory_space<hbm>>
        tpu.enqueue_dma source(%dma_start3A_67 : memref<40x128xf32, #tpu.memory_space<hbm>>) target(%arg9 : memref<40x128xf32, #tpu.memory_space<vmem>>) target_semaphore(%run_scoped3A : memref<!tpu.dma_semaphore, #tpu.memory_space<semaphore_mem>>)
        %dma_wait3A = arith.constant 0 : i32
        %dma_wait3A_68 = tpu.memref_slice %arg5[%arg1, %add3A_32, %dma_wait3A] : memref<16x160x128xf32, #tpu.memory_space<hbm>> -> memref<1x40x128xf32, #tpu.memory_space<hbm>>
        %dma_wait3A_69 = tpu.memref_squeeze %dma_wait3A_68 : memref<1x40x128xf32, #tpu.memory_space<hbm>> -> memref<40x128xf32, #tpu.memory_space<hbm>>
        %dma_wait3A_70 = arith.constant 0 : i32
        %dma_wait3A_71 = tpu.memref_slice %arg5[%arg1, %add3A_32, %dma_wait3A_70] : memref<16x160x128xf32, #tpu.memory_space<hbm>> -> memref<1x40x128xf32, #tpu.memory_space<hbm>>
        %dma_wait3A_72 = tpu.memref_squeeze %dma_wait3A_71 : memref<1x40x128xf32, #tpu.memory_space<hbm>> -> memref<40x128xf32, #tpu.memory_space<hbm>>
        tpu.wait_dma2 semaphore(%run_scoped3A : memref<!tpu.dma_semaphore, #tpu.memory_space<semaphore_mem>>) src(%dma_wait3A_72 : memref<40x128xf32, #tpu.memory_space<hbm>>) dst(%arg9 : memref<40x128xf32, #tpu.memory_space<vmem>>)
        tpu.yield
      }) : () -> ()
      %dma_start3A = arith.constant 0 : i32
      %dma_start3A_33 = arith.constant 0 : i32
      %dma_start3A_34 = arith.constant 0 : i32
      %dma_start3A_35 = arith.constant 0 : i32
      %dma_start3A_36 = tpu.memref_slice %arg10[%dma_start3A_33, %dma_start3A_34, %dma_start3A_35] : memref<2x128x128xf32, #tpu.memory_space<vmem>> -> memref<1x128x128xf32, #tpu.memory_space<vmem>>
      %dma_start3A_37 = tpu.memref_squeeze %dma_start3A_36 : memref<1x128x128xf32, #tpu.memory_space<vmem>> -> memref<128x128xf32, #tpu.memory_space<vmem>>
      %dma_start3A_38 = arith.constant 0 : i32
      %dma_start3A_39 = tpu.memref_slice %arg7[%dma_start3A, %dma_start3A_38] : memref<40x128xi32, #tpu.memory_space<vmem>> -> memref<1x128xi32, #tpu.memory_space<vmem>>
      %dma_start3A_40 = tpu.memref_squeeze %dma_start3A_39 : memref<1x128xi32, #tpu.memory_space<vmem>> -> memref<128xi32, #tpu.memory_space<vmem>>
      %dma_start3A_41 = arith.constant 0 : i32
      %dma_start3A_42 = arith.constant 0 : i32
      %dma_start3A_43 = tpu.memref_slice %arg2[%dma_start3A_41, %dma_start3A_42] : memref<10000x128xf32, #tpu.memory_space<hbm>> -> memref<10000x128xf32, #tpu.memory_space<hbm>>
      tpu.enqueue_indirect_dma source(%dma_start3A_43 : memref<10000x128xf32, #tpu.memory_space<hbm>>) target(%dma_start3A_37 : memref<128x128xf32, #tpu.memory_space<vmem>>) offsets(%dma_start3A_40 : memref<128xi32, #tpu.memory_space<vmem>>) semaphore(%arg12 : memref<!tpu.dma_semaphore, #tpu.memory_space<semaphore_mem>>)
      %dma_start3A_44 = arith.constant 1 : i32
      %dma_start3A_45 = arith.constant 1 : i32
      %dma_start3A_46 = arith.constant 0 : i32
      %dma_start3A_47 = arith.constant 0 : i32
      %dma_start3A_48 = tpu.memref_slice %arg10[%dma_start3A_45, %dma_start3A_46, %dma_start3A_47] : memref<2x128x128xf32, #tpu.memory_space<vmem>> -> memref<1x128x128xf32, #tpu.memory_space<vmem>>
      %dma_start3A_49 = tpu.memref_squeeze %dma_start3A_48 : memref<1x128x128xf32, #tpu.memory_space<vmem>> -> memref<128x128xf32, #tpu.memory_space<vmem>>
      %dma_start3A_50 = arith.constant 0 : i32
      %dma_start3A_51 = tpu.memref_slice %arg7[%dma_start3A_44, %dma_start3A_50] : memref<40x128xi32, #tpu.memory_space<vmem>> -> memref<1x128xi32, #tpu.memory_space<vmem>>
      %dma_start3A_52 = tpu.memref_squeeze %dma_start3A_51 : memref<1x128xi32, #tpu.memory_space<vmem>> -> memref<128xi32, #tpu.memory_space<vmem>>
      %dma_start3A_53 = arith.constant 0 : i32
      %dma_start3A_54 = arith.constant 0 : i32
      %dma_start3A_55 = tpu.memref_slice %arg2[%dma_start3A_53, %dma_start3A_54] : memref<10000x128xf32, #tpu.memory_space<hbm>> -> memref<10000x128xf32, #tpu.memory_space<hbm>>
      tpu.enqueue_indirect_dma source(%dma_start3A_55 : memref<10000x128xf32, #tpu.memory_space<hbm>>) target(%dma_start3A_49 : memref<128x128xf32, #tpu.memory_space<vmem>>) offsets(%dma_start3A_52 : memref<128xi32, #tpu.memory_space<vmem>>) semaphore(%arg13 : memref<!tpu.dma_semaphore, #tpu.memory_space<semaphore_mem>>)
      %scan3A_56 = arith.constant 0 : i32
      %scan3A_57 = arith.constant 20 : i32
      %scan3A_58 = arith.addi %scan3A_56, %scan3A_57 : i32
      %scan3A_59 = arith.constant 1 : i32
      scf.for %scan3A_62 = %scan3A_56 to %scan3A_58 step %scan3A_59  : i32 {
        %mul3A_63 = arith.constant 2 : i32
        %mul3A_64 = arith.muli %scan3A_62, %mul3A_63 : i32
        %add3A_65 = arith.constant 0 : i32
        %add3A_66 = arith.addi %add3A_65, %mul3A_64 : i32
        %add3A_67 = arith.constant 0 : i32
        %add3A_68 = arith.addi %add3A_66, %add3A_67 : i32
        %dma_wait3A = arith.constant 0 : i32
        %dma_wait3A_69 = arith.constant 0 : i32
        %dma_wait3A_70 = arith.constant 0 : i32
        %dma_wait3A_71 = tpu.memref_slice %arg10[%dma_wait3A, %dma_wait3A_69, %dma_wait3A_70] : memref<2x128x128xf32, #tpu.memory_space<vmem>> -> memref<1x128x128xf32, #tpu.memory_space<vmem>>
        %dma_wait3A_72 = tpu.memref_squeeze %dma_wait3A_71 : memref<1x128x128xf32, #tpu.memory_space<vmem>> -> memref<128x128xf32, #tpu.memory_space<vmem>>
        %dma_wait3A_73 = arith.constant 0 : i32
        %dma_wait3A_74 = tpu.memref_slice %arg7[%add3A_68, %dma_wait3A_73] : memref<40x128xi32, #tpu.memory_space<vmem>> -> memref<1x128xi32, #tpu.memory_space<vmem>>
        %dma_wait3A_75 = tpu.memref_squeeze %dma_wait3A_74 : memref<1x128xi32, #tpu.memory_space<vmem>> -> memref<128xi32, #tpu.memory_space<vmem>>
        %dma_wait3A_76 = arith.constant 0 : i32
        %dma_wait3A_77 = arith.constant 0 : i32
        %dma_wait3A_78 = tpu.memref_slice %arg2[%dma_wait3A_76, %dma_wait3A_77] : memref<10000x128xf32, #tpu.memory_space<hbm>> -> memref<10000x128xf32, #tpu.memory_space<hbm>>
        tpu.wait_indirect_dma semaphore(%arg12 : memref<!tpu.dma_semaphore, #tpu.memory_space<semaphore_mem>>) src(%dma_wait3A_78 : memref<10000x128xf32, #tpu.memory_space<hbm>>) dst(%dma_wait3A_72 : memref<128x128xf32, #tpu.memory_space<vmem>>)
        %scan3A_79 = arith.constant 0 : i32
        %scan3A_80 = arith.constant 64 : i32
        %scan3A_81 = arith.addi %scan3A_79, %scan3A_80 : i32
        %scan3A_82 = arith.constant 1 : i32
        scf.for %scan3A_118 = %scan3A_79 to %scan3A_81 step %scan3A_82  : i32 {
          %mul3A_119 = arith.constant 2 : i32
          %mul3A_120 = arith.muli %scan3A_118, %mul3A_119 : i32
          %add3A_121 = arith.constant 0 : i32
          %add3A_122 = arith.addi %add3A_121, %mul3A_120 : i32
          %broadcast_in_dim3A_123 = vector.broadcast %add3A_68 : i32 to vector<16xi32>
          %add3A_124 = arith.constant 0 : i32
          %add3A_125 = arith.addi %add3A_122, %add3A_124 : i32
          %broadcast_in_dim3A_126 = vector.broadcast %add3A_125 : i32 to vector<16xi32>
          %gather3A = tpu.vector_load_idx %arg9[%broadcast_in_dim3A_123, %broadcast_in_dim3A_126] : memref<40x128xf32, #tpu.memory_space<vmem>>[vector<16xi32>, vector<16xi32>], vector<16xf32>,
          %add3A_127 = arith.constant 0 : i32
          %add3A_128 = arith.addi %add3A_122, %add3A_127 : i32
          %get3A = arith.constant 0 : i32
          %get3A_129 = arith.index_cast %get3A : i32 to index
          %get3A_130 = arith.index_cast %add3A_128 : i32 to index
          %get3A_131 = arith.constant 0 : index
          %get3A_132 = tpu.vector_load %arg10[%get3A_129, %get3A_130, %get3A_131] {strides = array<i32>} : memref<2x128x128xf32, #tpu.memory_space<vmem>>, vector<16xf32>,
          %mul3A_133 = arith.mulf %get3A_132, %gather3A : vector<16xf32>
          %add3A_134 = arith.constant 0 : i32
          %add3A_135 = arith.addi %add3A_122, %add3A_134 : i32
          %swap3A = arith.constant 0 : i32
          %swap3A_136 = arith.index_cast %swap3A : i32 to index
          %swap3A_137 = arith.index_cast %add3A_135 : i32 to index
          %swap3A_138 = arith.constant 0 : index
          %swap3A_139 = tpu.vector_load %arg10[%swap3A_136, %swap3A_137, %swap3A_138] {strides = array<i32>} : memref<2x128x128xf32, #tpu.memory_space<vmem>>, vector<16xf32>,
          tpu.vector_store %arg10[%swap3A_136, %swap3A_137, %swap3A_138], %mul3A_133 {strides = array<i32>} : memref<2x128x128xf32, #tpu.memory_space<vmem>>, vector<16xf32>,
          %add3A_140 = arith.constant 0 : i32
          %add3A_141 = arith.addi %add3A_122, %add3A_140 : i32
          %get3A_142 = arith.constant 0 : i32
          %get3A_143 = arith.index_cast %get3A_142 : i32 to index
          %get3A_144 = arith.index_cast %add3A_141 : i32 to index
          %get3A_145 = arith.constant 16 : index
          %get3A_146 = tpu.vector_load %arg10[%get3A_143, %get3A_144, %get3A_145] {strides = array<i32>} : memref<2x128x128xf32, #tpu.memory_space<vmem>>, vector<16xf32>,
          %mul3A_147 = arith.mulf %get3A_146, %gather3A : vector<16xf32>
          %add3A_148 = arith.constant 0 : i32
          %add3A_149 = arith.addi %add3A_122, %add3A_148 : i32
          %swap3A_150 = arith.constant 0 : i32
          %swap3A_151 = arith.index_cast %swap3A_150 : i32 to index
          %swap3A_152 = arith.index_cast %add3A_149 : i32 to index
          %swap3A_153 = arith.constant 16 : index
          %swap3A_154 = tpu.vector_load %arg10[%swap3A_151, %swap3A_152, %swap3A_153] {strides = array<i32>} : memref<2x128x128xf32, #tpu.memory_space<vmem>>, vector<16xf32>,
          tpu.vector_store %arg10[%swap3A_151, %swap3A_152, %swap3A_153], %mul3A_147 {strides = array<i32>} : memref<2x128x128xf32, #tpu.memory_space<vmem>>, vector<16xf32>,
          %add3A_155 = arith.constant 0 : i32
          %add3A_156 = arith.addi %add3A_122, %add3A_155 : i32
          %get3A_157 = arith.constant 0 : i32
          %get3A_158 = arith.index_cast %get3A_157 : i32 to index
          %get3A_159 = arith.index_cast %add3A_156 : i32 to index
          %get3A_160 = arith.constant 32 : index
          %get3A_161 = tpu.vector_load %arg10[%get3A_158, %get3A_159, %get3A_160] {strides = array<i32>} : memref<2x128x128xf32, #tpu.memory_space<vmem>>, vector<16xf32>,
          %mul3A_162 = arith.mulf %get3A_161, %gather3A : vector<16xf32>
          %add3A_163 = arith.constant 0 : i32
          %add3A_164 = arith.addi %add3A_122, %add3A_163 : i32
          %swap3A_165 = arith.constant 0 : i32
          %swap3A_166 = arith.index_cast %swap3A_165 : i32 to index
          %swap3A_167 = arith.index_cast %add3A_164 : i32 to index
          %swap3A_168 = arith.constant 32 : index
          %swap3A_169 = tpu.vector_load %arg10[%swap3A_166, %swap3A_167, %swap3A_168] {strides = array<i32>} : memref<2x128x128xf32, #tpu.memory_space<vmem>>, vector<16xf32>,
          tpu.vector_store %arg10[%swap3A_166, %swap3A_167, %swap3A_168], %mul3A_162 {strides = array<i32>} : memref<2x128x128xf32, #tpu.memory_space<vmem>>, vector<16xf32>,
          %add3A_170 = arith.constant 0 : i32
          %add3A_171 = arith.addi %add3A_122, %add3A_170 : i32
          %get3A_172 = arith.constant 0 : i32
          %get3A_173 = arith.index_cast %get3A_172 : i32 to index
          %get3A_174 = arith.index_cast %add3A_171 : i32 to index
          %get3A_175 = arith.constant 48 : index
          %get3A_176 = tpu.vector_load %arg10[%get3A_173, %get3A_174, %get3A_175] {strides = array<i32>} : memref<2x128x128xf32, #tpu.memory_space<vmem>>, vector<16xf32>,
          %mul3A_177 = arith.mulf %get3A_176, %gather3A : vector<16xf32>
          %add3A_178 = arith.constant 0 : i32
          %add3A_179 = arith.addi %add3A_122, %add3A_178 : i32
          %swap3A_180 = arith.constant 0 : i32
          %swap3A_181 = arith.index_cast %swap3A_180 : i32 to index
          %swap3A_182 = arith.index_cast %add3A_179 : i32 to index
          %swap3A_183 = arith.constant 48 : index
          %swap3A_184 = tpu.vector_load %arg10[%swap3A_181, %swap3A_182, %swap3A_183] {strides = array<i32>} : memref<2x128x128xf32, #tpu.memory_space<vmem>>, vector<16xf32>,
          tpu.vector_store %arg10[%swap3A_181, %swap3A_182, %swap3A_183], %mul3A_177 {strides = array<i32>} : memref<2x128x128xf32, #tpu.memory_space<vmem>>, vector<16xf32>,
          %add3A_185 = arith.constant 0 : i32
          %add3A_186 = arith.addi %add3A_122, %add3A_185 : i32
          %get3A_187 = arith.constant 0 : i32
          %get3A_188 = arith.index_cast %get3A_187 : i32 to index
          %get3A_189 = arith.index_cast %add3A_186 : i32 to index
          %get3A_190 = arith.constant 64 : index
          %get3A_191 = tpu.vector_load %arg10[%get3A_188, %get3A_189, %get3A_190] {strides = array<i32>} : memref<2x128x128xf32, #tpu.memory_space<vmem>>, vector<16xf32>,
          %mul3A_192 = arith.mulf %get3A_191, %gather3A : vector<16xf32>
          %add3A_193 = arith.constant 0 : i32
          %add3A_194 = arith.addi %add3A_122, %add3A_193 : i32
          %swap3A_195 = arith.constant 0 : i32
          %swap3A_196 = arith.index_cast %swap3A_195 : i32 to index
          %swap3A_197 = arith.index_cast %add3A_194 : i32 to index
          %swap3A_198 = arith.constant 64 : index
          %swap3A_199 = tpu.vector_load %arg10[%swap3A_196, %swap3A_197, %swap3A_198] {strides = array<i32>} : memref<2x128x128xf32, #tpu.memory_space<vmem>>, vector<16xf32>,
          tpu.vector_store %arg10[%swap3A_196, %swap3A_197, %swap3A_198], %mul3A_192 {strides = array<i32>} : memref<2x128x128xf32, #tpu.memory_space<vmem>>, vector<16xf32>,
          %add3A_200 = arith.constant 0 : i32
          %add3A_201 = arith.addi %add3A_122, %add3A_200 : i32
          %get3A_202 = arith.constant 0 : i32
          %get3A_203 = arith.index_cast %get3A_202 : i32 to index
          %get3A_204 = arith.index_cast %add3A_201 : i32 to index
          %get3A_205 = arith.constant 80 : index
          %get3A_206 = tpu.vector_load %arg10[%get3A_203, %get3A_204, %get3A_205] {strides = array<i32>} : memref<2x128x128xf32, #tpu.memory_space<vmem>>, vector<16xf32>,
          %mul3A_207 = arith.mulf %get3A_206, %gather3A : vector<16xf32>
          %add3A_208 = arith.constant 0 : i32
          %add3A_209 = arith.addi %add3A_122, %add3A_208 : i32
          %swap3A_210 = arith.constant 0 : i32
          %swap3A_211 = arith.index_cast %swap3A_210 : i32 to index
          %swap3A_212 = arith.index_cast %add3A_209 : i32 to index
          %swap3A_213 = arith.constant 80 : index
          %swap3A_214 = tpu.vector_load %arg10[%swap3A_211, %swap3A_212, %swap3A_213] {strides = array<i32>} : memref<2x128x128xf32, #tpu.memory_space<vmem>>, vector<16xf32>,
          tpu.vector_store %arg10[%swap3A_211, %swap3A_212, %swap3A_213], %mul3A_207 {strides = array<i32>} : memref<2x128x128xf32, #tpu.memory_space<vmem>>, vector<16xf32>,
          %add3A_215 = arith.constant 0 : i32
          %add3A_216 = arith.addi %add3A_122, %add3A_215 : i32
          %get3A_217 = arith.constant 0 : i32
          %get3A_218 = arith.index_cast %get3A_217 : i32 to index
          %get3A_219 = arith.index_cast %add3A_216 : i32 to index
          %get3A_220 = arith.constant 96 : index
          %get3A_221 = tpu.vector_load %arg10[%get3A_218, %get3A_219, %get3A_220] {strides = array<i32>} : memref<2x128x128xf32, #tpu.memory_space<vmem>>, vector<16xf32>,
          %mul3A_222 = arith.mulf %get3A_221, %gather3A : vector<16xf32>
          %add3A_223 = arith.constant 0 : i32
          %add3A_224 = arith.addi %add3A_122, %add3A_223 : i32
          %swap3A_225 = arith.constant 0 : i32
          %swap3A_226 = arith.index_cast %swap3A_225 : i32 to index
          %swap3A_227 = arith.index_cast %add3A_224 : i32 to index
          %swap3A_228 = arith.constant 96 : index
          %swap3A_229 = tpu.vector_load %arg10[%swap3A_226, %swap3A_227, %swap3A_228] {strides = array<i32>} : memref<2x128x128xf32, #tpu.memory_space<vmem>>, vector<16xf32>,
          tpu.vector_store %arg10[%swap3A_226, %swap3A_227, %swap3A_228], %mul3A_222 {strides = array<i32>} : memref<2x128x128xf32, #tpu.memory_space<vmem>>, vector<16xf32>,
          %add3A_230 = arith.constant 0 : i32
          %add3A_231 = arith.addi %add3A_122, %add3A_230 : i32
          %get3A_232 = arith.constant 0 : i32
          %get3A_233 = arith.index_cast %get3A_232 : i32 to index
          %get3A_234 = arith.index_cast %add3A_231 : i32 to index
          %get3A_235 = arith.constant 112 : index
          %get3A_236 = tpu.vector_load %arg10[%get3A_233, %get3A_234, %get3A_235] {strides = array<i32>} : memref<2x128x128xf32, #tpu.memory_space<vmem>>, vector<16xf32>,
          %mul3A_237 = arith.mulf %get3A_236, %gather3A : vector<16xf32>
          %add3A_238 = arith.constant 0 : i32
          %add3A_239 = arith.addi %add3A_122, %add3A_238 : i32
          %swap3A_240 = arith.constant 0 : i32
          %swap3A_241 = arith.index_cast %swap3A_240 : i32 to index
          %swap3A_242 = arith.index_cast %add3A_239 : i32 to index
          %swap3A_243 = arith.constant 112 : index
          %swap3A_244 = tpu.vector_load %arg10[%swap3A_241, %swap3A_242, %swap3A_243] {strides = array<i32>} : memref<2x128x128xf32, #tpu.memory_space<vmem>>, vector<16xf32>,
          tpu.vector_store %arg10[%swap3A_241, %swap3A_242, %swap3A_243], %mul3A_237 {strides = array<i32>} : memref<2x128x128xf32, #tpu.memory_space<vmem>>, vector<16xf32>,
          %add3A_245 = arith.constant 1 : i32
          %add3A_246 = arith.addi %add3A_122, %add3A_245 : i32
          %broadcast_in_dim3A_247 = vector.broadcast %add3A_246 : i32 to vector<16xi32>
          %gather3A_248 = tpu.vector_load_idx %arg9[%broadcast_in_dim3A_123, %broadcast_in_dim3A_247] : memref<40x128xf32, #tpu.memory_space<vmem>>[vector<16xi32>, vector<16xi32>], vector<16xf32>,
          %add3A_249 = arith.constant 1 : i32
          %add3A_250 = arith.addi %add3A_122, %add3A_249 : i32
          %get3A_251 = arith.constant 0 : i32
          %get3A_252 = arith.index_cast %get3A_251 : i32 to index
          %get3A_253 = arith.index_cast %add3A_250 : i32 to index
          %get3A_254 = arith.constant 0 : index
          %get3A_255 = tpu.vector_load %arg10[%get3A_252, %get3A_253, %get3A_254] {strides = array<i32>} : memref<2x128x128xf32, #tpu.memory_space<vmem>>, vector<16xf32>,
          %mul3A_256 = arith.mulf %get3A_255, %gather3A_248 : vector<16xf32>
          %add3A_257 = arith.constant 1 : i32
          %add3A_258 = arith.addi %add3A_122, %add3A_257 : i32
          %swap3A_259 = arith.constant 0 : i32
          %swap3A_260 = arith.index_cast %swap3A_259 : i32 to index
          %swap3A_261 = arith.index_cast %add3A_258 : i32 to index
          %swap3A_262 = arith.constant 0 : index
          %swap3A_263 = tpu.vector_load %arg10[%swap3A_260, %swap3A_261, %swap3A_262] {strides = array<i32>} : memref<2x128x128xf32, #tpu.memory_space<vmem>>, vector<16xf32>,
          tpu.vector_store %arg10[%swap3A_260, %swap3A_261, %swap3A_262], %mul3A_256 {strides = array<i32>} : memref<2x128x128xf32, #tpu.memory_space<vmem>>, vector<16xf32>,
          %add3A_264 = arith.constant 1 : i32
          %add3A_265 = arith.addi %add3A_122, %add3A_264 : i32
          %get3A_266 = arith.constant 0 : i32
          %get3A_267 = arith.index_cast %get3A_266 : i32 to index
          %get3A_268 = arith.index_cast %add3A_265 : i32 to index
          %get3A_269 = arith.constant 16 : index
          %get3A_270 = tpu.vector_load %arg10[%get3A_267, %get3A_268, %get3A_269] {strides = array<i32>} : memref<2x128x128xf32, #tpu.memory_space<vmem>>, vector<16xf32>,
          %mul3A_271 = arith.mulf %get3A_270, %gather3A_248 : vector<16xf32>
          %add3A_272 = arith.constant 1 : i32
          %add3A_273 = arith.addi %add3A_122, %add3A_272 : i32
          %swap3A_274 = arith.constant 0 : i32
          %swap3A_275 = arith.index_cast %swap3A_274 : i32 to index
          %swap3A_276 = arith.index_cast %add3A_273 : i32 to index
          %swap3A_277 = arith.constant 16 : index
          %swap3A_278 = tpu.vector_load %arg10[%swap3A_275, %swap3A_276, %swap3A_277] {strides = array<i32>} : memref<2x128x128xf32, #tpu.memory_space<vmem>>, vector<16xf32>,
          tpu.vector_store %arg10[%swap3A_275, %swap3A_276, %swap3A_277], %mul3A_271 {strides = array<i32>} : memref<2x128x128xf32, #tpu.memory_space<vmem>>, vector<16xf32>,
          %add3A_279 = arith.constant 1 : i32
          %add3A_280 = arith.addi %add3A_122, %add3A_279 : i32
          %get3A_281 = arith.constant 0 : i32
          %get3A_282 = arith.index_cast %get3A_281 : i32 to index
          %get3A_283 = arith.index_cast %add3A_280 : i32 to index
          %get3A_284 = arith.constant 32 : index
          %get3A_285 = tpu.vector_load %arg10[%get3A_282, %get3A_283, %get3A_284] {strides = array<i32>} : memref<2x128x128xf32, #tpu.memory_space<vmem>>, vector<16xf32>,
          %mul3A_286 = arith.mulf %get3A_285, %gather3A_248 : vector<16xf32>
          %add3A_287 = arith.constant 1 : i32
          %add3A_288 = arith.addi %add3A_122, %add3A_287 : i32
          %swap3A_289 = arith.constant 0 : i32
          %swap3A_290 = arith.index_cast %swap3A_289 : i32 to index
          %swap3A_291 = arith.index_cast %add3A_288 : i32 to index
          %swap3A_292 = arith.constant 32 : index
          %swap3A_293 = tpu.vector_load %arg10[%swap3A_290, %swap3A_291, %swap3A_292] {strides = array<i32>} : memref<2x128x128xf32, #tpu.memory_space<vmem>>, vector<16xf32>,
          tpu.vector_store %arg10[%swap3A_290, %swap3A_291, %swap3A_292], %mul3A_286 {strides = array<i32>} : memref<2x128x128xf32, #tpu.memory_space<vmem>>, vector<16xf32>,
          %add3A_294 = arith.constant 1 : i32
          %add3A_295 = arith.addi %add3A_122, %add3A_294 : i32
          %get3A_296 = arith.constant 0 : i32
          %get3A_297 = arith.index_cast %get3A_296 : i32 to index
          %get3A_298 = arith.index_cast %add3A_295 : i32 to index
          %get3A_299 = arith.constant 48 : index
          %get3A_300 = tpu.vector_load %arg10[%get3A_297, %get3A_298, %get3A_299] {strides = array<i32>} : memref<2x128x128xf32, #tpu.memory_space<vmem>>, vector<16xf32>,
          %mul3A_301 = arith.mulf %get3A_300, %gather3A_248 : vector<16xf32>
          %add3A_302 = arith.constant 1 : i32
          %add3A_303 = arith.addi %add3A_122, %add3A_302 : i32
          %swap3A_304 = arith.constant 0 : i32
          %swap3A_305 = arith.index_cast %swap3A_304 : i32 to index
          %swap3A_306 = arith.index_cast %add3A_303 : i32 to index
          %swap3A_307 = arith.constant 48 : index
          %swap3A_308 = tpu.vector_load %arg10[%swap3A_305, %swap3A_306, %swap3A_307] {strides = array<i32>} : memref<2x128x128xf32, #tpu.memory_space<vmem>>, vector<16xf32>,
          tpu.vector_store %arg10[%swap3A_305, %swap3A_306, %swap3A_307], %mul3A_301 {strides = array<i32>} : memref<2x128x128xf32, #tpu.memory_space<vmem>>, vector<16xf32>,
          %add3A_309 = arith.constant 1 : i32
          %add3A_310 = arith.addi %add3A_122, %add3A_309 : i32
          %get3A_311 = arith.constant 0 : i32
          %get3A_312 = arith.index_cast %get3A_311 : i32 to index
          %get3A_313 = arith.index_cast %add3A_310 : i32 to index
          %get3A_314 = arith.constant 64 : index
          %get3A_315 = tpu.vector_load %arg10[%get3A_312, %get3A_313, %get3A_314] {strides = array<i32>} : memref<2x128x128xf32, #tpu.memory_space<vmem>>, vector<16xf32>,
          %mul3A_316 = arith.mulf %get3A_315, %gather3A_248 : vector<16xf32>
          %add3A_317 = arith.constant 1 : i32
          %add3A_318 = arith.addi %add3A_122, %add3A_317 : i32
          %swap3A_319 = arith.constant 0 : i32
          %swap3A_320 = arith.index_cast %swap3A_319 : i32 to index
          %swap3A_321 = arith.index_cast %add3A_318 : i32 to index
          %swap3A_322 = arith.constant 64 : index
          %swap3A_323 = tpu.vector_load %arg10[%swap3A_320, %swap3A_321, %swap3A_322] {strides = array<i32>} : memref<2x128x128xf32, #tpu.memory_space<vmem>>, vector<16xf32>,
          tpu.vector_store %arg10[%swap3A_320, %swap3A_321, %swap3A_322], %mul3A_316 {strides = array<i32>} : memref<2x128x128xf32, #tpu.memory_space<vmem>>, vector<16xf32>,
          %add3A_324 = arith.constant 1 : i32
          %add3A_325 = arith.addi %add3A_122, %add3A_324 : i32
          %get3A_326 = arith.constant 0 : i32
          %get3A_327 = arith.index_cast %get3A_326 : i32 to index
          %get3A_328 = arith.index_cast %add3A_325 : i32 to index
          %get3A_329 = arith.constant 80 : index
          %get3A_330 = tpu.vector_load %arg10[%get3A_327, %get3A_328, %get3A_329] {strides = array<i32>} : memref<2x128x128xf32, #tpu.memory_space<vmem>>, vector<16xf32>,
          %mul3A_331 = arith.mulf %get3A_330, %gather3A_248 : vector<16xf32>
          %add3A_332 = arith.constant 1 : i32
          %add3A_333 = arith.addi %add3A_122, %add3A_332 : i32
          %swap3A_334 = arith.constant 0 : i32
          %swap3A_335 = arith.index_cast %swap3A_334 : i32 to index
          %swap3A_336 = arith.index_cast %add3A_333 : i32 to index
          %swap3A_337 = arith.constant 80 : index
          %swap3A_338 = tpu.vector_load %arg10[%swap3A_335, %swap3A_336, %swap3A_337] {strides = array<i32>} : memref<2x128x128xf32, #tpu.memory_space<vmem>>, vector<16xf32>,
          tpu.vector_store %arg10[%swap3A_335, %swap3A_336, %swap3A_337], %mul3A_331 {strides = array<i32>} : memref<2x128x128xf32, #tpu.memory_space<vmem>>, vector<16xf32>,
          %add3A_339 = arith.constant 1 : i32
          %add3A_340 = arith.addi %add3A_122, %add3A_339 : i32
          %get3A_341 = arith.constant 0 : i32
          %get3A_342 = arith.index_cast %get3A_341 : i32 to index
          %get3A_343 = arith.index_cast %add3A_340 : i32 to index
          %get3A_344 = arith.constant 96 : index
          %get3A_345 = tpu.vector_load %arg10[%get3A_342, %get3A_343, %get3A_344] {strides = array<i32>} : memref<2x128x128xf32, #tpu.memory_space<vmem>>, vector<16xf32>,
          %mul3A_346 = arith.mulf %get3A_345, %gather3A_248 : vector<16xf32>
          %add3A_347 = arith.constant 1 : i32
          %add3A_348 = arith.addi %add3A_122, %add3A_347 : i32
          %swap3A_349 = arith.constant 0 : i32
          %swap3A_350 = arith.index_cast %swap3A_349 : i32 to index
          %swap3A_351 = arith.index_cast %add3A_348 : i32 to index
          %swap3A_352 = arith.constant 96 : index
          %swap3A_353 = tpu.vector_load %arg10[%swap3A_350, %swap3A_351, %swap3A_352] {strides = array<i32>} : memref<2x128x128xf32, #tpu.memory_space<vmem>>, vector<16xf32>,
          tpu.vector_store %arg10[%swap3A_350, %swap3A_351, %swap3A_352], %mul3A_346 {strides = array<i32>} : memref<2x128x128xf32, #tpu.memory_space<vmem>>, vector<16xf32>,
          %add3A_354 = arith.constant 1 : i32
          %add3A_355 = arith.addi %add3A_122, %add3A_354 : i32
          %get3A_356 = arith.constant 0 : i32
          %get3A_357 = arith.index_cast %get3A_356 : i32 to index
          %get3A_358 = arith.index_cast %add3A_355 : i32 to index
          %get3A_359 = arith.constant 112 : index
          %get3A_360 = tpu.vector_load %arg10[%get3A_357, %get3A_358, %get3A_359] {strides = array<i32>} : memref<2x128x128xf32, #tpu.memory_space<vmem>>, vector<16xf32>,
          %mul3A_361 = arith.mulf %get3A_360, %gather3A_248 : vector<16xf32>
          %add3A_362 = arith.constant 1 : i32
          %add3A_363 = arith.addi %add3A_122, %add3A_362 : i32
          %swap3A_364 = arith.constant 0 : i32
          %swap3A_365 = arith.index_cast %swap3A_364 : i32 to index
          %swap3A_366 = arith.index_cast %add3A_363 : i32 to index
          %swap3A_367 = arith.constant 112 : index
          %swap3A_368 = tpu.vector_load %arg10[%swap3A_365, %swap3A_366, %swap3A_367] {strides = array<i32>} : memref<2x128x128xf32, #tpu.memory_space<vmem>>, vector<16xf32>,
          tpu.vector_store %arg10[%swap3A_365, %swap3A_366, %swap3A_367], %mul3A_361 {strides = array<i32>} : memref<2x128x128xf32, #tpu.memory_space<vmem>>, vector<16xf32>,
        }
        %scan3A_83 = arith.constant 64 : i32
        %run_scoped3A = arith.constant 0 : i32
        "tpu.region"() ({
          %run_scoped3A_118 = tpu.sem_alloc : memref<!tpu.dma_semaphore, #tpu.memory_space<semaphore_mem>>
          %dma_start3A_119 = arith.constant 0 : i32
          %dma_start3A_120 = arith.constant 0 : i32
          %dma_start3A_121 = tpu.memref_slice %arg10[%run_scoped3A, %dma_start3A_119, %dma_start3A_120] : memref<2x128x128xf32, #tpu.memory_space<vmem>> -> memref<1x128x128xf32, #tpu.memory_space<vmem>>
          %dma_start3A_122 = tpu.memref_squeeze %dma_start3A_121 : memref<1x128x128xf32, #tpu.memory_space<vmem>> -> memref<128x128xf32, #tpu.memory_space<vmem>>
          %dma_start3A_123 = arith.constant 0 : i32
          %dma_start3A_124 = tpu.memref_slice %arg8[%add3A_68, %dma_start3A_123] : memref<40x128xi32, #tpu.memory_space<vmem>> -> memref<1x128xi32, #tpu.memory_space<vmem>>
          %dma_start3A_125 = tpu.memref_squeeze %dma_start3A_124 : memref<1x128xi32, #tpu.memory_space<vmem>> -> memref<128xi32, #tpu.memory_space<vmem>>
          %dma_start3A_126 = arith.constant 0 : i32
          %dma_start3A_127 = arith.constant 0 : i32
          %dma_start3A_128 = tpu.memref_slice %arg11[%dma_start3A_126, %dma_start3A_127] : memref<10240x128xf32, #tpu.memory_space<vmem_shared>> -> memref<10240x128xf32, #tpu.memory_space<vmem_shared>>
          tpu.enqueue_indirect_dma source(%dma_start3A_122 : memref<128x128xf32, #tpu.memory_space<vmem>>) target(%dma_start3A_128 : memref<10240x128xf32, #tpu.memory_space<vmem_shared>>) offsets(%dma_start3A_125 : memref<128xi32, #tpu.memory_space<vmem>>) semaphore(%run_scoped3A_118 : memref<!tpu.dma_semaphore, #tpu.memory_space<semaphore_mem>>) {add = true}
          %dma_wait3A_129 = arith.constant 0 : i32
          %dma_wait3A_130 = arith.constant 0 : i32
          %dma_wait3A_131 = tpu.memref_slice %arg10[%run_scoped3A, %dma_wait3A_129, %dma_wait3A_130] : memref<2x128x128xf32, #tpu.memory_space<vmem>> -> memref<1x128x128xf32, #tpu.memory_space<vmem>>
          %dma_wait3A_132 = tpu.memref_squeeze %dma_wait3A_131 : memref<1x128x128xf32, #tpu.memory_space<vmem>> -> memref<128x128xf32, #tpu.memory_space<vmem>>
          %dma_wait3A_133 = arith.constant 0 : i32
          %dma_wait3A_134 = tpu.memref_slice %arg8[%add3A_68, %dma_wait3A_133] : memref<40x128xi32, #tpu.memory_space<vmem>> -> memref<1x128xi32, #tpu.memory_space<vmem>>
          %dma_wait3A_135 = tpu.memref_squeeze %dma_wait3A_134 : memref<1x128xi32, #tpu.memory_space<vmem>> -> memref<128xi32, #tpu.memory_space<vmem>>
          %dma_wait3A_136 = arith.constant 0 : i32
          %dma_wait3A_137 = arith.constant 0 : i32
          %dma_wait3A_138 = tpu.memref_slice %arg11[%dma_wait3A_136, %dma_wait3A_137] : memref<10240x128xf32, #tpu.memory_space<vmem_shared>> -> memref<10240x128xf32, #tpu.memory_space<vmem_shared>>
          tpu.wait_indirect_dma semaphore(%run_scoped3A_118 : memref<!tpu.dma_semaphore, #tpu.memory_space<semaphore_mem>>) src(%dma_wait3A_132 : memref<128x128xf32, #tpu.memory_space<vmem>>) dst(%dma_wait3A_138 : memref<10240x128xf32, #tpu.memory_space<vmem_shared>>)
          tpu.yield
        }) : () -> ()
        %add3A_84 = arith.constant 2 : i32
        %add3A_85 = arith.addi %add3A_68, %add3A_84 : i32
        %lt3A = arith.constant 40 : i32
        %lt3A_86 = arith.cmpi slt, %add3A_85, %lt3A : i32
        %convert_element_type3A_87 = arith.extui %lt3A_86 : i1 to i32
        %cond3A_88 = arith.constant 0 : i32
        %cond3A_89 = arith.constant 0 : i32
        %cond3A_90 = arith.cmpi ne, %convert_element_type3A_87, %cond3A_89 : i32
        scf.if %cond3A_90 {
          %add3A_118 = arith.constant 2 : i32
          %add3A_119 = arith.addi %add3A_68, %add3A_118 : i32
          %dma_start3A_120 = arith.constant 0 : i32
          %dma_start3A_121 = arith.constant 0 : i32
          %dma_start3A_122 = tpu.memref_slice %arg10[%cond3A_88, %dma_start3A_120, %dma_start3A_121] : memref<2x128x128xf32, #tpu.memory_space<vmem>> -> memref<1x128x128xf32, #tpu.memory_space<vmem>>
          %dma_start3A_123 = tpu.memref_squeeze %dma_start3A_122 : memref<1x128x128xf32, #tpu.memory_space<vmem>> -> memref<128x128xf32, #tpu.memory_space<vmem>>
          %dma_start3A_124 = arith.constant 0 : i32
          %dma_start3A_125 = tpu.memref_slice %arg7[%add3A_119, %dma_start3A_124] : memref<40x128xi32, #tpu.memory_space<vmem>> -> memref<1x128xi32, #tpu.memory_space<vmem>>
          %dma_start3A_126 = tpu.memref_squeeze %dma_start3A_125 : memref<1x128xi32, #tpu.memory_space<vmem>> -> memref<128xi32, #tpu.memory_space<vmem>>
          %dma_start3A_127 = arith.constant 0 : i32
          %dma_start3A_128 = arith.constant 0 : i32
          %dma_start3A_129 = tpu.memref_slice %arg2[%dma_start3A_127, %dma_start3A_128] : memref<10000x128xf32, #tpu.memory_space<hbm>> -> memref<10000x128xf32, #tpu.memory_space<hbm>>
          tpu.enqueue_indirect_dma source(%dma_start3A_129 : memref<10000x128xf32, #tpu.memory_space<hbm>>) target(%dma_start3A_123 : memref<128x128xf32, #tpu.memory_space<vmem>>) offsets(%dma_start3A_126 : memref<128xi32, #tpu.memory_space<vmem>>) semaphore(%arg12 : memref<!tpu.dma_semaphore, #tpu.memory_space<semaphore_mem>>)
        } else {
        }
        %add3A_91 = arith.constant 1 : i32
        %add3A_92 = arith.addi %add3A_66, %add3A_91 : i32
        %dma_wait3A_93 = arith.constant 1 : i32
        %dma_wait3A_94 = arith.constant 0 : i32
        %dma_wait3A_95 = arith.constant 0 : i32
        %dma_wait3A_96 = tpu.memref_slice %arg10[%dma_wait3A_93, %dma_wait3A_94, %dma_wait3A_95] : memref<2x128x128xf32, #tpu.memory_space<vmem>> -> memref<1x128x128xf32, #tpu.memory_space<vmem>>
        %dma_wait3A_97 = tpu.memref_squeeze %dma_wait3A_96 : memref<1x128x128xf32, #tpu.memory_space<vmem>> -> memref<128x128xf32, #tpu.memory_space<vmem>>
        %dma_wait3A_98 = arith.constant 0 : i32
        %dma_wait3A_99 = tpu.memref_slice %arg7[%add3A_92, %dma_wait3A_98] : memref<40x128xi32, #tpu.memory_space<vmem>> -> memref<1x128xi32, #tpu.memory_space<vmem>>
        %dma_wait3A_100 = tpu.memref_squeeze %dma_wait3A_99 : memref<1x128xi32, #tpu.memory_space<vmem>> -> memref<128xi32, #tpu.memory_space<vmem>>
        %dma_wait3A_101 = arith.constant 0 : i32
        %dma_wait3A_102 = arith.constant 0 : i32
        %dma_wait3A_103 = tpu.memref_slice %arg2[%dma_wait3A_101, %dma_wait3A_102] : memref<10000x128xf32, #tpu.memory_space<hbm>> -> memref<10000x128xf32, #tpu.memory_space<hbm>>
        tpu.wait_indirect_dma semaphore(%arg13 : memref<!tpu.dma_semaphore, #tpu.memory_space<semaphore_mem>>) src(%dma_wait3A_103 : memref<10000x128xf32, #tpu.memory_space<hbm>>) dst(%dma_wait3A_97 : memref<128x128xf32, #tpu.memory_space<vmem>>)
        %scan3A_104 = arith.constant 0 : i32
        %scan3A_105 = arith.constant 64 : i32
        %scan3A_106 = arith.addi %scan3A_104, %scan3A_105 : i32
        %scan3A_107 = arith.constant 1 : i32
        scf.for %scan3A_118 = %scan3A_104 to %scan3A_106 step %scan3A_107  : i32 {
          %mul3A_119 = arith.constant 2 : i32
          %mul3A_120 = arith.muli %scan3A_118, %mul3A_119 : i32
          %add3A_121 = arith.constant 0 : i32
          %add3A_122 = arith.addi %add3A_121, %mul3A_120 : i32
          %broadcast_in_dim3A_123 = vector.broadcast %add3A_92 : i32 to vector<16xi32>
          %add3A_124 = arith.constant 0 : i32
          %add3A_125 = arith.addi %add3A_122, %add3A_124 : i32
          %broadcast_in_dim3A_126 = vector.broadcast %add3A_125 : i32 to vector<16xi32>
          %gather3A = tpu.vector_load_idx %arg9[%broadcast_in_dim3A_123, %broadcast_in_dim3A_126] : memref<40x128xf32, #tpu.memory_space<vmem>>[vector<16xi32>, vector<16xi32>], vector<16xf32>,
          %add3A_127 = arith.constant 0 : i32
          %add3A_128 = arith.addi %add3A_122, %add3A_127 : i32
          %get3A = arith.constant 1 : i32
          %get3A_129 = arith.index_cast %get3A : i32 to index
          %get3A_130 = arith.index_cast %add3A_128 : i32 to index
          %get3A_131 = arith.constant 0 : index
          %get3A_132 = tpu.vector_load %arg10[%get3A_129, %get3A_130, %get3A_131] {strides = array<i32>} : memref<2x128x128xf32, #tpu.memory_space<vmem>>, vector<16xf32>,
          %mul3A_133 = arith.mulf %get3A_132, %gather3A : vector<16xf32>
          %add3A_134 = arith.constant 0 : i32
          %add3A_135 = arith.addi %add3A_122, %add3A_134 : i32
          %swap3A = arith.constant 1 : i32
          %swap3A_136 = arith.index_cast %swap3A : i32 to index
          %swap3A_137 = arith.index_cast %add3A_135 : i32 to index
          %swap3A_138 = arith.constant 0 : index
          %swap3A_139 = tpu.vector_load %arg10[%swap3A_136, %swap3A_137, %swap3A_138] {strides = array<i32>} : memref<2x128x128xf32, #tpu.memory_space<vmem>>, vector<16xf32>,
          tpu.vector_store %arg10[%swap3A_136, %swap3A_137, %swap3A_138], %mul3A_133 {strides = array<i32>} : memref<2x128x128xf32, #tpu.memory_space<vmem>>, vector<16xf32>,
          %add3A_140 = arith.constant 0 : i32
          %add3A_141 = arith.addi %add3A_122, %add3A_140 : i32
          %get3A_142 = arith.constant 1 : i32
          %get3A_143 = arith.index_cast %get3A_142 : i32 to index
          %get3A_144 = arith.index_cast %add3A_141 : i32 to index
          %get3A_145 = arith.constant 16 : index
          %get3A_146 = tpu.vector_load %arg10[%get3A_143, %get3A_144, %get3A_145] {strides = array<i32>} : memref<2x128x128xf32, #tpu.memory_space<vmem>>, vector<16xf32>,
          %mul3A_147 = arith.mulf %get3A_146, %gather3A : vector<16xf32>
          %add3A_148 = arith.constant 0 : i32
          %add3A_149 = arith.addi %add3A_122, %add3A_148 : i32
          %swap3A_150 = arith.constant 1 : i32
          %swap3A_151 = arith.index_cast %swap3A_150 : i32 to index
          %swap3A_152 = arith.index_cast %add3A_149 : i32 to index
          %swap3A_153 = arith.constant 16 : index
          %swap3A_154 = tpu.vector_load %arg10[%swap3A_151, %swap3A_152, %swap3A_153] {strides = array<i32>} : memref<2x128x128xf32, #tpu.memory_space<vmem>>, vector<16xf32>,
          tpu.vector_store %arg10[%swap3A_151, %swap3A_152, %swap3A_153], %mul3A_147 {strides = array<i32>} : memref<2x128x128xf32, #tpu.memory_space<vmem>>, vector<16xf32>,
          %add3A_155 = arith.constant 0 : i32
          %add3A_156 = arith.addi %add3A_122, %add3A_155 : i32
          %get3A_157 = arith.constant 1 : i32
          %get3A_158 = arith.index_cast %get3A_157 : i32 to index
          %get3A_159 = arith.index_cast %add3A_156 : i32 to index
          %get3A_160 = arith.constant 32 : index
          %get3A_161 = tpu.vector_load %arg10[%get3A_158, %get3A_159, %get3A_160] {strides = array<i32>} : memref<2x128x128xf32, #tpu.memory_space<vmem>>, vector<16xf32>,
          %mul3A_162 = arith.mulf %get3A_161, %gather3A : vector<16xf32>
          %add3A_163 = arith.constant 0 : i32
          %add3A_164 = arith.addi %add3A_122, %add3A_163 : i32
          %swap3A_165 = arith.constant 1 : i32
          %swap3A_166 = arith.index_cast %swap3A_165 : i32 to index
          %swap3A_167 = arith.index_cast %add3A_164 : i32 to index
          %swap3A_168 = arith.constant 32 : index
          %swap3A_169 = tpu.vector_load %arg10[%swap3A_166, %swap3A_167, %swap3A_168] {strides = array<i32>} : memref<2x128x128xf32, #tpu.memory_space<vmem>>, vector<16xf32>,
          tpu.vector_store %arg10[%swap3A_166, %swap3A_167, %swap3A_168], %mul3A_162 {strides = array<i32>} : memref<2x128x128xf32, #tpu.memory_space<vmem>>, vector<16xf32>,
          %add3A_170 = arith.constant 0 : i32
          %add3A_171 = arith.addi %add3A_122, %add3A_170 : i32
          %get3A_172 = arith.constant 1 : i32
          %get3A_173 = arith.index_cast %get3A_172 : i32 to index
          %get3A_174 = arith.index_cast %add3A_171 : i32 to index
          %get3A_175 = arith.constant 48 : index
          %get3A_176 = tpu.vector_load %arg10[%get3A_173, %get3A_174, %get3A_175] {strides = array<i32>} : memref<2x128x128xf32, #tpu.memory_space<vmem>>, vector<16xf32>,
          %mul3A_177 = arith.mulf %get3A_176, %gather3A : vector<16xf32>
          %add3A_178 = arith.constant 0 : i32
          %add3A_179 = arith.addi %add3A_122, %add3A_178 : i32
          %swap3A_180 = arith.constant 1 : i32
          %swap3A_181 = arith.index_cast %swap3A_180 : i32 to index
          %swap3A_182 = arith.index_cast %add3A_179 : i32 to index
          %swap3A_183 = arith.constant 48 : index
          %swap3A_184 = tpu.vector_load %arg10[%swap3A_181, %swap3A_182, %swap3A_183] {strides = array<i32>} : memref<2x128x128xf32, #tpu.memory_space<vmem>>, vector<16xf32>,
          tpu.vector_store %arg10[%swap3A_181, %swap3A_182, %swap3A_183], %mul3A_177 {strides = array<i32>} : memref<2x128x128xf32, #tpu.memory_space<vmem>>, vector<16xf32>,
          %add3A_185 = arith.constant 0 : i32
          %add3A_186 = arith.addi %add3A_122, %add3A_185 : i32
          %get3A_187 = arith.constant 1 : i32
          %get3A_188 = arith.index_cast %get3A_187 : i32 to index
          %get3A_189 = arith.index_cast %add3A_186 : i32 to index
          %get3A_190 = arith.constant 64 : index
          %get3A_191 = tpu.vector_load %arg10[%get3A_188, %get3A_189, %get3A_190] {strides = array<i32>} : memref<2x128x128xf32, #tpu.memory_space<vmem>>, vector<16xf32>,
          %mul3A_192 = arith.mulf %get3A_191, %gather3A : vector<16xf32>
          %add3A_193 = arith.constant 0 : i32
          %add3A_194 = arith.addi %add3A_122, %add3A_193 : i32
          %swap3A_195 = arith.constant 1 : i32
          %swap3A_196 = arith.index_cast %swap3A_195 : i32 to index
          %swap3A_197 = arith.index_cast %add3A_194 : i32 to index
          %swap3A_198 = arith.constant 64 : index
          %swap3A_199 = tpu.vector_load %arg10[%swap3A_196, %swap3A_197, %swap3A_198] {strides = array<i32>} : memref<2x128x128xf32, #tpu.memory_space<vmem>>, vector<16xf32>,
          tpu.vector_store %arg10[%swap3A_196, %swap3A_197, %swap3A_198], %mul3A_192 {strides = array<i32>} : memref<2x128x128xf32, #tpu.memory_space<vmem>>, vector<16xf32>,
          %add3A_200 = arith.constant 0 : i32
          %add3A_201 = arith.addi %add3A_122, %add3A_200 : i32
          %get3A_202 = arith.constant 1 : i32
          %get3A_203 = arith.index_cast %get3A_202 : i32 to index
          %get3A_204 = arith.index_cast %add3A_201 : i32 to index
          %get3A_205 = arith.constant 80 : index
          %get3A_206 = tpu.vector_load %arg10[%get3A_203, %get3A_204, %get3A_205] {strides = array<i32>} : memref<2x128x128xf32, #tpu.memory_space<vmem>>, vector<16xf32>,
          %mul3A_207 = arith.mulf %get3A_206, %gather3A : vector<16xf32>
          %add3A_208 = arith.constant 0 : i32
          %add3A_209 = arith.addi %add3A_122, %add3A_208 : i32
          %swap3A_210 = arith.constant 1 : i32
          %swap3A_211 = arith.index_cast %swap3A_210 : i32 to index
          %swap3A_212 = arith.index_cast %add3A_209 : i32 to index
          %swap3A_213 = arith.constant 80 : index
          %swap3A_214 = tpu.vector_load %arg10[%swap3A_211, %swap3A_212, %swap3A_213] {strides = array<i32>} : memref<2x128x128xf32, #tpu.memory_space<vmem>>, vector<16xf32>,
          tpu.vector_store %arg10[%swap3A_211, %swap3A_212, %swap3A_213], %mul3A_207 {strides = array<i32>} : memref<2x128x128xf32, #tpu.memory_space<vmem>>, vector<16xf32>,
          %add3A_215 = arith.constant 0 : i32
          %add3A_216 = arith.addi %add3A_122, %add3A_215 : i32
          %get3A_217 = arith.constant 1 : i32
          %get3A_218 = arith.index_cast %get3A_217 : i32 to index
          %get3A_219 = arith.index_cast %add3A_216 : i32 to index
          %get3A_220 = arith.constant 96 : index
          %get3A_221 = tpu.vector_load %arg10[%get3A_218, %get3A_219, %get3A_220] {strides = array<i32>} : memref<2x128x128xf32, #tpu.memory_space<vmem>>, vector<16xf32>,
          %mul3A_222 = arith.mulf %get3A_221, %gather3A : vector<16xf32>
          %add3A_223 = arith.constant 0 : i32
          %add3A_224 = arith.addi %add3A_122, %add3A_223 : i32
          %swap3A_225 = arith.constant 1 : i32
          %swap3A_226 = arith.index_cast %swap3A_225 : i32 to index
          %swap3A_227 = arith.index_cast %add3A_224 : i32 to index
          %swap3A_228 = arith.constant 96 : index
          %swap3A_229 = tpu.vector_load %arg10[%swap3A_226, %swap3A_227, %swap3A_228] {strides = array<i32>} : memref<2x128x128xf32, #tpu.memory_space<vmem>>, vector<16xf32>,
          tpu.vector_store %arg10[%swap3A_226, %swap3A_227, %swap3A_228], %mul3A_222 {strides = array<i32>} : memref<2x128x128xf32, #tpu.memory_space<vmem>>, vector<16xf32>,
          %add3A_230 = arith.constant 0 : i32
          %add3A_231 = arith.addi %add3A_122, %add3A_230 : i32
          %get3A_232 = arith.constant 1 : i32
          %get3A_233 = arith.index_cast %get3A_232 : i32 to index
          %get3A_234 = arith.index_cast %add3A_231 : i32 to index
          %get3A_235 = arith.constant 112 : index
          %get3A_236 = tpu.vector_load %arg10[%get3A_233, %get3A_234, %get3A_235] {strides = array<i32>} : memref<2x128x128xf32, #tpu.memory_space<vmem>>, vector<16xf32>,
          %mul3A_237 = arith.mulf %get3A_236, %gather3A : vector<16xf32>
          %add3A_238 = arith.constant 0 : i32
          %add3A_239 = arith.addi %add3A_122, %add3A_238 : i32
          %swap3A_240 = arith.constant 1 : i32
          %swap3A_241 = arith.index_cast %swap3A_240 : i32 to index
          %swap3A_242 = arith.index_cast %add3A_239 : i32 to index
          %swap3A_243 = arith.constant 112 : index
          %swap3A_244 = tpu.vector_load %arg10[%swap3A_241, %swap3A_242, %swap3A_243] {strides = array<i32>} : memref<2x128x128xf32, #tpu.memory_space<vmem>>, vector<16xf32>,
          tpu.vector_store %arg10[%swap3A_241, %swap3A_242, %swap3A_243], %mul3A_237 {strides = array<i32>} : memref<2x128x128xf32, #tpu.memory_space<vmem>>, vector<16xf32>,
          %add3A_245 = arith.constant 1 : i32
          %add3A_246 = arith.addi %add3A_122, %add3A_245 : i32
          %broadcast_in_dim3A_247 = vector.broadcast %add3A_246 : i32 to vector<16xi32>
          %gather3A_248 = tpu.vector_load_idx %arg9[%broadcast_in_dim3A_123, %broadcast_in_dim3A_247] : memref<40x128xf32, #tpu.memory_space<vmem>>[vector<16xi32>, vector<16xi32>], vector<16xf32>,
          %add3A_249 = arith.constant 1 : i32
          %add3A_250 = arith.addi %add3A_122, %add3A_249 : i32
          %get3A_251 = arith.constant 1 : i32
          %get3A_252 = arith.index_cast %get3A_251 : i32 to index
          %get3A_253 = arith.index_cast %add3A_250 : i32 to index
          %get3A_254 = arith.constant 0 : index
          %get3A_255 = tpu.vector_load %arg10[%get3A_252, %get3A_253, %get3A_254] {strides = array<i32>} : memref<2x128x128xf32, #tpu.memory_space<vmem>>, vector<16xf32>,
          %mul3A_256 = arith.mulf %get3A_255, %gather3A_248 : vector<16xf32>
          %add3A_257 = arith.constant 1 : i32
          %add3A_258 = arith.addi %add3A_122, %add3A_257 : i32
          %swap3A_259 = arith.constant 1 : i32
          %swap3A_260 = arith.index_cast %swap3A_259 : i32 to index
          %swap3A_261 = arith.index_cast %add3A_258 : i32 to index
          %swap3A_262 = arith.constant 0 : index
          %swap3A_263 = tpu.vector_load %arg10[%swap3A_260, %swap3A_261, %swap3A_262] {strides = array<i32>} : memref<2x128x128xf32, #tpu.memory_space<vmem>>, vector<16xf32>,
          tpu.vector_store %arg10[%swap3A_260, %swap3A_261, %swap3A_262], %mul3A_256 {strides = array<i32>} : memref<2x128x128xf32, #tpu.memory_space<vmem>>, vector<16xf32>,
          %add3A_264 = arith.constant 1 : i32
          %add3A_265 = arith.addi %add3A_122, %add3A_264 : i32
          %get3A_266 = arith.constant 1 : i32
          %get3A_267 = arith.index_cast %get3A_266 : i32 to index
          %get3A_268 = arith.index_cast %add3A_265 : i32 to index
          %get3A_269 = arith.constant 16 : index
          %get3A_270 = tpu.vector_load %arg10[%get3A_267, %get3A_268, %get3A_269] {strides = array<i32>} : memref<2x128x128xf32, #tpu.memory_space<vmem>>, vector<16xf32>,
          %mul3A_271 = arith.mulf %get3A_270, %gather3A_248 : vector<16xf32>
          %add3A_272 = arith.constant 1 : i32
          %add3A_273 = arith.addi %add3A_122, %add3A_272 : i32
          %swap3A_274 = arith.constant 1 : i32
          %swap3A_275 = arith.index_cast %swap3A_274 : i32 to index
          %swap3A_276 = arith.index_cast %add3A_273 : i32 to index
          %swap3A_277 = arith.constant 16 : index
          %swap3A_278 = tpu.vector_load %arg10[%swap3A_275, %swap3A_276, %swap3A_277] {strides = array<i32>} : memref<2x128x128xf32, #tpu.memory_space<vmem>>, vector<16xf32>,
          tpu.vector_store %arg10[%swap3A_275, %swap3A_276, %swap3A_277], %mul3A_271 {strides = array<i32>} : memref<2x128x128xf32, #tpu.memory_space<vmem>>, vector<16xf32>,
          %add3A_279 = arith.constant 1 : i32
          %add3A_280 = arith.addi %add3A_122, %add3A_279 : i32
          %get3A_281 = arith.constant 1 : i32
          %get3A_282 = arith.index_cast %get3A_281 : i32 to index
          %get3A_283 = arith.index_cast %add3A_280 : i32 to index
          %get3A_284 = arith.constant 32 : index
          %get3A_285 = tpu.vector_load %arg10[%get3A_282, %get3A_283, %get3A_284] {strides = array<i32>} : memref<2x128x128xf32, #tpu.memory_space<vmem>>, vector<16xf32>,
          %mul3A_286 = arith.mulf %get3A_285, %gather3A_248 : vector<16xf32>
          %add3A_287 = arith.constant 1 : i32
          %add3A_288 = arith.addi %add3A_122, %add3A_287 : i32
          %swap3A_289 = arith.constant 1 : i32
          %swap3A_290 = arith.index_cast %swap3A_289 : i32 to index
          %swap3A_291 = arith.index_cast %add3A_288 : i32 to index
          %swap3A_292 = arith.constant 32 : index
          %swap3A_293 = tpu.vector_load %arg10[%swap3A_290, %swap3A_291, %swap3A_292] {strides = array<i32>} : memref<2x128x128xf32, #tpu.memory_space<vmem>>, vector<16xf32>,
          tpu.vector_store %arg10[%swap3A_290, %swap3A_291, %swap3A_292], %mul3A_286 {strides = array<i32>} : memref<2x128x128xf32, #tpu.memory_space<vmem>>, vector<16xf32>,
          %add3A_294 = arith.constant 1 : i32
          %add3A_295 = arith.addi %add3A_122, %add3A_294 : i32
          %get3A_296 = arith.constant 1 : i32
          %get3A_297 = arith.index_cast %get3A_296 : i32 to index
          %get3A_298 = arith.index_cast %add3A_295 : i32 to index
          %get3A_299 = arith.constant 48 : index
          %get3A_300 = tpu.vector_load %arg10[%get3A_297, %get3A_298, %get3A_299] {strides = array<i32>} : memref<2x128x128xf32, #tpu.memory_space<vmem>>, vector<16xf32>,
          %mul3A_301 = arith.mulf %get3A_300, %gather3A_248 : vector<16xf32>
          %add3A_302 = arith.constant 1 : i32
          %add3A_303 = arith.addi %add3A_122, %add3A_302 : i32
          %swap3A_304 = arith.constant 1 : i32
          %swap3A_305 = arith.index_cast %swap3A_304 : i32 to index
          %swap3A_306 = arith.index_cast %add3A_303 : i32 to index
          %swap3A_307 = arith.constant 48 : index
          %swap3A_308 = tpu.vector_load %arg10[%swap3A_305, %swap3A_306, %swap3A_307] {strides = array<i32>} : memref<2x128x128xf32, #tpu.memory_space<vmem>>, vector<16xf32>,
          tpu.vector_store %arg10[%swap3A_305, %swap3A_306, %swap3A_307], %mul3A_301 {strides = array<i32>} : memref<2x128x128xf32, #tpu.memory_space<vmem>>, vector<16xf32>,
          %add3A_309 = arith.constant 1 : i32
          %add3A_310 = arith.addi %add3A_122, %add3A_309 : i32
          %get3A_311 = arith.constant 1 : i32
          %get3A_312 = arith.index_cast %get3A_311 : i32 to index
          %get3A_313 = arith.index_cast %add3A_310 : i32 to index
          %get3A_314 = arith.constant 64 : index
          %get3A_315 = tpu.vector_load %arg10[%get3A_312, %get3A_313, %get3A_314] {strides = array<i32>} : memref<2x128x128xf32, #tpu.memory_space<vmem>>, vector<16xf32>,
          %mul3A_316 = arith.mulf %get3A_315, %gather3A_248 : vector<16xf32>
          %add3A_317 = arith.constant 1 : i32
          %add3A_318 = arith.addi %add3A_122, %add3A_317 : i32
          %swap3A_319 = arith.constant 1 : i32
          %swap3A_320 = arith.index_cast %swap3A_319 : i32 to index
          %swap3A_321 = arith.index_cast %add3A_318 : i32 to index
          %swap3A_322 = arith.constant 64 : index
          %swap3A_323 = tpu.vector_load %arg10[%swap3A_320, %swap3A_321, %swap3A_322] {strides = array<i32>} : memref<2x128x128xf32, #tpu.memory_space<vmem>>, vector<16xf32>,
          tpu.vector_store %arg10[%swap3A_320, %swap3A_321, %swap3A_322], %mul3A_316 {strides = array<i32>} : memref<2x128x128xf32, #tpu.memory_space<vmem>>, vector<16xf32>,
          %add3A_324 = arith.constant 1 : i32
          %add3A_325 = arith.addi %add3A_122, %add3A_324 : i32
          %get3A_326 = arith.constant 1 : i32
          %get3A_327 = arith.index_cast %get3A_326 : i32 to index
          %get3A_328 = arith.index_cast %add3A_325 : i32 to index
          %get3A_329 = arith.constant 80 : index
          %get3A_330 = tpu.vector_load %arg10[%get3A_327, %get3A_328, %get3A_329] {strides = array<i32>} : memref<2x128x128xf32, #tpu.memory_space<vmem>>, vector<16xf32>,
          %mul3A_331 = arith.mulf %get3A_330, %gather3A_248 : vector<16xf32>
          %add3A_332 = arith.constant 1 : i32
          %add3A_333 = arith.addi %add3A_122, %add3A_332 : i32
          %swap3A_334 = arith.constant 1 : i32
          %swap3A_335 = arith.index_cast %swap3A_334 : i32 to index
          %swap3A_336 = arith.index_cast %add3A_333 : i32 to index
          %swap3A_337 = arith.constant 80 : index
          %swap3A_338 = tpu.vector_load %arg10[%swap3A_335, %swap3A_336, %swap3A_337] {strides = array<i32>} : memref<2x128x128xf32, #tpu.memory_space<vmem>>, vector<16xf32>,
          tpu.vector_store %arg10[%swap3A_335, %swap3A_336, %swap3A_337], %mul3A_331 {strides = array<i32>} : memref<2x128x128xf32, #tpu.memory_space<vmem>>, vector<16xf32>,
          %add3A_339 = arith.constant 1 : i32
          %add3A_340 = arith.addi %add3A_122, %add3A_339 : i32
          %get3A_341 = arith.constant 1 : i32
          %get3A_342 = arith.index_cast %get3A_341 : i32 to index
          %get3A_343 = arith.index_cast %add3A_340 : i32 to index
          %get3A_344 = arith.constant 96 : index
          %get3A_345 = tpu.vector_load %arg10[%get3A_342, %get3A_343, %get3A_344] {strides = array<i32>} : memref<2x128x128xf32, #tpu.memory_space<vmem>>, vector<16xf32>,
          %mul3A_346 = arith.mulf %get3A_345, %gather3A_248 : vector<16xf32>
          %add3A_347 = arith.constant 1 : i32
          %add3A_348 = arith.addi %add3A_122, %add3A_347 : i32
          %swap3A_349 = arith.constant 1 : i32
          %swap3A_350 = arith.index_cast %swap3A_349 : i32 to index
          %swap3A_351 = arith.index_cast %add3A_348 : i32 to index
          %swap3A_352 = arith.constant 96 : index
          %swap3A_353 = tpu.vector_load %arg10[%swap3A_350, %swap3A_351, %swap3A_352] {strides = array<i32>} : memref<2x128x128xf32, #tpu.memory_space<vmem>>, vector<16xf32>,
          tpu.vector_store %arg10[%swap3A_350, %swap3A_351, %swap3A_352], %mul3A_346 {strides = array<i32>} : memref<2x128x128xf32, #tpu.memory_space<vmem>>, vector<16xf32>,
          %add3A_354 = arith.constant 1 : i32
          %add3A_355 = arith.addi %add3A_122, %add3A_354 : i32
          %get3A_356 = arith.constant 1 : i32
          %get3A_357 = arith.index_cast %get3A_356 : i32 to index
          %get3A_358 = arith.index_cast %add3A_355 : i32 to index
          %get3A_359 = arith.constant 112 : index
          %get3A_360 = tpu.vector_load %arg10[%get3A_357, %get3A_358, %get3A_359] {strides = array<i32>} : memref<2x128x128xf32, #tpu.memory_space<vmem>>, vector<16xf32>,
          %mul3A_361 = arith.mulf %get3A_360, %gather3A_248 : vector<16xf32>
          %add3A_362 = arith.constant 1 : i32
          %add3A_363 = arith.addi %add3A_122, %add3A_362 : i32
          %swap3A_364 = arith.constant 1 : i32
          %swap3A_365 = arith.index_cast %swap3A_364 : i32 to index
          %swap3A_366 = arith.index_cast %add3A_363 : i32 to index
          %swap3A_367 = arith.constant 112 : index
          %swap3A_368 = tpu.vector_load %arg10[%swap3A_365, %swap3A_366, %swap3A_367] {strides = array<i32>} : memref<2x128x128xf32, #tpu.memory_space<vmem>>, vector<16xf32>,
          tpu.vector_store %arg10[%swap3A_365, %swap3A_366, %swap3A_367], %mul3A_361 {strides = array<i32>} : memref<2x128x128xf32, #tpu.memory_space<vmem>>, vector<16xf32>,
        }
        %scan3A_108 = arith.constant 64 : i32
        %run_scoped3A_109 = arith.constant 1 : i32
        "tpu.region"() ({
          %run_scoped3A_118 = tpu.sem_alloc : memref<!tpu.dma_semaphore, #tpu.memory_space<semaphore_mem>>
          %dma_start3A_119 = arith.constant 0 : i32
          %dma_start3A_120 = arith.constant 0 : i32
          %dma_start3A_121 = tpu.memref_slice %arg10[%run_scoped3A_109, %dma_start3A_119, %dma_start3A_120] : memref<2x128x128xf32, #tpu.memory_space<vmem>> -> memref<1x128x128xf32, #tpu.memory_space<vmem>>
          %dma_start3A_122 = tpu.memref_squeeze %dma_start3A_121 : memref<1x128x128xf32, #tpu.memory_space<vmem>> -> memref<128x128xf32, #tpu.memory_space<vmem>>
          %dma_start3A_123 = arith.constant 0 : i32
          %dma_start3A_124 = tpu.memref_slice %arg8[%add3A_92, %dma_start3A_123] : memref<40x128xi32, #tpu.memory_space<vmem>> -> memref<1x128xi32, #tpu.memory_space<vmem>>
          %dma_start3A_125 = tpu.memref_squeeze %dma_start3A_124 : memref<1x128xi32, #tpu.memory_space<vmem>> -> memref<128xi32, #tpu.memory_space<vmem>>
          %dma_start3A_126 = arith.constant 0 : i32
          %dma_start3A_127 = arith.constant 0 : i32
          %dma_start3A_128 = tpu.memref_slice %arg11[%dma_start3A_126, %dma_start3A_127] : memref<10240x128xf32, #tpu.memory_space<vmem_shared>> -> memref<10240x128xf32, #tpu.memory_space<vmem_shared>>
          tpu.enqueue_indirect_dma source(%dma_start3A_122 : memref<128x128xf32, #tpu.memory_space<vmem>>) target(%dma_start3A_128 : memref<10240x128xf32, #tpu.memory_space<vmem_shared>>) offsets(%dma_start3A_125 : memref<128xi32, #tpu.memory_space<vmem>>) semaphore(%run_scoped3A_118 : memref<!tpu.dma_semaphore, #tpu.memory_space<semaphore_mem>>) {add = true}
          %dma_wait3A_129 = arith.constant 0 : i32
          %dma_wait3A_130 = arith.constant 0 : i32
          %dma_wait3A_131 = tpu.memref_slice %arg10[%run_scoped3A_109, %dma_wait3A_129, %dma_wait3A_130] : memref<2x128x128xf32, #tpu.memory_space<vmem>> -> memref<1x128x128xf32, #tpu.memory_space<vmem>>
          %dma_wait3A_132 = tpu.memref_squeeze %dma_wait3A_131 : memref<1x128x128xf32, #tpu.memory_space<vmem>> -> memref<128x128xf32, #tpu.memory_space<vmem>>
          %dma_wait3A_133 = arith.constant 0 : i32
          %dma_wait3A_134 = tpu.memref_slice %arg8[%add3A_92, %dma_wait3A_133] : memref<40x128xi32, #tpu.memory_space<vmem>> -> memref<1x128xi32, #tpu.memory_space<vmem>>
          %dma_wait3A_135 = tpu.memref_squeeze %dma_wait3A_134 : memref<1x128xi32, #tpu.memory_space<vmem>> -> memref<128xi32, #tpu.memory_space<vmem>>
          %dma_wait3A_136 = arith.constant 0 : i32
          %dma_wait3A_137 = arith.constant 0 : i32
          %dma_wait3A_138 = tpu.memref_slice %arg11[%dma_wait3A_136, %dma_wait3A_137] : memref<10240x128xf32, #tpu.memory_space<vmem_shared>> -> memref<10240x128xf32, #tpu.memory_space<vmem_shared>>
          tpu.wait_indirect_dma semaphore(%run_scoped3A_118 : memref<!tpu.dma_semaphore, #tpu.memory_space<semaphore_mem>>) src(%dma_wait3A_132 : memref<128x128xf32, #tpu.memory_space<vmem>>) dst(%dma_wait3A_138 : memref<10240x128xf32, #tpu.memory_space<vmem_shared>>)
          tpu.yield
        }) : () -> ()
        %add3A_110 = arith.constant 2 : i32
        %add3A_111 = arith.addi %add3A_92, %add3A_110 : i32
        %lt3A_112 = arith.constant 40 : i32
        %lt3A_113 = arith.cmpi slt, %add3A_111, %lt3A_112 : i32
        %convert_element_type3A_114 = arith.extui %lt3A_113 : i1 to i32
        %cond3A_115 = arith.constant 1 : i32
        %cond3A_116 = arith.constant 0 : i32
        %cond3A_117 = arith.cmpi ne, %convert_element_type3A_114, %cond3A_116 : i32
        scf.if %cond3A_117 {
          %add3A_118 = arith.constant 2 : i32
          %add3A_119 = arith.addi %add3A_92, %add3A_118 : i32
          %dma_start3A_120 = arith.constant 0 : i32
          %dma_start3A_121 = arith.constant 0 : i32
          %dma_start3A_122 = tpu.memref_slice %arg10[%cond3A_115, %dma_start3A_120, %dma_start3A_121] : memref<2x128x128xf32, #tpu.memory_space<vmem>> -> memref<1x128x128xf32, #tpu.memory_space<vmem>>
          %dma_start3A_123 = tpu.memref_squeeze %dma_start3A_122 : memref<1x128x128xf32, #tpu.memory_space<vmem>> -> memref<128x128xf32, #tpu.memory_space<vmem>>
          %dma_start3A_124 = arith.constant 0 : i32
          %dma_start3A_125 = tpu.memref_slice %arg7[%add3A_119, %dma_start3A_124] : memref<40x128xi32, #tpu.memory_space<vmem>> -> memref<1x128xi32, #tpu.memory_space<vmem>>
          %dma_start3A_126 = tpu.memref_squeeze %dma_start3A_125 : memref<1x128xi32, #tpu.memory_space<vmem>> -> memref<128xi32, #tpu.memory_space<vmem>>
          %dma_start3A_127 = arith.constant 0 : i32
          %dma_start3A_128 = arith.constant 0 : i32
          %dma_start3A_129 = tpu.memref_slice %arg2[%dma_start3A_127, %dma_start3A_128] : memref<10000x128xf32, #tpu.memory_space<hbm>> -> memref<10000x128xf32, #tpu.memory_space<hbm>>
          tpu.enqueue_indirect_dma source(%dma_start3A_129 : memref<10000x128xf32, #tpu.memory_space<hbm>>) target(%dma_start3A_123 : memref<128x128xf32, #tpu.memory_space<vmem>>) offsets(%dma_start3A_126 : memref<128xi32, #tpu.memory_space<vmem>>) semaphore(%arg13 : memref<!tpu.dma_semaphore, #tpu.memory_space<semaphore_mem>>)
        } else {
        }
      }
      %scan3A_60 = arith.constant 20 : i32
      %scan3A_61 = arith.constant 1 : i32
    } else {
    }
    %barrier3A_18 = arith.constant 0 : index
    tpu.barrier barrier_id(%barrier3A_18)
    %scan3A_19 = arith.constant 0 : i32
    %scan3A_20 = arith.constant 5 : i32
    %scan3A_21 = arith.addi %scan3A_19, %scan3A_20 : i32
    %scan3A_22 = arith.constant 1 : i32
    scf.for %scan3A_24 = %scan3A_19 to %scan3A_21 step %scan3A_22  : i32 {
      %mul3A_25 = arith.constant 128 : i32
      %mul3A_26 = arith.muli %scan3A_24, %mul3A_25 : i32
      %add3A_27 = arith.constant 0 : i32
      %add3A_28 = arith.addi %add3A_27, %mul3A_26 : i32
      %mul3A_29 = arith.constant 640 : i32
      %mul3A_30 = arith.muli %arg1, %mul3A_29 : i32
      %add3A_31 = arith.addi %mul3A_30, %add3A_28 : i32
      "tpu.region"() ({
        %run_scoped3A = tpu.sem_alloc : memref<!tpu.dma_semaphore, #tpu.memory_space<semaphore_mem>>
        %dma_start3A = arith.constant 0 : i32
        %dma_start3A_32 = tpu.memref_slice %arg6[%arg0, %add3A_31, %dma_start3A] : memref<2x10240x128xf32, #tpu.memory_space<hbm>> -> memref<1x128x128xf32, #tpu.memory_space<hbm>>
        %dma_start3A_33 = tpu.memref_squeeze %dma_start3A_32 : memref<1x128x128xf32, #tpu.memory_space<hbm>> -> memref<128x128xf32, #tpu.memory_space<hbm>>
        %dma_start3A_34 = arith.constant 0 : i32
        %dma_start3A_35 = tpu.memref_slice %arg11[%add3A_31, %dma_start3A_34] : memref<10240x128xf32, #tpu.memory_space<vmem_shared>> -> memref<128x128xf32, #tpu.memory_space<vmem_shared>>
        tpu.enqueue_dma source(%dma_start3A_35 : memref<128x128xf32, #tpu.memory_space<vmem_shared>>) target(%dma_start3A_33 : memref<128x128xf32, #tpu.memory_space<hbm>>) target_semaphore(%run_scoped3A : memref<!tpu.dma_semaphore, #tpu.memory_space<semaphore_mem>>)
        %dma_wait3A = arith.constant 0 : i32
        %dma_wait3A_36 = tpu.memref_slice %arg6[%arg0, %add3A_31, %dma_wait3A] : memref<2x10240x128xf32, #tpu.memory_space<hbm>> -> memref<1x128x128xf32, #tpu.memory_space<hbm>>
        %dma_wait3A_37 = tpu.memref_squeeze %dma_wait3A_36 : memref<1x128x128xf32, #tpu.memory_space<hbm>> -> memref<128x128xf32, #tpu.memory_space<hbm>>
        %dma_wait3A_38 = arith.constant 0 : i32
        %dma_wait3A_39 = tpu.memref_slice %arg11[%add3A_31, %dma_wait3A_38] : memref<10240x128xf32, #tpu.memory_space<vmem_shared>> -> memref<128x128xf32, #tpu.memory_space<vmem_shared>>
        tpu.wait_dma2 semaphore(%run_scoped3A : memref<!tpu.dma_semaphore, #tpu.memory_space<semaphore_mem>>) src(%dma_wait3A_39 : memref<128x128xf32, #tpu.memory_space<vmem_shared>>) dst(%dma_wait3A_37 : memref<128x128xf32, #tpu.memory_space<hbm>>)
        tpu.yield
      }) : () -> ()
    }
    %scan3A_23 = arith.constant 5 : i32
    return
  }
}

module attributes {stable_mosaic.version = 14 : i64} {
  func.func @_mm_scale_body(%arg0: i32, %arg1: memref<400x128xf32, #tpu.memory_space<vmem>>, %arg2: memref<128x128xf32, #tpu.memory_space<vmem>>, %arg3: memref<400x2xf32, #tpu.memory_space<vmem>>, %arg4: memref<400x128xf32, #tpu.memory_space<vmem>>) attributes {dimension_semantics = [#tpu.dimension_semantics<arbitrary>], iteration_bounds = array<i64: 25>, scalar_prefetch = 0 : i64, scratch_operands = 0 : i64, tpu.core_type = #tpu.core_type<tc>, window_params = [{transform_indices = @transform_0, window_bounds = array<i64: 400, 128>}, {pipeline_mode = #tpu.pipeline_mode<synchronous>, transform_indices = @transform_1, window_bounds = array<i64: 128, 128>}, {transform_indices = @transform_2, window_bounds = array<i64: 400, 2>}, {transform_indices = @transform_3, window_bounds = array<i64: 400, 128>}]} {
    %get3A = arith.constant 0 : index
    %get3A_0 = arith.constant 0 : index
    %get3A_1 = vector.load %arg1[%get3A, %get3A_0] : memref<400x128xf32, #tpu.memory_space<vmem>>, vector<400x128xf32>
    %get3A_2 = arith.constant 0 : index
    %get3A_3 = arith.constant 0 : index
    %get3A_4 = vector.load %arg2[%get3A_2, %get3A_3] : memref<128x128xf32, #tpu.memory_space<vmem>>, vector<128x128xf32>
    %dot_general3A = arith.constant dense<0.000000e+00> : vector<400x128xf32>
    %dot_general3A_5 = tpu.matmul %get3A_1, %get3A_4, %dot_general3A {dimension_numbers = #tpu.dot_dimension_numbers<[1], [0], [0], [1], [0, 0, 1, 1], [], []>, transpose_lhs_hint = false} : vector<400x128xf32>, vector<128x128xf32>, vector<400x128xf32> -> vector<400x128xf32>
    %get3A_6 = arith.constant 0 : index
    %get3A_7 = arith.constant 0 : index
    %get3A_8 = vector.load %arg3[%get3A_6, %get3A_7] : memref<400x2xf32, #tpu.memory_space<vmem>>, vector<400x1xf32>
    %get3A_9 = arith.constant 0 : index
    %get3A_10 = arith.constant 1 : index
    %get3A_11 = vector.load %arg3[%get3A_9, %get3A_10] : memref<400x2xf32, #tpu.memory_space<vmem>>, vector<400x1xf32>
    %add3A = arith.addf %get3A_8, %get3A_11 : vector<400x1xf32>
    %add3A_12 = arith.constant 1.000000e+00 : f32
    %add3A_13 = vector.broadcast %add3A_12 : f32 to vector<400x1xf32>
    %add3A_14 = arith.addf %add3A, %add3A_13 : vector<400x1xf32>
    %rsqrt3A = math.rsqrt %add3A_14 : vector<400x1xf32>
    %mul3A = vector.broadcast %rsqrt3A : vector<400x1xf32> to vector<400x128xf32>
    %mul3A_15 = arith.mulf %dot_general3A_5, %mul3A : vector<400x128xf32>
    %swap3A = arith.constant 0 : index
    %swap3A_16 = arith.constant 0 : index
    %swap3A_17 = vector.load %arg4[%swap3A, %swap3A_16] : memref<400x128xf32, #tpu.memory_space<vmem>>, vector<400x128xf32>
    tpu.vector_store %arg4[%swap3A, %swap3A_16], %mul3A_15 {strides = array<i32>} : memref<400x128xf32, #tpu.memory_space<vmem>>, vector<400x128xf32>,
    return
  }
  func.func @transform_0(%arg0: i32) -> (i32, i32) {
    %c0_i32 = arith.constant 0 : i32
    %c0_i32_0 = arith.constant 0 : i32
    return %arg0, %c0_i32 : i32, i32
  }
  func.func @transform_1(%arg0: i32) -> (i32, i32) {
    %c0_i32 = arith.constant 0 : i32
    %c0_i32_0 = arith.constant 0 : i32
    %c0_i32_1 = arith.constant 0 : i32
    return %c0_i32, %c0_i32_0 : i32, i32
  }
  func.func @transform_2(%arg0: i32) -> (i32, i32) {
    %c0_i32 = arith.constant 0 : i32
    %c0_i32_0 = arith.constant 0 : i32
    return %arg0, %c0_i32 : i32, i32
  }
  func.func @transform_3(%arg0: i32) -> (i32, i32) {
    %c0_i32 = arith.constant 0 : i32
    %c0_i32_0 = arith.constant 0 : i32
    return %arg0, %c0_i32 : i32, i32
  }
}

module attributes {stable_mosaic.version = 14 : i64} {
  func.func @_combine_body(%arg0: i32, %arg1: memref<2x400x128xf32, #tpu.memory_space<vmem>>, %arg2: memref<400x2xf32, #tpu.memory_space<vmem>>, %arg3: memref<400x128xf32, #tpu.memory_space<vmem>>, %arg4: memref<1x128xf32, #tpu.memory_space<vmem>>, %arg5: memref<128x128xf32, #tpu.memory_space<vmem>>, %arg6: memref<400x128xf32, #tpu.memory_space<vmem>>) attributes {dimension_semantics = [#tpu.dimension_semantics<arbitrary>], iteration_bounds = array<i64: 25>, scalar_prefetch = 0 : i64, scratch_operands = 0 : i64, tpu.core_type = #tpu.core_type<tc>, window_params = [{transform_indices = @transform_0, window_bounds = array<i64: 2, 400, 128>}, {transform_indices = @transform_1, window_bounds = array<i64: 400, 2>}, {transform_indices = @transform_2, window_bounds = array<i64: 400, 128>}, {pipeline_mode = #tpu.pipeline_mode<synchronous>, transform_indices = @transform_3, window_bounds = array<i64: 1, 128>}, {pipeline_mode = #tpu.pipeline_mode<synchronous>, transform_indices = @transform_4, window_bounds = array<i64: 128, 128>}, {transform_indices = @transform_5, window_bounds = array<i64: 400, 128>}]} {
    %get3A = arith.constant 0 : index
    %get3A_0 = arith.constant 0 : index
    %get3A_1 = vector.load %arg2[%get3A, %get3A_0] : memref<400x2xf32, #tpu.memory_space<vmem>>, vector<400x1xf32>
    %get3A_2 = arith.constant 0 : index
    %get3A_3 = arith.constant 1 : index
    %get3A_4 = vector.load %arg2[%get3A_2, %get3A_3] : memref<400x2xf32, #tpu.memory_space<vmem>>, vector<400x1xf32>
    %add3A = arith.addf %get3A_1, %get3A_4 : vector<400x1xf32>
    %add3A_5 = arith.constant 1.000000e+00 : f32
    %add3A_6 = vector.broadcast %add3A_5 : f32 to vector<400x1xf32>
    %add3A_7 = arith.addf %add3A, %add3A_6 : vector<400x1xf32>
    %rsqrt3A = math.rsqrt %add3A_7 : vector<400x1xf32>
    %get3A_8 = arith.constant 0 : index
    %get3A_9 = arith.constant 0 : index
    %get3A_10 = arith.constant 0 : index
    %get3A_11 = vector.load %arg1[%get3A_8, %get3A_9, %get3A_10] : memref<2x400x128xf32, #tpu.memory_space<vmem>>, vector<1x400x128xf32>
    %get3A_12 = vector.shape_cast %get3A_11 : vector<1x400x128xf32> to vector<400x128xf32>
    %get3A_13 = arith.constant 1 : index
    %get3A_14 = arith.constant 0 : index
    %get3A_15 = arith.constant 0 : index
    %get3A_16 = vector.load %arg1[%get3A_13, %get3A_14, %get3A_15] : memref<2x400x128xf32, #tpu.memory_space<vmem>>, vector<1x400x128xf32>
    %get3A_17 = vector.shape_cast %get3A_16 : vector<1x400x128xf32> to vector<400x128xf32>
    %add3A_18 = arith.addf %get3A_12, %get3A_17 : vector<400x128xf32>
    %get3A_19 = arith.constant 0 : index
    %get3A_20 = arith.constant 0 : index
    %get3A_21 = vector.load %arg3[%get3A_19, %get3A_20] : memref<400x128xf32, #tpu.memory_space<vmem>>, vector<400x128xf32>
    %add3A_22 = arith.addf %add3A_18, %get3A_21 : vector<400x128xf32>
    %mul3A = vector.broadcast %rsqrt3A : vector<400x1xf32> to vector<400x128xf32>
    %mul3A_23 = arith.mulf %add3A_22, %mul3A : vector<400x128xf32>
    %get3A_24 = arith.constant 0 : index
    %get3A_25 = arith.constant 0 : index
    %get3A_26 = vector.load %arg4[%get3A_24, %get3A_25] : memref<1x128xf32, #tpu.memory_space<vmem>>, vector<1x128xf32>
    %add3A_27 = vector.broadcast %get3A_26 : vector<1x128xf32> to vector<400x128xf32>
    %add3A_28 = arith.addf %mul3A_23, %add3A_27 : vector<400x128xf32>
    %max3A = arith.constant 0.000000e+00 : f32
    %max3A_29 = vector.broadcast %max3A : f32 to vector<400x128xf32>
    %max3A_30 = arith.maximumf %add3A_28, %max3A_29 : vector<400x128xf32>
    %get3A_31 = arith.constant 0 : index
    %get3A_32 = arith.constant 0 : index
    %get3A_33 = vector.load %arg5[%get3A_31, %get3A_32] : memref<128x128xf32, #tpu.memory_space<vmem>>, vector<128x128xf32>
    %dot_general3A = arith.constant dense<0.000000e+00> : vector<400x128xf32>
    %dot_general3A_34 = tpu.matmul %max3A_30, %get3A_33, %dot_general3A {dimension_numbers = #tpu.dot_dimension_numbers<[1], [0], [0], [1], [0, 0, 1, 1], [], []>, transpose_lhs_hint = false} : vector<400x128xf32>, vector<128x128xf32>, vector<400x128xf32> -> vector<400x128xf32>
    %mul3A_35 = vector.broadcast %rsqrt3A : vector<400x1xf32> to vector<400x128xf32>
    %mul3A_36 = arith.mulf %dot_general3A_34, %mul3A_35 : vector<400x128xf32>
    %swap3A = arith.constant 0 : index
    %swap3A_37 = arith.constant 0 : index
    %swap3A_38 = vector.load %arg6[%swap3A, %swap3A_37] : memref<400x128xf32, #tpu.memory_space<vmem>>, vector<400x128xf32>
    tpu.vector_store %arg6[%swap3A, %swap3A_37], %mul3A_36 {strides = array<i32>} : memref<400x128xf32, #tpu.memory_space<vmem>>, vector<400x128xf32>,
    return
  }
  func.func @transform_0(%arg0: i32) -> (i32, i32, i32) {
    %c0_i32 = arith.constant 0 : i32
    %c0_i32_0 = arith.constant 0 : i32
    %c0_i32_1 = arith.constant 0 : i32
    return %c0_i32, %arg0, %c0_i32_0 : i32, i32, i32
  }
  func.func @transform_1(%arg0: i32) -> (i32, i32) {
    %c0_i32 = arith.constant 0 : i32
    %c0_i32_0 = arith.constant 0 : i32
    return %arg0, %c0_i32 : i32, i32
  }
  func.func @transform_2(%arg0: i32) -> (i32, i32) {
    %c0_i32 = arith.constant 0 : i32
    %c0_i32_0 = arith.constant 0 : i32
    return %arg0, %c0_i32 : i32, i32
  }
  func.func @transform_3(%arg0: i32) -> (i32, i32) {
    %c0_i32 = arith.constant 0 : i32
    %c0_i32_0 = arith.constant 0 : i32
    %c0_i32_1 = arith.constant 0 : i32
    return %c0_i32, %c0_i32_0 : i32, i32
  }
  func.func @transform_4(%arg0: i32) -> (i32, i32) {
    %c0_i32 = arith.constant 0 : i32
    %c0_i32_0 = arith.constant 0 : i32
    %c0_i32_1 = arith.constant 0 : i32
    return %c0_i32, %c0_i32_0 : i32, i32
  }
  func.func @transform_5(%arg0: i32) -> (i32, i32) {
    %c0_i32 = arith.constant 0 : i32
    %c0_i32_0 = arith.constant 0 : i32
    return %arg0, %c0_i32 : i32, i32
  }
}

module attributes {stable_mosaic.version = 14 : i64} {
  func.func @_final_body(%arg0: i32, %arg1: memref<2x400x128xf32, #tpu.memory_space<vmem>>, %arg2: memref<400x2xf32, #tpu.memory_space<vmem>>, %arg3: memref<400x128xf32, #tpu.memory_space<vmem>>, %arg4: memref<1x128xf32, #tpu.memory_space<vmem>>, %arg5: memref<1x1x400xi32, #tpu.memory_space<vmem>>, %arg6: memref<128x128xf32, #tpu.memory_space<vmem>>, %arg7: memref<1x128xf32, #tpu.memory_space<vmem>>, %arg8: memref<1x128xf32, #tpu.memory_space<vmem>>, %arg9: memref<1x128xf32, #tpu.memory_space<vmem>>, %arg10: memref<128x10xf32, #tpu.memory_space<vmem>>, %arg11: memref<1x10xf32, #tpu.memory_space<vmem>>, %arg12: memref<128x10xf32, #tpu.memory_space<vmem>>, %arg13: memref<128x128xf32, #tpu.memory_space<vmem>>, %arg14: memref<128x128xf32, #tpu.memory_space<vmem>>) attributes {dimension_semantics = [#tpu.dimension_semantics<arbitrary>], iteration_bounds = array<i64: 25>, scalar_prefetch = 0 : i64, scratch_operands = 2 : i64, tpu.core_type = #tpu.core_type<tc>, window_params = [{transform_indices = @transform_0, window_bounds = array<i64: 2, 400, 128>}, {transform_indices = @transform_1, window_bounds = array<i64: 400, 2>}, {transform_indices = @transform_2, window_bounds = array<i64: 400, 128>}, {pipeline_mode = #tpu.pipeline_mode<synchronous>, transform_indices = @transform_3, window_bounds = array<i64: 1, 128>}, {transform_indices = @transform_4, window_bounds = array<i64: 1, 1, 400>}, {pipeline_mode = #tpu.pipeline_mode<synchronous>, transform_indices = @transform_5, window_bounds = array<i64: 128, 128>}, {pipeline_mode = #tpu.pipeline_mode<synchronous>, transform_indices = @transform_6, window_bounds = array<i64: 1, 128>}, {pipeline_mode = #tpu.pipeline_mode<synchronous>, transform_indices = @transform_7, window_bounds = array<i64: 1, 128>}, {pipeline_mode = #tpu.pipeline_mode<synchronous>, transform_indices = @transform_8, window_bounds = array<i64: 1, 128>}, {pipeline_mode = #tpu.pipeline_mode<synchronous>, transform_indices = @transform_9, window_bounds = array<i64: 128, 10>}, {pipeline_mode = #tpu.pipeline_mode<synchronous>, transform_indices = @transform_10, window_bounds = array<i64: 1, 10>}, {pipeline_mode = #tpu.pipeline_mode<synchronous>, transform_indices = @transform_11, window_bounds = array<i64: 128, 10>}]} {
    %eq3A = arith.constant 0 : i32
    %eq3A_0 = arith.cmpi eq, %arg0, %eq3A : i32
    %convert_element_type3A = arith.extui %eq3A_0 : i1 to i32
    %cond3A = arith.constant 0 : i32
    %cond3A_1 = arith.cmpi ne, %convert_element_type3A, %cond3A : i32
    scf.if %cond3A_1 {
      %broadcast_in_dim3A_62 = arith.constant 0.000000e+00 : f32
      %broadcast_in_dim3A_63 = vector.broadcast %broadcast_in_dim3A_62 : f32 to vector<128x128xf32>
      %swap3A_64 = arith.constant 0 : index
      %swap3A_65 = arith.constant 0 : index
      %swap3A_66 = vector.load %arg13[%swap3A_64, %swap3A_65] : memref<128x128xf32, #tpu.memory_space<vmem>>, vector<128x128xf32>
      tpu.vector_store %arg13[%swap3A_64, %swap3A_65], %broadcast_in_dim3A_63 {strides = array<i32>} : memref<128x128xf32, #tpu.memory_space<vmem>>, vector<128x128xf32>,
      %broadcast_in_dim3A_67 = arith.constant 0.000000e+00 : f32
      %broadcast_in_dim3A_68 = vector.broadcast %broadcast_in_dim3A_67 : f32 to vector<128x128xf32>
      %swap3A_69 = arith.constant 0 : index
      %swap3A_70 = arith.constant 0 : index
      %swap3A_71 = vector.load %arg14[%swap3A_69, %swap3A_70] : memref<128x128xf32, #tpu.memory_space<vmem>>, vector<128x128xf32>
      tpu.vector_store %arg14[%swap3A_69, %swap3A_70], %broadcast_in_dim3A_68 {strides = array<i32>} : memref<128x128xf32, #tpu.memory_space<vmem>>, vector<128x128xf32>,
    } else {
    }
    %get3A = arith.constant 0 : index
    %get3A_2 = arith.constant 0 : index
    %get3A_3 = vector.load %arg2[%get3A, %get3A_2] : memref<400x2xf32, #tpu.memory_space<vmem>>, vector<400x1xf32>
    %get3A_4 = arith.constant 0 : index
    %get3A_5 = arith.constant 1 : index
    %get3A_6 = vector.load %arg2[%get3A_4, %get3A_5] : memref<400x2xf32, #tpu.memory_space<vmem>>, vector<400x1xf32>
    %add3A = arith.addf %get3A_3, %get3A_6 : vector<400x1xf32>
    %add3A_7 = arith.constant 1.000000e+00 : f32
    %add3A_8 = vector.broadcast %add3A_7 : f32 to vector<400x1xf32>
    %add3A_9 = arith.addf %add3A, %add3A_8 : vector<400x1xf32>
    %rsqrt3A = math.rsqrt %add3A_9 : vector<400x1xf32>
    %get3A_10 = arith.constant 0 : index
    %get3A_11 = arith.constant 0 : index
    %get3A_12 = arith.constant 0 : index
    %get3A_13 = vector.load %arg1[%get3A_10, %get3A_11, %get3A_12] : memref<2x400x128xf32, #tpu.memory_space<vmem>>, vector<1x400x128xf32>
    %get3A_14 = vector.shape_cast %get3A_13 : vector<1x400x128xf32> to vector<400x128xf32>
    %get3A_15 = arith.constant 1 : index
    %get3A_16 = arith.constant 0 : index
    %get3A_17 = arith.constant 0 : index
    %get3A_18 = vector.load %arg1[%get3A_15, %get3A_16, %get3A_17] : memref<2x400x128xf32, #tpu.memory_space<vmem>>, vector<1x400x128xf32>
    %get3A_19 = vector.shape_cast %get3A_18 : vector<1x400x128xf32> to vector<400x128xf32>
    %add3A_20 = arith.addf %get3A_14, %get3A_19 : vector<400x128xf32>
    %get3A_21 = arith.constant 0 : index
    %get3A_22 = arith.constant 0 : index
    %get3A_23 = vector.load %arg3[%get3A_21, %get3A_22] : memref<400x128xf32, #tpu.memory_space<vmem>>, vector<400x128xf32>
    %add3A_24 = arith.addf %add3A_20, %get3A_23 : vector<400x128xf32>
    %mul3A = vector.broadcast %rsqrt3A : vector<400x1xf32> to vector<400x128xf32>
    %mul3A_25 = arith.mulf %add3A_24, %mul3A : vector<400x128xf32>
    %get3A_26 = arith.constant 0 : index
    %get3A_27 = arith.constant 0 : index
    %get3A_28 = vector.load %arg4[%get3A_26, %get3A_27] : memref<1x128xf32, #tpu.memory_space<vmem>>, vector<1x128xf32>
    %add3A_29 = vector.broadcast %get3A_28 : vector<1x128xf32> to vector<400x128xf32>
    %add3A_30 = arith.addf %mul3A_25, %add3A_29 : vector<400x128xf32>
    %get3A_31 = arith.constant 0 : index
    %get3A_32 = arith.constant 0 : index
    %get3A_33 = arith.constant 0 : index
    %get3A_34 = vector.load %arg5[%get3A_31, %get3A_32, %get3A_33] : memref<1x1x400xi32, #tpu.memory_space<vmem>>, vector<1x1x400xi32>
    %get3A_35 = vector.shape_cast %get3A_34 : vector<1x1x400xi32> to vector<400xi32>
    %iota3A = tpu.iota {dimensions = array<i32: 0>} : vector<128x400xi32>
    %broadcast_in_dim3A = vector.shape_cast %get3A_35 : vector<400xi32> to vector<1x400xi32>
    %eq3A_36 = vector.broadcast %broadcast_in_dim3A : vector<1x400xi32> to vector<128x400xi32>
    %eq3A_37 = arith.cmpi eq, %iota3A, %eq3A_36 : vector<128x400xi32>
    %convert_element_type3A_38 = arith.extui %eq3A_37 : vector<128x400xi1> to vector<128x400xi32>
    %convert_element_type3A_39 = arith.sitofp %convert_element_type3A_38 : vector<128x400xi32> to vector<128x400xf32>
    %get3A_40 = arith.constant 0 : index
    %get3A_41 = arith.constant 0 : index
    %get3A_42 = vector.load %arg13[%get3A_40, %get3A_41] : memref<128x128xf32, #tpu.memory_space<vmem>>, vector<128x128xf32>
    %dot_general3A = arith.constant dense<0.000000e+00> : vector<128x128xf32>
    %dot_general3A_43 = tpu.matmul %convert_element_type3A_39, %add3A_30, %dot_general3A {dimension_numbers = #tpu.dot_dimension_numbers<[1], [0], [0], [1], [0, 0, 1, 1], [], []>, transpose_lhs_hint = false} : vector<128x400xf32>, vector<400x128xf32>, vector<128x128xf32> -> vector<128x128xf32>
    %add3A_44 = arith.addf %get3A_42, %dot_general3A_43 : vector<128x128xf32>
    %swap3A = arith.constant 0 : index
    %swap3A_45 = arith.constant 0 : index
    %swap3A_46 = vector.load %arg13[%swap3A, %swap3A_45] : memref<128x128xf32, #tpu.memory_space<vmem>>, vector<128x128xf32>
    tpu.vector_store %arg13[%swap3A, %swap3A_45], %add3A_44 {strides = array<i32>} : memref<128x128xf32, #tpu.memory_space<vmem>>, vector<128x128xf32>,
    %get3A_47 = arith.constant 0 : index
    %get3A_48 = arith.constant 0 : index
    %get3A_49 = vector.load %arg14[%get3A_47, %get3A_48] : memref<128x128xf32, #tpu.memory_space<vmem>>, vector<128x128xf32>
    %reduce_sum3A = arith.constant dense<0.000000e+00> : vector<128xf32>
    %reduce_sum3A_50 = vector.multi_reduction <add>, %convert_element_type3A_39, %reduce_sum3A [1] : vector<128x400xf32> to vector<128xf32>
    %broadcast_in_dim3A_51 = vector.shape_cast %reduce_sum3A_50 : vector<128xf32> to vector<128x1xf32>
    %add3A_52 = vector.broadcast %broadcast_in_dim3A_51 : vector<128x1xf32> to vector<128x128xf32>
    %add3A_53 = arith.addf %get3A_49, %add3A_52 : vector<128x128xf32>
    %swap3A_54 = arith.constant 0 : index
    %swap3A_55 = arith.constant 0 : index
    %swap3A_56 = vector.load %arg14[%swap3A_54, %swap3A_55] : memref<128x128xf32, #tpu.memory_space<vmem>>, vector<128x128xf32>
    tpu.vector_store %arg14[%swap3A_54, %swap3A_55], %add3A_53 {strides = array<i32>} : memref<128x128xf32, #tpu.memory_space<vmem>>, vector<128x128xf32>,
    %eq3A_57 = arith.constant 24 : i32
    %eq3A_58 = arith.cmpi eq, %arg0, %eq3A_57 : i32
    %convert_element_type3A_59 = arith.extui %eq3A_58 : i1 to i32
    %cond3A_60 = arith.constant 0 : i32
    %cond3A_61 = arith.cmpi ne, %convert_element_type3A_59, %cond3A_60 : i32
    scf.if %cond3A_61 {
      %get3A_62 = arith.constant 0 : index
      %get3A_63 = arith.constant 0 : index
      %get3A_64 = vector.load %arg13[%get3A_62, %get3A_63] : memref<128x128xf32, #tpu.memory_space<vmem>>, vector<128x128xf32>
      %get3A_65 = arith.constant 0 : index
      %get3A_66 = arith.constant 0 : index
      %get3A_67 = vector.load %arg14[%get3A_65, %get3A_66] : memref<128x128xf32, #tpu.memory_space<vmem>>, vector<128x1xf32>
      %max3A = arith.constant 1.000000e+00 : f32
      %max3A_68 = vector.broadcast %max3A : f32 to vector<128x1xf32>
      %max3A_69 = arith.maximumf %get3A_67, %max3A_68 : vector<128x1xf32>
      %div3A = vector.broadcast %max3A_69 : vector<128x1xf32> to vector<128x128xf32>
      %div3A_70 = arith.divf %get3A_64, %div3A : vector<128x128xf32>
      %get3A_71 = arith.constant 0 : index
      %get3A_72 = arith.constant 0 : index
      %get3A_73 = vector.load %arg6[%get3A_71, %get3A_72] : memref<128x128xf32, #tpu.memory_space<vmem>>, vector<128x128xf32>
      %dot_general3A_74 = arith.constant dense<0.000000e+00> : vector<128x128xf32>
      %dot_general3A_75 = tpu.matmul %div3A_70, %get3A_73, %dot_general3A_74 {dimension_numbers = #tpu.dot_dimension_numbers<[1], [0], [0], [1], [0, 0, 1, 1], [], []>, transpose_lhs_hint = false} : vector<128x128xf32>, vector<128x128xf32>, vector<128x128xf32> -> vector<128x128xf32>
      %get3A_76 = arith.constant 0 : index
      %get3A_77 = arith.constant 0 : index
      %get3A_78 = vector.load %arg7[%get3A_76, %get3A_77] : memref<1x128xf32, #tpu.memory_space<vmem>>, vector<1x128xf32>
      %add3A_79 = vector.broadcast %get3A_78 : vector<1x128xf32> to vector<128x128xf32>
      %add3A_80 = arith.addf %dot_general3A_75, %add3A_79 : vector<128x128xf32>
      %max3A_81 = arith.constant 0.000000e+00 : f32
      %max3A_82 = vector.broadcast %max3A_81 : f32 to vector<128x128xf32>
      %max3A_83 = arith.maximumf %add3A_80, %max3A_82 : vector<128x128xf32>
      %reduce_sum3A_84 = arith.constant dense<0.000000e+00> : vector<128xf32>
      %reduce_sum3A_85 = vector.multi_reduction <add>, %max3A_83, %reduce_sum3A_84 [1] : vector<128x128xf32> to vector<128xf32>
      %broadcast_in_dim3A_86 = vector.shape_cast %reduce_sum3A_85 : vector<128xf32> to vector<128x1xf32>
      %div3A_87 = arith.constant 1.280000e+02 : f32
      %div3A_88 = vector.broadcast %div3A_87 : f32 to vector<128x1xf32>
      %div3A_89 = arith.divf %broadcast_in_dim3A_86, %div3A_88 : vector<128x1xf32>
      %sub3A = vector.broadcast %div3A_89 : vector<128x1xf32> to vector<128x128xf32>
      %sub3A_90 = arith.subf %max3A_83, %sub3A : vector<128x128xf32>
      %integer_pow3A = arith.mulf %sub3A_90, %sub3A_90 : vector<128x128xf32>
      %reduce_sum3A_91 = arith.constant dense<0.000000e+00> : vector<128xf32>
      %reduce_sum3A_92 = vector.multi_reduction <add>, %integer_pow3A, %reduce_sum3A_91 [1] : vector<128x128xf32> to vector<128xf32>
      %broadcast_in_dim3A_93 = vector.shape_cast %reduce_sum3A_92 : vector<128xf32> to vector<128x1xf32>
      %div3A_94 = arith.constant 1.280000e+02 : f32
      %div3A_95 = vector.broadcast %div3A_94 : f32 to vector<128x1xf32>
      %div3A_96 = arith.divf %broadcast_in_dim3A_93, %div3A_95 : vector<128x1xf32>
      %sub3A_97 = vector.broadcast %div3A_89 : vector<128x1xf32> to vector<128x128xf32>
      %sub3A_98 = arith.subf %max3A_83, %sub3A_97 : vector<128x128xf32>
      %add3A_99 = arith.constant 9.99999974E-6 : f32
      %add3A_100 = vector.broadcast %add3A_99 : f32 to vector<128x1xf32>
      %add3A_101 = arith.addf %div3A_96, %add3A_100 : vector<128x1xf32>
      %rsqrt3A_102 = math.rsqrt %add3A_101 : vector<128x1xf32>
      %mul3A_103 = vector.broadcast %rsqrt3A_102 : vector<128x1xf32> to vector<128x128xf32>
      %mul3A_104 = arith.mulf %sub3A_98, %mul3A_103 : vector<128x128xf32>
      %get3A_105 = arith.constant 0 : index
      %get3A_106 = arith.constant 0 : index
      %get3A_107 = vector.load %arg8[%get3A_105, %get3A_106] : memref<1x128xf32, #tpu.memory_space<vmem>>, vector<1x128xf32>
      %mul3A_108 = vector.broadcast %get3A_107 : vector<1x128xf32> to vector<128x128xf32>
      %mul3A_109 = arith.mulf %mul3A_104, %mul3A_108 : vector<128x128xf32>
      %get3A_110 = arith.constant 0 : index
      %get3A_111 = arith.constant 0 : index
      %get3A_112 = vector.load %arg9[%get3A_110, %get3A_111] : memref<1x128xf32, #tpu.memory_space<vmem>>, vector<1x128xf32>
      %add3A_113 = vector.broadcast %get3A_112 : vector<1x128xf32> to vector<128x128xf32>
      %add3A_114 = arith.addf %mul3A_109, %add3A_113 : vector<128x128xf32>
      %get3A_115 = arith.constant 0 : index
      %get3A_116 = arith.constant 0 : index
      %get3A_117 = vector.load %arg10[%get3A_115, %get3A_116] : memref<128x10xf32, #tpu.memory_space<vmem>>, vector<128x10xf32>
      %dot_general3A_118 = arith.constant dense<0.000000e+00> : vector<128x10xf32>
      %dot_general3A_119 = tpu.matmul %add3A_114, %get3A_117, %dot_general3A_118 {dimension_numbers = #tpu.dot_dimension_numbers<[1], [0], [0], [1], [0, 0, 1, 1], [], []>, transpose_lhs_hint = false} : vector<128x128xf32>, vector<128x10xf32>, vector<128x10xf32> -> vector<128x10xf32>
      %get3A_120 = arith.constant 0 : index
      %get3A_121 = arith.constant 0 : index
      %get3A_122 = vector.load %arg11[%get3A_120, %get3A_121] : memref<1x10xf32, #tpu.memory_space<vmem>>, vector<1x10xf32>
      %add3A_123 = vector.broadcast %get3A_122 : vector<1x10xf32> to vector<128x10xf32>
      %add3A_124 = arith.addf %dot_general3A_119, %add3A_123 : vector<128x10xf32>
      %swap3A_125 = arith.constant 0 : index
      %swap3A_126 = arith.constant 0 : index
      %swap3A_127 = vector.load %arg12[%swap3A_125, %swap3A_126] : memref<128x10xf32, #tpu.memory_space<vmem>>, vector<128x10xf32>
      tpu.vector_store %arg12[%swap3A_125, %swap3A_126], %add3A_124 {strides = array<i32>} : memref<128x10xf32, #tpu.memory_space<vmem>>, vector<128x10xf32>,
    } else {
    }
    return
  }
  func.func @transform_0(%arg0: i32) -> (i32, i32, i32) {
    %c0_i32 = arith.constant 0 : i32
    %c0_i32_0 = arith.constant 0 : i32
    %c0_i32_1 = arith.constant 0 : i32
    return %c0_i32, %arg0, %c0_i32_0 : i32, i32, i32
  }
  func.func @transform_1(%arg0: i32) -> (i32, i32) {
    %c0_i32 = arith.constant 0 : i32
    %c0_i32_0 = arith.constant 0 : i32
    return %arg0, %c0_i32 : i32, i32
  }
  func.func @transform_2(%arg0: i32) -> (i32, i32) {
    %c0_i32 = arith.constant 0 : i32
    %c0_i32_0 = arith.constant 0 : i32
    return %arg0, %c0_i32 : i32, i32
  }
  func.func @transform_3(%arg0: i32) -> (i32, i32) {
    %c0_i32 = arith.constant 0 : i32
    %c0_i32_0 = arith.constant 0 : i32
    %c0_i32_1 = arith.constant 0 : i32
    return %c0_i32, %c0_i32_0 : i32, i32
  }
  func.func @transform_4(%arg0: i32) -> (i32, i32, i32) {
    %c0_i32 = arith.constant 0 : i32
    %c0_i32_0 = arith.constant 0 : i32
    %c0_i32_1 = arith.constant 0 : i32
    return %arg0, %c0_i32, %c0_i32_0 : i32, i32, i32
  }
  func.func @transform_5(%arg0: i32) -> (i32, i32) {
    %c0_i32 = arith.constant 0 : i32
    %c0_i32_0 = arith.constant 0 : i32
    %c0_i32_1 = arith.constant 0 : i32
    return %c0_i32, %c0_i32_0 : i32, i32
  }
  func.func @transform_6(%arg0: i32) -> (i32, i32) {
    %c0_i32 = arith.constant 0 : i32
    %c0_i32_0 = arith.constant 0 : i32
    %c0_i32_1 = arith.constant 0 : i32
    return %c0_i32, %c0_i32_0 : i32, i32
  }
  func.func @transform_7(%arg0: i32) -> (i32, i32) {
    %c0_i32 = arith.constant 0 : i32
    %c0_i32_0 = arith.constant 0 : i32
    %c0_i32_1 = arith.constant 0 : i32
    return %c0_i32, %c0_i32_0 : i32, i32
  }
  func.func @transform_8(%arg0: i32) -> (i32, i32) {
    %c0_i32 = arith.constant 0 : i32
    %c0_i32_0 = arith.constant 0 : i32
    %c0_i32_1 = arith.constant 0 : i32
    return %c0_i32, %c0_i32_0 : i32, i32
  }
  func.func @transform_9(%arg0: i32) -> (i32, i32) {
    %c0_i32 = arith.constant 0 : i32
    %c0_i32_0 = arith.constant 0 : i32
    %c0_i32_1 = arith.constant 0 : i32
    return %c0_i32, %c0_i32_0 : i32, i32
  }
  func.func @transform_10(%arg0: i32) -> (i32, i32) {
    %c0_i32 = arith.constant 0 : i32
    %c0_i32_0 = arith.constant 0 : i32
    %c0_i32_1 = arith.constant 0 : i32
    return %c0_i32, %c0_i32_0 : i32, i32
  }
  func.func @transform_11(%arg0: i32) -> (i32, i32) {
    %c0_i32 = arith.constant 0 : i32
    %c0_i32_0 = arith.constant 0 : i32
    %c0_i32_1 = arith.constant 0 : i32
    return %c0_i32, %c0_i32_0 : i32, i32
  }
}

</mosaic_0001>

<sc_bundles>
// kernel: kernel.11.cloned.1.call-start
scs
__scs_entry_jumppad:
0x0: {  	(pc) =	sbr.rel $0x88, $3  }
0x1: {  	(tag) =	ssettag $0x0;
	lr =	simm.s32 $0x1  }
0x2: {  	[smem:$0x3F93] =	sst lr;
	_ =	strace $0xD0000000  }
0x3: {  	_ = 	snop  }
0x4: {  	_ = 	snop  }
0x5: {  	_ = 	snop  }
0x6: {  	_ = 	snop  }
0x7: {  	_ = 	snop  }
__scs_overlays_trampoline_lowered:
0x8: {  	[smem:$0x3FA2] =	sst s0  }
0x9: {  	[smem:$0x3FA3] =	sst s1  }
0xa: {  	[smem:$0x3FA4] =	sst s2  }
0xb: {  	[smem:$0x3FA5] =	sst s3  }
0xc: {  	[smem:$0x3FA6] =	sst s4  }
0xd: {  	[smem:$0x3FA7] =	sst s5  }
0xe: {  	[smem:$0x3FA8] =	sst s6  }
0xf: {  	[smem:$0x3FA9] =	sst s7  }
0x10: {  	[smem:$0x3FAA] =	sst s8  }
0x11: {  	[smem:$0x3FAB] =	sst s9;
	s0 =	simm.s32 @!p0 $0x0  }
0x12: {  	s1 =	sld [smem:$0x3F91];
	s0 =	simm.s32 @p0 $0x1  }
0x13: {  	[smem:$0x3FAC] =	sst s0;
	s0 =	simm.s32 @!p1 $0x0  }
0x14: {  	s2 =	sld [smem:$0x3F90];
	s0 =	simm.s32 @p1 $0x1  }
0x15: {  	[smem:$0x3FAD] =	sst s0;
	s0 =	simm.s32 @!p2 $0x0  }
0x16: {  	s3 =	sld [smem:$0x3FDB];
	s0 =	simm.s32 @p2 $0x1  }
0x17: {  	s4 =	simm.s32 $0x1BF5;
	[smem:$0x3FAF] =	sst s0  }
0x18: {  	s0 =	sld [smem:$0x3F92];
	_ =	swait.ge [sflag:s4], $0x0  }
0x19: {  	s7 =	sld [smem:$0x3F93]  }
0x1a: {  	s8 =	sadd.s32 $0xFFFFE003, lr  }
0x1b: {  	s9 =	sadd.s32 $0xFFFFFEF7, lr;
	s5 =	simm.s32 $0xFFFFFFFF;
	p2 =	slt.u32 s8, $0xFFFFF086  }
0x1c: {  	p1 =	slt.u32 s9, $0xF7A;
	s5 =	simm.s32 @!p2 $0x0  }
0x1d: {  	s5 =	simm.s32 @p1 $0x1;
	p0 =	seq.s32 s7, s2  }
0x1e: {  	s7 =	smul.u32 @!p0 $0xF7A, s2;
	p2 =	seq.s32 @!p0 s5, $0x0  }
0x1f: {  	s9 =	smul.u32 $0xF7A, s1;
	s8 =	simm.s32 @!p0 $0x1BF5;
	p2 =	por !p2, p0  }
0x20: {  	[sflag:s8] =	ssyncset.s32 @!p0 $0xFFFFF086;
	s6 =	sadd.s32 @!p0 s3, s7;
	s7 =	simm.s32 @!p0 $0x108  }
0x21: {  	s3 =	sadd.s32 s3, s9;
	s6 =	sadd.s32 @!p0 $0x88, s6;
	s7 =	simm.s32 @p2 $0x1082  }
0x22: {  	[simem:s7], [sflag:s8] =	dma.local @!p0 [hbm:s6], $0xF7A  }
0x23: {  	s9 =	sor.u32 $0xD0000000, s2;
	s6 =	simm.s32 $0x108;
	_ =	swait.ge @!p0 [sflag:s8], $0x0  }
0x24: {  	s3 =	sadd.s32 $0x88, s3;
	s6 =	simm.s32 @!p1 $0x1082;
	[sflag:s4] =	ssyncset.s32 $0xFFFFF086  }
0x25: {  	[simem:s6], [sflag:s4] =	dma.local [hbm:s3], $0xF7A  }
0x26: {  	[smem:$0x3F93] =	sst s1;
	(tag) =	ssettag s2;
	_ =	strace s9  }
0x27: {  	s1 =	sld [smem:$0x3FA3]  }
0x28: {  	s2 =	sld [smem:$0x3FA4]  }
0x29: {  	s4 =	sld [smem:$0x3FA6]  }
0x2a: {  	p0 =	seq.s32 s5, $0x0;
	s5 =	sld [smem:$0x3FA7]  }
0x2b: {  	s6 =	sld [smem:$0x3FA8]  }
0x2c: {  	s7 =	sld [smem:$0x3FA9]  }
0x2d: {  	s3 =	simm.s32 $0x108;
	s8 =	sld [smem:$0x3FAA]  }
0x2e: {  	s3 =	simm.s32 @!p0 $0x1082;
	s9 =	sld [smem:$0x3FAB]  }
0x2f: {  	lr =	sadd.s32 s0, s3;
	s0 =	sld [smem:$0x3FA2]  }
0x30: {  	s3 =	sld [smem:$0x3FA5]  }
0x31: {  	[smem:$0x3FAE] =	sst s10  }
0x32: {  	s10 =	sld [smem:$0x3FAC];
	_ =	sdelay $0x3  }
0x33: {  	p0 =	seq.s32 s10, $0x1;
	s10 =	sld [smem:$0x3FAE];
	_ =	sdelay $0x3  }
0x34: {  	[smem:$0x3FAE] =	sst s10  }
0x35: {  	s10 =	sld [smem:$0x3FAD];
	_ =	sdelay $0x3  }
0x36: {  	p1 =	seq.s32 s10, $0x1;
	s10 =	sld [smem:$0x3FAE];
	_ =	sdelay $0x3  }
0x37: {  	[smem:$0x3FAE] =	sst s10  }
0x38: {  	s10 =	sld [smem:$0x3FAF]  }
0x39: {  	_ = 	snop;
	(pc) =	sbr.ind lr, $3  }
0x3a: {  	_ = 	snop  }
0x3b: {  	_ = 	snop  }
0x3c: {  	p2 =	seq.s32 s10, $0x1;
	s10 =	sld [smem:$0x3FAE]  }
0x3d: {  	_ =	shalt  }
0x3e: {  	_ =	shalt  }
0x3f: {  	_ =	shalt  }
0x40: {  	_ =	shalt  }
0x41: {  	_ =	shalt  }
0x42: {  	_ =	shalt  }
0x43: {  	_ =	shalt  }
0x44: {  	_ =	shalt  }
0x45: {  	_ =	shalt  }
0x46: {  	_ =	shalt  }
0x47: {  	_ =	shalt  }
0x48: {  	_ =	shalt  }
0x49: {  	_ =	shalt  }
0x4a: {  	_ =	shalt  }
0x4b: {  	_ =	shalt  }
0x4c: {  	_ =	shalt  }
0x4d: {  	_ =	shalt  }
0x4e: {  	_ =	shalt  }
0x4f: {  	_ =	shalt  }
0x50: {  	_ =	shalt  }
0x51: {  	_ =	shalt  }
0x52: {  	_ =	shalt  }
0x53: {  	_ =	shalt  }
0x54: {  	_ =	shalt  }
0x55: {  	_ =	shalt  }
0x56: {  	_ =	shalt  }
0x57: {  	_ =	shalt  }
0x58: {  	_ =	shalt  }
0x59: {  	_ =	shalt  }
0x5a: {  	_ =	shalt  }
0x5b: {  	_ =	shalt  }
0x5c: {  	_ =	shalt  }
0x5d: {  	_ =	shalt  }
0x5e: {  	_ =	shalt  }
0x5f: {  	_ =	shalt  }
0x60: {  	_ =	shalt  }
0x61: {  	_ =	shalt  }
0x62: {  	_ =	shalt  }
0x63: {  	_ =	shalt  }
0x64: {  	_ =	shalt  }
0x65: {  	_ =	shalt  }
0x66: {  	_ =	shalt  }
0x67: {  	_ =	shalt  }
0x68: {  	_ =	shalt  }
0x69: {  	_ =	shalt  }
0x6a: {  	_ =	shalt  }
0x6b: {  	_ =	shalt  }
0x6c: {  	_ =	shalt  }
0x6d: {  	_ =	shalt  }
0x6e: {  	_ =	shalt  }
0x6f: {  	_ =	shalt  }
0x70: {  	_ =	shalt  }
0x71: {  	_ =	shalt  }
0x72: {  	_ =	shalt  }
0x73: {  	_ =	shalt  }
0x74: {  	_ =	shalt  }
0x75: {  	_ =	shalt  }
0x76: {  	_ =	shalt  }
0x77: {  	_ =	shalt  }
0x78: {  	_ =	shalt  }
0x79: {  	_ =	shalt  }
0x7a: {  	_ =	shalt  }
0x7b: {  	_ =	shalt  }
0x7c: {  	_ =	shalt  }
0x7d: {  	_ =	shalt  }
0x7e: {  	_ =	shalt  }
0x7f: {  	_ =	shalt  }
0x80: {  	_ =	shalt  }
0x81: {  	_ =	shalt  }
0x82: {  	_ =	shalt  }
0x83: {  	_ =	shalt  }
0x84: {  	_ =	shalt  }
0x85: {  	_ =	shalt  }
0x86: {  	_ =	shalt  }
0x87: {  	_ =	shalt  }
.Lfunc_end0:
.L_simem_size_0:
called_computation.1_lowered:
.L_overlay_start_0:
0x88: {  	s2 =	sld [smem:$0x3FD9]  }
0x89: {  	s3 =	sld [smem:$0x3FFE];
	_ =	sdelay $0x1  }
0x8a: {  	s1 =	srdreg.scid  }
0x8b: {  	s0 =	sand.u32 $0x1, s1  }
0x8c: {  	s16 =	sshll.u32 s0, $0xA;
	s2 =	sadd.s32 s3, s2  }
0x8d: {  	s2 =	sadd.s32 s2, s16  }
0x8e: {  	[smem:$0x3FBA] =	sst s2  }
0x8f: {  	_ = 	snop  }
0x90: {  	(tm) =	ssettm $0x1  }
0x91: {  	s17 =	sld [smem:$0x3FFB];
	_ =	sdelay $0x3  }
0x92: {  	_ =	strace s17  }
0x93: {  	s2 =	sld [smem:$0x3FFC];
	_ =	sdelay $0x3  }
0x94: {  	_ =	strace s2  }
0x95: {  	s2 =	sld [smem:$0x3FFD];
	_ =	sdelay $0x3  }
0x96: {  	_ =	strace s2  }
0x97: {  	_ =	strace $0x8FFFFFFF  }
0x98: {  	s18 =	sld [smem:$0x3FDB];
	_ =	sdelay $0x1  }
0x99: {  	s19 =	simm.s32 $_scs_section_size  }
0x9a: {  	s4 =	simm.s32 $_size__tile_overlayer_lowered;
	s5 =	simm.s32 $_tile_overlayer_lowered  }
0x9b: {  	s22 =	simm.s32 $0x1BFF;
	s21 =	sshll.u32 s5, $0x1;
	s2 =	sadd.s32 s19, s18  }
0x9c: {  	s6 =	simm.s32 $0x0;
	s20 =	sshll.u32 s4, $0x1;
	s4 =	sadd.s32 s21, s2  }
0x9d: {  	[timem:s6], [sflag:s22] =	dma.local [hbm:s4], s20  }
0x9e: {  	_ =	swait.ge [sflag:s22], s20  }
0x9f: {  	s3 =	ssub.s32 $0x0, s20;
	[sflag:s22] =	ssyncset.done $0x0  }
0xa0: {  	[sflag:s22] =	ssyncadd.s32 s3;
	_ =	sdelay $0x1  }
0xa1: {  	s23 =	simm.s32 $0x1B8B  }
0xa2: {  	_ =	swait.ge [sflag:s23], $0x1  }
0xa3: {  	[sflag:s23] =	ssyncset.done $0x0  }
0xa4: {  	s25 =	simm.s32 $0x1B8E;
	s24 =	sld [smem:$0x3FFE];
	[sflag:s23] =	ssyncadd.s32 $0xFFFFFFFF  }
0xa5: {  	s26 =	simm.s32 $execute0_lowered;
	[smem:$0x3FD2] =	sst s25  }
0xa6: {  	s4 =	sshll.u32 s26, $0x1;
	_ =	strace $0x80000049;
	[dreg:$0x1] =	wrdreg $0xFFFFFFFF  }
0xa7: {  	s28 =	simm.s32 $_size_execute0_lowered;
	s2 =	sadd.s32 s2, s4;
	[dreg:$0x0] =	wrdreg $0x0  }
0xa8: {  	s4 =	sshll.u32 s28, $0x1;
	[dreg:$0x2] =	wrdreg s2  }
0xa9: {  	[dreg:$0x3] =	wrdreg s4  }
0xaa: {  	[dreg:$0x4] =	wrdreg $0xC0  }
0xab: {  	_ =	task [dreg:s6], $0x5FFFF  }
0xac: {  	[dreg:$0x1] =	wrdreg $0xFFFFFFFF  }
0xad: {  	[dreg:$0x0] =	wrdreg $0x60  }
0xae: {  	[dreg:$0x2] =	wrdreg s24  }
0xaf: {  	[dreg:$0x3] =	wrdreg $0xBC000  }
0xb0: {  	[dreg:$0x4] =	wrdreg $0x9  }
0xb1: {  	_ =	task.clear_ibuf [dreg:s6], $0x5FFFF;
	_ =	strace $0x90000049  }
0xb2: {  	s29 =	simm.s32 $0x9;
	_ =	strace $0x8000004B  }
0xb3: {  	_ =	swait.ge [sflag:s29], $0x1  }
0xb4: {  	[sflag:s29] =	ssyncadd.s32 $0xFFFFFFFF  }
0xb5: {  	_ =	strace $0x9000004B  }
0xb6: {  	_ =	sfence  }
0xb7: {  	s30 =	sld [smem:$0x0];
	_ =	sdelay $0x2  }
0xb8: {  	s31 =	sshll.u32 s1, $0xD;
	s1 =	sshrl.u32 s1, $0x2  }
0xb9: {  	s3 =	sand.u32 $0x4000, s31;
	s1 =	sadd.s32 s1, s30  }
0xba: {  	s0 =	sor.u32 s3, s0;
	s1 =	sshll.u32 s1, $0x11  }
0xbb: {  	s0 =	sor.u32 s1, s0  }
0xbc: {  	s0 =	sadd.s32 $0x8F2B, s0  }
0xbd: {  	[sflag:s0] =	ssyncadd.remote.s32 $0x1  }
0xbe: {  	_ =	sfence.sel $0xFFFF  }
0xbf: {  	[dreg:$0x0] =	wrdreg $0xFFFFFFFF;
	(pc) =	sbr.abs _section_cstart, $3  }
0xc0: {  	[dreg:$0x1] =	wrdreg $0xFFFFFFFF  }
0xc1: {  	_ =	task.clear_ibuf [dreg:s6], $0x2FFFF;
	_ =	strace $0x9FFFFFFF  }
0xc2: {  	(tm) =	ssettm $0x7FFFFFFF  }
0xc3: {  	_ =	shalt  }
tec
execute0_lowered:
.L_overlay_start_1:
0x0: {  	(tag) =	ssettag $0x1  }
0x1: {  	s0 =	rddreg [dreg:$0x0]  }
0x2: {  	s1 =	rddreg [dreg:$0x1];
	s2 =	simm.s32 $0x0  }
0x3: {  	s3 =	srdreg.scid;
	s14 =	stileid.u32;
	s28 =	simm.s32 $0x3C00  }
0x4: {  	s29 =	simm.s32 $0x3;
	s30 =	simm.s32 $0x1400;
	s31 =	simm.s32 $0x2800  }
0x5: {  	[smem:$0x7FF] =	sst s2;
	s4 =	sadd.s32 $0x21E00, s0;
	s5 =	sadd.s32 $0x17E00, s0  }
0x6: {  	s6 =	sadd.s32 $0x3400, s0;
	s3 =	sand.u32 $0x1, s3;
	s8 =	smul.u32 $0x5000, s14  }
0x7: {  	s7 =	sadd.s32 $0xD400, s0;
	s0 =	sadd.s32 $0x49000, s0;
	s11 =	smul.u32 $0x50000, s14  }
0x8: {  	s14 =	smul.u32 $0x14000, s14;
	_ =	strace $0x8000004A;
	s9 =	ssub.s32 $0x2, s3  }
0x9: {  	s12 =	smul.u32 $0x140000, s3;
	p0 =	seq.s32 s3, $0x1;
	s10 =	sshrl.u32 s9, $0x1  }
0xa: {  	s21 =	sshrl.u32 s8, $0x3;
	s11 =	sshrl.u32 s11, $0x2;
	s25 =	sadd.s32 $0x4000, s14  }
0xb: {  	s19 =	sadd.s32 $0x8000, s14;
	s20 =	sadd.s32 $0xC000, s14;
	s10 =	ssub.s32 s9, s10  }
0xc: {  	s13 =	sadd.s32 $0x780, s21;
	s9 =	sadd.s32 s11, s1;
	s24 =	sadd.s32 s12, s14  }
0xd: {  	s26 =	sadd.s32 s12, s25;
	s21 =	sadd.s32 $0x10000, s14;
	s25 =	sadd.s32 s25, s1  }
0xe: {  	s11 =	simm.s32 $0x1;
	s22 =	sadd.s32 s5, s13;
	s23 =	sadd.s32 s6, s13  }
0xf: {  	s13 =	sadd.s32 s7, s13;
	s3 =	sshrl.u32 s24, $0x3;
	[dreg:$0x3] =	wrdreg s22  }
0x10: {  	s15 =	smax.u32 s10, $0x1;
	s16 =	sshrl.u32 s26, $0x3;
	[dreg:$0x4] =	wrdreg s23  }
0x11: {  	s17 =	sadd.s32 $0x4000, s9;
	s18 =	sadd.s32 $0x8000, s9;
	[dreg:$0x5] =	wrdreg s13  }
0x12: {  	s24 =	sadd.s32 $0xC000, s9;
	s10 =	sadd.s32 s20, s1;
	[dreg:$0x7] =	wrdreg s15  }
0x13: {  	s26 =	sadd.s32 s21, s1;
	s3 =	sadd.s32 s0, s3;
	[dreg:$0x8] =	wrdreg s17  }
0x14: {  	[dreg:$0x9] =	wrdreg s18;
	s22 =	sadd.s32 s12, s19;
	s15 =	sadd.s32 s12, s20  }
0x15: {  	s12 =	sadd.s32 s12, s21;
	[dreg:$0xe] =	wrdreg s24;
	s24 =	sshrl.u32 s10, $0x3  }
0x16: {  	s10 =	simm.s32 $0x7C00;
	[dreg:$0x6] =	wrdreg s3;
	s3 =	sadd.s32 s0, s16  }
0x17: {  	s14 =	sshrl.u32 s22, $0x3;
	s15 =	sshrl.u32 s15, $0x3;
	s12 =	sshrl.u32 s12, $0x3  }
.Ltmp0:
0x18: {  	s22 =	sshrl.u32 s25, $0x3;
	s25 =	sshrl.u32 s26, $0x3;
	(pc) =	sbr.rel .LBB2_1-.Ltmp0, $4  }
0x19: {  	s26 =	sadd.s32 $0x10000, s9;
	[dreg:$0xa] =	wrdreg s3;
	s14 =	sadd.s32 s0, s14  }
0x1a: {  	s23 =	sadd.s32 s0, s15;
	s0 =	sadd.s32 s0, s12;
	[dreg:$0xb] =	wrdreg s14  }
0x1b: {  	s3 =	sadd.s32 s19, s1;
	s12 =	simm.s32 $0x2;
	[dreg:$0xc] =	wrdreg s23  }
0x1c: {  	v0 =	vimm.f32 $0.0e+00;
	[dreg:$0xd] =	wrdreg s0;
	s23 =	sshrl.u32 s3, $0x3;
	s0 =	simm.s32 $0x80  }
.LBB2_19:
0x1d: {  	s3 =	stileid.u32  }
0x1e: {  	[bflag:$0x0] =	sbarrier.arrive $0xFFFF;
	s3 =	sshll.u32 s3, $0x6  }
0x1f: {  	s13 =	sshrl.u32 s9, $0x3;
	s14 =	rddreg [dreg:$0x6];
	s3 =	sor.u32 $0x1C03, s3  }
0x20: {  	[hbm:s14], [sflag:s3] =	dma.local [spmem:s13], $0x800  }
0x21: {  	_ =	swait.ge [sflag:s29], $0x800  }
0x22: {  	[sflag:s29] =	ssyncset.done $0x0  }
0x23: {  	s17 =	rddreg [dreg:$0xa];
	[sflag:s29] =	ssyncadd.s32 $0xFFFFF800  }
0x24: {  	[hbm:s17], [sflag:s3] =	dma.local [spmem:s22], $0x800  }
0x25: {  	_ =	swait.ge [sflag:s29], $0x800  }
0x26: {  	[sflag:s29] =	ssyncset.done $0x0  }
0x27: {  	s18 =	rddreg [dreg:$0xb];
	[sflag:s29] =	ssyncadd.s32 $0xFFFFF800  }
0x28: {  	[hbm:s18], [sflag:s3] =	dma.local [spmem:s23], $0x800  }
0x29: {  	_ =	swait.ge [sflag:s29], $0x800  }
0x2a: {  	[sflag:s29] =	ssyncset.done $0x0  }
0x2b: {  	s19 =	rddreg [dreg:$0xc];
	[sflag:s29] =	ssyncadd.s32 $0xFFFFF800  }
0x2c: {  	[hbm:s19], [sflag:s3] =	dma.local [spmem:s24], $0x800  }
0x2d: {  	_ =	swait.ge [sflag:s29], $0x800  }
0x2e: {  	[sflag:s29] =	ssyncset.done $0x0  }
0x2f: {  	s20 =	rddreg [dreg:$0xd];
	[sflag:s29] =	ssyncadd.s32 $0xFFFFF800  }
0x30: {  	[hbm:s20], [sflag:s3] =	dma.local [spmem:s25], $0x800  }
0x31: {  	_ =	swait.ge [sflag:s29], $0x800  }
0x32: {  	s2 =	sadd.s32 $0x1, s2;
	s21 =	rddreg [dreg:$0x7]  }
0x33: {  	p1 =	sne.s32 s2, s21  }
.Ltmp1:
0x34: {  	_ = 	snop;
	(pc) =	sbr.rel @!p1 .LBB2_20-.Ltmp1, $3  }
0x35: {  	_ =	sdelay $0x1  }
0x36: {  	[sflag:s29] =	ssyncset.done $0x0  }
0x37: {  	[sflag:s29] =	ssyncadd.s32 $0xFFFFF800  }
.LBB2_1:
0x38: {  	s3 =	simm.s32 $0x0;
	s13 =	simm.s32 $0x200  }
.LBB2_2:
0x39: {  	p1 =	sne.s32 s13, $0xFE00;
	[tilespmem:s3+$0x3C70] =	vst v0  }
0x3a: {  	[tilespmem:s3+$0x3C00] =	vst v0  }
0x3b: {  	[tilespmem:s3+$0x3C10] =	vst v0  }
.Ltmp2:
0x3c: {  	[tilespmem:s3+$0x3C20] =	vst v0;
	(pc) =	sbr.rel @p1 .LBB2_2-.Ltmp2, $4  }
0x3d: {  	[tilespmem:s3+$0x3C30] =	vst v0  }
0x3e: {  	[tilespmem:s3+$0x3C40] =	vst v0  }
0x3f: {  	[tilespmem:s3+$0x3C50] =	vst v0  }
0x40: {  	[tilespmem:s3+$0x3C60] =	vst v0;
	s3 =	sshra.s32 s13, $0x2;
	s13 =	sadd.s32 $0x200, s13  }
0x41: {  	[tilespmem:s3+$0x3C70] =	vst v0  }
0x42: {  	[tilespmem:s3+$0x3C00] =	vst v0  }
0x43: {  	[tilespmem:s3+$0x3C10] =	vst v0  }
0x44: {  	[tilespmem:s3+$0x3C20] =	vst v0  }
0x45: {  	[tilespmem:s3+$0x3C30] =	vst v0  }
0x46: {  	[tilespmem:s3+$0x3C40] =	vst v0  }
0x47: {  	[tilespmem:s3+$0x3C50] =	vst v0  }
0x48: {  	[tilespmem:s3+$0x3C60] =	vst v0  }
0x49: {  	[spmem:s9] =	stream.linear.scatter [tilespmem:s28], [sflag:$0x3], $0x4000, $0x38;
	[tilespmem:$0x1FC00] =	vst v63  }
0x4a: {  	_ =	swait.ge [sflag:s29], $0x4000  }
0x4b: {  	[sflag:s29] =	ssyncset.done $0x0  }
0x4c: {  	s19 =	rddreg [dreg:$0x8];
	[sflag:s29] =	ssyncadd.s32 $0xFFFFC000  }
0x4d: {  	[spmem:s19] =	stream.linear.scatter [tilespmem:s28], [sflag:$0x3], $0x4000, $0x38;
	[tilespmem:$0x1FC00] =	vst v63  }
0x4e: {  	_ =	swait.ge [sflag:s29], $0x4000  }
0x4f: {  	[sflag:s29] =	ssyncset.done $0x0  }
0x50: {  	s20 =	rddreg [dreg:$0x9];
	[sflag:s29] =	ssyncadd.s32 $0xFFFFC000  }
0x51: {  	[spmem:s20] =	stream.linear.scatter [tilespmem:s28], [sflag:$0x3], $0x4000, $0x38;
	[tilespmem:$0x1FC00] =	vst v63  }
0x52: {  	_ =	swait.ge [sflag:s29], $0x4000  }
0x53: {  	[sflag:s29] =	ssyncset.done $0x0  }
0x54: {  	s21 =	rddreg [dreg:$0xe];
	[sflag:s29] =	ssyncadd.s32 $0xFFFFC000  }
0x55: {  	[spmem:s21] =	stream.linear.scatter [tilespmem:s28], [sflag:$0x3], $0x4000, $0x38;
	[tilespmem:$0x1FC00] =	vst v63  }
0x56: {  	_ =	swait.ge [sflag:s29], $0x4000  }
0x57: {  	[sflag:s29] =	ssyncset.done $0x0  }
0x58: {  	[sflag:s29] =	ssyncadd.s32 $0xFFFFC000  }
0x59: {  	[spmem:s26] =	stream.linear.scatter [tilespmem:s28], [sflag:$0x3], $0x4000, $0x38;
	[tilespmem:$0x1FC00] =	vst v63  }
.Ltmp3:
0x5a: {  	_ =	swait.ge [sflag:s29], $0x4000;
	(pc) =	sbr.rel @!p0 .LBB2_4-.Ltmp3, $4  }
0x5b: {  	[sflag:s29] =	ssyncset.done $0x0  }
0x5c: {  	[sflag:s29] =	ssyncadd.s32 $0xFFFFC000  }
0x5d: {  	[bflag:$0x0] =	sbarrier.arrive $0xFFFF  }
0x5e: {  	s3 =	simm.s32 $0x0;
	s13 =	simm.s32 $0x0  }
0x5f: {  	s3 =	simm.s32 $0x0;
	s13 =	rddreg [dreg:$0x3]  }
0x60: {  	[tilespmem:s3], [sflag:$0x3] =	stream.linear.gather [hbm4b:s13+s3], $0x1400, $0x38;
	[tilespmem:$0x1FC00] =	vst v63  }
0x61: {  	_ =	swait.ge [sflag:s29], $0x1400  }
0x62: {  	[sflag:s29] =	ssyncset.done $0x0  }
0x63: {  	s20 =	rddreg [dreg:$0x4];
	[sflag:s29] =	ssyncadd.s32 $0xFFFFEC00  }
0x64: {  	[tilespmem:s30], [sflag:$0x3] =	stream.linear.gather [hbm4b:s20+s3], $0x1400, $0x38;
	[tilespmem:$0x1FC00] =	vst v63  }
0x65: {  	_ =	swait.ge [sflag:s29], $0x1400  }
0x66: {  	[sflag:s29] =	ssyncset.done $0x0  }
0x67: {  	s21 =	rddreg [dreg:$0x5];
	[sflag:s29] =	ssyncadd.s32 $0xFFFFEC00  }
0x68: {  	[tilespmem:s31], [sflag:$0x3] =	stream.linear.gather [hbm4b:s21+s3], $0x1400, $0x38;
	[tilespmem:$0x1FC00] =	vst v63  }
0x69: {  	_ =	swait.ge [sflag:s29], $0x1400  }
0x6a: {  	[sflag:s29] =	ssyncset.done $0x0  }
0x6b: {  	[sflag:s29] =	ssyncadd.s32 $0xFFFFEC00  }
0x6c: {  	[tilespmem:s28], [sflag:$0x1] =	stream.indirect.gather [hbm4b:s4+s0], $0x80, s3, s0, $0xb8;
	[tilespmem:$0x1FC00] =	vst v63  }
0x6d: {  	s13 =	simm.s32 $0x0  }
0x6e: {  	[tilespmem:s10], [sflag:$0x2] =	stream.indirect.gather [hbm4b:s4+s0], $0x80, s0, s0, $0xb8;
	[tilespmem:$0x1FC00] =	vst v63  }
.LBB2_12:
0x6f: {  	s14 =	sshll.u32 s13, $0x8;
	v2 =	vmov s3  }
0x70: {  	v1 =	vmov s14;
	v2 =	vand.u32 $0x7E, v2  }
0x71: {  	v2 =	vor.u32 v1, v2  }
0x72: {  	v4 =	vbroadcast v2, $0x0;
	_ =	sdelay $0x1  }
0x73: {  	_ =	swait.ge [sflag:s11], $0x4000  }
0x74: {  	[sflag:s11] =	ssyncset.done $0x0  }
0x75: {  	s15 =	simm.s32 $0x3C80;
	[sflag:s11] =	ssyncadd.s32 $0xFFFFC000  }
0x76: {  	v6 =	vld [tilespmem:s15+$0xFFFFFFF0]  }
0x77: {  	v4 =	vld.idx.msk [tilespmem:v4+s31+$0x0], $0xffff  }
0x78: {  	v7 =	vld [tilespmem:s15+$0xFFFFFF80]  }
0x79: {  	v8 =	vld [tilespmem:s15+$0xFFFFFFA0]  }
0x7a: {  	v9 =	vld [tilespmem:s15+$0xFFFFFFB0]  }
0x7b: {  	v5 =	vld [tilespmem:s15+$0xFFFFFFD0]  }
0x7c: {  	s21 =	simm.s32 $0x1;
	v10 =	vld [tilespmem:s15+$0xFFFFFFE0];
	v6 =	vmul.f32 v6, v4  }
0x7d: {  	v13 =	vmov s21;
	v11 =	vld [tilespmem:s15+$0xFFFFFF90];
	v7 =	vmul.f32 v7, v4  }
0x7e: {  	v12 =	vld [tilespmem:s15+$0xFFFFFFC0];
	v8 =	vmul.f32 v8, v4;
	[tilespmem:s15+$0xFFFFFFF0] =	vst v6;
	v6 =	vand.u32 $0x7F, v13  }
0x7f: {  	v9 =	vmul.f32 v9, v4;
	[tilespmem:s15+$0xFFFFFF80] =	vst v7;
	v6 =	vor.u32 v1, v6  }
0x80: {  	v5 =	vmul.f32 v5, v4;
	[tilespmem:s15+$0xFFFFFFA0] =	vst v8;
	v7 =	vbroadcast v6, $0x0  }
0x81: {  	[tilespmem:s15+$0xFFFFFFB0] =	vst v9;
	v8 =	vmul.f32 v10, v4  }
0x82: {  	v2 =	vld [tilespmem:s15+$0x0];
	[tilespmem:s15+$0xFFFFFFD0] =	vst v5;
	v6 =	vmul.f32 v11, v4  }
0x83: {  	v3 =	vld [tilespmem:s15+$0x10];
	v4 =	vmul.f32 v12, v4;
	[tilespmem:s15+$0xFFFFFFE0] =	vst v8  }
0x84: {  	v5 =	vld [tilespmem:s15+$0x50];
	[tilespmem:s15+$0xFFFFFF90] =	vst v6  }
0x85: {  	v6 =	vld [tilespmem:s15+$0x20];
	[tilespmem:s15+$0xFFFFFFC0] =	vst v4  }
0x86: {  	s16 =	sshll.u32 s13, $0x1;
	s17 =	simm.s32 $0x3C80;
	s14 =	simm.s32 $0x2;
	v4 =	vld.idx.msk [tilespmem:v7+s31+$0x0], $0xffff  }
.LBB2_13:
0x87: {  	p1 =	sne.s32 s14, $0x7E  }
0x88: {  	v7 =	vld [tilespmem:s15+$0x70];
	s17 =	sadd.s32 $0x100, s17;
	s18 =	smov.u32 s14;
	s14 =	sadd.s32 $0x2, s14  }
0x89: {  	v8 =	vld [tilespmem:s15+$0x30]  }
0x8a: {  	v9 =	vld [tilespmem:s15+$0x40]  }
0x8b: {  	v10 =	vld [tilespmem:s15+$0x60];
	_ =	sdelay $0x1  }
0x8c: {  	v2 =	vmul.f32 v2, v4;
	v3 =	vmul.f32 v3, v4  }
0x8d: {  	v11 =	vmov s18;
	v6 =	vmul.f32 v6, v4;
	v8 =	vmul.f32 v8, v4  }
0x8e: {  	v11 =	vand.u32 $0x7E, v11;
	v5 =	vmul.f32 v5, v4;
	[tilespmem:s15+$0x0] =	vst v2;
	v9 =	vmul.f32 v9, v4  }
0x8f: {  	v11 =	vor.u32 v1, v11;
	v2 =	vld [tilespmem:s17+$0x0];
	[tilespmem:s15+$0x20] =	vst v6;
	v6 =	vmul.f32 v10, v4;
	v4 =	vmul.f32 v7, v4  }
0x90: {  	v7 =	vbroadcast v11, $0x0;
	[tilespmem:s15+$0x10] =	vst v3  }
0x91: {  	v3 =	vld [tilespmem:s17+$0x10];
	[tilespmem:s15+$0x50] =	vst v5  }
0x92: {  	v5 =	vld [tilespmem:s17+$0xFFFFFFD0];
	[tilespmem:s15+$0x70] =	vst v4  }
0x93: {  	v4 =	vld [tilespmem:s17+$0xFFFFFFB0];
	[tilespmem:s15+$0x30] =	vst v8  }
0x94: {  	v8 =	vld [tilespmem:s17+$0xFFFFFFE0];
	[tilespmem:s15+$0x60] =	vst v6  }
0x95: {  	v6 =	vld [tilespmem:s17+$0xFFFFFFF0];
	[tilespmem:s15+$0x40] =	vst v9;
	s15 =	smov.u32 s17  }
0x96: {  	v7 =	vld.idx.msk [tilespmem:v7+s31+$0x0], $0xffff  }
0x97: {  	v9 =	vld [tilespmem:s17+$0xFFFFFF80]  }
0x98: {  	v10 =	vld [tilespmem:s17+$0xFFFFFFA0]  }
0x99: {  	v11 =	vld [tilespmem:s17+$0xFFFFFF90]  }
0x9a: {  	v12 =	vld [tilespmem:s17+$0xFFFFFFC0];
	_ =	sdelay $0x1  }
0x9b: {  	s18 =	sadd.s32 $0x1, s18;
	v6 =	vmul.f32 v6, v7;
	v9 =	vmul.f32 v9, v7  }
0x9c: {  	v13 =	vmov s18;
	v8 =	vmul.f32 v8, v7;
	v10 =	vmul.f32 v10, v7  }
0x9d: {  	v4 =	vmul.f32 v4, v7;
	v11 =	vmul.f32 v11, v7;
	[tilespmem:s17+$0xFFFFFFF0] =	vst v6;
	v6 =	vand.u32 $0x7F, v13  }
0x9e: {  	v5 =	vmul.f32 v5, v7;
	[tilespmem:s17+$0xFFFFFF80] =	vst v9;
	v9 =	vmul.f32 v12, v7;
	v6 =	vor.u32 v1, v6  }
0x9f: {  	[tilespmem:s17+$0xFFFFFFA0] =	vst v10;
	v7 =	vbroadcast v6, $0x0  }
0xa0: {  	[tilespmem:s17+$0xFFFFFFB0] =	vst v4  }
.Ltmp4:
0xa1: {  	[tilespmem:s17+$0xFFFFFFD0] =	vst v5;
	(pc) =	sbr.rel @p1 .LBB2_13-.Ltmp4, $4  }
0xa2: {  	[tilespmem:s17+$0xFFFFFF90] =	vst v11  }
0xa3: {  	[tilespmem:s17+$0xFFFFFFE0] =	vst v8;
	v6 =	vld [tilespmem:s17+$0x20]  }
0xa4: {  	[tilespmem:s17+$0xFFFFFFC0] =	vst v9;
	v5 =	vld [tilespmem:s17+$0x50]  }
0xa5: {  	v4 =	vld.idx.msk [tilespmem:v7+s31+$0x0], $0xffff  }
0xa6: {  	_ =	sdelay $0x1  }
0xa7: {  	v1 =	vld [tilespmem:s15+$0x70];
	_ =	sdelay $0x1  }
0xa8: {  	v7 =	vld [tilespmem:s15+$0x30];
	v2 =	vmul.f32 v2, v4  }
0xa9: {  	v9 =	vld [tilespmem:s15+$0x40];
	v6 =	vmul.f32 v6, v4  }
0xaa: {  	v8 =	vld [tilespmem:s15+$0x60];
	v3 =	vmul.f32 v3, v4;
	[tilespmem:s15+$0x0] =	vst v2  }
0xab: {  	v1 =	vmul.f32 v1, v4;
	[tilespmem:s15+$0x20] =	vst v6  }
0xac: {  	v2 =	vmul.f32 v5, v4;
	[tilespmem:s15+$0x10] =	vst v3  }
0xad: {  	v3 =	vmul.f32 v7, v4;
	[tilespmem:s15+$0x70] =	vst v1  }
0xae: {  	v1 =	vmul.f32 v9, v4;
	[tilespmem:s15+$0x50] =	vst v2  }
0xaf: {  	s17 =	sshll.u32 s13, $0xA;
	v2 =	vmul.f32 v8, v4;
	[tilespmem:s15+$0x30] =	vst v3  }
0xb0: {  	s14 =	sshrl.u32 s17, $0x2;
	[tilespmem:s15+$0x40] =	vst v1  }
0xb1: {  	p1 =	seq.s32 s13, $0x13;
	s20 =	sor.u32 $0x1, s16;
	s19 =	sadd.s32 $0x1400, s14;
	[tilespmem:s15+$0x60] =	vst v2  }
0xb2: {  	[spmem:s1] =	stream.indirect.scatter.add.f32 [tilespmem:s28], [sflag:$0x3], $0x80, s19, s0, $0xb8;
	[tilespmem:$0x1FC00] =	vst v63  }
0xb3: {  	s21 =	simm.s32 $0x0;
	s18 =	simm.s32 @!p1 $0x80;
	_ =	swait.ge [sflag:s29], $0x4000  }
0xb4: {  	s16 =	simm.s32 @!p1 $0x3C00;
	s15 =	sshrl.u32 @!p1 s17, $0x2;
	[sflag:s29] =	ssyncset.done $0x0  }
0xb5: {  	s17 =	sadd.s32 @!p1 $0x100, s15;
	s15 =	sshll.u32 s20, $0x7;
	[sflag:s29] =	ssyncadd.s32 $0xFFFFC000  }
0xb6: {  	v2 =	vmov s21;
	[tilespmem:s16], [sflag:$0x1] =	stream.indirect.gather @!p1 [hbm4b:s4+s18], $0x80, s17, s18, $0xb8;
	[tilespmem:$0x1FC00] =	vst v63  }
0xb7: {  	v2 =	vand.u32 $0x7E, v2;
	v1 =	vmov s15;
	_ =	swait.ge [sflag:s12], $0x4000  }
0xb8: {  	v2 =	vor.u32 v1, v2;
	[sflag:s12] =	ssyncset.done $0x0  }
0xb9: {  	v2 =	vbroadcast v2, $0x0;
	s16 =	simm.s32 $0x0;
	[sflag:s12] =	ssyncadd.s32 $0xFFFFC000  }
0xba: {  	v6 =	vld [tilespmem:s16+$0x7C60]  }
0xbb: {  	v3 =	vld [tilespmem:s16+$0x7C50]  }
0xbc: {  	v4 =	vld [tilespmem:s16+$0x7C40]  }
0xbd: {  	v5 =	vld [tilespmem:s16+$0x7C00]  }
0xbe: {  	v7 =	vld [tilespmem:s16+$0x7C10]  }
0xbf: {  	v8 =	vld.idx.msk [tilespmem:v2+s31+$0x0], $0xffff  }
0xc0: {  	v9 =	vld [tilespmem:s16+$0x7C20]  }
0xc1: {  	v10 =	vld [tilespmem:s16+$0x7C30]  }
0xc2: {  	v11 =	vld [tilespmem:s16+$0x7C70];
	_ =	sdelay $0x1  }
0xc3: {  	s17 =	simm.s32 $0x1;
	v2 =	vmul.f32 v5, v8;
	v7 =	vmul.f32 v7, v8  }
0xc4: {  	v12 =	vmov s17;
	v5 =	vmul.f32 v9, v8;
	v9 =	vmul.f32 v4, v8  }
0xc5: {  	v4 =	vmul.f32 v10, v8;
	v3 =	vmul.f32 v3, v8;
	v10 =	vand.u32 $0x7F, v12;
	[tilespmem:s16+$0x7C10] =	vst v7  }
0xc6: {  	s18 =	simm.s32 $0x400;
	[tilespmem:s16+$0x7C40] =	vst v9;
	v7 =	vmul.f32 v6, v8;
	v6 =	vmul.f32 v11, v8;
	v8 =	vor.u32 v1, v10  }
.LBB2_15:
0xc7: {  	p2 =	sne.s32 s18, $0xFC00  }
0xc8: {  	[tilespmem:s16+$0x7C20] =	vst v5;
	v5 =	vbroadcast v8, $0x0;
	s17 =	sadd.s32 $0x2, s17;
	s19 =	smov.u32 s18;
	s18 =	sadd.s32 $0x400, s18  }
0xc9: {  	[tilespmem:s16+$0x7C60] =	vst v7  }
0xca: {  	[tilespmem:s16+$0x7C70] =	vst v6;
	v6 =	vld [tilespmem:s16+$0x7CE0]  }
0xcb: {  	[tilespmem:s16+$0x7C00] =	vst v2;
	v2 =	vld [tilespmem:s16+$0x7CC0]  }
0xcc: {  	[tilespmem:s16+$0x7C30] =	vst v4;
	v4 =	vld [tilespmem:s16+$0x7CD0]  }
0xcd: {  	s20 =	sadd.s32 $0xFFFFFFFF, s17;
	[tilespmem:s16+$0x7C50] =	vst v3;
	v3 =	vld [tilespmem:s16+$0x7CF0]  }
0xce: {  	v7 =	vmov s20;
	v5 =	vld.idx.msk [tilespmem:v5+s31+$0x0], $0xffff  }
0xcf: {  	v7 =	vand.u32 $0x7E, v7;
	v8 =	vld [tilespmem:s16+$0x7C80]  }
0xd0: {  	v7 =	vor.u32 v1, v7;
	v9 =	vld [tilespmem:s16+$0x7CA0]  }
0xd1: {  	v7 =	vbroadcast v7, $0x0;
	v10 =	vld [tilespmem:s16+$0x7C90]  }
0xd2: {  	v11 =	vld [tilespmem:s16+$0x7CB0];
	_ =	sdelay $0x1  }
0xd3: {  	v3 =	vmul.f32 v3, v5;
	v8 =	vmul.f32 v8, v5  }
0xd4: {  	v4 =	vmul.f32 v4, v5;
	v9 =	vmul.f32 v9, v5  }
0xd5: {  	v2 =	vmul.f32 v2, v5;
	v10 =	vmul.f32 v10, v5;
	[tilespmem:s16+$0x7CF0] =	vst v3  }
0xd6: {  	s19 =	sshra.s32 s19, $0x2;
	[tilespmem:s16+$0x7C80] =	vst v8;
	v3 =	vmul.f32 v11, v5;
	v5 =	vmul.f32 v6, v5  }
0xd7: {  	v6 =	vld [tilespmem:s19+$0x7C60];
	[tilespmem:s16+$0x7CD0] =	vst v4  }
0xd8: {  	[tilespmem:s16+$0x7CC0] =	vst v2  }
0xd9: {  	[tilespmem:s16+$0x7CE0] =	vst v5  }
0xda: {  	v8 =	vld [tilespmem:s19+$0x7C50];
	[tilespmem:s16+$0x7CA0] =	vst v9  }
0xdb: {  	v4 =	vld [tilespmem:s19+$0x7C40];
	[tilespmem:s16+$0x7CB0] =	vst v3  }
0xdc: {  	v2 =	vld [tilespmem:s19+$0x7C00];
	[tilespmem:s16+$0x7C90] =	vst v10;
	s16 =	smov.u32 s19  }
0xdd: {  	v9 =	vld.idx.msk [tilespmem:v7+s31+$0x0], $0xffff  }
0xde: {  	v3 =	vld [tilespmem:s16+$0x7C10]  }
0xdf: {  	v5 =	vld [tilespmem:s16+$0x7C20]  }
0xe0: {  	v7 =	vld [tilespmem:s16+$0x7C30]  }
0xe1: {  	v10 =	vld [tilespmem:s16+$0x7C70]  }
.Ltmp5:
0xe2: {  	(pc) =	sbr.rel @p2 .LBB2_15-.Ltmp5, $4  }
0xe3: {  	v2 =	vmul.f32 v2, v9;
	v3 =	vmul.f32 v3, v9  }
0xe4: {  	v12 =	vmov s17;
	v11 =	vmul.f32 v4, v9;
	v5 =	vmul.f32 v5, v9  }
0xe5: {  	[tilespmem:s16+$0x7C10] =	vst v3;
	v4 =	vmul.f32 v7, v9;
	v3 =	vmul.f32 v8, v9;
	v8 =	vand.u32 $0x7F, v12  }
0xe6: {  	v7 =	vmul.f32 v6, v9;
	[tilespmem:s16+$0x7C40] =	vst v11;
	v6 =	vmul.f32 v10, v9;
	v8 =	vor.u32 v1, v8  }
0xe7: {  	[tilespmem:s16+$0x7C20] =	vst v5;
	v59 =	vbroadcast v8, $0x0  }
0xe8: {  	[tilespmem:s16+$0x7C00] =	vst v2  }
0xe9: {  	[tilespmem:s16+$0x7C30] =	vst v4  }
0xea: {  	[tilespmem:s16+$0x7C50] =	vst v3  }
0xeb: {  	[tilespmem:s16+$0x7C60] =	vst v7  }
0xec: {  	v3 =	vld [tilespmem:s16+$0x7CF0];
	[tilespmem:s16+$0x7C70] =	vst v6  }
0xed: {  	v5 =	vld.idx.msk [tilespmem:v59+s31+$0x0], $0xffff  }
0xee: {  	v61 =	vld [tilespmem:s16+$0x7C80]  }
0xef: {  	v60 =	vld [tilespmem:s16+$0x7CD0]  }
0xf0: {  	v2 =	vld [tilespmem:s16+$0x7CC0]  }
0xf1: {  	v1 =	vld [tilespmem:s16+$0x7CE0]  }
0xf2: {  	v62 =	vld [tilespmem:s16+$0x7CA0];
	v3 =	vmul.f32 v3, v5  }
0xf3: {  	v9 =	vld [tilespmem:s16+$0x7CB0];
	v6 =	vmul.f32 v61, v5  }
0xf4: {  	v63 =	vld [tilespmem:s16+$0x7C90];
	v4 =	vmul.f32 v60, v5;
	[tilespmem:s16+$0x7CF0] =	vst v3  }
0xf5: {  	v2 =	vmul.f32 v2, v5;
	[tilespmem:s16+$0x7C80] =	vst v6  }
0xf6: {  	v1 =	vmul.f32 v1, v5;
	[tilespmem:s16+$0x7CD0] =	vst v4  }
0xf7: {  	v3 =	vmul.f32 v62, v5;
	[tilespmem:s16+$0x7CC0] =	vst v2  }
0xf8: {  	v2 =	vmul.f32 v9, v5;
	[tilespmem:s16+$0x7CE0] =	vst v1  }
0xf9: {  	v1 =	vmul.f32 v63, v5;
	[tilespmem:s16+$0x7CA0] =	vst v3  }
0xfa: {  	s15 =	sand.u32 $0x3FFFFF80, s15;
	[tilespmem:s16+$0x7CB0] =	vst v2  }
.Ltmp6:
0xfb: {  	s15 =	sadd.s32 $0x1400, s15;
	[tilespmem:s16+$0x7C90] =	vst v1;
	(pc) =	sbr.rel @p1 .LBB2_19-.Ltmp6, $4  }
0xfc: {  	[spmem:s1] =	stream.indirect.scatter.add.f32 [tilespmem:s10], [sflag:$0x3], $0x80, s15, s0, $0xb8;
	[tilespmem:$0x1FC00] =	vst v63  }
0xfd: {  	_ =	swait.ge [sflag:s29], $0x4000  }
0xfe: {  	[sflag:s29] =	ssyncset.done $0x0  }
0xff: {  	[sflag:s29] =	ssyncadd.s32 $0xFFFFC000  }
.Ltmp7:
0x100: {  	(pc) =	sbr.rel .LBB2_12-.Ltmp7, $3  }
0x101: {  	_ =	sdelay $0x1  }
0x102: {  	s14 =	sadd.s32 $0x180, s14;
	s13 =	sadd.s32 $0x1, s13  }
0x103: {  	[tilespmem:s10], [sflag:$0x2] =	stream.indirect.gather [hbm4b:s4+s0], $0x80, s14, s0, $0xb8;
	[tilespmem:$0x1FC00] =	vst v63  }
.LBB2_18:
0x104: {  	s13 =	sadd.s32 $0x1, s13  }
0x105: {  	p1 =	seq.s32 s13, $0x3  }
.Ltmp8:
0x106: {  	_ = 	snop;
	(pc) =	sbr.rel @p1 .LBB2_19-.Ltmp8, $1  }
0x107: {  	_ =	sdelay $0x3  }
.LBB2_4:
0x108: {  	s14 =	smul.u32 $0x1400, s13;
	_ =	sdelay $0x1  }
0x109: {  	s14 =	sadd.s32 s8, s14  }
0x10a: {  	s14 =	sshrl.u32 s14, $0x3  }
0x10b: {  	s15 =	sadd.s32 s5, s14  }
0x10c: {  	[tilespmem:s3], [sflag:$0x3] =	stream.linear.gather [hbm4b:s15+s3], $0x1400, $0x38;
	[tilespmem:$0x1FC00] =	vst v63  }
0x10d: {  	_ =	swait.ge [sflag:s29], $0x1400  }
0x10e: {  	[sflag:s29] =	ssyncset.done $0x0  }
0x10f: {  	s21 =	sadd.s32 s6, s14;
	[sflag:s29] =	ssyncadd.s32 $0xFFFFEC00  }
0x110: {  	[tilespmem:s30], [sflag:$0x3] =	stream.linear.gather [hbm4b:s21+s3], $0x1400, $0x38;
	[tilespmem:$0x1FC00] =	vst v63  }
0x111: {  	_ =	swait.ge [sflag:s29], $0x1400  }
0x112: {  	[sflag:s29] =	ssyncset.done $0x0  }
0x113: {  	s14 =	sadd.s32 s7, s14;
	[sflag:s29] =	ssyncadd.s32 $0xFFFFEC00  }
0x114: {  	[tilespmem:s31], [sflag:$0x3] =	stream.linear.gather [hbm4b:s14+s3], $0x1400, $0x38;
	[tilespmem:$0x1FC00] =	vst v63  }
0x115: {  	_ =	swait.ge [sflag:s29], $0x1400  }
0x116: {  	[sflag:s29] =	ssyncset.done $0x0  }
0x117: {  	[sflag:s29] =	ssyncadd.s32 $0xFFFFEC00  }
0x118: {  	[tilespmem:s28], [sflag:$0x1] =	stream.indirect.gather [hbm4b:s4+s0], $0x80, s3, s0, $0xb8;
	[tilespmem:$0x1FC00] =	vst v63  }
0x119: {  	s14 =	simm.s32 $0x0  }
0x11a: {  	[tilespmem:s10], [sflag:$0x2] =	stream.indirect.gather [hbm4b:s4+s0], $0x80, s0, s0, $0xb8;
	[tilespmem:$0x1FC00] =	vst v63  }
.LBB2_5:
0x11b: {  	s15 =	simm.s32 $0x0  }
0x11c: {  	s16 =	sshll.u32 s14, $0x8;
	v2 =	vmov s15  }
0x11d: {  	v1 =	vmov s16;
	v2 =	vand.u32 $0x7E, v2  }
0x11e: {  	v2 =	vor.u32 v1, v2  }
0x11f: {  	v4 =	vbroadcast v2, $0x0;
	_ =	sdelay $0x1  }
0x120: {  	_ =	swait.ge [sflag:s11], $0x4000  }
0x121: {  	[sflag:s11] =	ssyncset.done $0x0  }
0x122: {  	s16 =	simm.s32 $0x3C80;
	[sflag:s11] =	ssyncadd.s32 $0xFFFFC000  }
0x123: {  	v6 =	vld [tilespmem:s16+$0xFFFFFFF0]  }
0x124: {  	v4 =	vld.idx.msk [tilespmem:v4+s31+$0x0], $0xffff  }
0x125: {  	v7 =	vld [tilespmem:s16+$0xFFFFFF80]  }
0x126: {  	v8 =	vld [tilespmem:s16+$0xFFFFFFA0]  }
0x127: {  	v9 =	vld [tilespmem:s16+$0xFFFFFFB0]  }
0x128: {  	v5 =	vld [tilespmem:s16+$0xFFFFFFD0]  }
0x129: {  	s21 =	simm.s32 $0x1;
	v10 =	vld [tilespmem:s16+$0xFFFFFFE0];
	v6 =	vmul.f32 v6, v4  }
0x12a: {  	v13 =	vmov s21;
	v11 =	vld [tilespmem:s16+$0xFFFFFF90];
	v7 =	vmul.f32 v7, v4  }
0x12b: {  	v12 =	vld [tilespmem:s16+$0xFFFFFFC0];
	v8 =	vmul.f32 v8, v4;
	[tilespmem:s16+$0xFFFFFFF0] =	vst v6;
	v6 =	vand.u32 $0x7F, v13  }
0x12c: {  	v9 =	vmul.f32 v9, v4;
	[tilespmem:s16+$0xFFFFFF80] =	vst v7;
	v6 =	vor.u32 v1, v6  }
0x12d: {  	v5 =	vmul.f32 v5, v4;
	[tilespmem:s16+$0xFFFFFFA0] =	vst v8;
	v7 =	vbroadcast v6, $0x0  }
0x12e: {  	[tilespmem:s16+$0xFFFFFFB0] =	vst v9;
	v8 =	vmul.f32 v10, v4  }
0x12f: {  	v3 =	vld [tilespmem:s16+$0x10];
	[tilespmem:s16+$0xFFFFFFD0] =	vst v5;
	v6 =	vmul.f32 v11, v4  }
0x130: {  	v2 =	vld [tilespmem:s16+$0x0];
	v4 =	vmul.f32 v12, v4;
	[tilespmem:s16+$0xFFFFFFE0] =	vst v8  }
0x131: {  	v5 =	vld [tilespmem:s16+$0x50];
	[tilespmem:s16+$0xFFFFFF90] =	vst v6  }
0x132: {  	v6 =	vld [tilespmem:s16+$0x20];
	[tilespmem:s16+$0xFFFFFFC0] =	vst v4  }
0x133: {  	s17 =	sshll.u32 s14, $0x1;
	s18 =	simm.s32 $0x3C80;
	s15 =	simm.s32 $0x2;
	v4 =	vld.idx.msk [tilespmem:v7+s31+$0x0], $0xffff  }
.LBB2_6:
0x134: {  	p1 =	sne.s32 s15, $0x7E  }
0x135: {  	v7 =	vld [tilespmem:s16+$0x70];
	s18 =	sadd.s32 $0x100, s18;
	s19 =	smov.u32 s15;
	s15 =	sadd.s32 $0x2, s15  }
0x136: {  	v8 =	vld [tilespmem:s16+$0x30]  }
0x137: {  	v9 =	vld [tilespmem:s16+$0x40]  }
0x138: {  	v10 =	vld [tilespmem:s16+$0x60];
	_ =	sdelay $0x1  }
0x139: {  	v2 =	vmul.f32 v2, v4;
	v3 =	vmul.f32 v3, v4  }
0x13a: {  	v11 =	vmov s19;
	v6 =	vmul.f32 v6, v4;
	v8 =	vmul.f32 v8, v4  }
0x13b: {  	v11 =	vand.u32 $0x7E, v11;
	v5 =	vmul.f32 v5, v4;
	[tilespmem:s16+$0x0] =	vst v2;
	v9 =	vmul.f32 v9, v4  }
0x13c: {  	v11 =	vor.u32 v1, v11;
	v2 =	vld [tilespmem:s18+$0x0];
	[tilespmem:s16+$0x20] =	vst v6;
	v6 =	vmul.f32 v10, v4;
	v4 =	vmul.f32 v7, v4  }
0x13d: {  	v7 =	vbroadcast v11, $0x0;
	[tilespmem:s16+$0x10] =	vst v3  }
0x13e: {  	v3 =	vld [tilespmem:s18+$0x10];
	[tilespmem:s16+$0x50] =	vst v5  }
0x13f: {  	v5 =	vld [tilespmem:s18+$0xFFFFFFD0];
	[tilespmem:s16+$0x70] =	vst v4  }
0x140: {  	v4 =	vld [tilespmem:s18+$0xFFFFFFB0];
	[tilespmem:s16+$0x30] =	vst v8  }
0x141: {  	v8 =	vld [tilespmem:s18+$0xFFFFFFE0];
	[tilespmem:s16+$0x60] =	vst v6  }
0x142: {  	v6 =	vld [tilespmem:s18+$0xFFFFFFF0];
	[tilespmem:s16+$0x40] =	vst v9;
	s16 =	smov.u32 s18  }
0x143: {  	v7 =	vld.idx.msk [tilespmem:v7+s31+$0x0], $0xffff  }
0x144: {  	v9 =	vld [tilespmem:s18+$0xFFFFFF80]  }
0x145: {  	v10 =	vld [tilespmem:s18+$0xFFFFFFA0]  }
0x146: {  	v11 =	vld [tilespmem:s18+$0xFFFFFF90]  }
0x147: {  	v12 =	vld [tilespmem:s18+$0xFFFFFFC0];
	_ =	sdelay $0x1  }
0x148: {  	s19 =	sadd.s32 $0x1, s19;
	v6 =	vmul.f32 v6, v7;
	v9 =	vmul.f32 v9, v7  }
0x149: {  	v13 =	vmov s19;
	v8 =	vmul.f32 v8, v7;
	v10 =	vmul.f32 v10, v7  }
0x14a: {  	v4 =	vmul.f32 v4, v7;
	v11 =	vmul.f32 v11, v7;
	[tilespmem:s18+$0xFFFFFFF0] =	vst v6;
	v6 =	vand.u32 $0x7F, v13  }
0x14b: {  	v5 =	vmul.f32 v5, v7;
	[tilespmem:s18+$0xFFFFFF80] =	vst v9;
	v9 =	vmul.f32 v12, v7;
	v6 =	vor.u32 v1, v6  }
0x14c: {  	[tilespmem:s18+$0xFFFFFFA0] =	vst v10;
	v7 =	vbroadcast v6, $0x0  }
0x14d: {  	[tilespmem:s18+$0xFFFFFFB0] =	vst v4  }
.Ltmp9:
0x14e: {  	[tilespmem:s18+$0xFFFFFFD0] =	vst v5;
	(pc) =	sbr.rel @p1 .LBB2_6-.Ltmp9, $4  }
0x14f: {  	[tilespmem:s18+$0xFFFFFF90] =	vst v11  }
0x150: {  	[tilespmem:s18+$0xFFFFFFE0] =	vst v8;
	v6 =	vld [tilespmem:s18+$0x20]  }
0x151: {  	[tilespmem:s18+$0xFFFFFFC0] =	vst v9;
	v5 =	vld [tilespmem:s18+$0x50]  }
0x152: {  	v4 =	vld.idx.msk [tilespmem:v7+s31+$0x0], $0xffff  }
0x153: {  	_ =	sdelay $0x1  }
0x154: {  	v1 =	vld [tilespmem:s16+$0x70];
	_ =	sdelay $0x1  }
0x155: {  	v7 =	vld [tilespmem:s16+$0x30];
	v2 =	vmul.f32 v2, v4  }
0x156: {  	v9 =	vld [tilespmem:s16+$0x40];
	v6 =	vmul.f32 v6, v4  }
0x157: {  	v8 =	vld [tilespmem:s16+$0x60];
	v3 =	vmul.f32 v3, v4;
	[tilespmem:s16+$0x0] =	vst v2  }
0x158: {  	v1 =	vmul.f32 v1, v4;
	[tilespmem:s16+$0x20] =	vst v6  }
0x159: {  	v2 =	vmul.f32 v5, v4;
	[tilespmem:s16+$0x10] =	vst v3  }
0x15a: {  	v3 =	vmul.f32 v7, v4;
	[tilespmem:s16+$0x70] =	vst v1  }
0x15b: {  	v1 =	vmul.f32 v9, v4;
	[tilespmem:s16+$0x50] =	vst v2  }
0x15c: {  	s18 =	sshll.u32 s14, $0xA;
	v2 =	vmul.f32 v8, v4;
	[tilespmem:s16+$0x30] =	vst v3  }
0x15d: {  	s15 =	sshrl.u32 s18, $0x2;
	[tilespmem:s16+$0x40] =	vst v1  }
0x15e: {  	p1 =	seq.s32 s14, $0x13;
	s20 =	sor.u32 $0x1, s17;
	s19 =	sadd.s32 $0x1400, s15;
	[tilespmem:s16+$0x60] =	vst v2  }
0x15f: {  	[spmem:s1] =	stream.indirect.scatter.add.f32 [tilespmem:s28], [sflag:$0x3], $0x80, s19, s0, $0xb8;
	[tilespmem:$0x1FC00] =	vst v63  }
0x160: {  	s21 =	simm.s32 $0x0;
	s16 =	sshrl.u32 @!p1 s18, $0x2;
	_ =	swait.ge [sflag:s29], $0x4000  }
0x161: {  	s17 =	simm.s32 @!p1 $0x3C00;
	s18 =	sadd.s32 @!p1 $0x100, s16;
	[sflag:s29] =	ssyncset.done $0x0  }
0x162: {  	s19 =	simm.s32 @!p1 $0x80;
	s16 =	sshll.u32 s20, $0x7;
	[sflag:s29] =	ssyncadd.s32 $0xFFFFC000  }
0x163: {  	v2 =	vmov s21;
	[tilespmem:s17], [sflag:$0x1] =	stream.indirect.gather @!p1 [hbm4b:s4+s19], $0x80, s18, s19, $0xb8;
	[tilespmem:$0x1FC00] =	vst v63  }
0x164: {  	v2 =	vand.u32 $0x7E, v2;
	v1 =	vmov s16;
	_ =	swait.ge [sflag:s12], $0x4000  }
0x165: {  	v2 =	vor.u32 v1, v2;
	[sflag:s12] =	ssyncset.done $0x0  }
0x166: {  	v2 =	vbroadcast v2, $0x0;
	s17 =	simm.s32 $0x0;
	[sflag:s12] =	ssyncadd.s32 $0xFFFFC000  }
0x167: {  	v6 =	vld [tilespmem:s17+$0x7C60]  }
0x168: {  	v3 =	vld [tilespmem:s17+$0x7C50]  }
0x169: {  	v4 =	vld [tilespmem:s17+$0x7C40]  }
0x16a: {  	v5 =	vld [tilespmem:s17+$0x7C00]  }
0x16b: {  	v7 =	vld [tilespmem:s17+$0x7C10]  }
0x16c: {  	v8 =	vld.idx.msk [tilespmem:v2+s31+$0x0], $0xffff  }
0x16d: {  	v9 =	vld [tilespmem:s17+$0x7C20]  }
0x16e: {  	v10 =	vld [tilespmem:s17+$0x7C30]  }
0x16f: {  	v11 =	vld [tilespmem:s17+$0x7C70];
	_ =	sdelay $0x1  }
0x170: {  	s18 =	simm.s32 $0x1;
	v2 =	vmul.f32 v5, v8;
	v7 =	vmul.f32 v7, v8  }
0x171: {  	v12 =	vmov s18;
	v5 =	vmul.f32 v9, v8;
	v9 =	vmul.f32 v4, v8  }
0x172: {  	v4 =	vmul.f32 v10, v8;
	v3 =	vmul.f32 v3, v8;
	v10 =	vand.u32 $0x7F, v12;
	[tilespmem:s17+$0x7C10] =	vst v7  }
0x173: {  	s19 =	simm.s32 $0x400;
	[tilespmem:s17+$0x7C40] =	vst v9;
	v7 =	vmul.f32 v6, v8;
	v6 =	vmul.f32 v11, v8;
	v8 =	vor.u32 v1, v10  }
.LBB2_8:
0x174: {  	p2 =	sne.s32 s19, $0xFC00  }
0x175: {  	[tilespmem:s17+$0x7C20] =	vst v5;
	v5 =	vbroadcast v8, $0x0;
	s18 =	sadd.s32 $0x2, s18;
	s20 =	smov.u32 s19;
	s19 =	sadd.s32 $0x400, s19  }
0x176: {  	[tilespmem:s17+$0x7C60] =	vst v7  }
0x177: {  	[tilespmem:s17+$0x7C70] =	vst v6;
	v6 =	vld [tilespmem:s17+$0x7CE0]  }
0x178: {  	[tilespmem:s17+$0x7C00] =	vst v2;
	v2 =	vld [tilespmem:s17+$0x7CC0]  }
0x179: {  	[tilespmem:s17+$0x7C30] =	vst v4;
	v4 =	vld [tilespmem:s17+$0x7CD0]  }
0x17a: {  	s21 =	sadd.s32 $0xFFFFFFFF, s18;
	[tilespmem:s17+$0x7C50] =	vst v3;
	v3 =	vld [tilespmem:s17+$0x7CF0]  }
0x17b: {  	v7 =	vmov s21;
	v5 =	vld.idx.msk [tilespmem:v5+s31+$0x0], $0xffff  }
0x17c: {  	v7 =	vand.u32 $0x7E, v7;
	v8 =	vld [tilespmem:s17+$0x7C80]  }
0x17d: {  	v7 =	vor.u32 v1, v7;
	v9 =	vld [tilespmem:s17+$0x7CA0]  }
0x17e: {  	v7 =	vbroadcast v7, $0x0;
	v10 =	vld [tilespmem:s17+$0x7C90]  }
0x17f: {  	v11 =	vld [tilespmem:s17+$0x7CB0];
	_ =	sdelay $0x1  }
0x180: {  	v3 =	vmul.f32 v3, v5;
	v8 =	vmul.f32 v8, v5  }
0x181: {  	v4 =	vmul.f32 v4, v5;
	v9 =	vmul.f32 v9, v5  }
0x182: {  	v2 =	vmul.f32 v2, v5;
	v10 =	vmul.f32 v10, v5;
	[tilespmem:s17+$0x7CF0] =	vst v3  }
0x183: {  	s20 =	sshra.s32 s20, $0x2;
	[tilespmem:s17+$0x7C80] =	vst v8;
	v3 =	vmul.f32 v11, v5;
	v5 =	vmul.f32 v6, v5  }
0x184: {  	v6 =	vld [tilespmem:s20+$0x7C60];
	[tilespmem:s17+$0x7CD0] =	vst v4  }
0x185: {  	[tilespmem:s17+$0x7CC0] =	vst v2  }
0x186: {  	[tilespmem:s17+$0x7CE0] =	vst v5  }
0x187: {  	v8 =	vld [tilespmem:s20+$0x7C50];
	[tilespmem:s17+$0x7CA0] =	vst v9  }
0x188: {  	v4 =	vld [tilespmem:s20+$0x7C40];
	[tilespmem:s17+$0x7CB0] =	vst v3  }
0x189: {  	v2 =	vld [tilespmem:s20+$0x7C00];
	[tilespmem:s17+$0x7C90] =	vst v10;
	s17 =	smov.u32 s20  }
0x18a: {  	v9 =	vld.idx.msk [tilespmem:v7+s31+$0x0], $0xffff  }
0x18b: {  	v3 =	vld [tilespmem:s17+$0x7C10]  }
0x18c: {  	v5 =	vld [tilespmem:s17+$0x7C20]  }
0x18d: {  	v7 =	vld [tilespmem:s17+$0x7C30]  }
0x18e: {  	v10 =	vld [tilespmem:s17+$0x7C70]  }
.Ltmp10:
0x18f: {  	(pc) =	sbr.rel @p2 .LBB2_8-.Ltmp10, $4  }
0x190: {  	v2 =	vmul.f32 v2, v9;
	v3 =	vmul.f32 v3, v9  }
0x191: {  	v12 =	vmov s18;
	v11 =	vmul.f32 v4, v9;
	v5 =	vmul.f32 v5, v9  }
0x192: {  	[tilespmem:s17+$0x7C10] =	vst v3;
	v4 =	vmul.f32 v7, v9;
	v3 =	vmul.f32 v8, v9;
	v8 =	vand.u32 $0x7F, v12  }
0x193: {  	v7 =	vmul.f32 v6, v9;
	[tilespmem:s17+$0x7C40] =	vst v11;
	v6 =	vmul.f32 v10, v9;
	v8 =	vor.u32 v1, v8  }
0x194: {  	[tilespmem:s17+$0x7C20] =	vst v5;
	v59 =	vbroadcast v8, $0x0  }
0x195: {  	[tilespmem:s17+$0x7C00] =	vst v2  }
0x196: {  	[tilespmem:s17+$0x7C30] =	vst v4  }
0x197: {  	[tilespmem:s17+$0x7C50] =	vst v3  }
0x198: {  	[tilespmem:s17+$0x7C60] =	vst v7  }
0x199: {  	v3 =	vld [tilespmem:s17+$0x7CF0];
	[tilespmem:s17+$0x7C70] =	vst v6  }
0x19a: {  	v5 =	vld.idx.msk [tilespmem:v59+s31+$0x0], $0xffff  }
0x19b: {  	v61 =	vld [tilespmem:s17+$0x7C80]  }
0x19c: {  	v60 =	vld [tilespmem:s17+$0x7CD0]  }
0x19d: {  	v2 =	vld [tilespmem:s17+$0x7CC0]  }
0x19e: {  	v1 =	vld [tilespmem:s17+$0x7CE0]  }
0x19f: {  	v62 =	vld [tilespmem:s17+$0x7CA0];
	v3 =	vmul.f32 v3, v5  }
0x1a0: {  	v9 =	vld [tilespmem:s17+$0x7CB0];
	v6 =	vmul.f32 v61, v5  }
0x1a1: {  	v63 =	vld [tilespmem:s17+$0x7C90];
	v4 =	vmul.f32 v60, v5;
	[tilespmem:s17+$0x7CF0] =	vst v3  }
0x1a2: {  	v2 =	vmul.f32 v2, v5;
	[tilespmem:s17+$0x7C80] =	vst v6  }
0x1a3: {  	v1 =	vmul.f32 v1, v5;
	[tilespmem:s17+$0x7CD0] =	vst v4  }
0x1a4: {  	v3 =	vmul.f32 v62, v5;
	[tilespmem:s17+$0x7CC0] =	vst v2  }
0x1a5: {  	v2 =	vmul.f32 v9, v5;
	[tilespmem:s17+$0x7CE0] =	vst v1  }
0x1a6: {  	v1 =	vmul.f32 v63, v5;
	[tilespmem:s17+$0x7CA0] =	vst v3  }
0x1a7: {  	s16 =	sand.u32 $0x3FFFFF80, s16;
	[tilespmem:s17+$0x7CB0] =	vst v2  }
.Ltmp11:
0x1a8: {  	s16 =	sadd.s32 $0x1400, s16;
	[tilespmem:s17+$0x7C90] =	vst v1;
	(pc) =	sbr.rel @p1 .LBB2_18-.Ltmp11, $4  }
0x1a9: {  	[spmem:s1] =	stream.indirect.scatter.add.f32 [tilespmem:s10], [sflag:$0x3], $0x80, s16, s0, $0xb8;
	[tilespmem:$0x1FC00] =	vst v63  }
0x1aa: {  	_ =	swait.ge [sflag:s29], $0x4000  }
0x1ab: {  	[sflag:s29] =	ssyncset.done $0x0  }
0x1ac: {  	[sflag:s29] =	ssyncadd.s32 $0xFFFFC000  }
.Ltmp12:
0x1ad: {  	(pc) =	sbr.rel .LBB2_5-.Ltmp12, $3  }
0x1ae: {  	_ =	sdelay $0x1  }
0x1af: {  	s15 =	sadd.s32 $0x180, s15;
	s14 =	sadd.s32 $0x1, s14  }
0x1b0: {  	[tilespmem:s10], [sflag:$0x2] =	stream.indirect.gather [hbm4b:s4+s0], $0x80, s15, s0, $0xb8;
	[tilespmem:$0x1FC00] =	vst v63  }
.LBB2_20:
0x1b1: {  	_ =	sfence.sel $0x180000  }
0x1b2: {  	[bflag:$0x0] =	sbarrier.arrive $0xFFFF  }
0x1b3: {  	_ =	strace $0x9000004A  }
0x1b4: {  	s0 =	stileid.u32;
	[bflag:$0x2] =	sbarrier.arrive $0xFFFF  }
0x1b5: {  	p0 =	sne.s32 s0, $0x0;
	s0 =	rddreg [dreg:$0x2]  }
0x1b6: {  	s0 =	sadd.s32 @!p0 $0x100000, s0  }
0x1b7: {  	[sflag:s0] =	ssyncadd.tile.s32 @!p0 $0x1;
	_ =	shalt  }
.Lfunc_end2:
_tile_overlayer_lowered:
.L_overlay_start_2:
0x1b8: {  	(tag) =	ssettag $0x2  }
0x1b9: {  	s0 =	rddreg [dreg:$0x0];
	s2 =	stileid.u32  }
0x1ba: {  	s1 =	rddreg [dreg:$0x1];
	p0 =	sne.s32 s2, $0x0  }
0x1bb: {  	s3 =	rddreg [dreg:$0x2];
	[bflag:$0x3] =	sbarrier.arrive $0xFFFF;
	s2 =	simm.s32 @!p0 $0x1C03  }
0x1bc: {  	[timem:s3], [sflag:s2] =	dma.local @!p0 [hbm:s0], s1  }
0x1bd: {  	s0 =	simm.s32 @!p0 $0x3  }
0x1be: {  	_ =	swait.ge @!p0 [sflag:s0], s1  }
0x1bf: {  	s1 =	ssub.s32 @!p0 $0x0, s1;
	[sflag:s0] =	ssyncset.done @!p0 $0x0  }
0x1c0: {  	[sflag:s0] =	ssyncadd.s32 @!p0 s1  }
0x1c1: {  	[bflag:$0x3] =	sbarrier.arrive $0xFFFF  }
0x1c2: {  	_ =	shalt  }

// kernel: kernel.14.cloned.1.call-start
scs
__scs_entry_jumppad:
0x0: {  	(pc) =	sbr.rel $0x88, $3  }
0x1: {  	(tag) =	ssettag $0x0;
	lr =	simm.s32 $0x1  }
0x2: {  	[smem:$0x3F93] =	sst lr;
	_ =	strace $0xD0000000  }
0x3: {  	_ = 	snop  }
0x4: {  	_ = 	snop  }
0x5: {  	_ = 	snop  }
0x6: {  	_ = 	snop  }
0x7: {  	_ = 	snop  }
__scs_overlays_trampoline_lowered:
0x8: {  	[smem:$0x3FA2] =	sst s0  }
0x9: {  	[smem:$0x3FA3] =	sst s1  }
0xa: {  	[smem:$0x3FA4] =	sst s2  }
0xb: {  	[smem:$0x3FA5] =	sst s3  }
0xc: {  	[smem:$0x3FA6] =	sst s4  }
0xd: {  	[smem:$0x3FA7] =	sst s5  }
0xe: {  	[smem:$0x3FA8] =	sst s6  }
0xf: {  	[smem:$0x3FA9] =	sst s7  }
0x10: {  	[smem:$0x3FAA] =	sst s8  }
0x11: {  	[smem:$0x3FAB] =	sst s9;
	s0 =	simm.s32 @!p0 $0x0  }
0x12: {  	s1 =	sld [smem:$0x3F91];
	s0 =	simm.s32 @p0 $0x1  }
0x13: {  	[smem:$0x3FAC] =	sst s0;
	s0 =	simm.s32 @!p1 $0x0  }
0x14: {  	s2 =	sld [smem:$0x3F90];
	s0 =	simm.s32 @p1 $0x1  }
0x15: {  	[smem:$0x3FAD] =	sst s0;
	s0 =	simm.s32 @!p2 $0x0  }
0x16: {  	s3 =	sld [smem:$0x3FDB];
	s0 =	simm.s32 @p2 $0x1  }
0x17: {  	s4 =	simm.s32 $0x1BF5;
	[smem:$0x3FAF] =	sst s0  }
0x18: {  	s0 =	sld [smem:$0x3F92];
	_ =	swait.ge [sflag:s4], $0x0  }
0x19: {  	s7 =	sld [smem:$0x3F93]  }
0x1a: {  	s8 =	sadd.s32 $0xFFFFE003, lr  }
0x1b: {  	s9 =	sadd.s32 $0xFFFFFEF7, lr;
	s5 =	simm.s32 $0xFFFFFFFF;
	p2 =	slt.u32 s8, $0xFFFFF086  }
0x1c: {  	p1 =	slt.u32 s9, $0xF7A;
	s5 =	simm.s32 @!p2 $0x0  }
0x1d: {  	s5 =	simm.s32 @p1 $0x1;
	p0 =	seq.s32 s7, s2  }
0x1e: {  	s7 =	smul.u32 @!p0 $0xF7A, s2;
	p2 =	seq.s32 @!p0 s5, $0x0  }
0x1f: {  	s9 =	smul.u32 $0xF7A, s1;
	s8 =	simm.s32 @!p0 $0x1BF5;
	p2 =	por !p2, p0  }
0x20: {  	[sflag:s8] =	ssyncset.s32 @!p0 $0xFFFFF086;
	s6 =	sadd.s32 @!p0 s3, s7;
	s7 =	simm.s32 @!p0 $0x108  }
0x21: {  	s3 =	sadd.s32 s3, s9;
	s6 =	sadd.s32 @!p0 $0x88, s6;
	s7 =	simm.s32 @p2 $0x1082  }
0x22: {  	[simem:s7], [sflag:s8] =	dma.local @!p0 [hbm:s6], $0xF7A  }
0x23: {  	s9 =	sor.u32 $0xD0000000, s2;
	s6 =	simm.s32 $0x108;
	_ =	swait.ge @!p0 [sflag:s8], $0x0  }
0x24: {  	s3 =	sadd.s32 $0x88, s3;
	s6 =	simm.s32 @!p1 $0x1082;
	[sflag:s4] =	ssyncset.s32 $0xFFFFF086  }
0x25: {  	[simem:s6], [sflag:s4] =	dma.local [hbm:s3], $0xF7A  }
0x26: {  	[smem:$0x3F93] =	sst s1;
	(tag) =	ssettag s2;
	_ =	strace s9  }
0x27: {  	s1 =	sld [smem:$0x3FA3]  }
0x28: {  	s2 =	sld [smem:$0x3FA4]  }
0x29: {  	s4 =	sld [smem:$0x3FA6]  }
0x2a: {  	p0 =	seq.s32 s5, $0x0;
	s5 =	sld [smem:$0x3FA7]  }
0x2b: {  	s6 =	sld [smem:$0x3FA8]  }
0x2c: {  	s7 =	sld [smem:$0x3FA9]  }
0x2d: {  	s3 =	simm.s32 $0x108;
	s8 =	sld [smem:$0x3FAA]  }
0x2e: {  	s3 =	simm.s32 @!p0 $0x1082;
	s9 =	sld [smem:$0x3FAB]  }
0x2f: {  	lr =	sadd.s32 s0, s3;
	s0 =	sld [smem:$0x3FA2]  }
0x30: {  	s3 =	sld [smem:$0x3FA5]  }
0x31: {  	[smem:$0x3FAE] =	sst s10  }
0x32: {  	s10 =	sld [smem:$0x3FAC];
	_ =	sdelay $0x3  }
0x33: {  	p0 =	seq.s32 s10, $0x1;
	s10 =	sld [smem:$0x3FAE];
	_ =	sdelay $0x3  }
0x34: {  	[smem:$0x3FAE] =	sst s10  }
0x35: {  	s10 =	sld [smem:$0x3FAD];
	_ =	sdelay $0x3  }
0x36: {  	p1 =	seq.s32 s10, $0x1;
	s10 =	sld [smem:$0x3FAE];
	_ =	sdelay $0x3  }
0x37: {  	[smem:$0x3FAE] =	sst s10  }
0x38: {  	s10 =	sld [smem:$0x3FAF]  }
0x39: {  	_ = 	snop;
	(pc) =	sbr.ind lr, $3  }
0x3a: {  	_ = 	snop  }
0x3b: {  	_ = 	snop  }
0x3c: {  	p2 =	seq.s32 s10, $0x1;
	s10 =	sld [smem:$0x3FAE]  }
0x3d: {  	_ =	shalt  }
0x3e: {  	_ =	shalt  }
0x3f: {  	_ =	shalt  }
0x40: {  	_ =	shalt  }
0x41: {  	_ =	shalt  }
0x42: {  	_ =	shalt  }
0x43: {  	_ =	shalt  }
0x44: {  	_ =	shalt  }
0x45: {  	_ =	shalt  }
0x46: {  	_ =	shalt  }
0x47: {  	_ =	shalt  }
0x48: {  	_ =	shalt  }
0x49: {  	_ =	shalt  }
0x4a: {  	_ =	shalt  }
0x4b: {  	_ =	shalt  }
0x4c: {  	_ =	shalt  }
0x4d: {  	_ =	shalt  }
0x4e: {  	_ =	shalt  }
0x4f: {  	_ =	shalt  }
0x50: {  	_ =	shalt  }
0x51: {  	_ =	shalt  }
0x52: {  	_ =	shalt  }
0x53: {  	_ =	shalt  }
0x54: {  	_ =	shalt  }
0x55: {  	_ =	shalt  }
0x56: {  	_ =	shalt  }
0x57: {  	_ =	shalt  }
0x58: {  	_ =	shalt  }
0x59: {  	_ =	shalt  }
0x5a: {  	_ =	shalt  }
0x5b: {  	_ =	shalt  }
0x5c: {  	_ =	shalt  }
0x5d: {  	_ =	shalt  }
0x5e: {  	_ =	shalt  }
0x5f: {  	_ =	shalt  }
0x60: {  	_ =	shalt  }
0x61: {  	_ =	shalt  }
0x62: {  	_ =	shalt  }
0x63: {  	_ =	shalt  }
0x64: {  	_ =	shalt  }
0x65: {  	_ =	shalt  }
0x66: {  	_ =	shalt  }
0x67: {  	_ =	shalt  }
0x68: {  	_ =	shalt  }
0x69: {  	_ =	shalt  }
0x6a: {  	_ =	shalt  }
0x6b: {  	_ =	shalt  }
0x6c: {  	_ =	shalt  }
0x6d: {  	_ =	shalt  }
0x6e: {  	_ =	shalt  }
0x6f: {  	_ =	shalt  }
0x70: {  	_ =	shalt  }
0x71: {  	_ =	shalt  }
0x72: {  	_ =	shalt  }
0x73: {  	_ =	shalt  }
0x74: {  	_ =	shalt  }
0x75: {  	_ =	shalt  }
0x76: {  	_ =	shalt  }
0x77: {  	_ =	shalt  }
0x78: {  	_ =	shalt  }
0x79: {  	_ =	shalt  }
0x7a: {  	_ =	shalt  }
0x7b: {  	_ =	shalt  }
0x7c: {  	_ =	shalt  }
0x7d: {  	_ =	shalt  }
0x7e: {  	_ =	shalt  }
0x7f: {  	_ =	shalt  }
0x80: {  	_ =	shalt  }
0x81: {  	_ =	shalt  }
0x82: {  	_ =	shalt  }
0x83: {  	_ =	shalt  }
0x84: {  	_ =	shalt  }
0x85: {  	_ =	shalt  }
0x86: {  	_ =	shalt  }
0x87: {  	_ =	shalt  }
.Lfunc_end0:
.L_simem_size_0:
called_computation.2_lowered:
.L_overlay_start_0:
0x88: {  	s2 =	sld [smem:$0x3FD9]  }
0x89: {  	s3 =	sld [smem:$0x3FFE];
	_ =	sdelay $0x1  }
0x8a: {  	s1 =	srdreg.scid  }
0x8b: {  	s0 =	sand.u32 $0x1, s1  }
0x8c: {  	s16 =	sshll.u32 s0, $0xA;
	s2 =	sadd.s32 s3, s2  }
0x8d: {  	s2 =	sadd.s32 s2, s16  }
0x8e: {  	[smem:$0x3FBA] =	sst s2  }
0x8f: {  	_ = 	snop  }
0x90: {  	(tm) =	ssettm $0x1  }
0x91: {  	s17 =	sld [smem:$0x3FFB];
	_ =	sdelay $0x3  }
0x92: {  	_ =	strace s17  }
0x93: {  	s2 =	sld [smem:$0x3FFC];
	_ =	sdelay $0x3  }
0x94: {  	_ =	strace s2  }
0x95: {  	s2 =	sld [smem:$0x3FFD];
	_ =	sdelay $0x3  }
0x96: {  	_ =	strace s2  }
0x97: {  	_ =	strace $0x8FFFFFFF  }
0x98: {  	s18 =	sld [smem:$0x3FDB];
	_ =	sdelay $0x1  }
0x99: {  	s19 =	simm.s32 $_scs_section_size  }
0x9a: {  	s4 =	simm.s32 $_size__tile_overlayer_lowered;
	s5 =	simm.s32 $_tile_overlayer_lowered  }
0x9b: {  	s22 =	simm.s32 $0x1BFF;
	s21 =	sshll.u32 s5, $0x1;
	s2 =	sadd.s32 s19, s18  }
0x9c: {  	s6 =	simm.s32 $0x0;
	s20 =	sshll.u32 s4, $0x1;
	s4 =	sadd.s32 s21, s2  }
0x9d: {  	[timem:s6], [sflag:s22] =	dma.local [hbm:s4], s20  }
0x9e: {  	_ =	swait.ge [sflag:s22], s20  }
0x9f: {  	s3 =	ssub.s32 $0x0, s20;
	[sflag:s22] =	ssyncset.done $0x0  }
0xa0: {  	[sflag:s22] =	ssyncadd.s32 s3;
	_ =	sdelay $0x1  }
0xa1: {  	s23 =	simm.s32 $0x1B8B  }
0xa2: {  	_ =	swait.ge [sflag:s23], $0x1  }
0xa3: {  	[sflag:s23] =	ssyncset.done $0x0  }
0xa4: {  	s25 =	simm.s32 $0x1B8E;
	s24 =	sld [smem:$0x3FFE];
	[sflag:s23] =	ssyncadd.s32 $0xFFFFFFFF  }
0xa5: {  	s26 =	simm.s32 $execute0_lowered;
	[smem:$0x3FD2] =	sst s25  }
0xa6: {  	s4 =	sshll.u32 s26, $0x1;
	_ =	strace $0x8000004C;
	[dreg:$0x1] =	wrdreg $0xFFFFFFFF  }
0xa7: {  	s28 =	simm.s32 $_size_execute0_lowered;
	s2 =	sadd.s32 s2, s4;
	[dreg:$0x0] =	wrdreg $0x0  }
0xa8: {  	s4 =	sshll.u32 s28, $0x1;
	[dreg:$0x2] =	wrdreg s2  }
0xa9: {  	[dreg:$0x3] =	wrdreg s4  }
0xaa: {  	[dreg:$0x4] =	wrdreg $0xC0  }
0xab: {  	_ =	task [dreg:s6], $0x5FFFF  }
0xac: {  	[dreg:$0x1] =	wrdreg $0xFFFFFFFF  }
0xad: {  	[dreg:$0x0] =	wrdreg $0x60  }
0xae: {  	[dreg:$0x2] =	wrdreg s24  }
0xaf: {  	[dreg:$0x3] =	wrdreg $0xBC000  }
0xb0: {  	[dreg:$0x4] =	wrdreg $0x9  }
0xb1: {  	_ =	task.clear_ibuf [dreg:s6], $0x5FFFF;
	_ =	strace $0x9000004C  }
0xb2: {  	s29 =	simm.s32 $0x9;
	_ =	strace $0x8000004E  }
0xb3: {  	_ =	swait.ge [sflag:s29], $0x1  }
0xb4: {  	[sflag:s29] =	ssyncadd.s32 $0xFFFFFFFF  }
0xb5: {  	_ =	strace $0x9000004E  }
0xb6: {  	_ =	sfence  }
0xb7: {  	s30 =	sld [smem:$0x0];
	_ =	sdelay $0x2  }
0xb8: {  	s31 =	sshll.u32 s1, $0xD;
	s1 =	sshrl.u32 s1, $0x2  }
0xb9: {  	s3 =	sand.u32 $0x4000, s31;
	s1 =	sadd.s32 s1, s30  }
0xba: {  	s0 =	sor.u32 s3, s0;
	s1 =	sshll.u32 s1, $0x11  }
0xbb: {  	s0 =	sor.u32 s1, s0  }
0xbc: {  	s0 =	sadd.s32 $0x8F2B, s0  }
0xbd: {  	[sflag:s0] =	ssyncadd.remote.s32 $0x1  }
0xbe: {  	_ =	sfence.sel $0xFFFF  }
0xbf: {  	[dreg:$0x0] =	wrdreg $0xFFFFFFFF;
	(pc) =	sbr.abs _section_cstart, $3  }
0xc0: {  	[dreg:$0x1] =	wrdreg $0xFFFFFFFF  }
0xc1: {  	_ =	task.clear_ibuf [dreg:s6], $0x2FFFF;
	_ =	strace $0x9FFFFFFF  }
0xc2: {  	(tm) =	ssettm $0x7FFFFFFF  }
0xc3: {  	_ =	shalt  }
tec
execute0_lowered:
.L_overlay_start_1:
0x0: {  	(tag) =	ssettag $0x1  }
0x1: {  	s0 =	rddreg [dreg:$0x0]  }
0x2: {  	s1 =	rddreg [dreg:$0x1];
	s2 =	simm.s32 $0x0  }
0x3: {  	s3 =	srdreg.scid;
	s14 =	stileid.u32;
	s28 =	simm.s32 $0x3C00  }
0x4: {  	s29 =	simm.s32 $0x3;
	s30 =	simm.s32 $0x1400;
	s31 =	simm.s32 $0x2800  }
0x5: {  	[smem:$0x7FF] =	sst s2;
	s4 =	sadd.s32 $0x21E00, s0;
	s5 =	sadd.s32 $0x17E00, s0  }
0x6: {  	s6 =	sadd.s32 $0x3400, s0;
	s3 =	sand.u32 $0x1, s3;
	s8 =	smul.u32 $0x5000, s14  }
0x7: {  	s7 =	sadd.s32 $0xD400, s0;
	s0 =	sadd.s32 $0x49000, s0;
	s11 =	smul.u32 $0x50000, s14  }
0x8: {  	s14 =	smul.u32 $0x14000, s14;
	_ =	strace $0x8000004D;
	s9 =	ssub.s32 $0x2, s3  }
0x9: {  	s12 =	smul.u32 $0x140000, s3;
	p0 =	seq.s32 s3, $0x1;
	s10 =	sshrl.u32 s9, $0x1  }
0xa: {  	s21 =	sshrl.u32 s8, $0x3;
	s11 =	sshrl.u32 s11, $0x2;
	s25 =	sadd.s32 $0x4000, s14  }
0xb: {  	s19 =	sadd.s32 $0x8000, s14;
	s20 =	sadd.s32 $0xC000, s14;
	s10 =	ssub.s32 s9, s10  }
0xc: {  	s13 =	sadd.s32 $0x780, s21;
	s9 =	sadd.s32 s11, s1;
	s24 =	sadd.s32 s12, s14  }
0xd: {  	s26 =	sadd.s32 s12, s25;
	s21 =	sadd.s32 $0x10000, s14;
	s25 =	sadd.s32 s25, s1  }
0xe: {  	s11 =	simm.s32 $0x1;
	s22 =	sadd.s32 s5, s13;
	s23 =	sadd.s32 s6, s13  }
0xf: {  	s13 =	sadd.s32 s7, s13;
	s3 =	sshrl.u32 s24, $0x3;
	[dreg:$0x3] =	wrdreg s22  }
0x10: {  	s15 =	smax.u32 s10, $0x1;
	s16 =	sshrl.u32 s26, $0x3;
	[dreg:$0x4] =	wrdreg s23  }
0x11: {  	s17 =	sadd.s32 $0x4000, s9;
	s18 =	sadd.s32 $0x8000, s9;
	[dreg:$0x5] =	wrdreg s13  }
0x12: {  	s24 =	sadd.s32 $0xC000, s9;
	s10 =	sadd.s32 s20, s1;
	[dreg:$0x7] =	wrdreg s15  }
0x13: {  	s26 =	sadd.s32 s21, s1;
	s3 =	sadd.s32 s0, s3;
	[dreg:$0x8] =	wrdreg s17  }
0x14: {  	[dreg:$0x9] =	wrdreg s18;
	s22 =	sadd.s32 s12, s19;
	s15 =	sadd.s32 s12, s20  }
0x15: {  	s12 =	sadd.s32 s12, s21;
	[dreg:$0xe] =	wrdreg s24;
	s24 =	sshrl.u32 s10, $0x3  }
0x16: {  	s10 =	simm.s32 $0x7C00;
	[dreg:$0x6] =	wrdreg s3;
	s3 =	sadd.s32 s0, s16  }
0x17: {  	s14 =	sshrl.u32 s22, $0x3;
	s15 =	sshrl.u32 s15, $0x3;
	s12 =	sshrl.u32 s12, $0x3  }
.Ltmp0:
0x18: {  	s22 =	sshrl.u32 s25, $0x3;
	s25 =	sshrl.u32 s26, $0x3;
	(pc) =	sbr.rel .LBB2_1-.Ltmp0, $4  }
0x19: {  	s26 =	sadd.s32 $0x10000, s9;
	[dreg:$0xa] =	wrdreg s3;
	s14 =	sadd.s32 s0, s14  }
0x1a: {  	s23 =	sadd.s32 s0, s15;
	s0 =	sadd.s32 s0, s12;
	[dreg:$0xb] =	wrdreg s14  }
0x1b: {  	s3 =	sadd.s32 s19, s1;
	s12 =	simm.s32 $0x2;
	[dreg:$0xc] =	wrdreg s23  }
0x1c: {  	v0 =	vimm.f32 $0.0e+00;
	[dreg:$0xd] =	wrdreg s0;
	s23 =	sshrl.u32 s3, $0x3;
	s0 =	simm.s32 $0x80  }
.LBB2_19:
0x1d: {  	s3 =	stileid.u32  }
0x1e: {  	[bflag:$0x0] =	sbarrier.arrive $0xFFFF;
	s3 =	sshll.u32 s3, $0x6  }
0x1f: {  	s13 =	sshrl.u32 s9, $0x3;
	s14 =	rddreg [dreg:$0x6];
	s3 =	sor.u32 $0x1C03, s3  }
0x20: {  	[hbm:s14], [sflag:s3] =	dma.local [spmem:s13], $0x800  }
0x21: {  	_ =	swait.ge [sflag:s29], $0x800  }
0x22: {  	[sflag:s29] =	ssyncset.done $0x0  }
0x23: {  	s17 =	rddreg [dreg:$0xa];
	[sflag:s29] =	ssyncadd.s32 $0xFFFFF800  }
0x24: {  	[hbm:s17], [sflag:s3] =	dma.local [spmem:s22], $0x800  }
0x25: {  	_ =	swait.ge [sflag:s29], $0x800  }
0x26: {  	[sflag:s29] =	ssyncset.done $0x0  }
0x27: {  	s18 =	rddreg [dreg:$0xb];
	[sflag:s29] =	ssyncadd.s32 $0xFFFFF800  }
0x28: {  	[hbm:s18], [sflag:s3] =	dma.local [spmem:s23], $0x800  }
0x29: {  	_ =	swait.ge [sflag:s29], $0x800  }
0x2a: {  	[sflag:s29] =	ssyncset.done $0x0  }
0x2b: {  	s19 =	rddreg [dreg:$0xc];
	[sflag:s29] =	ssyncadd.s32 $0xFFFFF800  }
0x2c: {  	[hbm:s19], [sflag:s3] =	dma.local [spmem:s24], $0x800  }
0x2d: {  	_ =	swait.ge [sflag:s29], $0x800  }
0x2e: {  	[sflag:s29] =	ssyncset.done $0x0  }
0x2f: {  	s20 =	rddreg [dreg:$0xd];
	[sflag:s29] =	ssyncadd.s32 $0xFFFFF800  }
0x30: {  	[hbm:s20], [sflag:s3] =	dma.local [spmem:s25], $0x800  }
0x31: {  	_ =	swait.ge [sflag:s29], $0x800  }
0x32: {  	s2 =	sadd.s32 $0x1, s2;
	s21 =	rddreg [dreg:$0x7]  }
0x33: {  	p1 =	sne.s32 s2, s21  }
.Ltmp1:
0x34: {  	_ = 	snop;
	(pc) =	sbr.rel @!p1 .LBB2_20-.Ltmp1, $3  }
0x35: {  	_ =	sdelay $0x1  }
0x36: {  	[sflag:s29] =	ssyncset.done $0x0  }
0x37: {  	[sflag:s29] =	ssyncadd.s32 $0xFFFFF800  }
.LBB2_1:
0x38: {  	s3 =	simm.s32 $0x0;
	s13 =	simm.s32 $0x200  }
.LBB2_2:
0x39: {  	p1 =	sne.s32 s13, $0xFE00;
	[tilespmem:s3+$0x3C70] =	vst v0  }
0x3a: {  	[tilespmem:s3+$0x3C00] =	vst v0  }
0x3b: {  	[tilespmem:s3+$0x3C10] =	vst v0  }
.Ltmp2:
0x3c: {  	[tilespmem:s3+$0x3C20] =	vst v0;
	(pc) =	sbr.rel @p1 .LBB2_2-.Ltmp2, $4  }
0x3d: {  	[tilespmem:s3+$0x3C30] =	vst v0  }
0x3e: {  	[tilespmem:s3+$0x3C40] =	vst v0  }
0x3f: {  	[tilespmem:s3+$0x3C50] =	vst v0  }
0x40: {  	[tilespmem:s3+$0x3C60] =	vst v0;
	s3 =	sshra.s32 s13, $0x2;
	s13 =	sadd.s32 $0x200, s13  }
0x41: {  	[tilespmem:s3+$0x3C70] =	vst v0  }
0x42: {  	[tilespmem:s3+$0x3C00] =	vst v0  }
0x43: {  	[tilespmem:s3+$0x3C10] =	vst v0  }
0x44: {  	[tilespmem:s3+$0x3C20] =	vst v0  }
0x45: {  	[tilespmem:s3+$0x3C30] =	vst v0  }
0x46: {  	[tilespmem:s3+$0x3C40] =	vst v0  }
0x47: {  	[tilespmem:s3+$0x3C50] =	vst v0  }
0x48: {  	[tilespmem:s3+$0x3C60] =	vst v0  }
0x49: {  	[spmem:s9] =	stream.linear.scatter [tilespmem:s28], [sflag:$0x3], $0x4000, $0x38;
	[tilespmem:$0x1FC00] =	vst v63  }
0x4a: {  	_ =	swait.ge [sflag:s29], $0x4000  }
0x4b: {  	[sflag:s29] =	ssyncset.done $0x0  }
0x4c: {  	s19 =	rddreg [dreg:$0x8];
	[sflag:s29] =	ssyncadd.s32 $0xFFFFC000  }
0x4d: {  	[spmem:s19] =	stream.linear.scatter [tilespmem:s28], [sflag:$0x3], $0x4000, $0x38;
	[tilespmem:$0x1FC00] =	vst v63  }
0x4e: {  	_ =	swait.ge [sflag:s29], $0x4000  }
0x4f: {  	[sflag:s29] =	ssyncset.done $0x0  }
0x50: {  	s20 =	rddreg [dreg:$0x9];
	[sflag:s29] =	ssyncadd.s32 $0xFFFFC000  }
0x51: {  	[spmem:s20] =	stream.linear.scatter [tilespmem:s28], [sflag:$0x3], $0x4000, $0x38;
	[tilespmem:$0x1FC00] =	vst v63  }
0x52: {  	_ =	swait.ge [sflag:s29], $0x4000  }
0x53: {  	[sflag:s29] =	ssyncset.done $0x0  }
0x54: {  	s21 =	rddreg [dreg:$0xe];
	[sflag:s29] =	ssyncadd.s32 $0xFFFFC000  }
0x55: {  	[spmem:s21] =	stream.linear.scatter [tilespmem:s28], [sflag:$0x3], $0x4000, $0x38;
	[tilespmem:$0x1FC00] =	vst v63  }
0x56: {  	_ =	swait.ge [sflag:s29], $0x4000  }
0x57: {  	[sflag:s29] =	ssyncset.done $0x0  }
0x58: {  	[sflag:s29] =	ssyncadd.s32 $0xFFFFC000  }
0x59: {  	[spmem:s26] =	stream.linear.scatter [tilespmem:s28], [sflag:$0x3], $0x4000, $0x38;
	[tilespmem:$0x1FC00] =	vst v63  }
.Ltmp3:
0x5a: {  	_ =	swait.ge [sflag:s29], $0x4000;
	(pc) =	sbr.rel @!p0 .LBB2_4-.Ltmp3, $4  }
0x5b: {  	[sflag:s29] =	ssyncset.done $0x0  }
0x5c: {  	[sflag:s29] =	ssyncadd.s32 $0xFFFFC000  }
0x5d: {  	[bflag:$0x0] =	sbarrier.arrive $0xFFFF  }
0x5e: {  	s3 =	simm.s32 $0x0;
	s13 =	simm.s32 $0x0  }
0x5f: {  	s3 =	simm.s32 $0x0;
	s13 =	rddreg [dreg:$0x3]  }
0x60: {  	[tilespmem:s3], [sflag:$0x3] =	stream.linear.gather [hbm4b:s13+s3], $0x1400, $0x38;
	[tilespmem:$0x1FC00] =	vst v63  }
0x61: {  	_ =	swait.ge [sflag:s29], $0x1400  }
0x62: {  	[sflag:s29] =	ssyncset.done $0x0  }
0x63: {  	s20 =	rddreg [dreg:$0x4];
	[sflag:s29] =	ssyncadd.s32 $0xFFFFEC00  }
0x64: {  	[tilespmem:s30], [sflag:$0x3] =	stream.linear.gather [hbm4b:s20+s3], $0x1400, $0x38;
	[tilespmem:$0x1FC00] =	vst v63  }
0x65: {  	_ =	swait.ge [sflag:s29], $0x1400  }
0x66: {  	[sflag:s29] =	ssyncset.done $0x0  }
0x67: {  	s21 =	rddreg [dreg:$0x5];
	[sflag:s29] =	ssyncadd.s32 $0xFFFFEC00  }
0x68: {  	[tilespmem:s31], [sflag:$0x3] =	stream.linear.gather [hbm4b:s21+s3], $0x1400, $0x38;
	[tilespmem:$0x1FC00] =	vst v63  }
0x69: {  	_ =	swait.ge [sflag:s29], $0x1400  }
0x6a: {  	[sflag:s29] =	ssyncset.done $0x0  }
0x6b: {  	[sflag:s29] =	ssyncadd.s32 $0xFFFFEC00  }
0x6c: {  	[tilespmem:s28], [sflag:$0x1] =	stream.indirect.gather [hbm4b:s4+s0], $0x80, s3, s0, $0xb8;
	[tilespmem:$0x1FC00] =	vst v63  }
0x6d: {  	s13 =	simm.s32 $0x0  }
0x6e: {  	[tilespmem:s10], [sflag:$0x2] =	stream.indirect.gather [hbm4b:s4+s0], $0x80, s0, s0, $0xb8;
	[tilespmem:$0x1FC00] =	vst v63  }
.LBB2_12:
0x6f: {  	s14 =	sshll.u32 s13, $0x8;
	v2 =	vmov s3  }
0x70: {  	v1 =	vmov s14;
	v2 =	vand.u32 $0x7E, v2  }
0x71: {  	v2 =	vor.u32 v1, v2  }
0x72: {  	v4 =	vbroadcast v2, $0x0;
	_ =	sdelay $0x1  }
0x73: {  	_ =	swait.ge [sflag:s11], $0x4000  }
0x74: {  	[sflag:s11] =	ssyncset.done $0x0  }
0x75: {  	s15 =	simm.s32 $0x3C80;
	[sflag:s11] =	ssyncadd.s32 $0xFFFFC000  }
0x76: {  	v6 =	vld [tilespmem:s15+$0xFFFFFFF0]  }
0x77: {  	v4 =	vld.idx.msk [tilespmem:v4+s31+$0x0], $0xffff  }
0x78: {  	v7 =	vld [tilespmem:s15+$0xFFFFFF80]  }
0x79: {  	v8 =	vld [tilespmem:s15+$0xFFFFFFA0]  }
0x7a: {  	v9 =	vld [tilespmem:s15+$0xFFFFFFB0]  }
0x7b: {  	v5 =	vld [tilespmem:s15+$0xFFFFFFD0]  }
0x7c: {  	s21 =	simm.s32 $0x1;
	v10 =	vld [tilespmem:s15+$0xFFFFFFE0];
	v6 =	vmul.f32 v6, v4  }
0x7d: {  	v13 =	vmov s21;
	v11 =	vld [tilespmem:s15+$0xFFFFFF90];
	v7 =	vmul.f32 v7, v4  }
0x7e: {  	v12 =	vld [tilespmem:s15+$0xFFFFFFC0];
	v8 =	vmul.f32 v8, v4;
	[tilespmem:s15+$0xFFFFFFF0] =	vst v6;
	v6 =	vand.u32 $0x7F, v13  }
0x7f: {  	v9 =	vmul.f32 v9, v4;
	[tilespmem:s15+$0xFFFFFF80] =	vst v7;
	v6 =	vor.u32 v1, v6  }
0x80: {  	v5 =	vmul.f32 v5, v4;
	[tilespmem:s15+$0xFFFFFFA0] =	vst v8;
	v7 =	vbroadcast v6, $0x0  }
0x81: {  	[tilespmem:s15+$0xFFFFFFB0] =	vst v9;
	v8 =	vmul.f32 v10, v4  }
0x82: {  	v2 =	vld [tilespmem:s15+$0x0];
	[tilespmem:s15+$0xFFFFFFD0] =	vst v5;
	v6 =	vmul.f32 v11, v4  }
0x83: {  	v3 =	vld [tilespmem:s15+$0x10];
	v4 =	vmul.f32 v12, v4;
	[tilespmem:s15+$0xFFFFFFE0] =	vst v8  }
0x84: {  	v5 =	vld [tilespmem:s15+$0x50];
	[tilespmem:s15+$0xFFFFFF90] =	vst v6  }
0x85: {  	v6 =	vld [tilespmem:s15+$0x20];
	[tilespmem:s15+$0xFFFFFFC0] =	vst v4  }
0x86: {  	s16 =	sshll.u32 s13, $0x1;
	s17 =	simm.s32 $0x3C80;
	s14 =	simm.s32 $0x2;
	v4 =	vld.idx.msk [tilespmem:v7+s31+$0x0], $0xffff  }
.LBB2_13:
0x87: {  	p1 =	sne.s32 s14, $0x7E  }
0x88: {  	v7 =	vld [tilespmem:s15+$0x70];
	s17 =	sadd.s32 $0x100, s17;
	s18 =	smov.u32 s14;
	s14 =	sadd.s32 $0x2, s14  }
0x89: {  	v8 =	vld [tilespmem:s15+$0x30]  }
0x8a: {  	v9 =	vld [tilespmem:s15+$0x40]  }
0x8b: {  	v10 =	vld [tilespmem:s15+$0x60];
	_ =	sdelay $0x1  }
0x8c: {  	v2 =	vmul.f32 v2, v4;
	v3 =	vmul.f32 v3, v4  }
0x8d: {  	v11 =	vmov s18;
	v6 =	vmul.f32 v6, v4;
	v8 =	vmul.f32 v8, v4  }
0x8e: {  	v11 =	vand.u32 $0x7E, v11;
	v5 =	vmul.f32 v5, v4;
	[tilespmem:s15+$0x0] =	vst v2;
	v9 =	vmul.f32 v9, v4  }
0x8f: {  	v11 =	vor.u32 v1, v11;
	v2 =	vld [tilespmem:s17+$0x0];
	[tilespmem:s15+$0x20] =	vst v6;
	v6 =	vmul.f32 v10, v4;
	v4 =	vmul.f32 v7, v4  }
0x90: {  	v7 =	vbroadcast v11, $0x0;
	[tilespmem:s15+$0x10] =	vst v3  }
0x91: {  	v3 =	vld [tilespmem:s17+$0x10];
	[tilespmem:s15+$0x50] =	vst v5  }
0x92: {  	v5 =	vld [tilespmem:s17+$0xFFFFFFD0];
	[tilespmem:s15+$0x70] =	vst v4  }
0x93: {  	v4 =	vld [tilespmem:s17+$0xFFFFFFB0];
	[tilespmem:s15+$0x30] =	vst v8  }
0x94: {  	v8 =	vld [tilespmem:s17+$0xFFFFFFE0];
	[tilespmem:s15+$0x60] =	vst v6  }
0x95: {  	v6 =	vld [tilespmem:s17+$0xFFFFFFF0];
	[tilespmem:s15+$0x40] =	vst v9;
	s15 =	smov.u32 s17  }
0x96: {  	v7 =	vld.idx.msk [tilespmem:v7+s31+$0x0], $0xffff  }
0x97: {  	v9 =	vld [tilespmem:s17+$0xFFFFFF80]  }
0x98: {  	v10 =	vld [tilespmem:s17+$0xFFFFFFA0]  }
0x99: {  	v11 =	vld [tilespmem:s17+$0xFFFFFF90]  }
0x9a: {  	v12 =	vld [tilespmem:s17+$0xFFFFFFC0];
	_ =	sdelay $0x1  }
0x9b: {  	s18 =	sadd.s32 $0x1, s18;
	v6 =	vmul.f32 v6, v7;
	v9 =	vmul.f32 v9, v7  }
0x9c: {  	v13 =	vmov s18;
	v8 =	vmul.f32 v8, v7;
	v10 =	vmul.f32 v10, v7  }
0x9d: {  	v4 =	vmul.f32 v4, v7;
	v11 =	vmul.f32 v11, v7;
	[tilespmem:s17+$0xFFFFFFF0] =	vst v6;
	v6 =	vand.u32 $0x7F, v13  }
0x9e: {  	v5 =	vmul.f32 v5, v7;
	[tilespmem:s17+$0xFFFFFF80] =	vst v9;
	v9 =	vmul.f32 v12, v7;
	v6 =	vor.u32 v1, v6  }
0x9f: {  	[tilespmem:s17+$0xFFFFFFA0] =	vst v10;
	v7 =	vbroadcast v6, $0x0  }
0xa0: {  	[tilespmem:s17+$0xFFFFFFB0] =	vst v4  }
.Ltmp4:
0xa1: {  	[tilespmem:s17+$0xFFFFFFD0] =	vst v5;
	(pc) =	sbr.rel @p1 .LBB2_13-.Ltmp4, $4  }
0xa2: {  	[tilespmem:s17+$0xFFFFFF90] =	vst v11  }
0xa3: {  	[tilespmem:s17+$0xFFFFFFE0] =	vst v8;
	v6 =	vld [tilespmem:s17+$0x20]  }
0xa4: {  	[tilespmem:s17+$0xFFFFFFC0] =	vst v9;
	v5 =	vld [tilespmem:s17+$0x50]  }
0xa5: {  	v4 =	vld.idx.msk [tilespmem:v7+s31+$0x0], $0xffff  }
0xa6: {  	_ =	sdelay $0x1  }
0xa7: {  	v1 =	vld [tilespmem:s15+$0x70];
	_ =	sdelay $0x1  }
0xa8: {  	v7 =	vld [tilespmem:s15+$0x30];
	v2 =	vmul.f32 v2, v4  }
0xa9: {  	v9 =	vld [tilespmem:s15+$0x40];
	v6 =	vmul.f32 v6, v4  }
0xaa: {  	v8 =	vld [tilespmem:s15+$0x60];
	v3 =	vmul.f32 v3, v4;
	[tilespmem:s15+$0x0] =	vst v2  }
0xab: {  	v1 =	vmul.f32 v1, v4;
	[tilespmem:s15+$0x20] =	vst v6  }
0xac: {  	v2 =	vmul.f32 v5, v4;
	[tilespmem:s15+$0x10] =	vst v3  }
0xad: {  	v3 =	vmul.f32 v7, v4;
	[tilespmem:s15+$0x70] =	vst v1  }
0xae: {  	v1 =	vmul.f32 v9, v4;
	[tilespmem:s15+$0x50] =	vst v2  }
0xaf: {  	s17 =	sshll.u32 s13, $0xA;
	v2 =	vmul.f32 v8, v4;
	[tilespmem:s15+$0x30] =	vst v3  }
0xb0: {  	s14 =	sshrl.u32 s17, $0x2;
	[tilespmem:s15+$0x40] =	vst v1  }
0xb1: {  	p1 =	seq.s32 s13, $0x13;
	s20 =	sor.u32 $0x1, s16;
	s19 =	sadd.s32 $0x1400, s14;
	[tilespmem:s15+$0x60] =	vst v2  }
0xb2: {  	[spmem:s1] =	stream.indirect.scatter.add.f32 [tilespmem:s28], [sflag:$0x3], $0x80, s19, s0, $0xb8;
	[tilespmem:$0x1FC00] =	vst v63  }
0xb3: {  	s21 =	simm.s32 $0x0;
	s18 =	simm.s32 @!p1 $0x80;
	_ =	swait.ge [sflag:s29], $0x4000  }
0xb4: {  	s16 =	simm.s32 @!p1 $0x3C00;
	s15 =	sshrl.u32 @!p1 s17, $0x2;
	[sflag:s29] =	ssyncset.done $0x0  }
0xb5: {  	s17 =	sadd.s32 @!p1 $0x100, s15;
	s15 =	sshll.u32 s20, $0x7;
	[sflag:s29] =	ssyncadd.s32 $0xFFFFC000  }
0xb6: {  	v2 =	vmov s21;
	[tilespmem:s16], [sflag:$0x1] =	stream.indirect.gather @!p1 [hbm4b:s4+s18], $0x80, s17, s18, $0xb8;
	[tilespmem:$0x1FC00] =	vst v63  }
0xb7: {  	v2 =	vand.u32 $0x7E, v2;
	v1 =	vmov s15;
	_ =	swait.ge [sflag:s12], $0x4000  }
0xb8: {  	v2 =	vor.u32 v1, v2;
	[sflag:s12] =	ssyncset.done $0x0  }
0xb9: {  	v2 =	vbroadcast v2, $0x0;
	s16 =	simm.s32 $0x0;
	[sflag:s12] =	ssyncadd.s32 $0xFFFFC000  }
0xba: {  	v6 =	vld [tilespmem:s16+$0x7C60]  }
0xbb: {  	v3 =	vld [tilespmem:s16+$0x7C50]  }
0xbc: {  	v4 =	vld [tilespmem:s16+$0x7C40]  }
0xbd: {  	v5 =	vld [tilespmem:s16+$0x7C00]  }
0xbe: {  	v7 =	vld [tilespmem:s16+$0x7C10]  }
0xbf: {  	v8 =	vld.idx.msk [tilespmem:v2+s31+$0x0], $0xffff  }
0xc0: {  	v9 =	vld [tilespmem:s16+$0x7C20]  }
0xc1: {  	v10 =	vld [tilespmem:s16+$0x7C30]  }
0xc2: {  	v11 =	vld [tilespmem:s16+$0x7C70];
	_ =	sdelay $0x1  }
0xc3: {  	s17 =	simm.s32 $0x1;
	v2 =	vmul.f32 v5, v8;
	v7 =	vmul.f32 v7, v8  }
0xc4: {  	v12 =	vmov s17;
	v5 =	vmul.f32 v9, v8;
	v9 =	vmul.f32 v4, v8  }
0xc5: {  	v4 =	vmul.f32 v10, v8;
	v3 =	vmul.f32 v3, v8;
	v10 =	vand.u32 $0x7F, v12;
	[tilespmem:s16+$0x7C10] =	vst v7  }
0xc6: {  	s18 =	simm.s32 $0x400;
	[tilespmem:s16+$0x7C40] =	vst v9;
	v7 =	vmul.f32 v6, v8;
	v6 =	vmul.f32 v11, v8;
	v8 =	vor.u32 v1, v10  }
.LBB2_15:
0xc7: {  	p2 =	sne.s32 s18, $0xFC00  }
0xc8: {  	[tilespmem:s16+$0x7C20] =	vst v5;
	v5 =	vbroadcast v8, $0x0;
	s17 =	sadd.s32 $0x2, s17;
	s19 =	smov.u32 s18;
	s18 =	sadd.s32 $0x400, s18  }
0xc9: {  	[tilespmem:s16+$0x7C60] =	vst v7  }
0xca: {  	[tilespmem:s16+$0x7C70] =	vst v6;
	v6 =	vld [tilespmem:s16+$0x7CE0]  }
0xcb: {  	[tilespmem:s16+$0x7C00] =	vst v2;
	v2 =	vld [tilespmem:s16+$0x7CC0]  }
0xcc: {  	[tilespmem:s16+$0x7C30] =	vst v4;
	v4 =	vld [tilespmem:s16+$0x7CD0]  }
0xcd: {  	s20 =	sadd.s32 $0xFFFFFFFF, s17;
	[tilespmem:s16+$0x7C50] =	vst v3;
	v3 =	vld [tilespmem:s16+$0x7CF0]  }
0xce: {  	v7 =	vmov s20;
	v5 =	vld.idx.msk [tilespmem:v5+s31+$0x0], $0xffff  }
0xcf: {  	v7 =	vand.u32 $0x7E, v7;
	v8 =	vld [tilespmem:s16+$0x7C80]  }
0xd0: {  	v7 =	vor.u32 v1, v7;
	v9 =	vld [tilespmem:s16+$0x7CA0]  }
0xd1: {  	v7 =	vbroadcast v7, $0x0;
	v10 =	vld [tilespmem:s16+$0x7C90]  }
0xd2: {  	v11 =	vld [tilespmem:s16+$0x7CB0];
	_ =	sdelay $0x1  }
0xd3: {  	v3 =	vmul.f32 v3, v5;
	v8 =	vmul.f32 v8, v5  }
0xd4: {  	v4 =	vmul.f32 v4, v5;
	v9 =	vmul.f32 v9, v5  }
0xd5: {  	v2 =	vmul.f32 v2, v5;
	v10 =	vmul.f32 v10, v5;
	[tilespmem:s16+$0x7CF0] =	vst v3  }
0xd6: {  	s19 =	sshra.s32 s19, $0x2;
	[tilespmem:s16+$0x7C80] =	vst v8;
	v3 =	vmul.f32 v11, v5;
	v5 =	vmul.f32 v6, v5  }
0xd7: {  	v6 =	vld [tilespmem:s19+$0x7C60];
	[tilespmem:s16+$0x7CD0] =	vst v4  }
0xd8: {  	[tilespmem:s16+$0x7CC0] =	vst v2  }
0xd9: {  	[tilespmem:s16+$0x7CE0] =	vst v5  }
0xda: {  	v8 =	vld [tilespmem:s19+$0x7C50];
	[tilespmem:s16+$0x7CA0] =	vst v9  }
0xdb: {  	v4 =	vld [tilespmem:s19+$0x7C40];
	[tilespmem:s16+$0x7CB0] =	vst v3  }
0xdc: {  	v2 =	vld [tilespmem:s19+$0x7C00];
	[tilespmem:s16+$0x7C90] =	vst v10;
	s16 =	smov.u32 s19  }
0xdd: {  	v9 =	vld.idx.msk [tilespmem:v7+s31+$0x0], $0xffff  }
0xde: {  	v3 =	vld [tilespmem:s16+$0x7C10]  }
0xdf: {  	v5 =	vld [tilespmem:s16+$0x7C20]  }
0xe0: {  	v7 =	vld [tilespmem:s16+$0x7C30]  }
0xe1: {  	v10 =	vld [tilespmem:s16+$0x7C70]  }
.Ltmp5:
0xe2: {  	(pc) =	sbr.rel @p2 .LBB2_15-.Ltmp5, $4  }
0xe3: {  	v2 =	vmul.f32 v2, v9;
	v3 =	vmul.f32 v3, v9  }
0xe4: {  	v12 =	vmov s17;
	v11 =	vmul.f32 v4, v9;
	v5 =	vmul.f32 v5, v9  }
0xe5: {  	[tilespmem:s16+$0x7C10] =	vst v3;
	v4 =	vmul.f32 v7, v9;
	v3 =	vmul.f32 v8, v9;
	v8 =	vand.u32 $0x7F, v12  }
0xe6: {  	v7 =	vmul.f32 v6, v9;
	[tilespmem:s16+$0x7C40] =	vst v11;
	v6 =	vmul.f32 v10, v9;
	v8 =	vor.u32 v1, v8  }
0xe7: {  	[tilespmem:s16+$0x7C20] =	vst v5;
	v59 =	vbroadcast v8, $0x0  }
0xe8: {  	[tilespmem:s16+$0x7C00] =	vst v2  }
0xe9: {  	[tilespmem:s16+$0x7C30] =	vst v4  }
0xea: {  	[tilespmem:s16+$0x7C50] =	vst v3  }
0xeb: {  	[tilespmem:s16+$0x7C60] =	vst v7  }
0xec: {  	v3 =	vld [tilespmem:s16+$0x7CF0];
	[tilespmem:s16+$0x7C70] =	vst v6  }
0xed: {  	v5 =	vld.idx.msk [tilespmem:v59+s31+$0x0], $0xffff  }
0xee: {  	v61 =	vld [tilespmem:s16+$0x7C80]  }
0xef: {  	v60 =	vld [tilespmem:s16+$0x7CD0]  }
0xf0: {  	v2 =	vld [tilespmem:s16+$0x7CC0]  }
0xf1: {  	v1 =	vld [tilespmem:s16+$0x7CE0]  }
0xf2: {  	v62 =	vld [tilespmem:s16+$0x7CA0];
	v3 =	vmul.f32 v3, v5  }
0xf3: {  	v9 =	vld [tilespmem:s16+$0x7CB0];
	v6 =	vmul.f32 v61, v5  }
0xf4: {  	v63 =	vld [tilespmem:s16+$0x7C90];
	v4 =	vmul.f32 v60, v5;
	[tilespmem:s16+$0x7CF0] =	vst v3  }
0xf5: {  	v2 =	vmul.f32 v2, v5;
	[tilespmem:s16+$0x7C80] =	vst v6  }
0xf6: {  	v1 =	vmul.f32 v1, v5;
	[tilespmem:s16+$0x7CD0] =	vst v4  }
0xf7: {  	v3 =	vmul.f32 v62, v5;
	[tilespmem:s16+$0x7CC0] =	vst v2  }
0xf8: {  	v2 =	vmul.f32 v9, v5;
	[tilespmem:s16+$0x7CE0] =	vst v1  }
0xf9: {  	v1 =	vmul.f32 v63, v5;
	[tilespmem:s16+$0x7CA0] =	vst v3  }
0xfa: {  	s15 =	sand.u32 $0x3FFFFF80, s15;
	[tilespmem:s16+$0x7CB0] =	vst v2  }
.Ltmp6:
0xfb: {  	s15 =	sadd.s32 $0x1400, s15;
	[tilespmem:s16+$0x7C90] =	vst v1;
	(pc) =	sbr.rel @p1 .LBB2_19-.Ltmp6, $4  }
0xfc: {  	[spmem:s1] =	stream.indirect.scatter.add.f32 [tilespmem:s10], [sflag:$0x3], $0x80, s15, s0, $0xb8;
	[tilespmem:$0x1FC00] =	vst v63  }
0xfd: {  	_ =	swait.ge [sflag:s29], $0x4000  }
0xfe: {  	[sflag:s29] =	ssyncset.done $0x0  }
0xff: {  	[sflag:s29] =	ssyncadd.s32 $0xFFFFC000  }
.Ltmp7:
0x100: {  	(pc) =	sbr.rel .LBB2_12-.Ltmp7, $3  }
0x101: {  	_ =	sdelay $0x1  }
0x102: {  	s14 =	sadd.s32 $0x180, s14;
	s13 =	sadd.s32 $0x1, s13  }
0x103: {  	[tilespmem:s10], [sflag:$0x2] =	stream.indirect.gather [hbm4b:s4+s0], $0x80, s14, s0, $0xb8;
	[tilespmem:$0x1FC00] =	vst v63  }
.LBB2_18:
0x104: {  	s13 =	sadd.s32 $0x1, s13  }
0x105: {  	p1 =	seq.s32 s13, $0x3  }
.Ltmp8:
0x106: {  	_ = 	snop;
	(pc) =	sbr.rel @p1 .LBB2_19-.Ltmp8, $1  }
0x107: {  	_ =	sdelay $0x3  }
.LBB2_4:
0x108: {  	s14 =	smul.u32 $0x1400, s13;
	_ =	sdelay $0x1  }
0x109: {  	s14 =	sadd.s32 s8, s14  }
0x10a: {  	s14 =	sshrl.u32 s14, $0x3  }
0x10b: {  	s15 =	sadd.s32 s5, s14  }
0x10c: {  	[tilespmem:s3], [sflag:$0x3] =	stream.linear.gather [hbm4b:s15+s3], $0x1400, $0x38;
	[tilespmem:$0x1FC00] =	vst v63  }
0x10d: {  	_ =	swait.ge [sflag:s29], $0x1400  }
0x10e: {  	[sflag:s29] =	ssyncset.done $0x0  }
0x10f: {  	s21 =	sadd.s32 s6, s14;
	[sflag:s29] =	ssyncadd.s32 $0xFFFFEC00  }
0x110: {  	[tilespmem:s30], [sflag:$0x3] =	stream.linear.gather [hbm4b:s21+s3], $0x1400, $0x38;
	[tilespmem:$0x1FC00] =	vst v63  }
0x111: {  	_ =	swait.ge [sflag:s29], $0x1400  }
0x112: {  	[sflag:s29] =	ssyncset.done $0x0  }
0x113: {  	s14 =	sadd.s32 s7, s14;
	[sflag:s29] =	ssyncadd.s32 $0xFFFFEC00  }
0x114: {  	[tilespmem:s31], [sflag:$0x3] =	stream.linear.gather [hbm4b:s14+s3], $0x1400, $0x38;
	[tilespmem:$0x1FC00] =	vst v63  }
0x115: {  	_ =	swait.ge [sflag:s29], $0x1400  }
0x116: {  	[sflag:s29] =	ssyncset.done $0x0  }
0x117: {  	[sflag:s29] =	ssyncadd.s32 $0xFFFFEC00  }
0x118: {  	[tilespmem:s28], [sflag:$0x1] =	stream.indirect.gather [hbm4b:s4+s0], $0x80, s3, s0, $0xb8;
	[tilespmem:$0x1FC00] =	vst v63  }
0x119: {  	s14 =	simm.s32 $0x0  }
0x11a: {  	[tilespmem:s10], [sflag:$0x2] =	stream.indirect.gather [hbm4b:s4+s0], $0x80, s0, s0, $0xb8;
	[tilespmem:$0x1FC00] =	vst v63  }
.LBB2_5:
0x11b: {  	s15 =	simm.s32 $0x0  }
0x11c: {  	s16 =	sshll.u32 s14, $0x8;
	v2 =	vmov s15  }
0x11d: {  	v1 =	vmov s16;
	v2 =	vand.u32 $0x7E, v2  }
0x11e: {  	v2 =	vor.u32 v1, v2  }
0x11f: {  	v4 =	vbroadcast v2, $0x0;
	_ =	sdelay $0x1  }
0x120: {  	_ =	swait.ge [sflag:s11], $0x4000  }
0x121: {  	[sflag:s11] =	ssyncset.done $0x0  }
0x122: {  	s16 =	simm.s32 $0x3C80;
	[sflag:s11] =	ssyncadd.s32 $0xFFFFC000  }
0x123: {  	v6 =	vld [tilespmem:s16+$0xFFFFFFF0]  }
0x124: {  	v4 =	vld.idx.msk [tilespmem:v4+s31+$0x0], $0xffff  }
0x125: {  	v7 =	vld [tilespmem:s16+$0xFFFFFF80]  }
0x126: {  	v8 =	vld [tilespmem:s16+$0xFFFFFFA0]  }
0x127: {  	v9 =	vld [tilespmem:s16+$0xFFFFFFB0]  }
0x128: {  	v5 =	vld [tilespmem:s16+$0xFFFFFFD0]  }
0x129: {  	s21 =	simm.s32 $0x1;
	v10 =	vld [tilespmem:s16+$0xFFFFFFE0];
	v6 =	vmul.f32 v6, v4  }
0x12a: {  	v13 =	vmov s21;
	v11 =	vld [tilespmem:s16+$0xFFFFFF90];
	v7 =	vmul.f32 v7, v4  }
0x12b: {  	v12 =	vld [tilespmem:s16+$0xFFFFFFC0];
	v8 =	vmul.f32 v8, v4;
	[tilespmem:s16+$0xFFFFFFF0] =	vst v6;
	v6 =	vand.u32 $0x7F, v13  }
0x12c: {  	v9 =	vmul.f32 v9, v4;
	[tilespmem:s16+$0xFFFFFF80] =	vst v7;
	v6 =	vor.u32 v1, v6  }
0x12d: {  	v5 =	vmul.f32 v5, v4;
	[tilespmem:s16+$0xFFFFFFA0] =	vst v8;
	v7 =	vbroadcast v6, $0x0  }
0x12e: {  	[tilespmem:s16+$0xFFFFFFB0] =	vst v9;
	v8 =	vmul.f32 v10, v4  }
0x12f: {  	v3 =	vld [tilespmem:s16+$0x10];
	[tilespmem:s16+$0xFFFFFFD0] =	vst v5;
	v6 =	vmul.f32 v11, v4  }
0x130: {  	v2 =	vld [tilespmem:s16+$0x0];
	v4 =	vmul.f32 v12, v4;
	[tilespmem:s16+$0xFFFFFFE0] =	vst v8  }
0x131: {  	v5 =	vld [tilespmem:s16+$0x50];
	[tilespmem:s16+$0xFFFFFF90] =	vst v6  }
0x132: {  	v6 =	vld [tilespmem:s16+$0x20];
	[tilespmem:s16+$0xFFFFFFC0] =	vst v4  }
0x133: {  	s17 =	sshll.u32 s14, $0x1;
	s18 =	simm.s32 $0x3C80;
	s15 =	simm.s32 $0x2;
	v4 =	vld.idx.msk [tilespmem:v7+s31+$0x0], $0xffff  }
.LBB2_6:
0x134: {  	p1 =	sne.s32 s15, $0x7E  }
0x135: {  	v7 =	vld [tilespmem:s16+$0x70];
	s18 =	sadd.s32 $0x100, s18;
	s19 =	smov.u32 s15;
	s15 =	sadd.s32 $0x2, s15  }
0x136: {  	v8 =	vld [tilespmem:s16+$0x30]  }
0x137: {  	v9 =	vld [tilespmem:s16+$0x40]  }
0x138: {  	v10 =	vld [tilespmem:s16+$0x60];
	_ =	sdelay $0x1  }
0x139: {  	v2 =	vmul.f32 v2, v4;
	v3 =	vmul.f32 v3, v4  }
0x13a: {  	v11 =	vmov s19;
	v6 =	vmul.f32 v6, v4;
	v8 =	vmul.f32 v8, v4  }
0x13b: {  	v11 =	vand.u32 $0x7E, v11;
	v5 =	vmul.f32 v5, v4;
	[tilespmem:s16+$0x0] =	vst v2;
	v9 =	vmul.f32 v9, v4  }
0x13c: {  	v11 =	vor.u32 v1, v11;
	v2 =	vld [tilespmem:s18+$0x0];
	[tilespmem:s16+$0x20] =	vst v6;
	v6 =	vmul.f32 v10, v4;
	v4 =	vmul.f32 v7, v4  }
0x13d: {  	v7 =	vbroadcast v11, $0x0;
	[tilespmem:s16+$0x10] =	vst v3  }
0x13e: {  	v3 =	vld [tilespmem:s18+$0x10];
	[tilespmem:s16+$0x50] =	vst v5  }
0x13f: {  	v5 =	vld [tilespmem:s18+$0xFFFFFFD0];
	[tilespmem:s16+$0x70] =	vst v4  }
0x140: {  	v4 =	vld [tilespmem:s18+$0xFFFFFFB0];
	[tilespmem:s16+$0x30] =	vst v8  }
0x141: {  	v8 =	vld [tilespmem:s18+$0xFFFFFFE0];
	[tilespmem:s16+$0x60] =	vst v6  }
0x142: {  	v6 =	vld [tilespmem:s18+$0xFFFFFFF0];
	[tilespmem:s16+$0x40] =	vst v9;
	s16 =	smov.u32 s18  }
0x143: {  	v7 =	vld.idx.msk [tilespmem:v7+s31+$0x0], $0xffff  }
0x144: {  	v9 =	vld [tilespmem:s18+$0xFFFFFF80]  }
0x145: {  	v10 =	vld [tilespmem:s18+$0xFFFFFFA0]  }
0x146: {  	v11 =	vld [tilespmem:s18+$0xFFFFFF90]  }
0x147: {  	v12 =	vld [tilespmem:s18+$0xFFFFFFC0];
	_ =	sdelay $0x1  }
0x148: {  	s19 =	sadd.s32 $0x1, s19;
	v6 =	vmul.f32 v6, v7;
	v9 =	vmul.f32 v9, v7  }
0x149: {  	v13 =	vmov s19;
	v8 =	vmul.f32 v8, v7;
	v10 =	vmul.f32 v10, v7  }
0x14a: {  	v4 =	vmul.f32 v4, v7;
	v11 =	vmul.f32 v11, v7;
	[tilespmem:s18+$0xFFFFFFF0] =	vst v6;
	v6 =	vand.u32 $0x7F, v13  }
0x14b: {  	v5 =	vmul.f32 v5, v7;
	[tilespmem:s18+$0xFFFFFF80] =	vst v9;
	v9 =	vmul.f32 v12, v7;
	v6 =	vor.u32 v1, v6  }
0x14c: {  	[tilespmem:s18+$0xFFFFFFA0] =	vst v10;
	v7 =	vbroadcast v6, $0x0  }
0x14d: {  	[tilespmem:s18+$0xFFFFFFB0] =	vst v4  }
.Ltmp9:
0x14e: {  	[tilespmem:s18+$0xFFFFFFD0] =	vst v5;
	(pc) =	sbr.rel @p1 .LBB2_6-.Ltmp9, $4  }
0x14f: {  	[tilespmem:s18+$0xFFFFFF90] =	vst v11  }
0x150: {  	[tilespmem:s18+$0xFFFFFFE0] =	vst v8;
	v6 =	vld [tilespmem:s18+$0x20]  }
0x151: {  	[tilespmem:s18+$0xFFFFFFC0] =	vst v9;
	v5 =	vld [tilespmem:s18+$0x50]  }
0x152: {  	v4 =	vld.idx.msk [tilespmem:v7+s31+$0x0], $0xffff  }
0x153: {  	_ =	sdelay $0x1  }
0x154: {  	v1 =	vld [tilespmem:s16+$0x70];
	_ =	sdelay $0x1  }
0x155: {  	v7 =	vld [tilespmem:s16+$0x30];
	v2 =	vmul.f32 v2, v4  }
0x156: {  	v9 =	vld [tilespmem:s16+$0x40];
	v6 =	vmul.f32 v6, v4  }
0x157: {  	v8 =	vld [tilespmem:s16+$0x60];
	v3 =	vmul.f32 v3, v4;
	[tilespmem:s16+$0x0] =	vst v2  }
0x158: {  	v1 =	vmul.f32 v1, v4;
	[tilespmem:s16+$0x20] =	vst v6  }
0x159: {  	v2 =	vmul.f32 v5, v4;
	[tilespmem:s16+$0x10] =	vst v3  }
0x15a: {  	v3 =	vmul.f32 v7, v4;
	[tilespmem:s16+$0x70] =	vst v1  }
0x15b: {  	v1 =	vmul.f32 v9, v4;
	[tilespmem:s16+$0x50] =	vst v2  }
0x15c: {  	s18 =	sshll.u32 s14, $0xA;
	v2 =	vmul.f32 v8, v4;
	[tilespmem:s16+$0x30] =	vst v3  }
0x15d: {  	s15 =	sshrl.u32 s18, $0x2;
	[tilespmem:s16+$0x40] =	vst v1  }
0x15e: {  	p1 =	seq.s32 s14, $0x13;
	s20 =	sor.u32 $0x1, s17;
	s19 =	sadd.s32 $0x1400, s15;
	[tilespmem:s16+$0x60] =	vst v2  }
0x15f: {  	[spmem:s1] =	stream.indirect.scatter.add.f32 [tilespmem:s28], [sflag:$0x3], $0x80, s19, s0, $0xb8;
	[tilespmem:$0x1FC00] =	vst v63  }
0x160: {  	s21 =	simm.s32 $0x0;
	s16 =	sshrl.u32 @!p1 s18, $0x2;
	_ =	swait.ge [sflag:s29], $0x4000  }
0x161: {  	s17 =	simm.s32 @!p1 $0x3C00;
	s18 =	sadd.s32 @!p1 $0x100, s16;
	[sflag:s29] =	ssyncset.done $0x0  }
0x162: {  	s19 =	simm.s32 @!p1 $0x80;
	s16 =	sshll.u32 s20, $0x7;
	[sflag:s29] =	ssyncadd.s32 $0xFFFFC000  }
0x163: {  	v2 =	vmov s21;
	[tilespmem:s17], [sflag:$0x1] =	stream.indirect.gather @!p1 [hbm4b:s4+s19], $0x80, s18, s19, $0xb8;
	[tilespmem:$0x1FC00] =	vst v63  }
0x164: {  	v2 =	vand.u32 $0x7E, v2;
	v1 =	vmov s16;
	_ =	swait.ge [sflag:s12], $0x4000  }
0x165: {  	v2 =	vor.u32 v1, v2;
	[sflag:s12] =	ssyncset.done $0x0  }
0x166: {  	v2 =	vbroadcast v2, $0x0;
	s17 =	simm.s32 $0x0;
	[sflag:s12] =	ssyncadd.s32 $0xFFFFC000  }
0x167: {  	v6 =	vld [tilespmem:s17+$0x7C60]  }
0x168: {  	v3 =	vld [tilespmem:s17+$0x7C50]  }
0x169: {  	v4 =	vld [tilespmem:s17+$0x7C40]  }
0x16a: {  	v5 =	vld [tilespmem:s17+$0x7C00]  }
0x16b: {  	v7 =	vld [tilespmem:s17+$0x7C10]  }
0x16c: {  	v8 =	vld.idx.msk [tilespmem:v2+s31+$0x0], $0xffff  }
0x16d: {  	v9 =	vld [tilespmem:s17+$0x7C20]  }
0x16e: {  	v10 =	vld [tilespmem:s17+$0x7C30]  }
0x16f: {  	v11 =	vld [tilespmem:s17+$0x7C70];
	_ =	sdelay $0x1  }
0x170: {  	s18 =	simm.s32 $0x1;
	v2 =	vmul.f32 v5, v8;
	v7 =	vmul.f32 v7, v8  }
0x171: {  	v12 =	vmov s18;
	v5 =	vmul.f32 v9, v8;
	v9 =	vmul.f32 v4, v8  }
0x172: {  	v4 =	vmul.f32 v10, v8;
	v3 =	vmul.f32 v3, v8;
	v10 =	vand.u32 $0x7F, v12;
	[tilespmem:s17+$0x7C10] =	vst v7  }
0x173: {  	s19 =	simm.s32 $0x400;
	[tilespmem:s17+$0x7C40] =	vst v9;
	v7 =	vmul.f32 v6, v8;
	v6 =	vmul.f32 v11, v8;
	v8 =	vor.u32 v1, v10  }
.LBB2_8:
0x174: {  	p2 =	sne.s32 s19, $0xFC00  }
0x175: {  	[tilespmem:s17+$0x7C20] =	vst v5;
	v5 =	vbroadcast v8, $0x0;
	s18 =	sadd.s32 $0x2, s18;
	s20 =	smov.u32 s19;
	s19 =	sadd.s32 $0x400, s19  }
0x176: {  	[tilespmem:s17+$0x7C60] =	vst v7  }
0x177: {  	[tilespmem:s17+$0x7C70] =	vst v6;
	v6 =	vld [tilespmem:s17+$0x7CE0]  }
0x178: {  	[tilespmem:s17+$0x7C00] =	vst v2;
	v2 =	vld [tilespmem:s17+$0x7CC0]  }
0x179: {  	[tilespmem:s17+$0x7C30] =	vst v4;
	v4 =	vld [tilespmem:s17+$0x7CD0]  }
0x17a: {  	s21 =	sadd.s32 $0xFFFFFFFF, s18;
	[tilespmem:s17+$0x7C50] =	vst v3;
	v3 =	vld [tilespmem:s17+$0x7CF0]  }
0x17b: {  	v7 =	vmov s21;
	v5 =	vld.idx.msk [tilespmem:v5+s31+$0x0], $0xffff  }
0x17c: {  	v7 =	vand.u32 $0x7E, v7;
	v8 =	vld [tilespmem:s17+$0x7C80]  }
0x17d: {  	v7 =	vor.u32 v1, v7;
	v9 =	vld [tilespmem:s17+$0x7CA0]  }
0x17e: {  	v7 =	vbroadcast v7, $0x0;
	v10 =	vld [tilespmem:s17+$0x7C90]  }
0x17f: {  	v11 =	vld [tilespmem:s17+$0x7CB0];
	_ =	sdelay $0x1  }
0x180: {  	v3 =	vmul.f32 v3, v5;
	v8 =	vmul.f32 v8, v5  }
0x181: {  	v4 =	vmul.f32 v4, v5;
	v9 =	vmul.f32 v9, v5  }
0x182: {  	v2 =	vmul.f32 v2, v5;
	v10 =	vmul.f32 v10, v5;
	[tilespmem:s17+$0x7CF0] =	vst v3  }
0x183: {  	s20 =	sshra.s32 s20, $0x2;
	[tilespmem:s17+$0x7C80] =	vst v8;
	v3 =	vmul.f32 v11, v5;
	v5 =	vmul.f32 v6, v5  }
0x184: {  	v6 =	vld [tilespmem:s20+$0x7C60];
	[tilespmem:s17+$0x7CD0] =	vst v4  }
0x185: {  	[tilespmem:s17+$0x7CC0] =	vst v2  }
0x186: {  	[tilespmem:s17+$0x7CE0] =	vst v5  }
0x187: {  	v8 =	vld [tilespmem:s20+$0x7C50];
	[tilespmem:s17+$0x7CA0] =	vst v9  }
0x188: {  	v4 =	vld [tilespmem:s20+$0x7C40];
	[tilespmem:s17+$0x7CB0] =	vst v3  }
0x189: {  	v2 =	vld [tilespmem:s20+$0x7C00];
	[tilespmem:s17+$0x7C90] =	vst v10;
	s17 =	smov.u32 s20  }
0x18a: {  	v9 =	vld.idx.msk [tilespmem:v7+s31+$0x0], $0xffff  }
0x18b: {  	v3 =	vld [tilespmem:s17+$0x7C10]  }
0x18c: {  	v5 =	vld [tilespmem:s17+$0x7C20]  }
0x18d: {  	v7 =	vld [tilespmem:s17+$0x7C30]  }
0x18e: {  	v10 =	vld [tilespmem:s17+$0x7C70]  }
.Ltmp10:
0x18f: {  	(pc) =	sbr.rel @p2 .LBB2_8-.Ltmp10, $4  }
0x190: {  	v2 =	vmul.f32 v2, v9;
	v3 =	vmul.f32 v3, v9  }
0x191: {  	v12 =	vmov s18;
	v11 =	vmul.f32 v4, v9;
	v5 =	vmul.f32 v5, v9  }
0x192: {  	[tilespmem:s17+$0x7C10] =	vst v3;
	v4 =	vmul.f32 v7, v9;
	v3 =	vmul.f32 v8, v9;
	v8 =	vand.u32 $0x7F, v12  }
0x193: {  	v7 =	vmul.f32 v6, v9;
	[tilespmem:s17+$0x7C40] =	vst v11;
	v6 =	vmul.f32 v10, v9;
	v8 =	vor.u32 v1, v8  }
0x194: {  	[tilespmem:s17+$0x7C20] =	vst v5;
	v59 =	vbroadcast v8, $0x0  }
0x195: {  	[tilespmem:s17+$0x7C00] =	vst v2  }
0x196: {  	[tilespmem:s17+$0x7C30] =	vst v4  }
0x197: {  	[tilespmem:s17+$0x7C50] =	vst v3  }
0x198: {  	[tilespmem:s17+$0x7C60] =	vst v7  }
0x199: {  	v3 =	vld [tilespmem:s17+$0x7CF0];
	[tilespmem:s17+$0x7C70] =	vst v6  }
0x19a: {  	v5 =	vld.idx.msk [tilespmem:v59+s31+$0x0], $0xffff  }
0x19b: {  	v61 =	vld [tilespmem:s17+$0x7C80]  }
0x19c: {  	v60 =	vld [tilespmem:s17+$0x7CD0]  }
0x19d: {  	v2 =	vld [tilespmem:s17+$0x7CC0]  }
0x19e: {  	v1 =	vld [tilespmem:s17+$0x7CE0]  }
0x19f: {  	v62 =	vld [tilespmem:s17+$0x7CA0];
	v3 =	vmul.f32 v3, v5  }
0x1a0: {  	v9 =	vld [tilespmem:s17+$0x7CB0];
	v6 =	vmul.f32 v61, v5  }
0x1a1: {  	v63 =	vld [tilespmem:s17+$0x7C90];
	v4 =	vmul.f32 v60, v5;
	[tilespmem:s17+$0x7CF0] =	vst v3  }
0x1a2: {  	v2 =	vmul.f32 v2, v5;
	[tilespmem:s17+$0x7C80] =	vst v6  }
0x1a3: {  	v1 =	vmul.f32 v1, v5;
	[tilespmem:s17+$0x7CD0] =	vst v4  }
0x1a4: {  	v3 =	vmul.f32 v62, v5;
	[tilespmem:s17+$0x7CC0] =	vst v2  }
0x1a5: {  	v2 =	vmul.f32 v9, v5;
	[tilespmem:s17+$0x7CE0] =	vst v1  }
0x1a6: {  	v1 =	vmul.f32 v63, v5;
	[tilespmem:s17+$0x7CA0] =	vst v3  }
0x1a7: {  	s16 =	sand.u32 $0x3FFFFF80, s16;
	[tilespmem:s17+$0x7CB0] =	vst v2  }
.Ltmp11:
0x1a8: {  	s16 =	sadd.s32 $0x1400, s16;
	[tilespmem:s17+$0x7C90] =	vst v1;
	(pc) =	sbr.rel @p1 .LBB2_18-.Ltmp11, $4  }
0x1a9: {  	[spmem:s1] =	stream.indirect.scatter.add.f32 [tilespmem:s10], [sflag:$0x3], $0x80, s16, s0, $0xb8;
	[tilespmem:$0x1FC00] =	vst v63  }
0x1aa: {  	_ =	swait.ge [sflag:s29], $0x4000  }
0x1ab: {  	[sflag:s29] =	ssyncset.done $0x0  }
0x1ac: {  	[sflag:s29] =	ssyncadd.s32 $0xFFFFC000  }
.Ltmp12:
0x1ad: {  	(pc) =	sbr.rel .LBB2_5-.Ltmp12, $3  }
0x1ae: {  	_ =	sdelay $0x1  }
0x1af: {  	s15 =	sadd.s32 $0x180, s15;
	s14 =	sadd.s32 $0x1, s14  }
0x1b0: {  	[tilespmem:s10], [sflag:$0x2] =	stream.indirect.gather [hbm4b:s4+s0], $0x80, s15, s0, $0xb8;
	[tilespmem:$0x1FC00] =	vst v63  }
.LBB2_20:
0x1b1: {  	_ =	sfence.sel $0x180000  }
0x1b2: {  	[bflag:$0x0] =	sbarrier.arrive $0xFFFF  }
0x1b3: {  	_ =	strace $0x9000004D  }
0x1b4: {  	s0 =	stileid.u32;
	[bflag:$0x2] =	sbarrier.arrive $0xFFFF  }
0x1b5: {  	p0 =	sne.s32 s0, $0x0;
	s0 =	rddreg [dreg:$0x2]  }
0x1b6: {  	s0 =	sadd.s32 @!p0 $0x100000, s0  }
0x1b7: {  	[sflag:s0] =	ssyncadd.tile.s32 @!p0 $0x1;
	_ =	shalt  }
.Lfunc_end2:
_tile_overlayer_lowered:
.L_overlay_start_2:
0x1b8: {  	(tag) =	ssettag $0x2  }
0x1b9: {  	s0 =	rddreg [dreg:$0x0];
	s2 =	stileid.u32  }
0x1ba: {  	s1 =	rddreg [dreg:$0x1];
	p0 =	sne.s32 s2, $0x0  }
0x1bb: {  	s3 =	rddreg [dreg:$0x2];
	[bflag:$0x3] =	sbarrier.arrive $0xFFFF;
	s2 =	simm.s32 @!p0 $0x1C03  }
0x1bc: {  	[timem:s3], [sflag:s2] =	dma.local @!p0 [hbm:s0], s1  }
0x1bd: {  	s0 =	simm.s32 @!p0 $0x3  }
0x1be: {  	_ =	swait.ge @!p0 [sflag:s0], s1  }
0x1bf: {  	s1 =	ssub.s32 @!p0 $0x0, s1;
	[sflag:s0] =	ssyncset.done @!p0 $0x0  }
0x1c0: {  	[sflag:s0] =	ssyncadd.s32 @!p0 s1  }
0x1c1: {  	[bflag:$0x3] =	sbarrier.arrive $0xFFFF  }
0x1c2: {  	_ =	shalt  }

// kernel: kernel.8.cloned.1.call-start
scs
__scs_entry_jumppad:
0x0: {  	(pc) =	sbr.rel $0x88, $3  }
0x1: {  	(tag) =	ssettag $0x0;
	lr =	simm.s32 $0x1  }
0x2: {  	[smem:$0x3F93] =	sst lr;
	_ =	strace $0xD0000000  }
0x3: {  	_ = 	snop  }
0x4: {  	_ = 	snop  }
0x5: {  	_ = 	snop  }
0x6: {  	_ = 	snop  }
0x7: {  	_ = 	snop  }
__scs_overlays_trampoline_lowered:
0x8: {  	[smem:$0x3FA2] =	sst s0  }
0x9: {  	[smem:$0x3FA3] =	sst s1  }
0xa: {  	[smem:$0x3FA4] =	sst s2  }
0xb: {  	[smem:$0x3FA5] =	sst s3  }
0xc: {  	[smem:$0x3FA6] =	sst s4  }
0xd: {  	[smem:$0x3FA7] =	sst s5  }
0xe: {  	[smem:$0x3FA8] =	sst s6  }
0xf: {  	[smem:$0x3FA9] =	sst s7  }
0x10: {  	[smem:$0x3FAA] =	sst s8  }
0x11: {  	[smem:$0x3FAB] =	sst s9;
	s0 =	simm.s32 @!p0 $0x0  }
0x12: {  	s1 =	sld [smem:$0x3F91];
	s0 =	simm.s32 @p0 $0x1  }
0x13: {  	[smem:$0x3FAC] =	sst s0;
	s0 =	simm.s32 @!p1 $0x0  }
0x14: {  	s2 =	sld [smem:$0x3F90];
	s0 =	simm.s32 @p1 $0x1  }
0x15: {  	[smem:$0x3FAD] =	sst s0;
	s0 =	simm.s32 @!p2 $0x0  }
0x16: {  	s3 =	sld [smem:$0x3FDB];
	s0 =	simm.s32 @p2 $0x1  }
0x17: {  	s4 =	simm.s32 $0x1BF5;
	[smem:$0x3FAF] =	sst s0  }
0x18: {  	s0 =	sld [smem:$0x3F92];
	_ =	swait.ge [sflag:s4], $0x0  }
0x19: {  	s7 =	sld [smem:$0x3F93]  }
0x1a: {  	s8 =	sadd.s32 $0xFFFFE003, lr  }
0x1b: {  	s9 =	sadd.s32 $0xFFFFFEF7, lr;
	s5 =	simm.s32 $0xFFFFFFFF;
	p2 =	slt.u32 s8, $0xFFFFF086  }
0x1c: {  	p1 =	slt.u32 s9, $0xF7A;
	s5 =	simm.s32 @!p2 $0x0  }
0x1d: {  	s5 =	simm.s32 @p1 $0x1;
	p0 =	seq.s32 s7, s2  }
0x1e: {  	s7 =	smul.u32 @!p0 $0xF7A, s2;
	p2 =	seq.s32 @!p0 s5, $0x0  }
0x1f: {  	s9 =	smul.u32 $0xF7A, s1;
	s8 =	simm.s32 @!p0 $0x1BF5;
	p2 =	por !p2, p0  }
0x20: {  	[sflag:s8] =	ssyncset.s32 @!p0 $0xFFFFF086;
	s6 =	sadd.s32 @!p0 s3, s7;
	s7 =	simm.s32 @!p0 $0x108  }
0x21: {  	s3 =	sadd.s32 s3, s9;
	s6 =	sadd.s32 @!p0 $0x88, s6;
	s7 =	simm.s32 @p2 $0x1082  }
0x22: {  	[simem:s7], [sflag:s8] =	dma.local @!p0 [hbm:s6], $0xF7A  }
0x23: {  	s9 =	sor.u32 $0xD0000000, s2;
	s6 =	simm.s32 $0x108;
	_ =	swait.ge @!p0 [sflag:s8], $0x0  }
0x24: {  	s3 =	sadd.s32 $0x88, s3;
	s6 =	simm.s32 @!p1 $0x1082;
	[sflag:s4] =	ssyncset.s32 $0xFFFFF086  }
0x25: {  	[simem:s6], [sflag:s4] =	dma.local [hbm:s3], $0xF7A  }
0x26: {  	[smem:$0x3F93] =	sst s1;
	(tag) =	ssettag s2;
	_ =	strace s9  }
0x27: {  	s1 =	sld [smem:$0x3FA3]  }
0x28: {  	s2 =	sld [smem:$0x3FA4]  }
0x29: {  	s4 =	sld [smem:$0x3FA6]  }
0x2a: {  	p0 =	seq.s32 s5, $0x0;
	s5 =	sld [smem:$0x3FA7]  }
0x2b: {  	s6 =	sld [smem:$0x3FA8]  }
0x2c: {  	s7 =	sld [smem:$0x3FA9]  }
0x2d: {  	s3 =	simm.s32 $0x108;
	s8 =	sld [smem:$0x3FAA]  }
0x2e: {  	s3 =	simm.s32 @!p0 $0x1082;
	s9 =	sld [smem:$0x3FAB]  }
0x2f: {  	lr =	sadd.s32 s0, s3;
	s0 =	sld [smem:$0x3FA2]  }
0x30: {  	s3 =	sld [smem:$0x3FA5]  }
0x31: {  	[smem:$0x3FAE] =	sst s10  }
0x32: {  	s10 =	sld [smem:$0x3FAC];
	_ =	sdelay $0x3  }
0x33: {  	p0 =	seq.s32 s10, $0x1;
	s10 =	sld [smem:$0x3FAE];
	_ =	sdelay $0x3  }
0x34: {  	[smem:$0x3FAE] =	sst s10  }
0x35: {  	s10 =	sld [smem:$0x3FAD];
	_ =	sdelay $0x3  }
0x36: {  	p1 =	seq.s32 s10, $0x1;
	s10 =	sld [smem:$0x3FAE];
	_ =	sdelay $0x3  }
0x37: {  	[smem:$0x3FAE] =	sst s10  }
0x38: {  	s10 =	sld [smem:$0x3FAF]  }
0x39: {  	_ = 	snop;
	(pc) =	sbr.ind lr, $3  }
0x3a: {  	_ = 	snop  }
0x3b: {  	_ = 	snop  }
0x3c: {  	p2 =	seq.s32 s10, $0x1;
	s10 =	sld [smem:$0x3FAE]  }
0x3d: {  	_ =	shalt  }
0x3e: {  	_ =	shalt  }
0x3f: {  	_ =	shalt  }
0x40: {  	_ =	shalt  }
0x41: {  	_ =	shalt  }
0x42: {  	_ =	shalt  }
0x43: {  	_ =	shalt  }
0x44: {  	_ =	shalt  }
0x45: {  	_ =	shalt  }
0x46: {  	_ =	shalt  }
0x47: {  	_ =	shalt  }
0x48: {  	_ =	shalt  }
0x49: {  	_ =	shalt  }
0x4a: {  	_ =	shalt  }
0x4b: {  	_ =	shalt  }
0x4c: {  	_ =	shalt  }
0x4d: {  	_ =	shalt  }
0x4e: {  	_ =	shalt  }
0x4f: {  	_ =	shalt  }
0x50: {  	_ =	shalt  }
0x51: {  	_ =	shalt  }
0x52: {  	_ =	shalt  }
0x53: {  	_ =	shalt  }
0x54: {  	_ =	shalt  }
0x55: {  	_ =	shalt  }
0x56: {  	_ =	shalt  }
0x57: {  	_ =	shalt  }
0x58: {  	_ =	shalt  }
0x59: {  	_ =	shalt  }
0x5a: {  	_ =	shalt  }
0x5b: {  	_ =	shalt  }
0x5c: {  	_ =	shalt  }
0x5d: {  	_ =	shalt  }
0x5e: {  	_ =	shalt  }
0x5f: {  	_ =	shalt  }
0x60: {  	_ =	shalt  }
0x61: {  	_ =	shalt  }
0x62: {  	_ =	shalt  }
0x63: {  	_ =	shalt  }
0x64: {  	_ =	shalt  }
0x65: {  	_ =	shalt  }
0x66: {  	_ =	shalt  }
0x67: {  	_ =	shalt  }
0x68: {  	_ =	shalt  }
0x69: {  	_ =	shalt  }
0x6a: {  	_ =	shalt  }
0x6b: {  	_ =	shalt  }
0x6c: {  	_ =	shalt  }
0x6d: {  	_ =	shalt  }
0x6e: {  	_ =	shalt  }
0x6f: {  	_ =	shalt  }
0x70: {  	_ =	shalt  }
0x71: {  	_ =	shalt  }
0x72: {  	_ =	shalt  }
0x73: {  	_ =	shalt  }
0x74: {  	_ =	shalt  }
0x75: {  	_ =	shalt  }
0x76: {  	_ =	shalt  }
0x77: {  	_ =	shalt  }
0x78: {  	_ =	shalt  }
0x79: {  	_ =	shalt  }
0x7a: {  	_ =	shalt  }
0x7b: {  	_ =	shalt  }
0x7c: {  	_ =	shalt  }
0x7d: {  	_ =	shalt  }
0x7e: {  	_ =	shalt  }
0x7f: {  	_ =	shalt  }
0x80: {  	_ =	shalt  }
0x81: {  	_ =	shalt  }
0x82: {  	_ =	shalt  }
0x83: {  	_ =	shalt  }
0x84: {  	_ =	shalt  }
0x85: {  	_ =	shalt  }
0x86: {  	_ =	shalt  }
0x87: {  	_ =	shalt  }
.Lfunc_end0:
.L_simem_size_0:
called_computation_lowered:
.L_overlay_start_0:
0x88: {  	s2 =	sld [smem:$0x3FD9]  }
0x89: {  	s3 =	sld [smem:$0x3FFE];
	_ =	sdelay $0x1  }
0x8a: {  	s1 =	srdreg.scid  }
0x8b: {  	s0 =	sand.u32 $0x1, s1  }
0x8c: {  	s16 =	sshll.u32 s0, $0xA;
	s2 =	sadd.s32 s3, s2  }
0x8d: {  	s2 =	sadd.s32 s2, s16  }
0x8e: {  	[smem:$0x3FBA] =	sst s2  }
0x8f: {  	_ = 	snop  }
0x90: {  	(tm) =	ssettm $0x1  }
0x91: {  	s17 =	sld [smem:$0x3FFB];
	_ =	sdelay $0x3  }
0x92: {  	_ =	strace s17  }
0x93: {  	s2 =	sld [smem:$0x3FFC];
	_ =	sdelay $0x3  }
0x94: {  	_ =	strace s2  }
0x95: {  	s2 =	sld [smem:$0x3FFD];
	_ =	sdelay $0x3  }
0x96: {  	_ =	strace s2  }
0x97: {  	_ =	strace $0x8FFFFFFF  }
0x98: {  	s18 =	sld [smem:$0x3FDB];
	_ =	sdelay $0x1  }
0x99: {  	s19 =	simm.s32 $_scs_section_size  }
0x9a: {  	s4 =	simm.s32 $_size__tile_overlayer_lowered;
	s5 =	simm.s32 $_tile_overlayer_lowered  }
0x9b: {  	s22 =	simm.s32 $0x1BFF;
	s21 =	sshll.u32 s5, $0x1;
	s2 =	sadd.s32 s19, s18  }
0x9c: {  	s6 =	simm.s32 $0x0;
	s20 =	sshll.u32 s4, $0x1;
	s4 =	sadd.s32 s21, s2  }
0x9d: {  	[timem:s6], [sflag:s22] =	dma.local [hbm:s4], s20  }
0x9e: {  	_ =	swait.ge [sflag:s22], s20  }
0x9f: {  	s3 =	ssub.s32 $0x0, s20;
	[sflag:s22] =	ssyncset.done $0x0  }
0xa0: {  	[sflag:s22] =	ssyncadd.s32 s3;
	_ =	sdelay $0x1  }
0xa1: {  	s23 =	simm.s32 $0x1B8B  }
0xa2: {  	_ =	swait.ge [sflag:s23], $0x1  }
0xa3: {  	[sflag:s23] =	ssyncset.done $0x0  }
0xa4: {  	s25 =	simm.s32 $0x1B8E;
	s24 =	sld [smem:$0x3FFE];
	[sflag:s23] =	ssyncadd.s32 $0xFFFFFFFF  }
0xa5: {  	s26 =	simm.s32 $execute0_lowered;
	[smem:$0x3FD2] =	sst s25  }
0xa6: {  	s4 =	sshll.u32 s26, $0x1;
	_ =	strace $0x80000046;
	[dreg:$0x1] =	wrdreg $0xFFFFFFFF  }
0xa7: {  	s28 =	simm.s32 $_size_execute0_lowered;
	s2 =	sadd.s32 s2, s4;
	[dreg:$0x0] =	wrdreg $0x0  }
0xa8: {  	s4 =	sshll.u32 s28, $0x1;
	[dreg:$0x2] =	wrdreg s2  }
0xa9: {  	[dreg:$0x3] =	wrdreg s4  }
0xaa: {  	[dreg:$0x4] =	wrdreg $0xC0  }
0xab: {  	_ =	task [dreg:s6], $0x5FFFF  }
0xac: {  	[dreg:$0x1] =	wrdreg $0xFFFFFFFF  }
0xad: {  	[dreg:$0x0] =	wrdreg $0x60  }
0xae: {  	[dreg:$0x2] =	wrdreg s24  }
0xaf: {  	[dreg:$0x3] =	wrdreg $0x52800  }
0xb0: {  	[dreg:$0x4] =	wrdreg $0x9  }
0xb1: {  	_ =	task.clear_ibuf [dreg:s6], $0x5FFFF;
	_ =	strace $0x90000046  }
0xb2: {  	s29 =	simm.s32 $0x9;
	_ =	strace $0x80000048  }
0xb3: {  	_ =	swait.ge [sflag:s29], $0x1  }
0xb4: {  	[sflag:s29] =	ssyncadd.s32 $0xFFFFFFFF  }
0xb5: {  	_ =	strace $0x90000048  }
0xb6: {  	_ =	sfence  }
0xb7: {  	s30 =	sld [smem:$0x0];
	_ =	sdelay $0x2  }
0xb8: {  	s31 =	sshll.u32 s1, $0xD;
	s1 =	sshrl.u32 s1, $0x2  }
0xb9: {  	s3 =	sand.u32 $0x4000, s31;
	s1 =	sadd.s32 s1, s30  }
0xba: {  	s0 =	sor.u32 s3, s0;
	s1 =	sshll.u32 s1, $0x11  }
0xbb: {  	s0 =	sor.u32 s1, s0  }
0xbc: {  	s0 =	sadd.s32 $0x8F2B, s0  }
0xbd: {  	[sflag:s0] =	ssyncadd.remote.s32 $0x1  }
0xbe: {  	_ =	sfence.sel $0xFFFF  }
0xbf: {  	[dreg:$0x0] =	wrdreg $0xFFFFFFFF;
	(pc) =	sbr.abs _section_cstart, $3  }
0xc0: {  	[dreg:$0x1] =	wrdreg $0xFFFFFFFF  }
0xc1: {  	_ =	task.clear_ibuf [dreg:s6], $0x2FFFF;
	_ =	strace $0x9FFFFFFF  }
0xc2: {  	(tm) =	ssettm $0x7FFFFFFF  }
0xc3: {  	_ =	shalt  }
tec
execute0_lowered:
.L_overlay_start_1:
0x0: {  	(tag) =	ssettag $0x1  }
0x1: {  	s4 =	rddreg [dreg:$0x0]  }
0x2: {  	s2 =	rddreg [dreg:$0x1]  }
0x3: {  	s0 =	rddreg [dreg:$0x2]  }
0x4: {  	s5 =	srdreg.scid;
	s1 =	stileid.u32  }
0x5: {  	s3 =	simm.s32 $0x0;
	s10 =	simm.s32 $0x2800;
	s11 =	simm.s32 $0x5000  }
0x6: {  	s12 =	simm.s32 $0x80;
	s15 =	simm.s32 $0x20;
	s16 =	simm.s32 $0x10  }
0x7: {  	s17 =	simm.s32 $0x0;
	s5 =	sand.u32 $0x1, s5;
	s7 =	smul.u32 $0x500, s1  }
0x8: {  	s6 =	sshll.u32 s1, $0x1;
	[smem:$0x7FF] =	sst s3;
	s31 =	smul.u32 $0xA00, s1  }
0x9: {  	s13 =	sshll.u32 s1, $0x6;
	s6 =	sor.u32 s5, s6;
	_ =	strace $0x80000047  }
0xa: {  	s8 =	sshll.u32 s5, $0x7;
	s5 =	ssub.s32 $0x2, s5;
	s6 =	smul.u32 $0x500, s6  }
0xb: {  	s13 =	sor.u32 $0x1C01, s13;
	s7 =	sor.u32 s8, s7;
	s9 =	sshrl.u32 s5, $0x1  }
0xc: {  	s8 =	sshrl.u32 s31, $0x2;
	s7 =	sshrl.u32 s7, $0x3;
	s6 =	sadd.s32 s6, s4  }
0xd: {  	s9 =	ssub.s32 s5, s9;
	s7 =	sadd.s32 s7, s4;
	s4 =	sadd.s32 $0x3400, s6  }
0xe: {  	s5 =	sadd.s32 $0xD400, s6;
	s6 =	sadd.s32 s8, s2;
	s7 =	sadd.s32 $0x17400, s7  }
0xf: {  	v0 =	vimm.f32 $0.0e+00;
	s8 =	smax.u32 s9, $0x1;
	s9 =	simm.s32 $0x1;
	s14 =	sshrl.u32 s6, $0x3  }
.LBB2_1:
0x10: {  	[tilespmem:s3], [sflag:$0x1] =	stream.linear.gather [hbm4b:s4+s3], $0x2800, $0x38;
	[tilespmem:$0x5500] =	vst v63  }
0x11: {  	_ =	swait.ge [sflag:s9], $0x2800  }
0x12: {  	[sflag:s9] =	ssyncset.done $0x0  }
0x13: {  	[sflag:s9] =	ssyncadd.s32 $0xFFFFD800  }
0x14: {  	[tilespmem:s10], [sflag:$0x1] =	stream.linear.gather [hbm4b:s5+s3], $0x2800, $0x38;
	[tilespmem:$0x5500] =	vst v63  }
0x15: {  	_ =	swait.ge [sflag:s9], $0x2800  }
0x16: {  	[sflag:s9] =	ssyncset.done $0x0  }
0x17: {  	[sflag:s9] =	ssyncadd.s32 $0xFFFFD800  }
0x18: {  	[tilespmem:$0x5000] =	vst v0  }
0x19: {  	[tilespmem:$0x5010] =	vst v0  }
0x1a: {  	[tilespmem:$0x5020] =	vst v0  }
0x1b: {  	[tilespmem:$0x5030] =	vst v0  }
0x1c: {  	[tilespmem:$0x5040] =	vst v0  }
0x1d: {  	[tilespmem:$0x5050] =	vst v0  }
0x1e: {  	[tilespmem:$0x5060] =	vst v0  }
0x1f: {  	[tilespmem:$0x5070] =	vst v0  }
0x20: {  	[tilespmem:$0x5080] =	vst v0  }
0x21: {  	[tilespmem:$0x5090] =	vst v0  }
0x22: {  	[tilespmem:$0x50A0] =	vst v0  }
0x23: {  	[tilespmem:$0x50B0] =	vst v0  }
0x24: {  	[tilespmem:$0x50C0] =	vst v0  }
0x25: {  	[tilespmem:$0x50D0] =	vst v0  }
0x26: {  	[tilespmem:$0x50E0] =	vst v0  }
0x27: {  	[tilespmem:$0x50F0] =	vst v0  }
0x28: {  	[tilespmem:$0x5100] =	vst v0  }
0x29: {  	[tilespmem:$0x5110] =	vst v0  }
0x2a: {  	[tilespmem:$0x5120] =	vst v0  }
0x2b: {  	[tilespmem:$0x5130] =	vst v0  }
0x2c: {  	[tilespmem:$0x5140] =	vst v0  }
0x2d: {  	[tilespmem:$0x5150] =	vst v0  }
0x2e: {  	[tilespmem:$0x5160] =	vst v0  }
0x2f: {  	[tilespmem:$0x5170] =	vst v0  }
0x30: {  	[tilespmem:$0x5180] =	vst v0  }
0x31: {  	[tilespmem:$0x5190] =	vst v0  }
0x32: {  	[tilespmem:$0x51A0] =	vst v0  }
0x33: {  	[tilespmem:$0x51B0] =	vst v0  }
0x34: {  	[tilespmem:$0x51C0] =	vst v0  }
0x35: {  	[tilespmem:$0x51D0] =	vst v0  }
0x36: {  	[tilespmem:$0x51E0] =	vst v0  }
0x37: {  	[tilespmem:$0x51F0] =	vst v0  }
0x38: {  	[tilespmem:$0x5200] =	vst v0  }
0x39: {  	[tilespmem:$0x5210] =	vst v0  }
0x3a: {  	[tilespmem:$0x5220] =	vst v0  }
0x3b: {  	[tilespmem:$0x5230] =	vst v0  }
0x3c: {  	[tilespmem:$0x5240] =	vst v0  }
0x3d: {  	[tilespmem:$0x5250] =	vst v0  }
0x3e: {  	[tilespmem:$0x5260] =	vst v0  }
0x3f: {  	[tilespmem:$0x5270] =	vst v0  }
0x40: {  	[spmem:s6] =	stream.linear.scatter [tilespmem:s11], [sflag:$0x1], $0x280, $0x38;
	[tilespmem:$0x5500] =	vst v63  }
0x41: {  	_ =	swait.ge [sflag:s9], $0x280  }
0x42: {  	[sflag:s9] =	ssyncset.done $0x0  }
0x43: {  	[sflag:s9] =	ssyncadd.s32 $0xFFFFFD80  }
0x44: {  	s18 =	simm.s32 $0x0;
	s19 =	simm.s32 $0x2800;
	[bflag:$0x0] =	sbarrier.arrive $0xFFFF  }
0x45: {  	[spmem:s2] =	stream.indirect.scatter.add.f32 [tilespmem:s19], [sflag:$0x1], $0x1, s18, s12, $0xb8;
	[tilespmem:$0x5500] =	vst v63  }
0x46: {  	s18 =	simm.s32 $0x200;
	_ =	swait.ge [sflag:s9], $0x80  }
.LBB2_2:
0x47: {  	s19 =	sshra.s32 s18, $0x2;
	[sflag:s9] =	ssyncset.done $0x0;
	p0 =	sne.s32 s18, $0x9E00  }
.Ltmp0:
0x48: {  	s20 =	sadd.s32 $0x2800, s19;
	[sflag:s9] =	ssyncadd.s32 $0xFFFFFF80;
	(pc) =	sbr.rel @p0 .LBB2_2-.Ltmp0, $3  }
0x49: {  	[spmem:s2] =	stream.indirect.scatter.add.f32 [tilespmem:s20], [sflag:$0x1], $0x1, s19, s12, $0xb8;
	[tilespmem:$0x5500] =	vst v63  }
0x4a: {  	s18 =	sadd.s32 $0x200, s18;
	_ =	sdelay $0x1  }
0x4b: {  	_ =	swait.ge [sflag:s9], $0x80  }
0x4c: {  	[sflag:s9] =	ssyncset.done $0x0;
	s17 =	sadd.s32 $0x1, s17  }
0x4d: {  	[sflag:s9] =	ssyncadd.s32 $0xFFFFFF80;
	p0 =	sne.s32 s17, s8  }
.Ltmp1:
0x4e: {  	[bflag:$0x0] =	sbarrier.arrive $0xFFFF;
	(pc) =	sbr.rel @p0 .LBB2_1-.Ltmp1, $4  }
0x4f: {  	[hbm:s7@s15], [sflag:s13] =	dma.strided [spmem:s14@s16], $0x50, s9, $0x10   }
0x50: {  	_ =	swait.ge [sflag:s9], $0x50  }
0x51: {  	[sflag:s9] =	ssyncset.done $0x0  }
0x52: {  	[sflag:s9] =	ssyncadd.s32 $0xFFFFFFB0  }
0x53: {  	_ =	sfence.sel $0x180000  }
0x54: {  	[bflag:$0x0] =	sbarrier.arrive $0xFFFF  }
0x55: {  	p0 =	sne.s32 s1, $0x0;
	_ =	strace $0x90000047  }
0x56: {  	s0 =	sadd.s32 @!p0 $0x100000, s0;
	[bflag:$0x2] =	sbarrier.arrive $0xFFFF  }
0x57: {  	[sflag:s0] =	ssyncadd.tile.s32 @!p0 $0x1;
	_ =	shalt  }
.Lfunc_end2:
_tile_overlayer_lowered:
.L_overlay_start_2:
0x58: {  	(tag) =	ssettag $0x2  }
0x59: {  	s0 =	rddreg [dreg:$0x0];
	s2 =	stileid.u32  }
0x5a: {  	s1 =	rddreg [dreg:$0x1];
	p0 =	sne.s32 s2, $0x0  }
0x5b: {  	s3 =	rddreg [dreg:$0x2];
	[bflag:$0x3] =	sbarrier.arrive $0xFFFF;
	s2 =	simm.s32 @!p0 $0x1C01  }
0x5c: {  	[timem:s3], [sflag:s2] =	dma.local @!p0 [hbm:s0], s1  }
0x5d: {  	s0 =	simm.s32 @!p0 $0x1  }
0x5e: {  	_ =	swait.ge @!p0 [sflag:s0], s1  }
0x5f: {  	s1 =	ssub.s32 @!p0 $0x0, s1;
	[sflag:s0] =	ssyncset.done @!p0 $0x0  }
0x60: {  	[sflag:s0] =	ssyncadd.s32 @!p0 s1  }
0x61: {  	[bflag:$0x3] =	sbarrier.arrive $0xFFFF  }
0x62: {  	_ =	shalt  }

</sc_bundles>
